<compile_context>
chip_gen: v7x
topology: tpu7x:2x2x1
jax: 0.10.2.dev20260603
libtpu: 0.0.44.dev20260713+nightly
codegen_flags: <defaults>
</compile_context>

<pallas_src>
import numpy as np

import jax
import jax.numpy as jnp
from jax import lax
from jax.experimental import pallas as pl
from jax.experimental.pallas import tpu as pltpu

_LANES = 256
_CHUNK = 128


def _phys_map(nb):
    pref = [6, 5, 4, 3] + list(range(7, nb - 1)) + [2, 1, 0]
    pref = [p for p in pref if p <= nb - 2]
    pi = {a: pref[a] for a in range(nb - 1)}
    pi[nb - 1] = nb - 1
    return pi


def _plan(nb):
    pi = _phys_map(nb)
    stages = []
    for b in range(1, nb):
        m = 2 ** pi[b]
        for a in range(b - 1, -1, -1):
            stages.append((m, 2 ** pi[a]))
    return stages


def _neg_transform(stages):
    out = []
    cur = 0
    for m, d in stages:
        tgt = m if 0 < m < _CHUNK else 0
        out.append((0 if tgt else m, d, cur ^ tgt))
        cur = tgt
    assert cur == 0
    return out


def _sign(pre, rows):
    p = _iota(rows) & pre
    p = p ^ (p >> 4)
    parity = (p ^ (p >> 1) ^ (p >> 2) ^ (p >> 3)) & 1
    return jnp.where(parity != 0, jnp.float32(-1.0), jnp.float32(1.0))


def _iota(n):
    return jax.lax.broadcasted_iota(jnp.int32, (n, 1), 0)


def _dirsel(m, desc, rows, hi, lo):
    if desc is not None:
        return (hi, lo) if desc else (lo, hi)
    if m == 0:
        return hi, lo
    d = (_iota(hi.shape[0]) & m) == 0
    return jnp.where(d, hi, lo), jnp.where(d, lo, hi)


def _cmpx_chunk(v, m, d, desc):
    if d >= 8:
        pieces = [None] * (2 * (v.shape[0] // (2 * d)))
        for g in range(v.shape[0] // (2 * d)):
            a = v[g * 2 * d : g * 2 * d + d]
            b = v[g * 2 * d + d : g * 2 * d + 2 * d]
            hi = jnp.maximum(a, b)
            lo = jnp.minimum(a, b)
            pieces[2 * g], pieces[2 * g + 1] = _dirsel(m, desc, d, hi, lo)
        return jnp.concatenate(pieces, axis=0)
    iota = _iota(v.shape[0])
    bit_j = (iota & d) != 0
    if desc is True or m == 0:
        keep_max = jnp.logical_not(bit_j)
    elif desc is False:
        keep_max = bit_j
    else:
        keep_max = ((iota & m) != 0) == bit_j
    up = pltpu.roll(v, v.shape[0] - d, 0)
    down = pltpu.roll(v, d, 0)
    partner = jnp.where(bit_j, down, up)
    return jnp.where(keep_max, jnp.maximum(v, partner), jnp.minimum(v, partner))


def _apply_run(v, run, cdesc):
    for m, d, pre in run:
        if pre:
            v = v * _sign(pre, v.shape[0])
        v = _cmpx_chunk(v, m, d, cdesc if m >= _CHUNK else None)
    return v


def _chunk_pass(ref, n, run):
    bigm = sorted({m for m, d, pre in run if m >= _CHUNK})
    nchunks = n // _CHUNK
    if not bigm:

        def body(c, carry):
            base = c * _CHUNK
            ref[pl.ds(base, _CHUNK), :] = _apply_run(
                ref[pl.ds(base, _CHUNK), :], run, None
            )
            return carry

        lax.fori_loop(0, nchunks, body, 0)
        return
    assert len(bigm) == 1
    p = bigm[0] // _CHUNK

    def body(q, carry):
        lo = q & (p - 1)
        c0 = ((q >> p.bit_length() - 1) * 2 * p) | lo
        for c, dv in ((c0, True), (c0 + p, False)):
            base = c * _CHUNK
            ref[pl.ds(base, _CHUNK), :] = _apply_run(
                ref[pl.ds(base, _CHUNK), :], run, dv
            )
        return carry

    lax.fori_loop(0, nchunks // 2, body, 0)


def _pair_stage(ref, n, m, d, pre):
    per_group = d // _CHUNK
    iters = n // (2 * _CHUNK)

    def do(base, desc):
        a = ref[pl.ds(base, _CHUNK), :]
        b = ref[pl.ds(base + d, _CHUNK), :]
        if pre:
            s = _sign(pre, _CHUNK)
            a = a * s
            b = b * s
        hi = jnp.maximum(a, b)
        lo = jnp.minimum(a, b)
        top, bot = _dirsel(m, desc, _CHUNK, hi, lo)
        ref[pl.ds(base, _CHUNK), :] = top
        ref[pl.ds(base + d, _CHUNK), :] = bot

    if m == 0 or m < _CHUNK:

        def body(it, carry):
            g = it // per_group
            s = it % per_group
            do(g * 2 * d + s * _CHUNK, True if m == 0 else None)
            return carry

        lax.fori_loop(0, iters, body, 0)
        return
    assert m >= 2 * d
    p = m // (2 * d)

    def body(q, carry):
        s = q % per_group
        h = q // per_group
        lo = h & (p - 1)
        g0 = ((h >> p.bit_length() - 1) * 2 * p) | lo
        do(g0 * 2 * d + s * _CHUNK, True)
        do((g0 + p) * 2 * d + s * _CHUNK, False)
        return carry

    lax.fori_loop(0, iters // 2, body, 0)


def _pair_fused(ref, n, m, d, pre):
    sub = d // 2
    per_group = sub // _CHUNK
    iters = n // (4 * _CHUNK)

    def do4(base, desc):
        q0 = ref[pl.ds(base, _CHUNK), :]
        q1 = ref[pl.ds(base + sub, _CHUNK), :]
        q2 = ref[pl.ds(base + d, _CHUNK), :]
        q3 = ref[pl.ds(base + d + sub, _CHUNK), :]
        if pre:
            s = _sign(pre, _CHUNK)
            q0 = q0 * s
            q1 = q1 * s
            q2 = q2 * s
            q3 = q3 * s
        a0, b2 = _dirsel(m, desc, _CHUNK, jnp.maximum(q0, q2), jnp.minimum(q0, q2))
        a1, b3 = _dirsel(m, desc, _CHUNK, jnp.maximum(q1, q3), jnp.minimum(q1, q3))
        r0, r1 = _dirsel(m, desc, _CHUNK, jnp.maximum(a0, a1), jnp.minimum(a0, a1))
        r2, r3 = _dirsel(m, desc, _CHUNK, jnp.maximum(b2, b3), jnp.minimum(b2, b3))
        ref[pl.ds(base, _CHUNK), :] = r0
        ref[pl.ds(base + sub, _CHUNK), :] = r1
        ref[pl.ds(base + d, _CHUNK), :] = r2
        ref[pl.ds(base + d + sub, _CHUNK), :] = r3

    if m == 0 or m < _CHUNK:

        def body(it, carry):
            g = it // per_group
            s = it % per_group
            do4(g * 2 * d + s * _CHUNK, True if m == 0 else None)
            return carry

        lax.fori_loop(0, iters, body, 0)
        return
    assert m >= 2 * d
    p = m // (2 * d)

    def body(q, carry):
        s = q % per_group
        h = q // per_group
        lo = h & (p - 1)
        g0 = ((h >> p.bit_length() - 1) * 2 * p) | lo
        do4(g0 * 2 * d + s * _CHUNK, True)
        do4((g0 + p) * 2 * d + s * _CHUNK, False)
        return carry

    lax.fori_loop(0, iters // 2, body, 0)


def _run_stages(ref, n, stages):
    run = []
    i = 0
    while i < len(stages):
        m, d, pre = stages[i]
        if d < _CHUNK:
            run.append((m, d, pre))
            i += 1
            continue
        if run:
            _chunk_pass(ref, n, run)
            run = []
        nxt = stages[i + 1] if i + 1 < len(stages) else None
        if (
            nxt is not None
            and nxt[0] == m
            and nxt[1] == d // 2
            and d // 2 >= _CHUNK
            and nxt[2] == 0
        ):
            _pair_fused(ref, n, m, d, pre)
            i += 2
        else:
            _pair_stage(ref, n, m, d, pre)
            i += 1
    if run:
        _chunk_pass(ref, n, run)


def _topk_body(x_ref, o_ref):
    n = x_ref.shape[0]
    nb = n.bit_length() - 1
    half = n // 2
    pi = _phys_map(nb)

    plan = _neg_transform(_plan(nb))
    cut = max(i for i, (m, d, pre) in enumerate(plan) if d >= _CHUNK)
    main, tail = plan[: cut + 1], plan[cut + 1 :]
    merge = [(0, 2 ** pi[a], 0) for a in range(nb - 2, -1, -1)]
    nhead = 0
    while nhead < len(merge) and merge[nhead][1] < _CHUNK:
        nhead += 1
    mhead, mrest = merge[:nhead], merge[nhead:]

    _run_stages(x_ref, n, main)

    def extract(c, carry):
        base = c * _CHUNK
        va = _apply_run(x_ref[pl.ds(base, _CHUNK), :], tail, True)
        vb = _apply_run(x_ref[pl.ds(base + half, _CHUNK), :], tail, False)
        v = _apply_run(jnp.maximum(va, vb), mhead, True)
        o_ref[pl.ds(base, _CHUNK), :] = v
        return carry

    lax.fori_loop(0, half // _CHUNK, extract, 0)
    _run_stages(o_ref, half, mrest)


def _rev_perm(half, nb):
    pi = _phys_map(nb)
    r = np.arange(half)
    perm = np.zeros(half, dtype=np.int32)
    for bit in range(nb - 1):
        perm |= ((r >> bit) & 1) << pi[bit]
    return perm


def kernel(x):
    b, t, c = x.shape
    rows = b * t
    kk = c // 2
    nb = c.bit_length() - 1
    xt = x.reshape(rows, c).T
    out_t = pl.pallas_call(
        _topk_body,
        grid=(rows // _LANES,),
        in_specs=[pl.BlockSpec((c, _LANES), lambda i: (0, i))],
        out_specs=pl.BlockSpec((kk, _LANES), lambda i: (0, i)),
        out_shape=jax.ShapeDtypeStruct((kk, rows), x.dtype),
        compiler_params=pltpu.CompilerParams(
            dimension_semantics=("parallel",),
        ),
    )(xt)
    out_nat = out_t[jnp.asarray(_rev_perm(kk, nb)), :]
    return out_nat.T.reshape(b, t, kk)

# --- scband reference (transcript-rebuilt; emitter-appended) ---
"""Pipeline reference for scband-kmax-pool-25400436588808 (READ-ONLY COPY).

The authoritative reference and input builder live on the scoring server;
editing this copy changes nothing except your own understanding.
"""

import jax, jax.numpy as jnp
import numpy as np


def setup_inputs(seed: int = 0) -> dict:
    key = jax.random.key(seed)
    x = jax.random.normal(key, (4, 1024, 4096), dtype=jnp.float32)
    return {"x": x}


def reference(x):
    # k == 'half' -> k = time_steps // 2
    k = x.shape[2] // 2
    # torch.topk(x, k, dim=2) over last axis == lax.top_k over last axis
    kmax, kargmax = jax.lax.top_k(x, k)
    return kmax

if __name__ == "__main__":
    import jax
    _d = setup_inputs()
    print(jax.jit(kernel)(*tuple(_d.values())))

</pallas_src>

<mosaic_0001>
module attributes {stable_mosaic.version = 14 : i64} {
  func.func @_topk_body(%arg0: i32, %arg1: memref<4096x256xf32, #tpu.memory_space<vmem>>, %arg2: memref<2048x256xf32, #tpu.memory_space<vmem>>) attributes {dimension_semantics = [#tpu.dimension_semantics<parallel>], iteration_bounds = array<i64: 16>, scalar_prefetch = 0 : i64, scratch_operands = 0 : i64, tpu.core_type = #tpu.core_type<tc>, window_params = [{transform_indices = @transform_0, window_bounds = array<i64: 4096, 256>}, {transform_indices = @transform_1, window_bounds = array<i64: 2048, 256>}]} {
    %scan3A = arith.constant 0 : i32
    %scan3A_0 = arith.constant 16 : i32
    %scan3A_1 = arith.addi %scan3A, %scan3A_0 : i32
    %scan3A_2 = arith.constant 1 : i32
    scf.for %scan3A_114 = %scan3A to %scan3A_1 step %scan3A_2  : i32 {
      %and3A = arith.constant 0 : i32
      %and3A_115 = arith.andi %scan3A_114, %and3A : i32
      %shift_right_arithmetic3A = arith.constant 0 : i32
      %shift_right_arithmetic3A_116 = arith.shrsi %scan3A_114, %shift_right_arithmetic3A : i32
      %mul3A = arith.constant 2 : i32
      %mul3A_117 = arith.muli %shift_right_arithmetic3A_116, %mul3A : i32
      %mul3A_118 = arith.constant 1 : i32
      %mul3A_119 = arith.muli %mul3A_117, %mul3A_118 : i32
      %or3A = arith.ori %mul3A_119, %and3A_115 : i32
      %add3A = arith.constant 1 : i32
      %add3A_120 = arith.addi %or3A, %add3A : i32
      %mul3A_121 = arith.constant 128 : i32
      %mul3A_122 = arith.muli %or3A, %mul3A_121 : i32
      %get3A = arith.index_cast %mul3A_122 : i32 to index
      %get3A_123 = arith.constant 0 : index
      %get3A_124 = vector.load %arg1[%get3A, %get3A_123] : memref<4096x256xf32, #tpu.memory_space<vmem>>, vector<128x256xf32>
      %iota3A = tpu.iota {dimensions = array<i32: 0>} : vector<128x1xi32>
      %and3A_125 = arith.constant 32 : i32
      %and3A_126 = vector.broadcast %and3A_125 : i32 to vector<128x1xi32>
      %and3A_127 = arith.andi %iota3A, %and3A_126 : vector<128x1xi32>
      %shift_right_arithmetic3A_128 = arith.constant 4 : i32
      %shift_right_arithmetic3A_129 = vector.broadcast %shift_right_arithmetic3A_128 : i32 to vector<128x1xi32>
      %shift_right_arithmetic3A_130 = arith.shrsi %and3A_127, %shift_right_arithmetic3A_129 : vector<128x1xi32>
      %xor3A = arith.xori %and3A_127, %shift_right_arithmetic3A_130 : vector<128x1xi32>
      %shift_right_arithmetic3A_131 = arith.constant 1 : i32
      %shift_right_arithmetic3A_132 = vector.broadcast %shift_right_arithmetic3A_131 : i32 to vector<128x1xi32>
      %shift_right_arithmetic3A_133 = arith.shrsi %xor3A, %shift_right_arithmetic3A_132 : vector<128x1xi32>
      %xor3A_134 = arith.xori %xor3A, %shift_right_arithmetic3A_133 : vector<128x1xi32>
      %shift_right_arithmetic3A_135 = arith.constant 2 : i32
      %shift_right_arithmetic3A_136 = vector.broadcast %shift_right_arithmetic3A_135 : i32 to vector<128x1xi32>
      %shift_right_arithmetic3A_137 = arith.shrsi %xor3A, %shift_right_arithmetic3A_136 : vector<128x1xi32>
      %xor3A_138 = arith.xori %xor3A_134, %shift_right_arithmetic3A_137 : vector<128x1xi32>
      %shift_right_arithmetic3A_139 = arith.constant 3 : i32
      %shift_right_arithmetic3A_140 = vector.broadcast %shift_right_arithmetic3A_139 : i32 to vector<128x1xi32>
      %shift_right_arithmetic3A_141 = arith.shrsi %xor3A, %shift_right_arithmetic3A_140 : vector<128x1xi32>
      %xor3A_142 = arith.xori %xor3A_138, %shift_right_arithmetic3A_141 : vector<128x1xi32>
      %and3A_143 = arith.constant 1 : i32
      %and3A_144 = vector.broadcast %and3A_143 : i32 to vector<128x1xi32>
      %and3A_145 = arith.andi %xor3A_142, %and3A_144 : vector<128x1xi32>
      %ne3A = arith.constant 0 : i32
      %ne3A_146 = vector.broadcast %ne3A : i32 to vector<128x1xi32>
      %ne3A_147 = arith.cmpi ne, %and3A_145, %ne3A_146 : vector<128x1xi32>
      %jit3A = arith.constant -1.000000e+00 : f32
      %jit3A_148 = arith.constant 1.000000e+00 : f32
      %broadcast_in_dim3A = vector.broadcast %jit3A : f32 to vector<128x1xf32>
      %broadcast_in_dim3A_149 = vector.broadcast %jit3A_148 : f32 to vector<128x1xf32>
      %select_n3A = arith.select %ne3A_147, %broadcast_in_dim3A, %broadcast_in_dim3A_149 : vector<128x1xi1>, vector<128x1xf32>
      %mul3A_150 = vector.broadcast %select_n3A : vector<128x1xf32> to vector<128x256xf32>
      %mul3A_151 = arith.mulf %get3A_124, %mul3A_150 : vector<128x256xf32>
      %slice3A = vector.extract_strided_slice %mul3A_151 {offsets = [0, 0], sizes = [64, 256], strides = [1, 1]} : vector<128x256xf32> to vector<64x256xf32>
      %slice3A_152 = vector.extract_strided_slice %mul3A_151 {offsets = [64, 0], sizes = [64, 256], strides = [1, 1]} : vector<128x256xf32> to vector<64x256xf32>
      %max3A = arith.maximumf %slice3A, %slice3A_152 : vector<64x256xf32>
      %min3A = arith.minimumf %slice3A, %slice3A_152 : vector<64x256xf32>
      %concatenate3A = tpu.concatenate %max3A, %min3A in 0 : vector<64x256xf32>, vector<64x256xf32> -> vector<128x256xf32>
      %iota3A_153 = tpu.iota {dimensions = array<i32: 0>} : vector<128x1xi32>
      %and3A_154 = arith.constant 48 : i32
      %and3A_155 = vector.broadcast %and3A_154 : i32 to vector<128x1xi32>
      %and3A_156 = arith.andi %iota3A_153, %and3A_155 : vector<128x1xi32>
      %shift_right_arithmetic3A_157 = arith.constant 4 : i32
      %shift_right_arithmetic3A_158 = vector.broadcast %shift_right_arithmetic3A_157 : i32 to vector<128x1xi32>
      %shift_right_arithmetic3A_159 = arith.shrsi %and3A_156, %shift_right_arithmetic3A_158 : vector<128x1xi32>
      %xor3A_160 = arith.xori %and3A_156, %shift_right_arithmetic3A_159 : vector<128x1xi32>
      %shift_right_arithmetic3A_161 = arith.constant 1 : i32
      %shift_right_arithmetic3A_162 = vector.broadcast %shift_right_arithmetic3A_161 : i32 to vector<128x1xi32>
      %shift_right_arithmetic3A_163 = arith.shrsi %xor3A_160, %shift_right_arithmetic3A_162 : vector<128x1xi32>
      %xor3A_164 = arith.xori %xor3A_160, %shift_right_arithmetic3A_163 : vector<128x1xi32>
      %shift_right_arithmetic3A_165 = arith.constant 2 : i32
      %shift_right_arithmetic3A_166 = vector.broadcast %shift_right_arithmetic3A_165 : i32 to vector<128x1xi32>
      %shift_right_arithmetic3A_167 = arith.shrsi %xor3A_160, %shift_right_arithmetic3A_166 : vector<128x1xi32>
      %xor3A_168 = arith.xori %xor3A_164, %shift_right_arithmetic3A_167 : vector<128x1xi32>
      %shift_right_arithmetic3A_169 = arith.constant 3 : i32
      %shift_right_arithmetic3A_170 = vector.broadcast %shift_right_arithmetic3A_169 : i32 to vector<128x1xi32>
      %shift_right_arithmetic3A_171 = arith.shrsi %xor3A_160, %shift_right_arithmetic3A_170 : vector<128x1xi32>
      %xor3A_172 = arith.xori %xor3A_168, %shift_right_arithmetic3A_171 : vector<128x1xi32>
      %and3A_173 = arith.constant 1 : i32
      %and3A_174 = vector.broadcast %and3A_173 : i32 to vector<128x1xi32>
      %and3A_175 = arith.andi %xor3A_172, %and3A_174 : vector<128x1xi32>
      %ne3A_176 = arith.constant 0 : i32
      %ne3A_177 = vector.broadcast %ne3A_176 : i32 to vector<128x1xi32>
      %ne3A_178 = arith.cmpi ne, %and3A_175, %ne3A_177 : vector<128x1xi32>
      %jit3A_179 = arith.constant -1.000000e+00 : f32
      %jit3A_180 = arith.constant 1.000000e+00 : f32
      %broadcast_in_dim3A_181 = vector.broadcast %jit3A_179 : f32 to vector<128x1xf32>
      %broadcast_in_dim3A_182 = vector.broadcast %jit3A_180 : f32 to vector<128x1xf32>
      %select_n3A_183 = arith.select %ne3A_178, %broadcast_in_dim3A_181, %broadcast_in_dim3A_182 : vector<128x1xi1>, vector<128x1xf32>
      %mul3A_184 = vector.broadcast %select_n3A_183 : vector<128x1xf32> to vector<128x256xf32>
      %mul3A_185 = arith.mulf %concatenate3A, %mul3A_184 : vector<128x256xf32>
      %slice3A_186 = vector.extract_strided_slice %mul3A_185 {offsets = [0, 0], sizes = [32, 256], strides = [1, 1]} : vector<128x256xf32> to vector<32x256xf32>
      %slice3A_187 = vector.extract_strided_slice %mul3A_185 {offsets = [32, 0], sizes = [32, 256], strides = [1, 1]} : vector<128x256xf32> to vector<32x256xf32>
      %max3A_188 = arith.maximumf %slice3A_186, %slice3A_187 : vector<32x256xf32>
      %min3A_189 = arith.minimumf %slice3A_186, %slice3A_187 : vector<32x256xf32>
      %slice3A_190 = vector.extract_strided_slice %mul3A_185 {offsets = [64, 0], sizes = [32, 256], strides = [1, 1]} : vector<128x256xf32> to vector<32x256xf32>
      %slice3A_191 = vector.extract_strided_slice %mul3A_185 {offsets = [96, 0], sizes = [32, 256], strides = [1, 1]} : vector<128x256xf32> to vector<32x256xf32>
      %max3A_192 = arith.maximumf %slice3A_190, %slice3A_191 : vector<32x256xf32>
      %min3A_193 = arith.minimumf %slice3A_190, %slice3A_191 : vector<32x256xf32>
      %concatenate3A_194 = tpu.concatenate %max3A_188, %min3A_189, %max3A_192, %min3A_193 in 0 : vector<32x256xf32>, vector<32x256xf32>, vector<32x256xf32>, vector<32x256xf32> -> vector<128x256xf32>
      %slice3A_195 = vector.extract_strided_slice %concatenate3A_194 {offsets = [0, 0], sizes = [64, 256], strides = [1, 1]} : vector<128x256xf32> to vector<64x256xf32>
      %slice3A_196 = vector.extract_strided_slice %concatenate3A_194 {offsets = [64, 0], sizes = [64, 256], strides = [1, 1]} : vector<128x256xf32> to vector<64x256xf32>
      %max3A_197 = arith.maximumf %slice3A_195, %slice3A_196 : vector<64x256xf32>
      %min3A_198 = arith.minimumf %slice3A_195, %slice3A_196 : vector<64x256xf32>
      %concatenate3A_199 = tpu.concatenate %max3A_197, %min3A_198 in 0 : vector<64x256xf32>, vector<64x256xf32> -> vector<128x256xf32>
      %iota3A_200 = tpu.iota {dimensions = array<i32: 0>} : vector<128x1xi32>
      %and3A_201 = arith.constant 24 : i32
      %and3A_202 = vector.broadcast %and3A_201 : i32 to vector<128x1xi32>
      %and3A_203 = arith.andi %iota3A_200, %and3A_202 : vector<128x1xi32>
      %shift_right_arithmetic3A_204 = arith.constant 4 : i32
      %shift_right_arithmetic3A_205 = vector.broadcast %shift_right_arithmetic3A_204 : i32 to vector<128x1xi32>
      %shift_right_arithmetic3A_206 = arith.shrsi %and3A_203, %shift_right_arithmetic3A_205 : vector<128x1xi32>
      %xor3A_207 = arith.xori %and3A_203, %shift_right_arithmetic3A_206 : vector<128x1xi32>
      %shift_right_arithmetic3A_208 = arith.constant 1 : i32
      %shift_right_arithmetic3A_209 = vector.broadcast %shift_right_arithmetic3A_208 : i32 to vector<128x1xi32>
      %shift_right_arithmetic3A_210 = arith.shrsi %xor3A_207, %shift_right_arithmetic3A_209 : vector<128x1xi32>
      %xor3A_211 = arith.xori %xor3A_207, %shift_right_arithmetic3A_210 : vector<128x1xi32>
      %shift_right_arithmetic3A_212 = arith.constant 2 : i32
      %shift_right_arithmetic3A_213 = vector.broadcast %shift_right_arithmetic3A_212 : i32 to vector<128x1xi32>
      %shift_right_arithmetic3A_214 = arith.shrsi %xor3A_207, %shift_right_arithmetic3A_213 : vector<128x1xi32>
      %xor3A_215 = arith.xori %xor3A_211, %shift_right_arithmetic3A_214 : vector<128x1xi32>
      %shift_right_arithmetic3A_216 = arith.constant 3 : i32
      %shift_right_arithmetic3A_217 = vector.broadcast %shift_right_arithmetic3A_216 : i32 to vector<128x1xi32>
      %shift_right_arithmetic3A_218 = arith.shrsi %xor3A_207, %shift_right_arithmetic3A_217 : vector<128x1xi32>
      %xor3A_219 = arith.xori %xor3A_215, %shift_right_arithmetic3A_218 : vector<128x1xi32>
      %and3A_220 = arith.constant 1 : i32
      %and3A_221 = vector.broadcast %and3A_220 : i32 to vector<128x1xi32>
      %and3A_222 = arith.andi %xor3A_219, %and3A_221 : vector<128x1xi32>
      %ne3A_223 = arith.constant 0 : i32
      %ne3A_224 = vector.broadcast %ne3A_223 : i32 to vector<128x1xi32>
      %ne3A_225 = arith.cmpi ne, %and3A_222, %ne3A_224 : vector<128x1xi32>
      %jit3A_226 = arith.constant -1.000000e+00 : f32
      %jit3A_227 = arith.constant 1.000000e+00 : f32
      %broadcast_in_dim3A_228 = vector.broadcast %jit3A_226 : f32 to vector<128x1xf32>
      %broadcast_in_dim3A_229 = vector.broadcast %jit3A_227 : f32 to vector<128x1xf32>
      %select_n3A_230 = arith.select %ne3A_225, %broadcast_in_dim3A_228, %broadcast_in_dim3A_229 : vector<128x1xi1>, vector<128x1xf32>
      %mul3A_231 = vector.broadcast %select_n3A_230 : vector<128x1xf32> to vector<128x256xf32>
      %mul3A_232 = arith.mulf %concatenate3A_199, %mul3A_231 : vector<128x256xf32>
      %slice3A_233 = vector.extract_strided_slice %mul3A_232 {offsets = [0, 0], sizes = [16, 256], strides = [1, 1]} : vector<128x256xf32> to vector<16x256xf32>
      %slice3A_234 = vector.extract_strided_slice %mul3A_232 {offsets = [16, 0], sizes = [16, 256], strides = [1, 1]} : vector<128x256xf32> to vector<16x256xf32>
      %max3A_235 = arith.maximumf %slice3A_233, %slice3A_234 : vector<16x256xf32>
      %min3A_236 = arith.minimumf %slice3A_233, %slice3A_234 : vector<16x256xf32>
      %slice3A_237 = vector.extract_strided_slice %mul3A_232 {offsets = [32, 0], sizes = [16, 256], strides = [1, 1]} : vector<128x256xf32> to vector<16x256xf32>
      %slice3A_238 = vector.extract_strided_slice %mul3A_232 {offsets = [48, 0], sizes = [16, 256], strides = [1, 1]} : vector<128x256xf32> to vector<16x256xf32>
      %max3A_239 = arith.maximumf %slice3A_237, %slice3A_238 : vector<16x256xf32>
      %min3A_240 = arith.minimumf %slice3A_237, %slice3A_238 : vector<16x256xf32>
      %slice3A_241 = vector.extract_strided_slice %mul3A_232 {offsets = [64, 0], sizes = [16, 256], strides = [1, 1]} : vector<128x256xf32> to vector<16x256xf32>
      %slice3A_242 = vector.extract_strided_slice %mul3A_232 {offsets = [80, 0], sizes = [16, 256], strides = [1, 1]} : vector<128x256xf32> to vector<16x256xf32>
      %max3A_243 = arith.maximumf %slice3A_241, %slice3A_242 : vector<16x256xf32>
      %min3A_244 = arith.minimumf %slice3A_241, %slice3A_242 : vector<16x256xf32>
      %slice3A_245 = vector.extract_strided_slice %mul3A_232 {offsets = [96, 0], sizes = [16, 256], strides = [1, 1]} : vector<128x256xf32> to vector<16x256xf32>
      %slice3A_246 = vector.extract_strided_slice %mul3A_232 {offsets = [112, 0], sizes = [16, 256], strides = [1, 1]} : vector<128x256xf32> to vector<16x256xf32>
      %max3A_247 = arith.maximumf %slice3A_245, %slice3A_246 : vector<16x256xf32>
      %min3A_248 = arith.minimumf %slice3A_245, %slice3A_246 : vector<16x256xf32>
      %concatenate3A_249 = tpu.concatenate %max3A_235, %min3A_236, %max3A_239, %min3A_240, %max3A_243, %min3A_244, %max3A_247, %min3A_248 in 0 : vector<16x256xf32>, vector<16x256xf32>, vector<16x256xf32>, vector<16x256xf32>, vector<16x256xf32>, vector<16x256xf32>, vector<16x256xf32>, vector<16x256xf32> -> vector<128x256xf32>
      %slice3A_250 = vector.extract_strided_slice %concatenate3A_249 {offsets = [0, 0], sizes = [32, 256], strides = [1, 1]} : vector<128x256xf32> to vector<32x256xf32>
      %slice3A_251 = vector.extract_strided_slice %concatenate3A_249 {offsets = [32, 0], sizes = [32, 256], strides = [1, 1]} : vector<128x256xf32> to vector<32x256xf32>
      %max3A_252 = arith.maximumf %slice3A_250, %slice3A_251 : vector<32x256xf32>
      %min3A_253 = arith.minimumf %slice3A_250, %slice3A_251 : vector<32x256xf32>
      %slice3A_254 = vector.extract_strided_slice %concatenate3A_249 {offsets = [64, 0], sizes = [32, 256], strides = [1, 1]} : vector<128x256xf32> to vector<32x256xf32>
      %slice3A_255 = vector.extract_strided_slice %concatenate3A_249 {offsets = [96, 0], sizes = [32, 256], strides = [1, 1]} : vector<128x256xf32> to vector<32x256xf32>
      %max3A_256 = arith.maximumf %slice3A_254, %slice3A_255 : vector<32x256xf32>
      %min3A_257 = arith.minimumf %slice3A_254, %slice3A_255 : vector<32x256xf32>
      %concatenate3A_258 = tpu.concatenate %max3A_252, %min3A_253, %max3A_256, %min3A_257 in 0 : vector<32x256xf32>, vector<32x256xf32>, vector<32x256xf32>, vector<32x256xf32> -> vector<128x256xf32>
      %slice3A_259 = vector.extract_strided_slice %concatenate3A_258 {offsets = [0, 0], sizes = [64, 256], strides = [1, 1]} : vector<128x256xf32> to vector<64x256xf32>
      %slice3A_260 = vector.extract_strided_slice %concatenate3A_258 {offsets = [64, 0], sizes = [64, 256], strides = [1, 1]} : vector<128x256xf32> to vector<64x256xf32>
      %max3A_261 = arith.maximumf %slice3A_259, %slice3A_260 : vector<64x256xf32>
      %min3A_262 = arith.minimumf %slice3A_259, %slice3A_260 : vector<64x256xf32>
      %concatenate3A_263 = tpu.concatenate %max3A_261, %min3A_262 in 0 : vector<64x256xf32>, vector<64x256xf32> -> vector<128x256xf32>
      %iota3A_264 = tpu.iota {dimensions = array<i32: 0>} : vector<128x1xi32>
      %and3A_265 = arith.constant 8 : i32
      %and3A_266 = vector.broadcast %and3A_265 : i32 to vector<128x1xi32>
      %and3A_267 = arith.andi %iota3A_264, %and3A_266 : vector<128x1xi32>
      %shift_right_arithmetic3A_268 = arith.constant 4 : i32
      %shift_right_arithmetic3A_269 = vector.broadcast %shift_right_arithmetic3A_268 : i32 to vector<128x1xi32>
      %shift_right_arithmetic3A_270 = arith.shrsi %and3A_267, %shift_right_arithmetic3A_269 : vector<128x1xi32>
      %xor3A_271 = arith.xori %and3A_267, %shift_right_arithmetic3A_270 : vector<128x1xi32>
      %shift_right_arithmetic3A_272 = arith.constant 1 : i32
      %shift_right_arithmetic3A_273 = vector.broadcast %shift_right_arithmetic3A_272 : i32 to vector<128x1xi32>
      %shift_right_arithmetic3A_274 = arith.shrsi %xor3A_271, %shift_right_arithmetic3A_273 : vector<128x1xi32>
      %xor3A_275 = arith.xori %xor3A_271, %shift_right_arithmetic3A_274 : vector<128x1xi32>
      %shift_right_arithmetic3A_276 = arith.constant 2 : i32
      %shift_right_arithmetic3A_277 = vector.broadcast %shift_right_arithmetic3A_276 : i32 to vector<128x1xi32>
      %shift_right_arithmetic3A_278 = arith.shrsi %xor3A_271, %shift_right_arithmetic3A_277 : vector<128x1xi32>
      %xor3A_279 = arith.xori %xor3A_275, %shift_right_arithmetic3A_278 : vector<128x1xi32>
      %shift_right_arithmetic3A_280 = arith.constant 3 : i32
      %shift_right_arithmetic3A_281 = vector.broadcast %shift_right_arithmetic3A_280 : i32 to vector<128x1xi32>
      %shift_right_arithmetic3A_282 = arith.shrsi %xor3A_271, %shift_right_arithmetic3A_281 : vector<128x1xi32>
      %xor3A_283 = arith.xori %xor3A_279, %shift_right_arithmetic3A_282 : vector<128x1xi32>
      %and3A_284 = arith.constant 1 : i32
      %and3A_285 = vector.broadcast %and3A_284 : i32 to vector<128x1xi32>
      %and3A_286 = arith.andi %xor3A_283, %and3A_285 : vector<128x1xi32>
      %ne3A_287 = arith.constant 0 : i32
      %ne3A_288 = vector.broadcast %ne3A_287 : i32 to vector<128x1xi32>
      %ne3A_289 = arith.cmpi ne, %and3A_286, %ne3A_288 : vector<128x1xi32>
      %jit3A_290 = arith.constant -1.000000e+00 : f32
      %jit3A_291 = arith.constant 1.000000e+00 : f32
      %broadcast_in_dim3A_292 = vector.broadcast %jit3A_290 : f32 to vector<128x1xf32>
      %broadcast_in_dim3A_293 = vector.broadcast %jit3A_291 : f32 to vector<128x1xf32>
      %select_n3A_294 = arith.select %ne3A_289, %broadcast_in_dim3A_292, %broadcast_in_dim3A_293 : vector<128x1xi1>, vector<128x1xf32>
      %mul3A_295 = vector.broadcast %select_n3A_294 : vector<128x1xf32> to vector<128x256xf32>
      %mul3A_296 = arith.mulf %concatenate3A_263, %mul3A_295 : vector<128x256xf32>
      %slice3A_297 = vector.extract_strided_slice %mul3A_296 {offsets = [0, 0], sizes = [8, 256], strides = [1, 1]} : vector<128x256xf32> to vector<8x256xf32>
      %slice3A_298 = vector.extract_strided_slice %mul3A_296 {offsets = [8, 0], sizes = [8, 256], strides = [1, 1]} : vector<128x256xf32> to vector<8x256xf32>
      %max3A_299 = arith.maximumf %slice3A_297, %slice3A_298 : vector<8x256xf32>
      %min3A_300 = arith.minimumf %slice3A_297, %slice3A_298 : vector<8x256xf32>
      %slice3A_301 = vector.extract_strided_slice %mul3A_296 {offsets = [16, 0], sizes = [8, 256], strides = [1, 1]} : vector<128x256xf32> to vector<8x256xf32>
      %slice3A_302 = vector.extract_strided_slice %mul3A_296 {offsets = [24, 0], sizes = [8, 256], strides = [1, 1]} : vector<128x256xf32> to vector<8x256xf32>
      %max3A_303 = arith.maximumf %slice3A_301, %slice3A_302 : vector<8x256xf32>
      %min3A_304 = arith.minimumf %slice3A_301, %slice3A_302 : vector<8x256xf32>
      %slice3A_305 = vector.extract_strided_slice %mul3A_296 {offsets = [32, 0], sizes = [8, 256], strides = [1, 1]} : vector<128x256xf32> to vector<8x256xf32>
      %slice3A_306 = vector.extract_strided_slice %mul3A_296 {offsets = [40, 0], sizes = [8, 256], strides = [1, 1]} : vector<128x256xf32> to vector<8x256xf32>
      %max3A_307 = arith.maximumf %slice3A_305, %slice3A_306 : vector<8x256xf32>
      %min3A_308 = arith.minimumf %slice3A_305, %slice3A_306 : vector<8x256xf32>
      %slice3A_309 = vector.extract_strided_slice %mul3A_296 {offsets = [48, 0], sizes = [8, 256], strides = [1, 1]} : vector<128x256xf32> to vector<8x256xf32>
      %slice3A_310 = vector.extract_strided_slice %mul3A_296 {offsets = [56, 0], sizes = [8, 256], strides = [1, 1]} : vector<128x256xf32> to vector<8x256xf32>
      %max3A_311 = arith.maximumf %slice3A_309, %slice3A_310 : vector<8x256xf32>
      %min3A_312 = arith.minimumf %slice3A_309, %slice3A_310 : vector<8x256xf32>
      %slice3A_313 = vector.extract_strided_slice %mul3A_296 {offsets = [64, 0], sizes = [8, 256], strides = [1, 1]} : vector<128x256xf32> to vector<8x256xf32>
      %slice3A_314 = vector.extract_strided_slice %mul3A_296 {offsets = [72, 0], sizes = [8, 256], strides = [1, 1]} : vector<128x256xf32> to vector<8x256xf32>
      %max3A_315 = arith.maximumf %slice3A_313, %slice3A_314 : vector<8x256xf32>
      %min3A_316 = arith.minimumf %slice3A_313, %slice3A_314 : vector<8x256xf32>
      %slice3A_317 = vector.extract_strided_slice %mul3A_296 {offsets = [80, 0], sizes = [8, 256], strides = [1, 1]} : vector<128x256xf32> to vector<8x256xf32>
      %slice3A_318 = vector.extract_strided_slice %mul3A_296 {offsets = [88, 0], sizes = [8, 256], strides = [1, 1]} : vector<128x256xf32> to vector<8x256xf32>
      %max3A_319 = arith.maximumf %slice3A_317, %slice3A_318 : vector<8x256xf32>
      %min3A_320 = arith.minimumf %slice3A_317, %slice3A_318 : vector<8x256xf32>
      %slice3A_321 = vector.extract_strided_slice %mul3A_296 {offsets = [96, 0], sizes = [8, 256], strides = [1, 1]} : vector<128x256xf32> to vector<8x256xf32>
      %slice3A_322 = vector.extract_strided_slice %mul3A_296 {offsets = [104, 0], sizes = [8, 256], strides = [1, 1]} : vector<128x256xf32> to vector<8x256xf32>
      %max3A_323 = arith.maximumf %slice3A_321, %slice3A_322 : vector<8x256xf32>
      %min3A_324 = arith.minimumf %slice3A_321, %slice3A_322 : vector<8x256xf32>
      %slice3A_325 = vector.extract_strided_slice %mul3A_296 {offsets = [112, 0], sizes = [8, 256], strides = [1, 1]} : vector<128x256xf32> to vector<8x256xf32>
      %slice3A_326 = vector.extract_strided_slice %mul3A_296 {offsets = [120, 0], sizes = [8, 256], strides = [1, 1]} : vector<128x256xf32> to vector<8x256xf32>
      %max3A_327 = arith.maximumf %slice3A_325, %slice3A_326 : vector<8x256xf32>
      %min3A_328 = arith.minimumf %slice3A_325, %slice3A_326 : vector<8x256xf32>
      %concatenate3A_329 = tpu.concatenate %max3A_299, %min3A_300, %max3A_303, %min3A_304, %max3A_307, %min3A_308, %max3A_311, %min3A_312, %max3A_315, %min3A_316, %max3A_319, %min3A_320, %max3A_323, %min3A_324, %max3A_327, %min3A_328 in 0 : vector<8x256xf32>, vector<8x256xf32>, vector<8x256xf32>, vector<8x256xf32>, vector<8x256xf32>, vector<8x256xf32>, vector<8x256xf32>, vector<8x256xf32>, vector<8x256xf32>, vector<8x256xf32>, vector<8x256xf32>, vector<8x256xf32>, vector<8x256xf32>, vector<8x256xf32>, vector<8x256xf32>, vector<8x256xf32> -> vector<128x256xf32>
      %slice3A_330 = vector.extract_strided_slice %concatenate3A_329 {offsets = [0, 0], sizes = [16, 256], strides = [1, 1]} : vector<128x256xf32> to vector<16x256xf32>
      %slice3A_331 = vector.extract_strided_slice %concatenate3A_329 {offsets = [16, 0], sizes = [16, 256], strides = [1, 1]} : vector<128x256xf32> to vector<16x256xf32>
      %max3A_332 = arith.maximumf %slice3A_330, %slice3A_331 : vector<16x256xf32>
      %min3A_333 = arith.minimumf %slice3A_330, %slice3A_331 : vector<16x256xf32>
      %slice3A_334 = vector.extract_strided_slice %concatenate3A_329 {offsets = [32, 0], sizes = [16, 256], strides = [1, 1]} : vector<128x256xf32> to vector<16x256xf32>
      %slice3A_335 = vector.extract_strided_slice %concatenate3A_329 {offsets = [48, 0], sizes = [16, 256], strides = [1, 1]} : vector<128x256xf32> to vector<16x256xf32>
      %max3A_336 = arith.maximumf %slice3A_334, %slice3A_335 : vector<16x256xf32>
      %min3A_337 = arith.minimumf %slice3A_334, %slice3A_335 : vector<16x256xf32>
      %slice3A_338 = vector.extract_strided_slice %concatenate3A_329 {offsets = [64, 0], sizes = [16, 256], strides = [1, 1]} : vector<128x256xf32> to vector<16x256xf32>
      %slice3A_339 = vector.extract_strided_slice %concatenate3A_329 {offsets = [80, 0], sizes = [16, 256], strides = [1, 1]} : vector<128x256xf32> to vector<16x256xf32>
      %max3A_340 = arith.maximumf %slice3A_338, %slice3A_339 : vector<16x256xf32>
      %min3A_341 = arith.minimumf %slice3A_338, %slice3A_339 : vector<16x256xf32>
      %slice3A_342 = vector.extract_strided_slice %concatenate3A_329 {offsets = [96, 0], sizes = [16, 256], strides = [1, 1]} : vector<128x256xf32> to vector<16x256xf32>
      %slice3A_343 = vector.extract_strided_slice %concatenate3A_329 {offsets = [112, 0], sizes = [16, 256], strides = [1, 1]} : vector<128x256xf32> to vector<16x256xf32>
      %max3A_344 = arith.maximumf %slice3A_342, %slice3A_343 : vector<16x256xf32>
      %min3A_345 = arith.minimumf %slice3A_342, %slice3A_343 : vector<16x256xf32>
      %concatenate3A_346 = tpu.concatenate %max3A_332, %min3A_333, %max3A_336, %min3A_337, %max3A_340, %min3A_341, %max3A_344, %min3A_345 in 0 : vector<16x256xf32>, vector<16x256xf32>, vector<16x256xf32>, vector<16x256xf32>, vector<16x256xf32>, vector<16x256xf32>, vector<16x256xf32>, vector<16x256xf32> -> vector<128x256xf32>
      %slice3A_347 = vector.extract_strided_slice %concatenate3A_346 {offsets = [0, 0], sizes = [32, 256], strides = [1, 1]} : vector<128x256xf32> to vector<32x256xf32>
      %slice3A_348 = vector.extract_strided_slice %concatenate3A_346 {offsets = [32, 0], sizes = [32, 256], strides = [1, 1]} : vector<128x256xf32> to vector<32x256xf32>
      %max3A_349 = arith.maximumf %slice3A_347, %slice3A_348 : vector<32x256xf32>
      %min3A_350 = arith.minimumf %slice3A_347, %slice3A_348 : vector<32x256xf32>
      %slice3A_351 = vector.extract_strided_slice %concatenate3A_346 {offsets = [64, 0], sizes = [32, 256], strides = [1, 1]} : vector<128x256xf32> to vector<32x256xf32>
      %slice3A_352 = vector.extract_strided_slice %concatenate3A_346 {offsets = [96, 0], sizes = [32, 256], strides = [1, 1]} : vector<128x256xf32> to vector<32x256xf32>
      %max3A_353 = arith.maximumf %slice3A_351, %slice3A_352 : vector<32x256xf32>
      %min3A_354 = arith.minimumf %slice3A_351, %slice3A_352 : vector<32x256xf32>
      %concatenate3A_355 = tpu.concatenate %max3A_349, %min3A_350, %max3A_353, %min3A_354 in 0 : vector<32x256xf32>, vector<32x256xf32>, vector<32x256xf32>, vector<32x256xf32> -> vector<128x256xf32>
      %slice3A_356 = vector.extract_strided_slice %concatenate3A_355 {offsets = [0, 0], sizes = [64, 256], strides = [1, 1]} : vector<128x256xf32> to vector<64x256xf32>
      %slice3A_357 = vector.extract_strided_slice %concatenate3A_355 {offsets = [64, 0], sizes = [64, 256], strides = [1, 1]} : vector<128x256xf32> to vector<64x256xf32>
      %max3A_358 = arith.maximumf %slice3A_356, %slice3A_357 : vector<64x256xf32>
      %min3A_359 = arith.minimumf %slice3A_356, %slice3A_357 : vector<64x256xf32>
      %concatenate3A_360 = tpu.concatenate %max3A_358, %min3A_359 in 0 : vector<64x256xf32>, vector<64x256xf32> -> vector<128x256xf32>
      %swap3A = arith.index_cast %mul3A_122 : i32 to index
      %swap3A_361 = arith.constant 0 : index
      %swap3A_362 = vector.load %arg1[%swap3A, %swap3A_361] : memref<4096x256xf32, #tpu.memory_space<vmem>>, vector<128x256xf32>
      tpu.vector_store %arg1[%swap3A, %swap3A_361], %concatenate3A_360 {strides = array<i32>} : memref<4096x256xf32, #tpu.memory_space<vmem>>, vector<128x256xf32>,
      %mul3A_363 = arith.constant 128 : i32
      %mul3A_364 = arith.muli %add3A_120, %mul3A_363 : i32
      %get3A_365 = arith.index_cast %mul3A_364 : i32 to index
      %get3A_366 = arith.constant 0 : index
      %get3A_367 = vector.load %arg1[%get3A_365, %get3A_366] : memref<4096x256xf32, #tpu.memory_space<vmem>>, vector<128x256xf32>
      %iota3A_368 = tpu.iota {dimensions = array<i32: 0>} : vector<128x1xi32>
      %and3A_369 = arith.constant 32 : i32
      %and3A_370 = vector.broadcast %and3A_369 : i32 to vector<128x1xi32>
      %and3A_371 = arith.andi %iota3A_368, %and3A_370 : vector<128x1xi32>
      %shift_right_arithmetic3A_372 = arith.constant 4 : i32
      %shift_right_arithmetic3A_373 = vector.broadcast %shift_right_arithmetic3A_372 : i32 to vector<128x1xi32>
      %shift_right_arithmetic3A_374 = arith.shrsi %and3A_371, %shift_right_arithmetic3A_373 : vector<128x1xi32>
      %xor3A_375 = arith.xori %and3A_371, %shift_right_arithmetic3A_374 : vector<128x1xi32>
      %shift_right_arithmetic3A_376 = arith.constant 1 : i32
      %shift_right_arithmetic3A_377 = vector.broadcast %shift_right_arithmetic3A_376 : i32 to vector<128x1xi32>
      %shift_right_arithmetic3A_378 = arith.shrsi %xor3A_375, %shift_right_arithmetic3A_377 : vector<128x1xi32>
      %xor3A_379 = arith.xori %xor3A_375, %shift_right_arithmetic3A_378 : vector<128x1xi32>
      %shift_right_arithmetic3A_380 = arith.constant 2 : i32
      %shift_right_arithmetic3A_381 = vector.broadcast %shift_right_arithmetic3A_380 : i32 to vector<128x1xi32>
      %shift_right_arithmetic3A_382 = arith.shrsi %xor3A_375, %shift_right_arithmetic3A_381 : vector<128x1xi32>
      %xor3A_383 = arith.xori %xor3A_379, %shift_right_arithmetic3A_382 : vector<128x1xi32>
      %shift_right_arithmetic3A_384 = arith.constant 3 : i32
      %shift_right_arithmetic3A_385 = vector.broadcast %shift_right_arithmetic3A_384 : i32 to vector<128x1xi32>
      %shift_right_arithmetic3A_386 = arith.shrsi %xor3A_375, %shift_right_arithmetic3A_385 : vector<128x1xi32>
      %xor3A_387 = arith.xori %xor3A_383, %shift_right_arithmetic3A_386 : vector<128x1xi32>
      %and3A_388 = arith.constant 1 : i32
      %and3A_389 = vector.broadcast %and3A_388 : i32 to vector<128x1xi32>
      %and3A_390 = arith.andi %xor3A_387, %and3A_389 : vector<128x1xi32>
      %ne3A_391 = arith.constant 0 : i32
      %ne3A_392 = vector.broadcast %ne3A_391 : i32 to vector<128x1xi32>
      %ne3A_393 = arith.cmpi ne, %and3A_390, %ne3A_392 : vector<128x1xi32>
      %jit3A_394 = arith.constant -1.000000e+00 : f32
      %jit3A_395 = arith.constant 1.000000e+00 : f32
      %broadcast_in_dim3A_396 = vector.broadcast %jit3A_394 : f32 to vector<128x1xf32>
      %broadcast_in_dim3A_397 = vector.broadcast %jit3A_395 : f32 to vector<128x1xf32>
      %select_n3A_398 = arith.select %ne3A_393, %broadcast_in_dim3A_396, %broadcast_in_dim3A_397 : vector<128x1xi1>, vector<128x1xf32>
      %mul3A_399 = vector.broadcast %select_n3A_398 : vector<128x1xf32> to vector<128x256xf32>
      %mul3A_400 = arith.mulf %get3A_367, %mul3A_399 : vector<128x256xf32>
      %slice3A_401 = vector.extract_strided_slice %mul3A_400 {offsets = [0, 0], sizes = [64, 256], strides = [1, 1]} : vector<128x256xf32> to vector<64x256xf32>
      %slice3A_402 = vector.extract_strided_slice %mul3A_400 {offsets = [64, 0], sizes = [64, 256], strides = [1, 1]} : vector<128x256xf32> to vector<64x256xf32>
      %max3A_403 = arith.maximumf %slice3A_401, %slice3A_402 : vector<64x256xf32>
      %min3A_404 = arith.minimumf %slice3A_401, %slice3A_402 : vector<64x256xf32>
      %concatenate3A_405 = tpu.concatenate %max3A_403, %min3A_404 in 0 : vector<64x256xf32>, vector<64x256xf32> -> vector<128x256xf32>
      %iota3A_406 = tpu.iota {dimensions = array<i32: 0>} : vector<128x1xi32>
      %and3A_407 = arith.constant 48 : i32
      %and3A_408 = vector.broadcast %and3A_407 : i32 to vector<128x1xi32>
      %and3A_409 = arith.andi %iota3A_406, %and3A_408 : vector<128x1xi32>
      %shift_right_arithmetic3A_410 = arith.constant 4 : i32
      %shift_right_arithmetic3A_411 = vector.broadcast %shift_right_arithmetic3A_410 : i32 to vector<128x1xi32>
      %shift_right_arithmetic3A_412 = arith.shrsi %and3A_409, %shift_right_arithmetic3A_411 : vector<128x1xi32>
      %xor3A_413 = arith.xori %and3A_409, %shift_right_arithmetic3A_412 : vector<128x1xi32>
      %shift_right_arithmetic3A_414 = arith.constant 1 : i32
      %shift_right_arithmetic3A_415 = vector.broadcast %shift_right_arithmetic3A_414 : i32 to vector<128x1xi32>
      %shift_right_arithmetic3A_416 = arith.shrsi %xor3A_413, %shift_right_arithmetic3A_415 : vector<128x1xi32>
      %xor3A_417 = arith.xori %xor3A_413, %shift_right_arithmetic3A_416 : vector<128x1xi32>
      %shift_right_arithmetic3A_418 = arith.constant 2 : i32
      %shift_right_arithmetic3A_419 = vector.broadcast %shift_right_arithmetic3A_418 : i32 to vector<128x1xi32>
      %shift_right_arithmetic3A_420 = arith.shrsi %xor3A_413, %shift_right_arithmetic3A_419 : vector<128x1xi32>
      %xor3A_421 = arith.xori %xor3A_417, %shift_right_arithmetic3A_420 : vector<128x1xi32>
      %shift_right_arithmetic3A_422 = arith.constant 3 : i32
      %shift_right_arithmetic3A_423 = vector.broadcast %shift_right_arithmetic3A_422 : i32 to vector<128x1xi32>
      %shift_right_arithmetic3A_424 = arith.shrsi %xor3A_413, %shift_right_arithmetic3A_423 : vector<128x1xi32>
      %xor3A_425 = arith.xori %xor3A_421, %shift_right_arithmetic3A_424 : vector<128x1xi32>
      %and3A_426 = arith.constant 1 : i32
      %and3A_427 = vector.broadcast %and3A_426 : i32 to vector<128x1xi32>
      %and3A_428 = arith.andi %xor3A_425, %and3A_427 : vector<128x1xi32>
      %ne3A_429 = arith.constant 0 : i32
      %ne3A_430 = vector.broadcast %ne3A_429 : i32 to vector<128x1xi32>
      %ne3A_431 = arith.cmpi ne, %and3A_428, %ne3A_430 : vector<128x1xi32>
      %jit3A_432 = arith.constant -1.000000e+00 : f32
      %jit3A_433 = arith.constant 1.000000e+00 : f32
      %broadcast_in_dim3A_434 = vector.broadcast %jit3A_432 : f32 to vector<128x1xf32>
      %broadcast_in_dim3A_435 = vector.broadcast %jit3A_433 : f32 to vector<128x1xf32>
      %select_n3A_436 = arith.select %ne3A_431, %broadcast_in_dim3A_434, %broadcast_in_dim3A_435 : vector<128x1xi1>, vector<128x1xf32>
      %mul3A_437 = vector.broadcast %select_n3A_436 : vector<128x1xf32> to vector<128x256xf32>
      %mul3A_438 = arith.mulf %concatenate3A_405, %mul3A_437 : vector<128x256xf32>
      %slice3A_439 = vector.extract_strided_slice %mul3A_438 {offsets = [0, 0], sizes = [32, 256], strides = [1, 1]} : vector<128x256xf32> to vector<32x256xf32>
      %slice3A_440 = vector.extract_strided_slice %mul3A_438 {offsets = [32, 0], sizes = [32, 256], strides = [1, 1]} : vector<128x256xf32> to vector<32x256xf32>
      %max3A_441 = arith.maximumf %slice3A_439, %slice3A_440 : vector<32x256xf32>
      %min3A_442 = arith.minimumf %slice3A_439, %slice3A_440 : vector<32x256xf32>
      %slice3A_443 = vector.extract_strided_slice %mul3A_438 {offsets = [64, 0], sizes = [32, 256], strides = [1, 1]} : vector<128x256xf32> to vector<32x256xf32>
      %slice3A_444 = vector.extract_strided_slice %mul3A_438 {offsets = [96, 0], sizes = [32, 256], strides = [1, 1]} : vector<128x256xf32> to vector<32x256xf32>
      %max3A_445 = arith.maximumf %slice3A_443, %slice3A_444 : vector<32x256xf32>
      %min3A_446 = arith.minimumf %slice3A_443, %slice3A_444 : vector<32x256xf32>
      %concatenate3A_447 = tpu.concatenate %max3A_441, %min3A_442, %max3A_445, %min3A_446 in 0 : vector<32x256xf32>, vector<32x256xf32>, vector<32x256xf32>, vector<32x256xf32> -> vector<128x256xf32>
      %slice3A_448 = vector.extract_strided_slice %concatenate3A_447 {offsets = [0, 0], sizes = [64, 256], strides = [1, 1]} : vector<128x256xf32> to vector<64x256xf32>
      %slice3A_449 = vector.extract_strided_slice %concatenate3A_447 {offsets = [64, 0], sizes = [64, 256], strides = [1, 1]} : vector<128x256xf32> to vector<64x256xf32>
      %max3A_450 = arith.maximumf %slice3A_448, %slice3A_449 : vector<64x256xf32>
      %min3A_451 = arith.minimumf %slice3A_448, %slice3A_449 : vector<64x256xf32>
      %concatenate3A_452 = tpu.concatenate %max3A_450, %min3A_451 in 0 : vector<64x256xf32>, vector<64x256xf32> -> vector<128x256xf32>
      %iota3A_453 = tpu.iota {dimensions = array<i32: 0>} : vector<128x1xi32>
      %and3A_454 = arith.constant 24 : i32
      %and3A_455 = vector.broadcast %and3A_454 : i32 to vector<128x1xi32>
      %and3A_456 = arith.andi %iota3A_453, %and3A_455 : vector<128x1xi32>
      %shift_right_arithmetic3A_457 = arith.constant 4 : i32
      %shift_right_arithmetic3A_458 = vector.broadcast %shift_right_arithmetic3A_457 : i32 to vector<128x1xi32>
      %shift_right_arithmetic3A_459 = arith.shrsi %and3A_456, %shift_right_arithmetic3A_458 : vector<128x1xi32>
      %xor3A_460 = arith.xori %and3A_456, %shift_right_arithmetic3A_459 : vector<128x1xi32>
      %shift_right_arithmetic3A_461 = arith.constant 1 : i32
      %shift_right_arithmetic3A_462 = vector.broadcast %shift_right_arithmetic3A_461 : i32 to vector<128x1xi32>
      %shift_right_arithmetic3A_463 = arith.shrsi %xor3A_460, %shift_right_arithmetic3A_462 : vector<128x1xi32>
      %xor3A_464 = arith.xori %xor3A_460, %shift_right_arithmetic3A_463 : vector<128x1xi32>
      %shift_right_arithmetic3A_465 = arith.constant 2 : i32
      %shift_right_arithmetic3A_466 = vector.broadcast %shift_right_arithmetic3A_465 : i32 to vector<128x1xi32>
      %shift_right_arithmetic3A_467 = arith.shrsi %xor3A_460, %shift_right_arithmetic3A_466 : vector<128x1xi32>
      %xor3A_468 = arith.xori %xor3A_464, %shift_right_arithmetic3A_467 : vector<128x1xi32>
      %shift_right_arithmetic3A_469 = arith.constant 3 : i32
      %shift_right_arithmetic3A_470 = vector.broadcast %shift_right_arithmetic3A_469 : i32 to vector<128x1xi32>
      %shift_right_arithmetic3A_471 = arith.shrsi %xor3A_460, %shift_right_arithmetic3A_470 : vector<128x1xi32>
      %xor3A_472 = arith.xori %xor3A_468, %shift_right_arithmetic3A_471 : vector<128x1xi32>
      %and3A_473 = arith.constant 1 : i32
      %and3A_474 = vector.broadcast %and3A_473 : i32 to vector<128x1xi32>
      %and3A_475 = arith.andi %xor3A_472, %and3A_474 : vector<128x1xi32>
      %ne3A_476 = arith.constant 0 : i32
      %ne3A_477 = vector.broadcast %ne3A_476 : i32 to vector<128x1xi32>
      %ne3A_478 = arith.cmpi ne, %and3A_475, %ne3A_477 : vector<128x1xi32>
      %jit3A_479 = arith.constant -1.000000e+00 : f32
      %jit3A_480 = arith.constant 1.000000e+00 : f32
      %broadcast_in_dim3A_481 = vector.broadcast %jit3A_479 : f32 to vector<128x1xf32>
      %broadcast_in_dim3A_482 = vector.broadcast %jit3A_480 : f32 to vector<128x1xf32>
      %select_n3A_483 = arith.select %ne3A_478, %broadcast_in_dim3A_481, %broadcast_in_dim3A_482 : vector<128x1xi1>, vector<128x1xf32>
      %mul3A_484 = vector.broadcast %select_n3A_483 : vector<128x1xf32> to vector<128x256xf32>
      %mul3A_485 = arith.mulf %concatenate3A_452, %mul3A_484 : vector<128x256xf32>
      %slice3A_486 = vector.extract_strided_slice %mul3A_485 {offsets = [0, 0], sizes = [16, 256], strides = [1, 1]} : vector<128x256xf32> to vector<16x256xf32>
      %slice3A_487 = vector.extract_strided_slice %mul3A_485 {offsets = [16, 0], sizes = [16, 256], strides = [1, 1]} : vector<128x256xf32> to vector<16x256xf32>
      %max3A_488 = arith.maximumf %slice3A_486, %slice3A_487 : vector<16x256xf32>
      %min3A_489 = arith.minimumf %slice3A_486, %slice3A_487 : vector<16x256xf32>
      %slice3A_490 = vector.extract_strided_slice %mul3A_485 {offsets = [32, 0], sizes = [16, 256], strides = [1, 1]} : vector<128x256xf32> to vector<16x256xf32>
      %slice3A_491 = vector.extract_strided_slice %mul3A_485 {offsets = [48, 0], sizes = [16, 256], strides = [1, 1]} : vector<128x256xf32> to vector<16x256xf32>
      %max3A_492 = arith.maximumf %slice3A_490, %slice3A_491 : vector<16x256xf32>
      %min3A_493 = arith.minimumf %slice3A_490, %slice3A_491 : vector<16x256xf32>
      %slice3A_494 = vector.extract_strided_slice %mul3A_485 {offsets = [64, 0], sizes = [16, 256], strides = [1, 1]} : vector<128x256xf32> to vector<16x256xf32>
      %slice3A_495 = vector.extract_strided_slice %mul3A_485 {offsets = [80, 0], sizes = [16, 256], strides = [1, 1]} : vector<128x256xf32> to vector<16x256xf32>
      %max3A_496 = arith.maximumf %slice3A_494, %slice3A_495 : vector<16x256xf32>
      %min3A_497 = arith.minimumf %slice3A_494, %slice3A_495 : vector<16x256xf32>
      %slice3A_498 = vector.extract_strided_slice %mul3A_485 {offsets = [96, 0], sizes = [16, 256], strides = [1, 1]} : vector<128x256xf32> to vector<16x256xf32>
      %slice3A_499 = vector.extract_strided_slice %mul3A_485 {offsets = [112, 0], sizes = [16, 256], strides = [1, 1]} : vector<128x256xf32> to vector<16x256xf32>
      %max3A_500 = arith.maximumf %slice3A_498, %slice3A_499 : vector<16x256xf32>
      %min3A_501 = arith.minimumf %slice3A_498, %slice3A_499 : vector<16x256xf32>
      %concatenate3A_502 = tpu.concatenate %max3A_488, %min3A_489, %max3A_492, %min3A_493, %max3A_496, %min3A_497, %max3A_500, %min3A_501 in 0 : vector<16x256xf32>, vector<16x256xf32>, vector<16x256xf32>, vector<16x256xf32>, vector<16x256xf32>, vector<16x256xf32>, vector<16x256xf32>, vector<16x256xf32> -> vector<128x256xf32>
      %slice3A_503 = vector.extract_strided_slice %concatenate3A_502 {offsets = [0, 0], sizes = [32, 256], strides = [1, 1]} : vector<128x256xf32> to vector<32x256xf32>
      %slice3A_504 = vector.extract_strided_slice %concatenate3A_502 {offsets = [32, 0], sizes = [32, 256], strides = [1, 1]} : vector<128x256xf32> to vector<32x256xf32>
      %max3A_505 = arith.maximumf %slice3A_503, %slice3A_504 : vector<32x256xf32>
      %min3A_506 = arith.minimumf %slice3A_503, %slice3A_504 : vector<32x256xf32>
      %slice3A_507 = vector.extract_strided_slice %concatenate3A_502 {offsets = [64, 0], sizes = [32, 256], strides = [1, 1]} : vector<128x256xf32> to vector<32x256xf32>
      %slice3A_508 = vector.extract_strided_slice %concatenate3A_502 {offsets = [96, 0], sizes = [32, 256], strides = [1, 1]} : vector<128x256xf32> to vector<32x256xf32>
      %max3A_509 = arith.maximumf %slice3A_507, %slice3A_508 : vector<32x256xf32>
      %min3A_510 = arith.minimumf %slice3A_507, %slice3A_508 : vector<32x256xf32>
      %concatenate3A_511 = tpu.concatenate %max3A_505, %min3A_506, %max3A_509, %min3A_510 in 0 : vector<32x256xf32>, vector<32x256xf32>, vector<32x256xf32>, vector<32x256xf32> -> vector<128x256xf32>
      %slice3A_512 = vector.extract_strided_slice %concatenate3A_511 {offsets = [0, 0], sizes = [64, 256], strides = [1, 1]} : vector<128x256xf32> to vector<64x256xf32>
      %slice3A_513 = vector.extract_strided_slice %concatenate3A_511 {offsets = [64, 0], sizes = [64, 256], strides = [1, 1]} : vector<128x256xf32> to vector<64x256xf32>
      %max3A_514 = arith.maximumf %slice3A_512, %slice3A_513 : vector<64x256xf32>
      %min3A_515 = arith.minimumf %slice3A_512, %slice3A_513 : vector<64x256xf32>
      %concatenate3A_516 = tpu.concatenate %max3A_514, %min3A_515 in 0 : vector<64x256xf32>, vector<64x256xf32> -> vector<128x256xf32>
      %iota3A_517 = tpu.iota {dimensions = array<i32: 0>} : vector<128x1xi32>
      %and3A_518 = arith.constant 8 : i32
      %and3A_519 = vector.broadcast %and3A_518 : i32 to vector<128x1xi32>
      %and3A_520 = arith.andi %iota3A_517, %and3A_519 : vector<128x1xi32>
      %shift_right_arithmetic3A_521 = arith.constant 4 : i32
      %shift_right_arithmetic3A_522 = vector.broadcast %shift_right_arithmetic3A_521 : i32 to vector<128x1xi32>
      %shift_right_arithmetic3A_523 = arith.shrsi %and3A_520, %shift_right_arithmetic3A_522 : vector<128x1xi32>
      %xor3A_524 = arith.xori %and3A_520, %shift_right_arithmetic3A_523 : vector<128x1xi32>
      %shift_right_arithmetic3A_525 = arith.constant 1 : i32
      %shift_right_arithmetic3A_526 = vector.broadcast %shift_right_arithmetic3A_525 : i32 to vector<128x1xi32>
      %shift_right_arithmetic3A_527 = arith.shrsi %xor3A_524, %shift_right_arithmetic3A_526 : vector<128x1xi32>
      %xor3A_528 = arith.xori %xor3A_524, %shift_right_arithmetic3A_527 : vector<128x1xi32>
      %shift_right_arithmetic3A_529 = arith.constant 2 : i32
      %shift_right_arithmetic3A_530 = vector.broadcast %shift_right_arithmetic3A_529 : i32 to vector<128x1xi32>
      %shift_right_arithmetic3A_531 = arith.shrsi %xor3A_524, %shift_right_arithmetic3A_530 : vector<128x1xi32>
      %xor3A_532 = arith.xori %xor3A_528, %shift_right_arithmetic3A_531 : vector<128x1xi32>
      %shift_right_arithmetic3A_533 = arith.constant 3 : i32
      %shift_right_arithmetic3A_534 = vector.broadcast %shift_right_arithmetic3A_533 : i32 to vector<128x1xi32>
      %shift_right_arithmetic3A_535 = arith.shrsi %xor3A_524, %shift_right_arithmetic3A_534 : vector<128x1xi32>
      %xor3A_536 = arith.xori %xor3A_532, %shift_right_arithmetic3A_535 : vector<128x1xi32>
      %and3A_537 = arith.constant 1 : i32
      %and3A_538 = vector.broadcast %and3A_537 : i32 to vector<128x1xi32>
      %and3A_539 = arith.andi %xor3A_536, %and3A_538 : vector<128x1xi32>
      %ne3A_540 = arith.constant 0 : i32
      %ne3A_541 = vector.broadcast %ne3A_540 : i32 to vector<128x1xi32>
      %ne3A_542 = arith.cmpi ne, %and3A_539, %ne3A_541 : vector<128x1xi32>
      %jit3A_543 = arith.constant -1.000000e+00 : f32
      %jit3A_544 = arith.constant 1.000000e+00 : f32
      %broadcast_in_dim3A_545 = vector.broadcast %jit3A_543 : f32 to vector<128x1xf32>
      %broadcast_in_dim3A_546 = vector.broadcast %jit3A_544 : f32 to vector<128x1xf32>
      %select_n3A_547 = arith.select %ne3A_542, %broadcast_in_dim3A_545, %broadcast_in_dim3A_546 : vector<128x1xi1>, vector<128x1xf32>
      %mul3A_548 = vector.broadcast %select_n3A_547 : vector<128x1xf32> to vector<128x256xf32>
      %mul3A_549 = arith.mulf %concatenate3A_516, %mul3A_548 : vector<128x256xf32>
      %slice3A_550 = vector.extract_strided_slice %mul3A_549 {offsets = [0, 0], sizes = [8, 256], strides = [1, 1]} : vector<128x256xf32> to vector<8x256xf32>
      %slice3A_551 = vector.extract_strided_slice %mul3A_549 {offsets = [8, 0], sizes = [8, 256], strides = [1, 1]} : vector<128x256xf32> to vector<8x256xf32>
      %max3A_552 = arith.maximumf %slice3A_550, %slice3A_551 : vector<8x256xf32>
      %min3A_553 = arith.minimumf %slice3A_550, %slice3A_551 : vector<8x256xf32>
      %slice3A_554 = vector.extract_strided_slice %mul3A_549 {offsets = [16, 0], sizes = [8, 256], strides = [1, 1]} : vector<128x256xf32> to vector<8x256xf32>
      %slice3A_555 = vector.extract_strided_slice %mul3A_549 {offsets = [24, 0], sizes = [8, 256], strides = [1, 1]} : vector<128x256xf32> to vector<8x256xf32>
      %max3A_556 = arith.maximumf %slice3A_554, %slice3A_555 : vector<8x256xf32>
      %min3A_557 = arith.minimumf %slice3A_554, %slice3A_555 : vector<8x256xf32>
      %slice3A_558 = vector.extract_strided_slice %mul3A_549 {offsets = [32, 0], sizes = [8, 256], strides = [1, 1]} : vector<128x256xf32> to vector<8x256xf32>
      %slice3A_559 = vector.extract_strided_slice %mul3A_549 {offsets = [40, 0], sizes = [8, 256], strides = [1, 1]} : vector<128x256xf32> to vector<8x256xf32>
      %max3A_560 = arith.maximumf %slice3A_558, %slice3A_559 : vector<8x256xf32>
      %min3A_561 = arith.minimumf %slice3A_558, %slice3A_559 : vector<8x256xf32>
      %slice3A_562 = vector.extract_strided_slice %mul3A_549 {offsets = [48, 0], sizes = [8, 256], strides = [1, 1]} : vector<128x256xf32> to vector<8x256xf32>
      %slice3A_563 = vector.extract_strided_slice %mul3A_549 {offsets = [56, 0], sizes = [8, 256], strides = [1, 1]} : vector<128x256xf32> to vector<8x256xf32>
      %max3A_564 = arith.maximumf %slice3A_562, %slice3A_563 : vector<8x256xf32>
      %min3A_565 = arith.minimumf %slice3A_562, %slice3A_563 : vector<8x256xf32>
      %slice3A_566 = vector.extract_strided_slice %mul3A_549 {offsets = [64, 0], sizes = [8, 256], strides = [1, 1]} : vector<128x256xf32> to vector<8x256xf32>
      %slice3A_567 = vector.extract_strided_slice %mul3A_549 {offsets = [72, 0], sizes = [8, 256], strides = [1, 1]} : vector<128x256xf32> to vector<8x256xf32>
      %max3A_568 = arith.maximumf %slice3A_566, %slice3A_567 : vector<8x256xf32>
      %min3A_569 = arith.minimumf %slice3A_566, %slice3A_567 : vector<8x256xf32>
      %slice3A_570 = vector.extract_strided_slice %mul3A_549 {offsets = [80, 0], sizes = [8, 256], strides = [1, 1]} : vector<128x256xf32> to vector<8x256xf32>
      %slice3A_571 = vector.extract_strided_slice %mul3A_549 {offsets = [88, 0], sizes = [8, 256], strides = [1, 1]} : vector<128x256xf32> to vector<8x256xf32>
      %max3A_572 = arith.maximumf %slice3A_570, %slice3A_571 : vector<8x256xf32>
      %min3A_573 = arith.minimumf %slice3A_570, %slice3A_571 : vector<8x256xf32>
      %slice3A_574 = vector.extract_strided_slice %mul3A_549 {offsets = [96, 0], sizes = [8, 256], strides = [1, 1]} : vector<128x256xf32> to vector<8x256xf32>
      %slice3A_575 = vector.extract_strided_slice %mul3A_549 {offsets = [104, 0], sizes = [8, 256], strides = [1, 1]} : vector<128x256xf32> to vector<8x256xf32>
      %max3A_576 = arith.maximumf %slice3A_574, %slice3A_575 : vector<8x256xf32>
      %min3A_577 = arith.minimumf %slice3A_574, %slice3A_575 : vector<8x256xf32>
      %slice3A_578 = vector.extract_strided_slice %mul3A_549 {offsets = [112, 0], sizes = [8, 256], strides = [1, 1]} : vector<128x256xf32> to vector<8x256xf32>
      %slice3A_579 = vector.extract_strided_slice %mul3A_549 {offsets = [120, 0], sizes = [8, 256], strides = [1, 1]} : vector<128x256xf32> to vector<8x256xf32>
      %max3A_580 = arith.maximumf %slice3A_578, %slice3A_579 : vector<8x256xf32>
      %min3A_581 = arith.minimumf %slice3A_578, %slice3A_579 : vector<8x256xf32>
      %concatenate3A_582 = tpu.concatenate %min3A_553, %max3A_552, %min3A_557, %max3A_556, %min3A_561, %max3A_560, %min3A_565, %max3A_564, %min3A_569, %max3A_568, %min3A_573, %max3A_572, %min3A_577, %max3A_576, %min3A_581, %max3A_580 in 0 : vector<8x256xf32>, vector<8x256xf32>, vector<8x256xf32>, vector<8x256xf32>, vector<8x256xf32>, vector<8x256xf32>, vector<8x256xf32>, vector<8x256xf32>, vector<8x256xf32>, vector<8x256xf32>, vector<8x256xf32>, vector<8x256xf32>, vector<8x256xf32>, vector<8x256xf32>, vector<8x256xf32>, vector<8x256xf32> -> vector<128x256xf32>
      %slice3A_583 = vector.extract_strided_slice %concatenate3A_582 {offsets = [0, 0], sizes = [16, 256], strides = [1, 1]} : vector<128x256xf32> to vector<16x256xf32>
      %slice3A_584 = vector.extract_strided_slice %concatenate3A_582 {offsets = [16, 0], sizes = [16, 256], strides = [1, 1]} : vector<128x256xf32> to vector<16x256xf32>
      %max3A_585 = arith.maximumf %slice3A_583, %slice3A_584 : vector<16x256xf32>
      %min3A_586 = arith.minimumf %slice3A_583, %slice3A_584 : vector<16x256xf32>
      %slice3A_587 = vector.extract_strided_slice %concatenate3A_582 {offsets = [32, 0], sizes = [16, 256], strides = [1, 1]} : vector<128x256xf32> to vector<16x256xf32>
      %slice3A_588 = vector.extract_strided_slice %concatenate3A_582 {offsets = [48, 0], sizes = [16, 256], strides = [1, 1]} : vector<128x256xf32> to vector<16x256xf32>
      %max3A_589 = arith.maximumf %slice3A_587, %slice3A_588 : vector<16x256xf32>
      %min3A_590 = arith.minimumf %slice3A_587, %slice3A_588 : vector<16x256xf32>
      %slice3A_591 = vector.extract_strided_slice %concatenate3A_582 {offsets = [64, 0], sizes = [16, 256], strides = [1, 1]} : vector<128x256xf32> to vector<16x256xf32>
      %slice3A_592 = vector.extract_strided_slice %concatenate3A_582 {offsets = [80, 0], sizes = [16, 256], strides = [1, 1]} : vector<128x256xf32> to vector<16x256xf32>
      %max3A_593 = arith.maximumf %slice3A_591, %slice3A_592 : vector<16x256xf32>
      %min3A_594 = arith.minimumf %slice3A_591, %slice3A_592 : vector<16x256xf32>
      %slice3A_595 = vector.extract_strided_slice %concatenate3A_582 {offsets = [96, 0], sizes = [16, 256], strides = [1, 1]} : vector<128x256xf32> to vector<16x256xf32>
      %slice3A_596 = vector.extract_strided_slice %concatenate3A_582 {offsets = [112, 0], sizes = [16, 256], strides = [1, 1]} : vector<128x256xf32> to vector<16x256xf32>
      %max3A_597 = arith.maximumf %slice3A_595, %slice3A_596 : vector<16x256xf32>
      %min3A_598 = arith.minimumf %slice3A_595, %slice3A_596 : vector<16x256xf32>
      %concatenate3A_599 = tpu.concatenate %min3A_586, %max3A_585, %min3A_590, %max3A_589, %min3A_594, %max3A_593, %min3A_598, %max3A_597 in 0 : vector<16x256xf32>, vector<16x256xf32>, vector<16x256xf32>, vector<16x256xf32>, vector<16x256xf32>, vector<16x256xf32>, vector<16x256xf32>, vector<16x256xf32> -> vector<128x256xf32>
      %slice3A_600 = vector.extract_strided_slice %concatenate3A_599 {offsets = [0, 0], sizes = [32, 256], strides = [1, 1]} : vector<128x256xf32> to vector<32x256xf32>
      %slice3A_601 = vector.extract_strided_slice %concatenate3A_599 {offsets = [32, 0], sizes = [32, 256], strides = [1, 1]} : vector<128x256xf32> to vector<32x256xf32>
      %max3A_602 = arith.maximumf %slice3A_600, %slice3A_601 : vector<32x256xf32>
      %min3A_603 = arith.minimumf %slice3A_600, %slice3A_601 : vector<32x256xf32>
      %slice3A_604 = vector.extract_strided_slice %concatenate3A_599 {offsets = [64, 0], sizes = [32, 256], strides = [1, 1]} : vector<128x256xf32> to vector<32x256xf32>
      %slice3A_605 = vector.extract_strided_slice %concatenate3A_599 {offsets = [96, 0], sizes = [32, 256], strides = [1, 1]} : vector<128x256xf32> to vector<32x256xf32>
      %max3A_606 = arith.maximumf %slice3A_604, %slice3A_605 : vector<32x256xf32>
      %min3A_607 = arith.minimumf %slice3A_604, %slice3A_605 : vector<32x256xf32>
      %concatenate3A_608 = tpu.concatenate %min3A_603, %max3A_602, %min3A_607, %max3A_606 in 0 : vector<32x256xf32>, vector<32x256xf32>, vector<32x256xf32>, vector<32x256xf32> -> vector<128x256xf32>
      %slice3A_609 = vector.extract_strided_slice %concatenate3A_608 {offsets = [0, 0], sizes = [64, 256], strides = [1, 1]} : vector<128x256xf32> to vector<64x256xf32>
      %slice3A_610 = vector.extract_strided_slice %concatenate3A_608 {offsets = [64, 0], sizes = [64, 256], strides = [1, 1]} : vector<128x256xf32> to vector<64x256xf32>
      %max3A_611 = arith.maximumf %slice3A_609, %slice3A_610 : vector<64x256xf32>
      %min3A_612 = arith.minimumf %slice3A_609, %slice3A_610 : vector<64x256xf32>
      %concatenate3A_613 = tpu.concatenate %min3A_612, %max3A_611 in 0 : vector<64x256xf32>, vector<64x256xf32> -> vector<128x256xf32>
      %swap3A_614 = arith.index_cast %mul3A_364 : i32 to index
      %swap3A_615 = arith.constant 0 : index
      %swap3A_616 = vector.load %arg1[%swap3A_614, %swap3A_615] : memref<4096x256xf32, #tpu.memory_space<vmem>>, vector<128x256xf32>
      tpu.vector_store %arg1[%swap3A_614, %swap3A_615], %concatenate3A_613 {strides = array<i32>} : memref<4096x256xf32, #tpu.memory_space<vmem>>, vector<128x256xf32>,
    }
    %scan3A_3 = arith.constant 16 : i32
    %scan3A_4 = arith.constant 0 : i32
    %scan3A_5 = arith.constant 8 : i32
    %scan3A_6 = arith.addi %scan3A_4, %scan3A_5 : i32
    %scan3A_7 = arith.constant 1 : i32
    scf.for %scan3A_114 = %scan3A_4 to %scan3A_6 step %scan3A_7  : i32 {
      %jit3A = arith.constant 1 : i32
      %eq3A = arith.constant 0 : i32
      %eq3A_115 = arith.cmpi eq, %jit3A, %eq3A : i32
      %jit3A_116 = arith.constant 1 : i32
      %select_n3A = arith.select %eq3A_115, %jit3A_116, %jit3A : i32
      %rem3A = arith.remsi %scan3A_114, %select_n3A : i32
      %ne3A = arith.constant 0 : i32
      %ne3A_117 = arith.cmpi ne, %rem3A, %ne3A : i32
      %lt3A = arith.constant 0 : i32
      %lt3A_118 = arith.cmpi slt, %rem3A, %lt3A : i32
      %lt3A_119 = arith.constant 0 : i32
      %lt3A_120 = arith.cmpi slt, %select_n3A, %lt3A_119 : i32
      %ne3A_121 = arith.xori %lt3A_118, %lt3A_120 : i1
      %and3A = arith.andi %ne3A_121, %ne3A_117 : i1
      %add3A = arith.addi %rem3A, %select_n3A : i32
      %select_n3A_122 = arith.select %and3A, %add3A, %rem3A : i32
      %jit3A_123 = arith.constant 1 : i32
      %div3A = arith.divsi %scan3A_114, %jit3A_123 : i32
      %sign3A = arith.constant 0 : i32
      %sign3A_124 = arith.cmpi sgt, %scan3A_114, %sign3A : i32
      %sign3A_125 = arith.extui %sign3A_124 : i1 to i32
      %sign3A_126 = arith.constant 0 : i32
      %sign3A_127 = arith.cmpi slt, %scan3A_114, %sign3A_126 : i32
      %sign3A_128 = arith.extui %sign3A_127 : i1 to i32
      %sign3A_129 = arith.subi %sign3A_125, %sign3A_128 : i32
      %sign3A_130 = arith.constant 0 : i32
      %sign3A_131 = arith.cmpi sgt, %jit3A_123, %sign3A_130 : i32
      %sign3A_132 = arith.extui %sign3A_131 : i1 to i32
      %sign3A_133 = arith.constant 0 : i32
      %sign3A_134 = arith.cmpi slt, %jit3A_123, %sign3A_133 : i32
      %sign3A_135 = arith.extui %sign3A_134 : i1 to i32
      %sign3A_136 = arith.subi %sign3A_132, %sign3A_135 : i32
      %ne3A_137 = arith.cmpi ne, %sign3A_129, %sign3A_136 : i32
      %rem3A_138 = arith.remsi %scan3A_114, %jit3A_123 : i32
      %ne3A_139 = arith.constant 0 : i32
      %ne3A_140 = arith.cmpi ne, %rem3A_138, %ne3A_139 : i32
      %and3A_141 = arith.andi %ne3A_137, %ne3A_140 : i1
      %sub3A = arith.constant 1 : i32
      %sub3A_142 = arith.subi %div3A, %sub3A : i32
      %select_n3A_143 = arith.select %and3A_141, %sub3A_142, %div3A : i32
      %and3A_144 = arith.constant 0 : i32
      %and3A_145 = arith.andi %select_n3A_143, %and3A_144 : i32
      %shift_right_arithmetic3A = arith.constant 0 : i32
      %shift_right_arithmetic3A_146 = arith.shrsi %select_n3A_143, %shift_right_arithmetic3A : i32
      %mul3A = arith.constant 2 : i32
      %mul3A_147 = arith.muli %shift_right_arithmetic3A_146, %mul3A : i32
      %mul3A_148 = arith.constant 1 : i32
      %mul3A_149 = arith.muli %mul3A_147, %mul3A_148 : i32
      %or3A = arith.ori %mul3A_149, %and3A_145 : i32
      %mul3A_150 = arith.constant 2 : i32
      %mul3A_151 = arith.muli %or3A, %mul3A_150 : i32
      %mul3A_152 = arith.constant 128 : i32
      %mul3A_153 = arith.muli %mul3A_151, %mul3A_152 : i32
      %mul3A_154 = arith.constant 128 : i32
      %mul3A_155 = arith.muli %select_n3A_122, %mul3A_154 : i32
      %add3A_156 = arith.addi %mul3A_153, %mul3A_155 : i32
      %get3A = arith.index_cast %add3A_156 : i32 to index
      %get3A_157 = arith.constant 0 : index
      %get3A_158 = vector.load %arg1[%get3A, %get3A_157] : memref<4096x256xf32, #tpu.memory_space<vmem>>, vector<128x256xf32>
      %add3A_159 = arith.constant 128 : i32
      %add3A_160 = arith.addi %add3A_156, %add3A_159 : i32
      %get3A_161 = arith.index_cast %add3A_160 : i32 to index
      %get3A_162 = arith.constant 0 : index
      %get3A_163 = vector.load %arg1[%get3A_161, %get3A_162] : memref<4096x256xf32, #tpu.memory_space<vmem>>, vector<128x256xf32>
      %max3A = arith.maximumf %get3A_158, %get3A_163 : vector<128x256xf32>
      %min3A = arith.minimumf %get3A_158, %get3A_163 : vector<128x256xf32>
      %swap3A = arith.index_cast %add3A_156 : i32 to index
      %swap3A_164 = arith.constant 0 : index
      %swap3A_165 = vector.load %arg1[%swap3A, %swap3A_164] : memref<4096x256xf32, #tpu.memory_space<vmem>>, vector<128x256xf32>
      tpu.vector_store %arg1[%swap3A, %swap3A_164], %max3A {strides = array<i32>} : memref<4096x256xf32, #tpu.memory_space<vmem>>, vector<128x256xf32>,
      %add3A_166 = arith.constant 128 : i32
      %add3A_167 = arith.addi %add3A_156, %add3A_166 : i32
      %swap3A_168 = arith.index_cast %add3A_167 : i32 to index
      %swap3A_169 = arith.constant 0 : index
      %swap3A_170 = vector.load %arg1[%swap3A_168, %swap3A_169] : memref<4096x256xf32, #tpu.memory_space<vmem>>, vector<128x256xf32>
      tpu.vector_store %arg1[%swap3A_168, %swap3A_169], %min3A {strides = array<i32>} : memref<4096x256xf32, #tpu.memory_space<vmem>>, vector<128x256xf32>,
      %add3A_171 = arith.constant 1 : i32
      %add3A_172 = arith.addi %or3A, %add3A_171 : i32
      %mul3A_173 = arith.constant 2 : i32
      %mul3A_174 = arith.muli %add3A_172, %mul3A_173 : i32
      %mul3A_175 = arith.constant 128 : i32
      %mul3A_176 = arith.muli %mul3A_174, %mul3A_175 : i32
      %mul3A_177 = arith.constant 128 : i32
      %mul3A_178 = arith.muli %select_n3A_122, %mul3A_177 : i32
      %add3A_179 = arith.addi %mul3A_176, %mul3A_178 : i32
      %get3A_180 = arith.index_cast %add3A_179 : i32 to index
      %get3A_181 = arith.constant 0 : index
      %get3A_182 = vector.load %arg1[%get3A_180, %get3A_181] : memref<4096x256xf32, #tpu.memory_space<vmem>>, vector<128x256xf32>
      %add3A_183 = arith.constant 128 : i32
      %add3A_184 = arith.addi %add3A_179, %add3A_183 : i32
      %get3A_185 = arith.index_cast %add3A_184 : i32 to index
      %get3A_186 = arith.constant 0 : index
      %get3A_187 = vector.load %arg1[%get3A_185, %get3A_186] : memref<4096x256xf32, #tpu.memory_space<vmem>>, vector<128x256xf32>
      %max3A_188 = arith.maximumf %get3A_182, %get3A_187 : vector<128x256xf32>
      %min3A_189 = arith.minimumf %get3A_182, %get3A_187 : vector<128x256xf32>
      %swap3A_190 = arith.index_cast %add3A_179 : i32 to index
      %swap3A_191 = arith.constant 0 : index
      %swap3A_192 = vector.load %arg1[%swap3A_190, %swap3A_191] : memref<4096x256xf32, #tpu.memory_space<vmem>>, vector<128x256xf32>
      tpu.vector_store %arg1[%swap3A_190, %swap3A_191], %min3A_189 {strides = array<i32>} : memref<4096x256xf32, #tpu.memory_space<vmem>>, vector<128x256xf32>,
      %add3A_193 = arith.constant 128 : i32
      %add3A_194 = arith.addi %add3A_179, %add3A_193 : i32
      %swap3A_195 = arith.index_cast %add3A_194 : i32 to index
      %swap3A_196 = arith.constant 0 : index
      %swap3A_197 = vector.load %arg1[%swap3A_195, %swap3A_196] : memref<4096x256xf32, #tpu.memory_space<vmem>>, vector<128x256xf32>
      tpu.vector_store %arg1[%swap3A_195, %swap3A_196], %max3A_188 {strides = array<i32>} : memref<4096x256xf32, #tpu.memory_space<vmem>>, vector<128x256xf32>,
    }
    %scan3A_8 = arith.constant 8 : i32
    %scan3A_9 = arith.constant 0 : i32
    %scan3A_10 = arith.constant 16 : i32
    %scan3A_11 = arith.addi %scan3A_9, %scan3A_10 : i32
    %scan3A_12 = arith.constant 1 : i32
    scf.for %scan3A_114 = %scan3A_9 to %scan3A_11 step %scan3A_12  : i32 {
      %and3A = arith.constant 1 : i32
      %and3A_115 = arith.andi %scan3A_114, %and3A : i32
      %shift_right_arithmetic3A = arith.constant 1 : i32
      %shift_right_arithmetic3A_116 = arith.shrsi %scan3A_114, %shift_right_arithmetic3A : i32
      %mul3A = arith.constant 2 : i32
      %mul3A_117 = arith.muli %shift_right_arithmetic3A_116, %mul3A : i32
      %mul3A_118 = arith.constant 2 : i32
      %mul3A_119 = arith.muli %mul3A_117, %mul3A_118 : i32
      %or3A = arith.ori %mul3A_119, %and3A_115 : i32
      %add3A = arith.constant 2 : i32
      %add3A_120 = arith.addi %or3A, %add3A : i32
      %mul3A_121 = arith.constant 128 : i32
      %mul3A_122 = arith.muli %or3A, %mul3A_121 : i32
      %get3A = arith.index_cast %mul3A_122 : i32 to index
      %get3A_123 = arith.constant 0 : index
      %get3A_124 = vector.load %arg1[%get3A, %get3A_123] : memref<4096x256xf32, #tpu.memory_space<vmem>>, vector<128x256xf32>
      %slice3A = vector.extract_strided_slice %get3A_124 {offsets = [0, 0], sizes = [8, 256], strides = [1, 1]} : vector<128x256xf32> to vector<8x256xf32>
      %slice3A_125 = vector.extract_strided_slice %get3A_124 {offsets = [8, 0], sizes = [8, 256], strides = [1, 1]} : vector<128x256xf32> to vector<8x256xf32>
      %max3A = arith.maximumf %slice3A, %slice3A_125 : vector<8x256xf32>
      %min3A = arith.minimumf %slice3A, %slice3A_125 : vector<8x256xf32>
      %slice3A_126 = vector.extract_strided_slice %get3A_124 {offsets = [16, 0], sizes = [8, 256], strides = [1, 1]} : vector<128x256xf32> to vector<8x256xf32>
      %slice3A_127 = vector.extract_strided_slice %get3A_124 {offsets = [24, 0], sizes = [8, 256], strides = [1, 1]} : vector<128x256xf32> to vector<8x256xf32>
      %max3A_128 = arith.maximumf %slice3A_126, %slice3A_127 : vector<8x256xf32>
      %min3A_129 = arith.minimumf %slice3A_126, %slice3A_127 : vector<8x256xf32>
      %slice3A_130 = vector.extract_strided_slice %get3A_124 {offsets = [32, 0], sizes = [8, 256], strides = [1, 1]} : vector<128x256xf32> to vector<8x256xf32>
      %slice3A_131 = vector.extract_strided_slice %get3A_124 {offsets = [40, 0], sizes = [8, 256], strides = [1, 1]} : vector<128x256xf32> to vector<8x256xf32>
      %max3A_132 = arith.maximumf %slice3A_130, %slice3A_131 : vector<8x256xf32>
      %min3A_133 = arith.minimumf %slice3A_130, %slice3A_131 : vector<8x256xf32>
      %slice3A_134 = vector.extract_strided_slice %get3A_124 {offsets = [48, 0], sizes = [8, 256], strides = [1, 1]} : vector<128x256xf32> to vector<8x256xf32>
      %slice3A_135 = vector.extract_strided_slice %get3A_124 {offsets = [56, 0], sizes = [8, 256], strides = [1, 1]} : vector<128x256xf32> to vector<8x256xf32>
      %max3A_136 = arith.maximumf %slice3A_134, %slice3A_135 : vector<8x256xf32>
      %min3A_137 = arith.minimumf %slice3A_134, %slice3A_135 : vector<8x256xf32>
      %slice3A_138 = vector.extract_strided_slice %get3A_124 {offsets = [64, 0], sizes = [8, 256], strides = [1, 1]} : vector<128x256xf32> to vector<8x256xf32>
      %slice3A_139 = vector.extract_strided_slice %get3A_124 {offsets = [72, 0], sizes = [8, 256], strides = [1, 1]} : vector<128x256xf32> to vector<8x256xf32>
      %max3A_140 = arith.maximumf %slice3A_138, %slice3A_139 : vector<8x256xf32>
      %min3A_141 = arith.minimumf %slice3A_138, %slice3A_139 : vector<8x256xf32>
      %slice3A_142 = vector.extract_strided_slice %get3A_124 {offsets = [80, 0], sizes = [8, 256], strides = [1, 1]} : vector<128x256xf32> to vector<8x256xf32>
      %slice3A_143 = vector.extract_strided_slice %get3A_124 {offsets = [88, 0], sizes = [8, 256], strides = [1, 1]} : vector<128x256xf32> to vector<8x256xf32>
      %max3A_144 = arith.maximumf %slice3A_142, %slice3A_143 : vector<8x256xf32>
      %min3A_145 = arith.minimumf %slice3A_142, %slice3A_143 : vector<8x256xf32>
      %slice3A_146 = vector.extract_strided_slice %get3A_124 {offsets = [96, 0], sizes = [8, 256], strides = [1, 1]} : vector<128x256xf32> to vector<8x256xf32>
      %slice3A_147 = vector.extract_strided_slice %get3A_124 {offsets = [104, 0], sizes = [8, 256], strides = [1, 1]} : vector<128x256xf32> to vector<8x256xf32>
      %max3A_148 = arith.maximumf %slice3A_146, %slice3A_147 : vector<8x256xf32>
      %min3A_149 = arith.minimumf %slice3A_146, %slice3A_147 : vector<8x256xf32>
      %slice3A_150 = vector.extract_strided_slice %get3A_124 {offsets = [112, 0], sizes = [8, 256], strides = [1, 1]} : vector<128x256xf32> to vector<8x256xf32>
      %slice3A_151 = vector.extract_strided_slice %get3A_124 {offsets = [120, 0], sizes = [8, 256], strides = [1, 1]} : vector<128x256xf32> to vector<8x256xf32>
      %max3A_152 = arith.maximumf %slice3A_150, %slice3A_151 : vector<8x256xf32>
      %min3A_153 = arith.minimumf %slice3A_150, %slice3A_151 : vector<8x256xf32>
      %concatenate3A = tpu.concatenate %max3A, %min3A, %max3A_128, %min3A_129, %max3A_132, %min3A_133, %max3A_136, %min3A_137, %max3A_140, %min3A_141, %max3A_144, %min3A_145, %max3A_148, %min3A_149, %max3A_152, %min3A_153 in 0 : vector<8x256xf32>, vector<8x256xf32>, vector<8x256xf32>, vector<8x256xf32>, vector<8x256xf32>, vector<8x256xf32>, vector<8x256xf32>, vector<8x256xf32>, vector<8x256xf32>, vector<8x256xf32>, vector<8x256xf32>, vector<8x256xf32>, vector<8x256xf32>, vector<8x256xf32>, vector<8x256xf32>, vector<8x256xf32> -> vector<128x256xf32>
      %slice3A_154 = vector.extract_strided_slice %concatenate3A {offsets = [0, 0], sizes = [16, 256], strides = [1, 1]} : vector<128x256xf32> to vector<16x256xf32>
      %slice3A_155 = vector.extract_strided_slice %concatenate3A {offsets = [16, 0], sizes = [16, 256], strides = [1, 1]} : vector<128x256xf32> to vector<16x256xf32>
      %max3A_156 = arith.maximumf %slice3A_154, %slice3A_155 : vector<16x256xf32>
      %min3A_157 = arith.minimumf %slice3A_154, %slice3A_155 : vector<16x256xf32>
      %slice3A_158 = vector.extract_strided_slice %concatenate3A {offsets = [32, 0], sizes = [16, 256], strides = [1, 1]} : vector<128x256xf32> to vector<16x256xf32>
      %slice3A_159 = vector.extract_strided_slice %concatenate3A {offsets = [48, 0], sizes = [16, 256], strides = [1, 1]} : vector<128x256xf32> to vector<16x256xf32>
      %max3A_160 = arith.maximumf %slice3A_158, %slice3A_159 : vector<16x256xf32>
      %min3A_161 = arith.minimumf %slice3A_158, %slice3A_159 : vector<16x256xf32>
      %slice3A_162 = vector.extract_strided_slice %concatenate3A {offsets = [64, 0], sizes = [16, 256], strides = [1, 1]} : vector<128x256xf32> to vector<16x256xf32>
      %slice3A_163 = vector.extract_strided_slice %concatenate3A {offsets = [80, 0], sizes = [16, 256], strides = [1, 1]} : vector<128x256xf32> to vector<16x256xf32>
      %max3A_164 = arith.maximumf %slice3A_162, %slice3A_163 : vector<16x256xf32>
      %min3A_165 = arith.minimumf %slice3A_162, %slice3A_163 : vector<16x256xf32>
      %slice3A_166 = vector.extract_strided_slice %concatenate3A {offsets = [96, 0], sizes = [16, 256], strides = [1, 1]} : vector<128x256xf32> to vector<16x256xf32>
      %slice3A_167 = vector.extract_strided_slice %concatenate3A {offsets = [112, 0], sizes = [16, 256], strides = [1, 1]} : vector<128x256xf32> to vector<16x256xf32>
      %max3A_168 = arith.maximumf %slice3A_166, %slice3A_167 : vector<16x256xf32>
      %min3A_169 = arith.minimumf %slice3A_166, %slice3A_167 : vector<16x256xf32>
      %concatenate3A_170 = tpu.concatenate %max3A_156, %min3A_157, %max3A_160, %min3A_161, %max3A_164, %min3A_165, %max3A_168, %min3A_169 in 0 : vector<16x256xf32>, vector<16x256xf32>, vector<16x256xf32>, vector<16x256xf32>, vector<16x256xf32>, vector<16x256xf32>, vector<16x256xf32>, vector<16x256xf32> -> vector<128x256xf32>
      %slice3A_171 = vector.extract_strided_slice %concatenate3A_170 {offsets = [0, 0], sizes = [32, 256], strides = [1, 1]} : vector<128x256xf32> to vector<32x256xf32>
      %slice3A_172 = vector.extract_strided_slice %concatenate3A_170 {offsets = [32, 0], sizes = [32, 256], strides = [1, 1]} : vector<128x256xf32> to vector<32x256xf32>
      %max3A_173 = arith.maximumf %slice3A_171, %slice3A_172 : vector<32x256xf32>
      %min3A_174 = arith.minimumf %slice3A_171, %slice3A_172 : vector<32x256xf32>
      %slice3A_175 = vector.extract_strided_slice %concatenate3A_170 {offsets = [64, 0], sizes = [32, 256], strides = [1, 1]} : vector<128x256xf32> to vector<32x256xf32>
      %slice3A_176 = vector.extract_strided_slice %concatenate3A_170 {offsets = [96, 0], sizes = [32, 256], strides = [1, 1]} : vector<128x256xf32> to vector<32x256xf32>
      %max3A_177 = arith.maximumf %slice3A_175, %slice3A_176 : vector<32x256xf32>
      %min3A_178 = arith.minimumf %slice3A_175, %slice3A_176 : vector<32x256xf32>
      %concatenate3A_179 = tpu.concatenate %max3A_173, %min3A_174, %max3A_177, %min3A_178 in 0 : vector<32x256xf32>, vector<32x256xf32>, vector<32x256xf32>, vector<32x256xf32> -> vector<128x256xf32>
      %slice3A_180 = vector.extract_strided_slice %concatenate3A_179 {offsets = [0, 0], sizes = [64, 256], strides = [1, 1]} : vector<128x256xf32> to vector<64x256xf32>
      %slice3A_181 = vector.extract_strided_slice %concatenate3A_179 {offsets = [64, 0], sizes = [64, 256], strides = [1, 1]} : vector<128x256xf32> to vector<64x256xf32>
      %max3A_182 = arith.maximumf %slice3A_180, %slice3A_181 : vector<64x256xf32>
      %min3A_183 = arith.minimumf %slice3A_180, %slice3A_181 : vector<64x256xf32>
      %concatenate3A_184 = tpu.concatenate %max3A_182, %min3A_183 in 0 : vector<64x256xf32>, vector<64x256xf32> -> vector<128x256xf32>
      %swap3A = arith.index_cast %mul3A_122 : i32 to index
      %swap3A_185 = arith.constant 0 : index
      %swap3A_186 = vector.load %arg1[%swap3A, %swap3A_185] : memref<4096x256xf32, #tpu.memory_space<vmem>>, vector<128x256xf32>
      tpu.vector_store %arg1[%swap3A, %swap3A_185], %concatenate3A_184 {strides = array<i32>} : memref<4096x256xf32, #tpu.memory_space<vmem>>, vector<128x256xf32>,
      %mul3A_187 = arith.constant 128 : i32
      %mul3A_188 = arith.muli %add3A_120, %mul3A_187 : i32
      %get3A_189 = arith.index_cast %mul3A_188 : i32 to index
      %get3A_190 = arith.constant 0 : index
      %get3A_191 = vector.load %arg1[%get3A_189, %get3A_190] : memref<4096x256xf32, #tpu.memory_space<vmem>>, vector<128x256xf32>
      %slice3A_192 = vector.extract_strided_slice %get3A_191 {offsets = [0, 0], sizes = [8, 256], strides = [1, 1]} : vector<128x256xf32> to vector<8x256xf32>
      %slice3A_193 = vector.extract_strided_slice %get3A_191 {offsets = [8, 0], sizes = [8, 256], strides = [1, 1]} : vector<128x256xf32> to vector<8x256xf32>
      %max3A_194 = arith.maximumf %slice3A_192, %slice3A_193 : vector<8x256xf32>
      %min3A_195 = arith.minimumf %slice3A_192, %slice3A_193 : vector<8x256xf32>
      %slice3A_196 = vector.extract_strided_slice %get3A_191 {offsets = [16, 0], sizes = [8, 256], strides = [1, 1]} : vector<128x256xf32> to vector<8x256xf32>
      %slice3A_197 = vector.extract_strided_slice %get3A_191 {offsets = [24, 0], sizes = [8, 256], strides = [1, 1]} : vector<128x256xf32> to vector<8x256xf32>
      %max3A_198 = arith.maximumf %slice3A_196, %slice3A_197 : vector<8x256xf32>
      %min3A_199 = arith.minimumf %slice3A_196, %slice3A_197 : vector<8x256xf32>
      %slice3A_200 = vector.extract_strided_slice %get3A_191 {offsets = [32, 0], sizes = [8, 256], strides = [1, 1]} : vector<128x256xf32> to vector<8x256xf32>
      %slice3A_201 = vector.extract_strided_slice %get3A_191 {offsets = [40, 0], sizes = [8, 256], strides = [1, 1]} : vector<128x256xf32> to vector<8x256xf32>
      %max3A_202 = arith.maximumf %slice3A_200, %slice3A_201 : vector<8x256xf32>
      %min3A_203 = arith.minimumf %slice3A_200, %slice3A_201 : vector<8x256xf32>
      %slice3A_204 = vector.extract_strided_slice %get3A_191 {offsets = [48, 0], sizes = [8, 256], strides = [1, 1]} : vector<128x256xf32> to vector<8x256xf32>
      %slice3A_205 = vector.extract_strided_slice %get3A_191 {offsets = [56, 0], sizes = [8, 256], strides = [1, 1]} : vector<128x256xf32> to vector<8x256xf32>
      %max3A_206 = arith.maximumf %slice3A_204, %slice3A_205 : vector<8x256xf32>
      %min3A_207 = arith.minimumf %slice3A_204, %slice3A_205 : vector<8x256xf32>
      %slice3A_208 = vector.extract_strided_slice %get3A_191 {offsets = [64, 0], sizes = [8, 256], strides = [1, 1]} : vector<128x256xf32> to vector<8x256xf32>
      %slice3A_209 = vector.extract_strided_slice %get3A_191 {offsets = [72, 0], sizes = [8, 256], strides = [1, 1]} : vector<128x256xf32> to vector<8x256xf32>
      %max3A_210 = arith.maximumf %slice3A_208, %slice3A_209 : vector<8x256xf32>
      %min3A_211 = arith.minimumf %slice3A_208, %slice3A_209 : vector<8x256xf32>
      %slice3A_212 = vector.extract_strided_slice %get3A_191 {offsets = [80, 0], sizes = [8, 256], strides = [1, 1]} : vector<128x256xf32> to vector<8x256xf32>
      %slice3A_213 = vector.extract_strided_slice %get3A_191 {offsets = [88, 0], sizes = [8, 256], strides = [1, 1]} : vector<128x256xf32> to vector<8x256xf32>
      %max3A_214 = arith.maximumf %slice3A_212, %slice3A_213 : vector<8x256xf32>
      %min3A_215 = arith.minimumf %slice3A_212, %slice3A_213 : vector<8x256xf32>
      %slice3A_216 = vector.extract_strided_slice %get3A_191 {offsets = [96, 0], sizes = [8, 256], strides = [1, 1]} : vector<128x256xf32> to vector<8x256xf32>
      %slice3A_217 = vector.extract_strided_slice %get3A_191 {offsets = [104, 0], sizes = [8, 256], strides = [1, 1]} : vector<128x256xf32> to vector<8x256xf32>
      %max3A_218 = arith.maximumf %slice3A_216, %slice3A_217 : vector<8x256xf32>
      %min3A_219 = arith.minimumf %slice3A_216, %slice3A_217 : vector<8x256xf32>
      %slice3A_220 = vector.extract_strided_slice %get3A_191 {offsets = [112, 0], sizes = [8, 256], strides = [1, 1]} : vector<128x256xf32> to vector<8x256xf32>
      %slice3A_221 = vector.extract_strided_slice %get3A_191 {offsets = [120, 0], sizes = [8, 256], strides = [1, 1]} : vector<128x256xf32> to vector<8x256xf32>
      %max3A_222 = arith.maximumf %slice3A_220, %slice3A_221 : vector<8x256xf32>
      %min3A_223 = arith.minimumf %slice3A_220, %slice3A_221 : vector<8x256xf32>
      %concatenate3A_224 = tpu.concatenate %min3A_195, %max3A_194, %min3A_199, %max3A_198, %min3A_203, %max3A_202, %min3A_207, %max3A_206, %min3A_211, %max3A_210, %min3A_215, %max3A_214, %min3A_219, %max3A_218, %min3A_223, %max3A_222 in 0 : vector<8x256xf32>, vector<8x256xf32>, vector<8x256xf32>, vector<8x256xf32>, vector<8x256xf32>, vector<8x256xf32>, vector<8x256xf32>, vector<8x256xf32>, vector<8x256xf32>, vector<8x256xf32>, vector<8x256xf32>, vector<8x256xf32>, vector<8x256xf32>, vector<8x256xf32>, vector<8x256xf32>, vector<8x256xf32> -> vector<128x256xf32>
      %slice3A_225 = vector.extract_strided_slice %concatenate3A_224 {offsets = [0, 0], sizes = [16, 256], strides = [1, 1]} : vector<128x256xf32> to vector<16x256xf32>
      %slice3A_226 = vector.extract_strided_slice %concatenate3A_224 {offsets = [16, 0], sizes = [16, 256], strides = [1, 1]} : vector<128x256xf32> to vector<16x256xf32>
      %max3A_227 = arith.maximumf %slice3A_225, %slice3A_226 : vector<16x256xf32>
      %min3A_228 = arith.minimumf %slice3A_225, %slice3A_226 : vector<16x256xf32>
      %slice3A_229 = vector.extract_strided_slice %concatenate3A_224 {offsets = [32, 0], sizes = [16, 256], strides = [1, 1]} : vector<128x256xf32> to vector<16x256xf32>
      %slice3A_230 = vector.extract_strided_slice %concatenate3A_224 {offsets = [48, 0], sizes = [16, 256], strides = [1, 1]} : vector<128x256xf32> to vector<16x256xf32>
      %max3A_231 = arith.maximumf %slice3A_229, %slice3A_230 : vector<16x256xf32>
      %min3A_232 = arith.minimumf %slice3A_229, %slice3A_230 : vector<16x256xf32>
      %slice3A_233 = vector.extract_strided_slice %concatenate3A_224 {offsets = [64, 0], sizes = [16, 256], strides = [1, 1]} : vector<128x256xf32> to vector<16x256xf32>
      %slice3A_234 = vector.extract_strided_slice %concatenate3A_224 {offsets = [80, 0], sizes = [16, 256], strides = [1, 1]} : vector<128x256xf32> to vector<16x256xf32>
      %max3A_235 = arith.maximumf %slice3A_233, %slice3A_234 : vector<16x256xf32>
      %min3A_236 = arith.minimumf %slice3A_233, %slice3A_234 : vector<16x256xf32>
      %slice3A_237 = vector.extract_strided_slice %concatenate3A_224 {offsets = [96, 0], sizes = [16, 256], strides = [1, 1]} : vector<128x256xf32> to vector<16x256xf32>
      %slice3A_238 = vector.extract_strided_slice %concatenate3A_224 {offsets = [112, 0], sizes = [16, 256], strides = [1, 1]} : vector<128x256xf32> to vector<16x256xf32>
      %max3A_239 = arith.maximumf %slice3A_237, %slice3A_238 : vector<16x256xf32>
      %min3A_240 = arith.minimumf %slice3A_237, %slice3A_238 : vector<16x256xf32>
      %concatenate3A_241 = tpu.concatenate %min3A_228, %max3A_227, %min3A_232, %max3A_231, %min3A_236, %max3A_235, %min3A_240, %max3A_239 in 0 : vector<16x256xf32>, vector<16x256xf32>, vector<16x256xf32>, vector<16x256xf32>, vector<16x256xf32>, vector<16x256xf32>, vector<16x256xf32>, vector<16x256xf32> -> vector<128x256xf32>
      %slice3A_242 = vector.extract_strided_slice %concatenate3A_241 {offsets = [0, 0], sizes = [32, 256], strides = [1, 1]} : vector<128x256xf32> to vector<32x256xf32>
      %slice3A_243 = vector.extract_strided_slice %concatenate3A_241 {offsets = [32, 0], sizes = [32, 256], strides = [1, 1]} : vector<128x256xf32> to vector<32x256xf32>
      %max3A_244 = arith.maximumf %slice3A_242, %slice3A_243 : vector<32x256xf32>
      %min3A_245 = arith.minimumf %slice3A_242, %slice3A_243 : vector<32x256xf32>
      %slice3A_246 = vector.extract_strided_slice %concatenate3A_241 {offsets = [64, 0], sizes = [32, 256], strides = [1, 1]} : vector<128x256xf32> to vector<32x256xf32>
      %slice3A_247 = vector.extract_strided_slice %concatenate3A_241 {offsets = [96, 0], sizes = [32, 256], strides = [1, 1]} : vector<128x256xf32> to vector<32x256xf32>
      %max3A_248 = arith.maximumf %slice3A_246, %slice3A_247 : vector<32x256xf32>
      %min3A_249 = arith.minimumf %slice3A_246, %slice3A_247 : vector<32x256xf32>
      %concatenate3A_250 = tpu.concatenate %min3A_245, %max3A_244, %min3A_249, %max3A_248 in 0 : vector<32x256xf32>, vector<32x256xf32>, vector<32x256xf32>, vector<32x256xf32> -> vector<128x256xf32>
      %slice3A_251 = vector.extract_strided_slice %concatenate3A_250 {offsets = [0, 0], sizes = [64, 256], strides = [1, 1]} : vector<128x256xf32> to vector<64x256xf32>
      %slice3A_252 = vector.extract_strided_slice %concatenate3A_250 {offsets = [64, 0], sizes = [64, 256], strides = [1, 1]} : vector<128x256xf32> to vector<64x256xf32>
      %max3A_253 = arith.maximumf %slice3A_251, %slice3A_252 : vector<64x256xf32>
      %min3A_254 = arith.minimumf %slice3A_251, %slice3A_252 : vector<64x256xf32>
      %concatenate3A_255 = tpu.concatenate %min3A_254, %max3A_253 in 0 : vector<64x256xf32>, vector<64x256xf32> -> vector<128x256xf32>
      %swap3A_256 = arith.index_cast %mul3A_188 : i32 to index
      %swap3A_257 = arith.constant 0 : index
      %swap3A_258 = vector.load %arg1[%swap3A_256, %swap3A_257] : memref<4096x256xf32, #tpu.memory_space<vmem>>, vector<128x256xf32>
      tpu.vector_store %arg1[%swap3A_256, %swap3A_257], %concatenate3A_255 {strides = array<i32>} : memref<4096x256xf32, #tpu.memory_space<vmem>>, vector<128x256xf32>,
    }
    %scan3A_13 = arith.constant 16 : i32
    %scan3A_14 = arith.constant 0 : i32
    %scan3A_15 = arith.constant 4 : i32
    %scan3A_16 = arith.addi %scan3A_14, %scan3A_15 : i32
    %scan3A_17 = arith.constant 1 : i32
    scf.for %scan3A_114 = %scan3A_14 to %scan3A_16 step %scan3A_17  : i32 {
      %jit3A = arith.constant 1 : i32
      %eq3A = arith.constant 0 : i32
      %eq3A_115 = arith.cmpi eq, %jit3A, %eq3A : i32
      %jit3A_116 = arith.constant 1 : i32
      %select_n3A = arith.select %eq3A_115, %jit3A_116, %jit3A : i32
      %rem3A = arith.remsi %scan3A_114, %select_n3A : i32
      %ne3A = arith.constant 0 : i32
      %ne3A_117 = arith.cmpi ne, %rem3A, %ne3A : i32
      %lt3A = arith.constant 0 : i32
      %lt3A_118 = arith.cmpi slt, %rem3A, %lt3A : i32
      %lt3A_119 = arith.constant 0 : i32
      %lt3A_120 = arith.cmpi slt, %select_n3A, %lt3A_119 : i32
      %ne3A_121 = arith.xori %lt3A_118, %lt3A_120 : i1
      %and3A = arith.andi %ne3A_121, %ne3A_117 : i1
      %add3A = arith.addi %rem3A, %select_n3A : i32
      %select_n3A_122 = arith.select %and3A, %add3A, %rem3A : i32
      %jit3A_123 = arith.constant 1 : i32
      %div3A = arith.divsi %scan3A_114, %jit3A_123 : i32
      %sign3A = arith.constant 0 : i32
      %sign3A_124 = arith.cmpi sgt, %scan3A_114, %sign3A : i32
      %sign3A_125 = arith.extui %sign3A_124 : i1 to i32
      %sign3A_126 = arith.constant 0 : i32
      %sign3A_127 = arith.cmpi slt, %scan3A_114, %sign3A_126 : i32
      %sign3A_128 = arith.extui %sign3A_127 : i1 to i32
      %sign3A_129 = arith.subi %sign3A_125, %sign3A_128 : i32
      %sign3A_130 = arith.constant 0 : i32
      %sign3A_131 = arith.cmpi sgt, %jit3A_123, %sign3A_130 : i32
      %sign3A_132 = arith.extui %sign3A_131 : i1 to i32
      %sign3A_133 = arith.constant 0 : i32
      %sign3A_134 = arith.cmpi slt, %jit3A_123, %sign3A_133 : i32
      %sign3A_135 = arith.extui %sign3A_134 : i1 to i32
      %sign3A_136 = arith.subi %sign3A_132, %sign3A_135 : i32
      %ne3A_137 = arith.cmpi ne, %sign3A_129, %sign3A_136 : i32
      %rem3A_138 = arith.remsi %scan3A_114, %jit3A_123 : i32
      %ne3A_139 = arith.constant 0 : i32
      %ne3A_140 = arith.cmpi ne, %rem3A_138, %ne3A_139 : i32
      %and3A_141 = arith.andi %ne3A_137, %ne3A_140 : i1
      %sub3A = arith.constant 1 : i32
      %sub3A_142 = arith.subi %div3A, %sub3A : i32
      %select_n3A_143 = arith.select %and3A_141, %sub3A_142, %div3A : i32
      %and3A_144 = arith.constant 0 : i32
      %and3A_145 = arith.andi %select_n3A_143, %and3A_144 : i32
      %shift_right_arithmetic3A = arith.constant 0 : i32
      %shift_right_arithmetic3A_146 = arith.shrsi %select_n3A_143, %shift_right_arithmetic3A : i32
      %mul3A = arith.constant 2 : i32
      %mul3A_147 = arith.muli %shift_right_arithmetic3A_146, %mul3A : i32
      %mul3A_148 = arith.constant 1 : i32
      %mul3A_149 = arith.muli %mul3A_147, %mul3A_148 : i32
      %or3A = arith.ori %mul3A_149, %and3A_145 : i32
      %mul3A_150 = arith.constant 2 : i32
      %mul3A_151 = arith.muli %or3A, %mul3A_150 : i32
      %mul3A_152 = arith.constant 256 : i32
      %mul3A_153 = arith.muli %mul3A_151, %mul3A_152 : i32
      %mul3A_154 = arith.constant 128 : i32
      %mul3A_155 = arith.muli %select_n3A_122, %mul3A_154 : i32
      %add3A_156 = arith.addi %mul3A_153, %mul3A_155 : i32
      %get3A = arith.index_cast %add3A_156 : i32 to index
      %get3A_157 = arith.constant 0 : index
      %get3A_158 = vector.load %arg1[%get3A, %get3A_157] : memref<4096x256xf32, #tpu.memory_space<vmem>>, vector<128x256xf32>
      %add3A_159 = arith.constant 128 : i32
      %add3A_160 = arith.addi %add3A_156, %add3A_159 : i32
      %get3A_161 = arith.index_cast %add3A_160 : i32 to index
      %get3A_162 = arith.constant 0 : index
      %get3A_163 = vector.load %arg1[%get3A_161, %get3A_162] : memref<4096x256xf32, #tpu.memory_space<vmem>>, vector<128x256xf32>
      %add3A_164 = arith.constant 256 : i32
      %add3A_165 = arith.addi %add3A_156, %add3A_164 : i32
      %get3A_166 = arith.index_cast %add3A_165 : i32 to index
      %get3A_167 = arith.constant 0 : index
      %get3A_168 = vector.load %arg1[%get3A_166, %get3A_167] : memref<4096x256xf32, #tpu.memory_space<vmem>>, vector<128x256xf32>
      %add3A_169 = arith.constant 256 : i32
      %add3A_170 = arith.addi %add3A_156, %add3A_169 : i32
      %add3A_171 = arith.constant 128 : i32
      %add3A_172 = arith.addi %add3A_170, %add3A_171 : i32
      %get3A_173 = arith.index_cast %add3A_172 : i32 to index
      %get3A_174 = arith.constant 0 : index
      %get3A_175 = vector.load %arg1[%get3A_173, %get3A_174] : memref<4096x256xf32, #tpu.memory_space<vmem>>, vector<128x256xf32>
      %max3A = arith.maximumf %get3A_158, %get3A_168 : vector<128x256xf32>
      %min3A = arith.minimumf %get3A_158, %get3A_168 : vector<128x256xf32>
      %max3A_176 = arith.maximumf %get3A_163, %get3A_175 : vector<128x256xf32>
      %min3A_177 = arith.minimumf %get3A_163, %get3A_175 : vector<128x256xf32>
      %max3A_178 = arith.maximumf %max3A, %max3A_176 : vector<128x256xf32>
      %min3A_179 = arith.minimumf %max3A, %max3A_176 : vector<128x256xf32>
      %max3A_180 = arith.maximumf %min3A, %min3A_177 : vector<128x256xf32>
      %min3A_181 = arith.minimumf %min3A, %min3A_177 : vector<128x256xf32>
      %swap3A = arith.index_cast %add3A_156 : i32 to index
      %swap3A_182 = arith.constant 0 : index
      %swap3A_183 = vector.load %arg1[%swap3A, %swap3A_182] : memref<4096x256xf32, #tpu.memory_space<vmem>>, vector<128x256xf32>
      tpu.vector_store %arg1[%swap3A, %swap3A_182], %max3A_178 {strides = array<i32>} : memref<4096x256xf32, #tpu.memory_space<vmem>>, vector<128x256xf32>,
      %add3A_184 = arith.constant 128 : i32
      %add3A_185 = arith.addi %add3A_156, %add3A_184 : i32
      %swap3A_186 = arith.index_cast %add3A_185 : i32 to index
      %swap3A_187 = arith.constant 0 : index
      %swap3A_188 = vector.load %arg1[%swap3A_186, %swap3A_187] : memref<4096x256xf32, #tpu.memory_space<vmem>>, vector<128x256xf32>
      tpu.vector_store %arg1[%swap3A_186, %swap3A_187], %min3A_179 {strides = array<i32>} : memref<4096x256xf32, #tpu.memory_space<vmem>>, vector<128x256xf32>,
      %add3A_189 = arith.constant 256 : i32
      %add3A_190 = arith.addi %add3A_156, %add3A_189 : i32
      %swap3A_191 = arith.index_cast %add3A_190 : i32 to index
      %swap3A_192 = arith.constant 0 : index
      %swap3A_193 = vector.load %arg1[%swap3A_191, %swap3A_192] : memref<4096x256xf32, #tpu.memory_space<vmem>>, vector<128x256xf32>
      tpu.vector_store %arg1[%swap3A_191, %swap3A_192], %max3A_180 {strides = array<i32>} : memref<4096x256xf32, #tpu.memory_space<vmem>>, vector<128x256xf32>,
      %add3A_194 = arith.constant 256 : i32
      %add3A_195 = arith.addi %add3A_156, %add3A_194 : i32
      %add3A_196 = arith.constant 128 : i32
      %add3A_197 = arith.addi %add3A_195, %add3A_196 : i32
      %swap3A_198 = arith.index_cast %add3A_197 : i32 to index
      %swap3A_199 = arith.constant 0 : index
      %swap3A_200 = vector.load %arg1[%swap3A_198, %swap3A_199] : memref<4096x256xf32, #tpu.memory_space<vmem>>, vector<128x256xf32>
      tpu.vector_store %arg1[%swap3A_198, %swap3A_199], %min3A_181 {strides = array<i32>} : memref<4096x256xf32, #tpu.memory_space<vmem>>, vector<128x256xf32>,
      %add3A_201 = arith.constant 1 : i32
      %add3A_202 = arith.addi %or3A, %add3A_201 : i32
      %mul3A_203 = arith.constant 2 : i32
      %mul3A_204 = arith.muli %add3A_202, %mul3A_203 : i32
      %mul3A_205 = arith.constant 256 : i32
      %mul3A_206 = arith.muli %mul3A_204, %mul3A_205 : i32
      %mul3A_207 = arith.constant 128 : i32
      %mul3A_208 = arith.muli %select_n3A_122, %mul3A_207 : i32
      %add3A_209 = arith.addi %mul3A_206, %mul3A_208 : i32
      %get3A_210 = arith.index_cast %add3A_209 : i32 to index
      %get3A_211 = arith.constant 0 : index
      %get3A_212 = vector.load %arg1[%get3A_210, %get3A_211] : memref<4096x256xf32, #tpu.memory_space<vmem>>, vector<128x256xf32>
      %add3A_213 = arith.constant 128 : i32
      %add3A_214 = arith.addi %add3A_209, %add3A_213 : i32
      %get3A_215 = arith.index_cast %add3A_214 : i32 to index
      %get3A_216 = arith.constant 0 : index
      %get3A_217 = vector.load %arg1[%get3A_215, %get3A_216] : memref<4096x256xf32, #tpu.memory_space<vmem>>, vector<128x256xf32>
      %add3A_218 = arith.constant 256 : i32
      %add3A_219 = arith.addi %add3A_209, %add3A_218 : i32
      %get3A_220 = arith.index_cast %add3A_219 : i32 to index
      %get3A_221 = arith.constant 0 : index
      %get3A_222 = vector.load %arg1[%get3A_220, %get3A_221] : memref<4096x256xf32, #tpu.memory_space<vmem>>, vector<128x256xf32>
      %add3A_223 = arith.constant 256 : i32
      %add3A_224 = arith.addi %add3A_209, %add3A_223 : i32
      %add3A_225 = arith.constant 128 : i32
      %add3A_226 = arith.addi %add3A_224, %add3A_225 : i32
      %get3A_227 = arith.index_cast %add3A_226 : i32 to index
      %get3A_228 = arith.constant 0 : index
      %get3A_229 = vector.load %arg1[%get3A_227, %get3A_228] : memref<4096x256xf32, #tpu.memory_space<vmem>>, vector<128x256xf32>
      %max3A_230 = arith.maximumf %get3A_212, %get3A_222 : vector<128x256xf32>
      %min3A_231 = arith.minimumf %get3A_212, %get3A_222 : vector<128x256xf32>
      %max3A_232 = arith.maximumf %get3A_217, %get3A_229 : vector<128x256xf32>
      %min3A_233 = arith.minimumf %get3A_217, %get3A_229 : vector<128x256xf32>
      %max3A_234 = arith.maximumf %min3A_231, %min3A_233 : vector<128x256xf32>
      %min3A_235 = arith.minimumf %min3A_231, %min3A_233 : vector<128x256xf32>
      %max3A_236 = arith.maximumf %max3A_230, %max3A_232 : vector<128x256xf32>
      %min3A_237 = arith.minimumf %max3A_230, %max3A_232 : vector<128x256xf32>
      %swap3A_238 = arith.index_cast %add3A_209 : i32 to index
      %swap3A_239 = arith.constant 0 : index
      %swap3A_240 = vector.load %arg1[%swap3A_238, %swap3A_239] : memref<4096x256xf32, #tpu.memory_space<vmem>>, vector<128x256xf32>
      tpu.vector_store %arg1[%swap3A_238, %swap3A_239], %min3A_235 {strides = array<i32>} : memref<4096x256xf32, #tpu.memory_space<vmem>>, vector<128x256xf32>,
      %add3A_241 = arith.constant 128 : i32
      %add3A_242 = arith.addi %add3A_209, %add3A_241 : i32
      %swap3A_243 = arith.index_cast %add3A_242 : i32 to index
      %swap3A_244 = arith.constant 0 : index
      %swap3A_245 = vector.load %arg1[%swap3A_243, %swap3A_244] : memref<4096x256xf32, #tpu.memory_space<vmem>>, vector<128x256xf32>
      tpu.vector_store %arg1[%swap3A_243, %swap3A_244], %max3A_234 {strides = array<i32>} : memref<4096x256xf32, #tpu.memory_space<vmem>>, vector<128x256xf32>,
      %add3A_246 = arith.constant 256 : i32
      %add3A_247 = arith.addi %add3A_209, %add3A_246 : i32
      %swap3A_248 = arith.index_cast %add3A_247 : i32 to index
      %swap3A_249 = arith.constant 0 : index
      %swap3A_250 = vector.load %arg1[%swap3A_248, %swap3A_249] : memref<4096x256xf32, #tpu.memory_space<vmem>>, vector<128x256xf32>
      tpu.vector_store %arg1[%swap3A_248, %swap3A_249], %min3A_237 {strides = array<i32>} : memref<4096x256xf32, #tpu.memory_space<vmem>>, vector<128x256xf32>,
      %add3A_251 = arith.constant 256 : i32
      %add3A_252 = arith.addi %add3A_209, %add3A_251 : i32
      %add3A_253 = arith.constant 128 : i32
      %add3A_254 = arith.addi %add3A_252, %add3A_253 : i32
      %swap3A_255 = arith.index_cast %add3A_254 : i32 to index
      %swap3A_256 = arith.constant 0 : index
      %swap3A_257 = vector.load %arg1[%swap3A_255, %swap3A_256] : memref<4096x256xf32, #tpu.memory_space<vmem>>, vector<128x256xf32>
      tpu.vector_store %arg1[%swap3A_255, %swap3A_256], %max3A_236 {strides = array<i32>} : memref<4096x256xf32, #tpu.memory_space<vmem>>, vector<128x256xf32>,
    }
    %scan3A_18 = arith.constant 4 : i32
    %scan3A_19 = arith.constant 0 : i32
    %scan3A_20 = arith.constant 16 : i32
    %scan3A_21 = arith.addi %scan3A_19, %scan3A_20 : i32
    %scan3A_22 = arith.constant 1 : i32
    scf.for %scan3A_114 = %scan3A_19 to %scan3A_21 step %scan3A_22  : i32 {
      %and3A = arith.constant 3 : i32
      %and3A_115 = arith.andi %scan3A_114, %and3A : i32
      %shift_right_arithmetic3A = arith.constant 2 : i32
      %shift_right_arithmetic3A_116 = arith.shrsi %scan3A_114, %shift_right_arithmetic3A : i32
      %mul3A = arith.constant 2 : i32
      %mul3A_117 = arith.muli %shift_right_arithmetic3A_116, %mul3A : i32
      %mul3A_118 = arith.constant 4 : i32
      %mul3A_119 = arith.muli %mul3A_117, %mul3A_118 : i32
      %or3A = arith.ori %mul3A_119, %and3A_115 : i32
      %add3A = arith.constant 4 : i32
      %add3A_120 = arith.addi %or3A, %add3A : i32
      %mul3A_121 = arith.constant 128 : i32
      %mul3A_122 = arith.muli %or3A, %mul3A_121 : i32
      %get3A = arith.index_cast %mul3A_122 : i32 to index
      %get3A_123 = arith.constant 0 : index
      %get3A_124 = vector.load %arg1[%get3A, %get3A_123] : memref<4096x256xf32, #tpu.memory_space<vmem>>, vector<128x256xf32>
      %slice3A = vector.extract_strided_slice %get3A_124 {offsets = [0, 0], sizes = [8, 256], strides = [1, 1]} : vector<128x256xf32> to vector<8x256xf32>
      %slice3A_125 = vector.extract_strided_slice %get3A_124 {offsets = [8, 0], sizes = [8, 256], strides = [1, 1]} : vector<128x256xf32> to vector<8x256xf32>
      %max3A = arith.maximumf %slice3A, %slice3A_125 : vector<8x256xf32>
      %min3A = arith.minimumf %slice3A, %slice3A_125 : vector<8x256xf32>
      %slice3A_126 = vector.extract_strided_slice %get3A_124 {offsets = [16, 0], sizes = [8, 256], strides = [1, 1]} : vector<128x256xf32> to vector<8x256xf32>
      %slice3A_127 = vector.extract_strided_slice %get3A_124 {offsets = [24, 0], sizes = [8, 256], strides = [1, 1]} : vector<128x256xf32> to vector<8x256xf32>
      %max3A_128 = arith.maximumf %slice3A_126, %slice3A_127 : vector<8x256xf32>
      %min3A_129 = arith.minimumf %slice3A_126, %slice3A_127 : vector<8x256xf32>
      %slice3A_130 = vector.extract_strided_slice %get3A_124 {offsets = [32, 0], sizes = [8, 256], strides = [1, 1]} : vector<128x256xf32> to vector<8x256xf32>
      %slice3A_131 = vector.extract_strided_slice %get3A_124 {offsets = [40, 0], sizes = [8, 256], strides = [1, 1]} : vector<128x256xf32> to vector<8x256xf32>
      %max3A_132 = arith.maximumf %slice3A_130, %slice3A_131 : vector<8x256xf32>
      %min3A_133 = arith.minimumf %slice3A_130, %slice3A_131 : vector<8x256xf32>
      %slice3A_134 = vector.extract_strided_slice %get3A_124 {offsets = [48, 0], sizes = [8, 256], strides = [1, 1]} : vector<128x256xf32> to vector<8x256xf32>
      %slice3A_135 = vector.extract_strided_slice %get3A_124 {offsets = [56, 0], sizes = [8, 256], strides = [1, 1]} : vector<128x256xf32> to vector<8x256xf32>
      %max3A_136 = arith.maximumf %slice3A_134, %slice3A_135 : vector<8x256xf32>
      %min3A_137 = arith.minimumf %slice3A_134, %slice3A_135 : vector<8x256xf32>
      %slice3A_138 = vector.extract_strided_slice %get3A_124 {offsets = [64, 0], sizes = [8, 256], strides = [1, 1]} : vector<128x256xf32> to vector<8x256xf32>
      %slice3A_139 = vector.extract_strided_slice %get3A_124 {offsets = [72, 0], sizes = [8, 256], strides = [1, 1]} : vector<128x256xf32> to vector<8x256xf32>
      %max3A_140 = arith.maximumf %slice3A_138, %slice3A_139 : vector<8x256xf32>
      %min3A_141 = arith.minimumf %slice3A_138, %slice3A_139 : vector<8x256xf32>
      %slice3A_142 = vector.extract_strided_slice %get3A_124 {offsets = [80, 0], sizes = [8, 256], strides = [1, 1]} : vector<128x256xf32> to vector<8x256xf32>
      %slice3A_143 = vector.extract_strided_slice %get3A_124 {offsets = [88, 0], sizes = [8, 256], strides = [1, 1]} : vector<128x256xf32> to vector<8x256xf32>
      %max3A_144 = arith.maximumf %slice3A_142, %slice3A_143 : vector<8x256xf32>
      %min3A_145 = arith.minimumf %slice3A_142, %slice3A_143 : vector<8x256xf32>
      %slice3A_146 = vector.extract_strided_slice %get3A_124 {offsets = [96, 0], sizes = [8, 256], strides = [1, 1]} : vector<128x256xf32> to vector<8x256xf32>
      %slice3A_147 = vector.extract_strided_slice %get3A_124 {offsets = [104, 0], sizes = [8, 256], strides = [1, 1]} : vector<128x256xf32> to vector<8x256xf32>
      %max3A_148 = arith.maximumf %slice3A_146, %slice3A_147 : vector<8x256xf32>
      %min3A_149 = arith.minimumf %slice3A_146, %slice3A_147 : vector<8x256xf32>
      %slice3A_150 = vector.extract_strided_slice %get3A_124 {offsets = [112, 0], sizes = [8, 256], strides = [1, 1]} : vector<128x256xf32> to vector<8x256xf32>
      %slice3A_151 = vector.extract_strided_slice %get3A_124 {offsets = [120, 0], sizes = [8, 256], strides = [1, 1]} : vector<128x256xf32> to vector<8x256xf32>
      %max3A_152 = arith.maximumf %slice3A_150, %slice3A_151 : vector<8x256xf32>
      %min3A_153 = arith.minimumf %slice3A_150, %slice3A_151 : vector<8x256xf32>
      %concatenate3A = tpu.concatenate %max3A, %min3A, %max3A_128, %min3A_129, %max3A_132, %min3A_133, %max3A_136, %min3A_137, %max3A_140, %min3A_141, %max3A_144, %min3A_145, %max3A_148, %min3A_149, %max3A_152, %min3A_153 in 0 : vector<8x256xf32>, vector<8x256xf32>, vector<8x256xf32>, vector<8x256xf32>, vector<8x256xf32>, vector<8x256xf32>, vector<8x256xf32>, vector<8x256xf32>, vector<8x256xf32>, vector<8x256xf32>, vector<8x256xf32>, vector<8x256xf32>, vector<8x256xf32>, vector<8x256xf32>, vector<8x256xf32>, vector<8x256xf32> -> vector<128x256xf32>
      %slice3A_154 = vector.extract_strided_slice %concatenate3A {offsets = [0, 0], sizes = [16, 256], strides = [1, 1]} : vector<128x256xf32> to vector<16x256xf32>
      %slice3A_155 = vector.extract_strided_slice %concatenate3A {offsets = [16, 0], sizes = [16, 256], strides = [1, 1]} : vector<128x256xf32> to vector<16x256xf32>
      %max3A_156 = arith.maximumf %slice3A_154, %slice3A_155 : vector<16x256xf32>
      %min3A_157 = arith.minimumf %slice3A_154, %slice3A_155 : vector<16x256xf32>
      %slice3A_158 = vector.extract_strided_slice %concatenate3A {offsets = [32, 0], sizes = [16, 256], strides = [1, 1]} : vector<128x256xf32> to vector<16x256xf32>
      %slice3A_159 = vector.extract_strided_slice %concatenate3A {offsets = [48, 0], sizes = [16, 256], strides = [1, 1]} : vector<128x256xf32> to vector<16x256xf32>
      %max3A_160 = arith.maximumf %slice3A_158, %slice3A_159 : vector<16x256xf32>
      %min3A_161 = arith.minimumf %slice3A_158, %slice3A_159 : vector<16x256xf32>
      %slice3A_162 = vector.extract_strided_slice %concatenate3A {offsets = [64, 0], sizes = [16, 256], strides = [1, 1]} : vector<128x256xf32> to vector<16x256xf32>
      %slice3A_163 = vector.extract_strided_slice %concatenate3A {offsets = [80, 0], sizes = [16, 256], strides = [1, 1]} : vector<128x256xf32> to vector<16x256xf32>
      %max3A_164 = arith.maximumf %slice3A_162, %slice3A_163 : vector<16x256xf32>
      %min3A_165 = arith.minimumf %slice3A_162, %slice3A_163 : vector<16x256xf32>
      %slice3A_166 = vector.extract_strided_slice %concatenate3A {offsets = [96, 0], sizes = [16, 256], strides = [1, 1]} : vector<128x256xf32> to vector<16x256xf32>
      %slice3A_167 = vector.extract_strided_slice %concatenate3A {offsets = [112, 0], sizes = [16, 256], strides = [1, 1]} : vector<128x256xf32> to vector<16x256xf32>
      %max3A_168 = arith.maximumf %slice3A_166, %slice3A_167 : vector<16x256xf32>
      %min3A_169 = arith.minimumf %slice3A_166, %slice3A_167 : vector<16x256xf32>
      %concatenate3A_170 = tpu.concatenate %max3A_156, %min3A_157, %max3A_160, %min3A_161, %max3A_164, %min3A_165, %max3A_168, %min3A_169 in 0 : vector<16x256xf32>, vector<16x256xf32>, vector<16x256xf32>, vector<16x256xf32>, vector<16x256xf32>, vector<16x256xf32>, vector<16x256xf32>, vector<16x256xf32> -> vector<128x256xf32>
      %slice3A_171 = vector.extract_strided_slice %concatenate3A_170 {offsets = [0, 0], sizes = [32, 256], strides = [1, 1]} : vector<128x256xf32> to vector<32x256xf32>
      %slice3A_172 = vector.extract_strided_slice %concatenate3A_170 {offsets = [32, 0], sizes = [32, 256], strides = [1, 1]} : vector<128x256xf32> to vector<32x256xf32>
      %max3A_173 = arith.maximumf %slice3A_171, %slice3A_172 : vector<32x256xf32>
      %min3A_174 = arith.minimumf %slice3A_171, %slice3A_172 : vector<32x256xf32>
      %slice3A_175 = vector.extract_strided_slice %concatenate3A_170 {offsets = [64, 0], sizes = [32, 256], strides = [1, 1]} : vector<128x256xf32> to vector<32x256xf32>
      %slice3A_176 = vector.extract_strided_slice %concatenate3A_170 {offsets = [96, 0], sizes = [32, 256], strides = [1, 1]} : vector<128x256xf32> to vector<32x256xf32>
      %max3A_177 = arith.maximumf %slice3A_175, %slice3A_176 : vector<32x256xf32>
      %min3A_178 = arith.minimumf %slice3A_175, %slice3A_176 : vector<32x256xf32>
      %concatenate3A_179 = tpu.concatenate %max3A_173, %min3A_174, %max3A_177, %min3A_178 in 0 : vector<32x256xf32>, vector<32x256xf32>, vector<32x256xf32>, vector<32x256xf32> -> vector<128x256xf32>
      %slice3A_180 = vector.extract_strided_slice %concatenate3A_179 {offsets = [0, 0], sizes = [64, 256], strides = [1, 1]} : vector<128x256xf32> to vector<64x256xf32>
      %slice3A_181 = vector.extract_strided_slice %concatenate3A_179 {offsets = [64, 0], sizes = [64, 256], strides = [1, 1]} : vector<128x256xf32> to vector<64x256xf32>
      %max3A_182 = arith.maximumf %slice3A_180, %slice3A_181 : vector<64x256xf32>
      %min3A_183 = arith.minimumf %slice3A_180, %slice3A_181 : vector<64x256xf32>
      %concatenate3A_184 = tpu.concatenate %max3A_182, %min3A_183 in 0 : vector<64x256xf32>, vector<64x256xf32> -> vector<128x256xf32>
      %swap3A = arith.index_cast %mul3A_122 : i32 to index
      %swap3A_185 = arith.constant 0 : index
      %swap3A_186 = vector.load %arg1[%swap3A, %swap3A_185] : memref<4096x256xf32, #tpu.memory_space<vmem>>, vector<128x256xf32>
      tpu.vector_store %arg1[%swap3A, %swap3A_185], %concatenate3A_184 {strides = array<i32>} : memref<4096x256xf32, #tpu.memory_space<vmem>>, vector<128x256xf32>,
      %mul3A_187 = arith.constant 128 : i32
      %mul3A_188 = arith.muli %add3A_120, %mul3A_187 : i32
      %get3A_189 = arith.index_cast %mul3A_188 : i32 to index
      %get3A_190 = arith.constant 0 : index
      %get3A_191 = vector.load %arg1[%get3A_189, %get3A_190] : memref<4096x256xf32, #tpu.memory_space<vmem>>, vector<128x256xf32>
      %slice3A_192 = vector.extract_strided_slice %get3A_191 {offsets = [0, 0], sizes = [8, 256], strides = [1, 1]} : vector<128x256xf32> to vector<8x256xf32>
      %slice3A_193 = vector.extract_strided_slice %get3A_191 {offsets = [8, 0], sizes = [8, 256], strides = [1, 1]} : vector<128x256xf32> to vector<8x256xf32>
      %max3A_194 = arith.maximumf %slice3A_192, %slice3A_193 : vector<8x256xf32>
      %min3A_195 = arith.minimumf %slice3A_192, %slice3A_193 : vector<8x256xf32>
      %slice3A_196 = vector.extract_strided_slice %get3A_191 {offsets = [16, 0], sizes = [8, 256], strides = [1, 1]} : vector<128x256xf32> to vector<8x256xf32>
      %slice3A_197 = vector.extract_strided_slice %get3A_191 {offsets = [24, 0], sizes = [8, 256], strides = [1, 1]} : vector<128x256xf32> to vector<8x256xf32>
      %max3A_198 = arith.maximumf %slice3A_196, %slice3A_197 : vector<8x256xf32>
      %min3A_199 = arith.minimumf %slice3A_196, %slice3A_197 : vector<8x256xf32>
      %slice3A_200 = vector.extract_strided_slice %get3A_191 {offsets = [32, 0], sizes = [8, 256], strides = [1, 1]} : vector<128x256xf32> to vector<8x256xf32>
      %slice3A_201 = vector.extract_strided_slice %get3A_191 {offsets = [40, 0], sizes = [8, 256], strides = [1, 1]} : vector<128x256xf32> to vector<8x256xf32>
      %max3A_202 = arith.maximumf %slice3A_200, %slice3A_201 : vector<8x256xf32>
      %min3A_203 = arith.minimumf %slice3A_200, %slice3A_201 : vector<8x256xf32>
      %slice3A_204 = vector.extract_strided_slice %get3A_191 {offsets = [48, 0], sizes = [8, 256], strides = [1, 1]} : vector<128x256xf32> to vector<8x256xf32>
      %slice3A_205 = vector.extract_strided_slice %get3A_191 {offsets = [56, 0], sizes = [8, 256], strides = [1, 1]} : vector<128x256xf32> to vector<8x256xf32>
      %max3A_206 = arith.maximumf %slice3A_204, %slice3A_205 : vector<8x256xf32>
      %min3A_207 = arith.minimumf %slice3A_204, %slice3A_205 : vector<8x256xf32>
      %slice3A_208 = vector.extract_strided_slice %get3A_191 {offsets = [64, 0], sizes = [8, 256], strides = [1, 1]} : vector<128x256xf32> to vector<8x256xf32>
      %slice3A_209 = vector.extract_strided_slice %get3A_191 {offsets = [72, 0], sizes = [8, 256], strides = [1, 1]} : vector<128x256xf32> to vector<8x256xf32>
      %max3A_210 = arith.maximumf %slice3A_208, %slice3A_209 : vector<8x256xf32>
      %min3A_211 = arith.minimumf %slice3A_208, %slice3A_209 : vector<8x256xf32>
      %slice3A_212 = vector.extract_strided_slice %get3A_191 {offsets = [80, 0], sizes = [8, 256], strides = [1, 1]} : vector<128x256xf32> to vector<8x256xf32>
      %slice3A_213 = vector.extract_strided_slice %get3A_191 {offsets = [88, 0], sizes = [8, 256], strides = [1, 1]} : vector<128x256xf32> to vector<8x256xf32>
      %max3A_214 = arith.maximumf %slice3A_212, %slice3A_213 : vector<8x256xf32>
      %min3A_215 = arith.minimumf %slice3A_212, %slice3A_213 : vector<8x256xf32>
      %slice3A_216 = vector.extract_strided_slice %get3A_191 {offsets = [96, 0], sizes = [8, 256], strides = [1, 1]} : vector<128x256xf32> to vector<8x256xf32>
      %slice3A_217 = vector.extract_strided_slice %get3A_191 {offsets = [104, 0], sizes = [8, 256], strides = [1, 1]} : vector<128x256xf32> to vector<8x256xf32>
      %max3A_218 = arith.maximumf %slice3A_216, %slice3A_217 : vector<8x256xf32>
      %min3A_219 = arith.minimumf %slice3A_216, %slice3A_217 : vector<8x256xf32>
      %slice3A_220 = vector.extract_strided_slice %get3A_191 {offsets = [112, 0], sizes = [8, 256], strides = [1, 1]} : vector<128x256xf32> to vector<8x256xf32>
      %slice3A_221 = vector.extract_strided_slice %get3A_191 {offsets = [120, 0], sizes = [8, 256], strides = [1, 1]} : vector<128x256xf32> to vector<8x256xf32>
      %max3A_222 = arith.maximumf %slice3A_220, %slice3A_221 : vector<8x256xf32>
      %min3A_223 = arith.minimumf %slice3A_220, %slice3A_221 : vector<8x256xf32>
      %concatenate3A_224 = tpu.concatenate %min3A_195, %max3A_194, %min3A_199, %max3A_198, %min3A_203, %max3A_202, %min3A_207, %max3A_206, %min3A_211, %max3A_210, %min3A_215, %max3A_214, %min3A_219, %max3A_218, %min3A_223, %max3A_222 in 0 : vector<8x256xf32>, vector<8x256xf32>, vector<8x256xf32>, vector<8x256xf32>, vector<8x256xf32>, vector<8x256xf32>, vector<8x256xf32>, vector<8x256xf32>, vector<8x256xf32>, vector<8x256xf32>, vector<8x256xf32>, vector<8x256xf32>, vector<8x256xf32>, vector<8x256xf32>, vector<8x256xf32>, vector<8x256xf32> -> vector<128x256xf32>
      %slice3A_225 = vector.extract_strided_slice %concatenate3A_224 {offsets = [0, 0], sizes = [16, 256], strides = [1, 1]} : vector<128x256xf32> to vector<16x256xf32>
      %slice3A_226 = vector.extract_strided_slice %concatenate3A_224 {offsets = [16, 0], sizes = [16, 256], strides = [1, 1]} : vector<128x256xf32> to vector<16x256xf32>
      %max3A_227 = arith.maximumf %slice3A_225, %slice3A_226 : vector<16x256xf32>
      %min3A_228 = arith.minimumf %slice3A_225, %slice3A_226 : vector<16x256xf32>
      %slice3A_229 = vector.extract_strided_slice %concatenate3A_224 {offsets = [32, 0], sizes = [16, 256], strides = [1, 1]} : vector<128x256xf32> to vector<16x256xf32>
      %slice3A_230 = vector.extract_strided_slice %concatenate3A_224 {offsets = [48, 0], sizes = [16, 256], strides = [1, 1]} : vector<128x256xf32> to vector<16x256xf32>
      %max3A_231 = arith.maximumf %slice3A_229, %slice3A_230 : vector<16x256xf32>
      %min3A_232 = arith.minimumf %slice3A_229, %slice3A_230 : vector<16x256xf32>
      %slice3A_233 = vector.extract_strided_slice %concatenate3A_224 {offsets = [64, 0], sizes = [16, 256], strides = [1, 1]} : vector<128x256xf32> to vector<16x256xf32>
      %slice3A_234 = vector.extract_strided_slice %concatenate3A_224 {offsets = [80, 0], sizes = [16, 256], strides = [1, 1]} : vector<128x256xf32> to vector<16x256xf32>
      %max3A_235 = arith.maximumf %slice3A_233, %slice3A_234 : vector<16x256xf32>
      %min3A_236 = arith.minimumf %slice3A_233, %slice3A_234 : vector<16x256xf32>
      %slice3A_237 = vector.extract_strided_slice %concatenate3A_224 {offsets = [96, 0], sizes = [16, 256], strides = [1, 1]} : vector<128x256xf32> to vector<16x256xf32>
      %slice3A_238 = vector.extract_strided_slice %concatenate3A_224 {offsets = [112, 0], sizes = [16, 256], strides = [1, 1]} : vector<128x256xf32> to vector<16x256xf32>
      %max3A_239 = arith.maximumf %slice3A_237, %slice3A_238 : vector<16x256xf32>
      %min3A_240 = arith.minimumf %slice3A_237, %slice3A_238 : vector<16x256xf32>
      %concatenate3A_241 = tpu.concatenate %min3A_228, %max3A_227, %min3A_232, %max3A_231, %min3A_236, %max3A_235, %min3A_240, %max3A_239 in 0 : vector<16x256xf32>, vector<16x256xf32>, vector<16x256xf32>, vector<16x256xf32>, vector<16x256xf32>, vector<16x256xf32>, vector<16x256xf32>, vector<16x256xf32> -> vector<128x256xf32>
      %slice3A_242 = vector.extract_strided_slice %concatenate3A_241 {offsets = [0, 0], sizes = [32, 256], strides = [1, 1]} : vector<128x256xf32> to vector<32x256xf32>
      %slice3A_243 = vector.extract_strided_slice %concatenate3A_241 {offsets = [32, 0], sizes = [32, 256], strides = [1, 1]} : vector<128x256xf32> to vector<32x256xf32>
      %max3A_244 = arith.maximumf %slice3A_242, %slice3A_243 : vector<32x256xf32>
      %min3A_245 = arith.minimumf %slice3A_242, %slice3A_243 : vector<32x256xf32>
      %slice3A_246 = vector.extract_strided_slice %concatenate3A_241 {offsets = [64, 0], sizes = [32, 256], strides = [1, 1]} : vector<128x256xf32> to vector<32x256xf32>
      %slice3A_247 = vector.extract_strided_slice %concatenate3A_241 {offsets = [96, 0], sizes = [32, 256], strides = [1, 1]} : vector<128x256xf32> to vector<32x256xf32>
      %max3A_248 = arith.maximumf %slice3A_246, %slice3A_247 : vector<32x256xf32>
      %min3A_249 = arith.minimumf %slice3A_246, %slice3A_247 : vector<32x256xf32>
      %concatenate3A_250 = tpu.concatenate %min3A_245, %max3A_244, %min3A_249, %max3A_248 in 0 : vector<32x256xf32>, vector<32x256xf32>, vector<32x256xf32>, vector<32x256xf32> -> vector<128x256xf32>
      %slice3A_251 = vector.extract_strided_slice %concatenate3A_250 {offsets = [0, 0], sizes = [64, 256], strides = [1, 1]} : vector<128x256xf32> to vector<64x256xf32>
      %slice3A_252 = vector.extract_strided_slice %concatenate3A_250 {offsets = [64, 0], sizes = [64, 256], strides = [1, 1]} : vector<128x256xf32> to vector<64x256xf32>
      %max3A_253 = arith.maximumf %slice3A_251, %slice3A_252 : vector<64x256xf32>
      %min3A_254 = arith.minimumf %slice3A_251, %slice3A_252 : vector<64x256xf32>
      %concatenate3A_255 = tpu.concatenate %min3A_254, %max3A_253 in 0 : vector<64x256xf32>, vector<64x256xf32> -> vector<128x256xf32>
      %swap3A_256 = arith.index_cast %mul3A_188 : i32 to index
      %swap3A_257 = arith.constant 0 : index
      %swap3A_258 = vector.load %arg1[%swap3A_256, %swap3A_257] : memref<4096x256xf32, #tpu.memory_space<vmem>>, vector<128x256xf32>
      tpu.vector_store %arg1[%swap3A_256, %swap3A_257], %concatenate3A_255 {strides = array<i32>} : memref<4096x256xf32, #tpu.memory_space<vmem>>, vector<128x256xf32>,
    }
    %scan3A_23 = arith.constant 16 : i32
    %scan3A_24 = arith.constant 0 : i32
    %scan3A_25 = arith.constant 4 : i32
    %scan3A_26 = arith.addi %scan3A_24, %scan3A_25 : i32
    %scan3A_27 = arith.constant 1 : i32
    scf.for %scan3A_114 = %scan3A_24 to %scan3A_26 step %scan3A_27  : i32 {
      %jit3A = arith.constant 2 : i32
      %eq3A = arith.constant 0 : i32
      %eq3A_115 = arith.cmpi eq, %jit3A, %eq3A : i32
      %jit3A_116 = arith.constant 1 : i32
      %select_n3A = arith.select %eq3A_115, %jit3A_116, %jit3A : i32
      %rem3A = arith.remsi %scan3A_114, %select_n3A : i32
      %ne3A = arith.constant 0 : i32
      %ne3A_117 = arith.cmpi ne, %rem3A, %ne3A : i32
      %lt3A = arith.constant 0 : i32
      %lt3A_118 = arith.cmpi slt, %rem3A, %lt3A : i32
      %lt3A_119 = arith.constant 0 : i32
      %lt3A_120 = arith.cmpi slt, %select_n3A, %lt3A_119 : i32
      %ne3A_121 = arith.xori %lt3A_118, %lt3A_120 : i1
      %and3A = arith.andi %ne3A_121, %ne3A_117 : i1
      %add3A = arith.addi %rem3A, %select_n3A : i32
      %select_n3A_122 = arith.select %and3A, %add3A, %rem3A : i32
      %jit3A_123 = arith.constant 2 : i32
      %div3A = arith.divsi %scan3A_114, %jit3A_123 : i32
      %sign3A = arith.constant 0 : i32
      %sign3A_124 = arith.cmpi sgt, %scan3A_114, %sign3A : i32
      %sign3A_125 = arith.extui %sign3A_124 : i1 to i32
      %sign3A_126 = arith.constant 0 : i32
      %sign3A_127 = arith.cmpi slt, %scan3A_114, %sign3A_126 : i32
      %sign3A_128 = arith.extui %sign3A_127 : i1 to i32
      %sign3A_129 = arith.subi %sign3A_125, %sign3A_128 : i32
      %sign3A_130 = arith.constant 0 : i32
      %sign3A_131 = arith.cmpi sgt, %jit3A_123, %sign3A_130 : i32
      %sign3A_132 = arith.extui %sign3A_131 : i1 to i32
      %sign3A_133 = arith.constant 0 : i32
      %sign3A_134 = arith.cmpi slt, %jit3A_123, %sign3A_133 : i32
      %sign3A_135 = arith.extui %sign3A_134 : i1 to i32
      %sign3A_136 = arith.subi %sign3A_132, %sign3A_135 : i32
      %ne3A_137 = arith.cmpi ne, %sign3A_129, %sign3A_136 : i32
      %rem3A_138 = arith.remsi %scan3A_114, %jit3A_123 : i32
      %ne3A_139 = arith.constant 0 : i32
      %ne3A_140 = arith.cmpi ne, %rem3A_138, %ne3A_139 : i32
      %and3A_141 = arith.andi %ne3A_137, %ne3A_140 : i1
      %sub3A = arith.constant 1 : i32
      %sub3A_142 = arith.subi %div3A, %sub3A : i32
      %select_n3A_143 = arith.select %and3A_141, %sub3A_142, %div3A : i32
      %and3A_144 = arith.constant 0 : i32
      %and3A_145 = arith.andi %select_n3A_143, %and3A_144 : i32
      %shift_right_arithmetic3A = arith.constant 0 : i32
      %shift_right_arithmetic3A_146 = arith.shrsi %select_n3A_143, %shift_right_arithmetic3A : i32
      %mul3A = arith.constant 2 : i32
      %mul3A_147 = arith.muli %shift_right_arithmetic3A_146, %mul3A : i32
      %mul3A_148 = arith.constant 1 : i32
      %mul3A_149 = arith.muli %mul3A_147, %mul3A_148 : i32
      %or3A = arith.ori %mul3A_149, %and3A_145 : i32
      %mul3A_150 = arith.constant 2 : i32
      %mul3A_151 = arith.muli %or3A, %mul3A_150 : i32
      %mul3A_152 = arith.constant 512 : i32
      %mul3A_153 = arith.muli %mul3A_151, %mul3A_152 : i32
      %mul3A_154 = arith.constant 128 : i32
      %mul3A_155 = arith.muli %select_n3A_122, %mul3A_154 : i32
      %add3A_156 = arith.addi %mul3A_153, %mul3A_155 : i32
      %get3A = arith.index_cast %add3A_156 : i32 to index
      %get3A_157 = arith.constant 0 : index
      %get3A_158 = vector.load %arg1[%get3A, %get3A_157] : memref<4096x256xf32, #tpu.memory_space<vmem>>, vector<128x256xf32>
      %add3A_159 = arith.constant 256 : i32
      %add3A_160 = arith.addi %add3A_156, %add3A_159 : i32
      %get3A_161 = arith.index_cast %add3A_160 : i32 to index
      %get3A_162 = arith.constant 0 : index
      %get3A_163 = vector.load %arg1[%get3A_161, %get3A_162] : memref<4096x256xf32, #tpu.memory_space<vmem>>, vector<128x256xf32>
      %add3A_164 = arith.constant 512 : i32
      %add3A_165 = arith.addi %add3A_156, %add3A_164 : i32
      %get3A_166 = arith.index_cast %add3A_165 : i32 to index
      %get3A_167 = arith.constant 0 : index
      %get3A_168 = vector.load %arg1[%get3A_166, %get3A_167] : memref<4096x256xf32, #tpu.memory_space<vmem>>, vector<128x256xf32>
      %add3A_169 = arith.constant 512 : i32
      %add3A_170 = arith.addi %add3A_156, %add3A_169 : i32
      %add3A_171 = arith.constant 256 : i32
      %add3A_172 = arith.addi %add3A_170, %add3A_171 : i32
      %get3A_173 = arith.index_cast %add3A_172 : i32 to index
      %get3A_174 = arith.constant 0 : index
      %get3A_175 = vector.load %arg1[%get3A_173, %get3A_174] : memref<4096x256xf32, #tpu.memory_space<vmem>>, vector<128x256xf32>
      %max3A = arith.maximumf %get3A_158, %get3A_168 : vector<128x256xf32>
      %min3A = arith.minimumf %get3A_158, %get3A_168 : vector<128x256xf32>
      %max3A_176 = arith.maximumf %get3A_163, %get3A_175 : vector<128x256xf32>
      %min3A_177 = arith.minimumf %get3A_163, %get3A_175 : vector<128x256xf32>
      %max3A_178 = arith.maximumf %max3A, %max3A_176 : vector<128x256xf32>
      %min3A_179 = arith.minimumf %max3A, %max3A_176 : vector<128x256xf32>
      %max3A_180 = arith.maximumf %min3A, %min3A_177 : vector<128x256xf32>
      %min3A_181 = arith.minimumf %min3A, %min3A_177 : vector<128x256xf32>
      %swap3A = arith.index_cast %add3A_156 : i32 to index
      %swap3A_182 = arith.constant 0 : index
      %swap3A_183 = vector.load %arg1[%swap3A, %swap3A_182] : memref<4096x256xf32, #tpu.memory_space<vmem>>, vector<128x256xf32>
      tpu.vector_store %arg1[%swap3A, %swap3A_182], %max3A_178 {strides = array<i32>} : memref<4096x256xf32, #tpu.memory_space<vmem>>, vector<128x256xf32>,
      %add3A_184 = arith.constant 256 : i32
      %add3A_185 = arith.addi %add3A_156, %add3A_184 : i32
      %swap3A_186 = arith.index_cast %add3A_185 : i32 to index
      %swap3A_187 = arith.constant 0 : index
      %swap3A_188 = vector.load %arg1[%swap3A_186, %swap3A_187] : memref<4096x256xf32, #tpu.memory_space<vmem>>, vector<128x256xf32>
      tpu.vector_store %arg1[%swap3A_186, %swap3A_187], %min3A_179 {strides = array<i32>} : memref<4096x256xf32, #tpu.memory_space<vmem>>, vector<128x256xf32>,
      %add3A_189 = arith.constant 512 : i32
      %add3A_190 = arith.addi %add3A_156, %add3A_189 : i32
      %swap3A_191 = arith.index_cast %add3A_190 : i32 to index
      %swap3A_192 = arith.constant 0 : index
      %swap3A_193 = vector.load %arg1[%swap3A_191, %swap3A_192] : memref<4096x256xf32, #tpu.memory_space<vmem>>, vector<128x256xf32>
      tpu.vector_store %arg1[%swap3A_191, %swap3A_192], %max3A_180 {strides = array<i32>} : memref<4096x256xf32, #tpu.memory_space<vmem>>, vector<128x256xf32>,
      %add3A_194 = arith.constant 512 : i32
      %add3A_195 = arith.addi %add3A_156, %add3A_194 : i32
      %add3A_196 = arith.constant 256 : i32
      %add3A_197 = arith.addi %add3A_195, %add3A_196 : i32
      %swap3A_198 = arith.index_cast %add3A_197 : i32 to index
      %swap3A_199 = arith.constant 0 : index
      %swap3A_200 = vector.load %arg1[%swap3A_198, %swap3A_199] : memref<4096x256xf32, #tpu.memory_space<vmem>>, vector<128x256xf32>
      tpu.vector_store %arg1[%swap3A_198, %swap3A_199], %min3A_181 {strides = array<i32>} : memref<4096x256xf32, #tpu.memory_space<vmem>>, vector<128x256xf32>,
      %add3A_201 = arith.constant 1 : i32
      %add3A_202 = arith.addi %or3A, %add3A_201 : i32
      %mul3A_203 = arith.constant 2 : i32
      %mul3A_204 = arith.muli %add3A_202, %mul3A_203 : i32
      %mul3A_205 = arith.constant 512 : i32
      %mul3A_206 = arith.muli %mul3A_204, %mul3A_205 : i32
      %mul3A_207 = arith.constant 128 : i32
      %mul3A_208 = arith.muli %select_n3A_122, %mul3A_207 : i32
      %add3A_209 = arith.addi %mul3A_206, %mul3A_208 : i32
      %get3A_210 = arith.index_cast %add3A_209 : i32 to index
      %get3A_211 = arith.constant 0 : index
      %get3A_212 = vector.load %arg1[%get3A_210, %get3A_211] : memref<4096x256xf32, #tpu.memory_space<vmem>>, vector<128x256xf32>
      %add3A_213 = arith.constant 256 : i32
      %add3A_214 = arith.addi %add3A_209, %add3A_213 : i32
      %get3A_215 = arith.index_cast %add3A_214 : i32 to index
      %get3A_216 = arith.constant 0 : index
      %get3A_217 = vector.load %arg1[%get3A_215, %get3A_216] : memref<4096x256xf32, #tpu.memory_space<vmem>>, vector<128x256xf32>
      %add3A_218 = arith.constant 512 : i32
      %add3A_219 = arith.addi %add3A_209, %add3A_218 : i32
      %get3A_220 = arith.index_cast %add3A_219 : i32 to index
      %get3A_221 = arith.constant 0 : index
      %get3A_222 = vector.load %arg1[%get3A_220, %get3A_221] : memref<4096x256xf32, #tpu.memory_space<vmem>>, vector<128x256xf32>
      %add3A_223 = arith.constant 512 : i32
      %add3A_224 = arith.addi %add3A_209, %add3A_223 : i32
      %add3A_225 = arith.constant 256 : i32
      %add3A_226 = arith.addi %add3A_224, %add3A_225 : i32
      %get3A_227 = arith.index_cast %add3A_226 : i32 to index
      %get3A_228 = arith.constant 0 : index
      %get3A_229 = vector.load %arg1[%get3A_227, %get3A_228] : memref<4096x256xf32, #tpu.memory_space<vmem>>, vector<128x256xf32>
      %max3A_230 = arith.maximumf %get3A_212, %get3A_222 : vector<128x256xf32>
      %min3A_231 = arith.minimumf %get3A_212, %get3A_222 : vector<128x256xf32>
      %max3A_232 = arith.maximumf %get3A_217, %get3A_229 : vector<128x256xf32>
      %min3A_233 = arith.minimumf %get3A_217, %get3A_229 : vector<128x256xf32>
      %max3A_234 = arith.maximumf %min3A_231, %min3A_233 : vector<128x256xf32>
      %min3A_235 = arith.minimumf %min3A_231, %min3A_233 : vector<128x256xf32>
      %max3A_236 = arith.maximumf %max3A_230, %max3A_232 : vector<128x256xf32>
      %min3A_237 = arith.minimumf %max3A_230, %max3A_232 : vector<128x256xf32>
      %swap3A_238 = arith.index_cast %add3A_209 : i32 to index
      %swap3A_239 = arith.constant 0 : index
      %swap3A_240 = vector.load %arg1[%swap3A_238, %swap3A_239] : memref<4096x256xf32, #tpu.memory_space<vmem>>, vector<128x256xf32>
      tpu.vector_store %arg1[%swap3A_238, %swap3A_239], %min3A_235 {strides = array<i32>} : memref<4096x256xf32, #tpu.memory_space<vmem>>, vector<128x256xf32>,
      %add3A_241 = arith.constant 256 : i32
      %add3A_242 = arith.addi %add3A_209, %add3A_241 : i32
      %swap3A_243 = arith.index_cast %add3A_242 : i32 to index
      %swap3A_244 = arith.constant 0 : index
      %swap3A_245 = vector.load %arg1[%swap3A_243, %swap3A_244] : memref<4096x256xf32, #tpu.memory_space<vmem>>, vector<128x256xf32>
      tpu.vector_store %arg1[%swap3A_243, %swap3A_244], %max3A_234 {strides = array<i32>} : memref<4096x256xf32, #tpu.memory_space<vmem>>, vector<128x256xf32>,
      %add3A_246 = arith.constant 512 : i32
      %add3A_247 = arith.addi %add3A_209, %add3A_246 : i32
      %swap3A_248 = arith.index_cast %add3A_247 : i32 to index
      %swap3A_249 = arith.constant 0 : index
      %swap3A_250 = vector.load %arg1[%swap3A_248, %swap3A_249] : memref<4096x256xf32, #tpu.memory_space<vmem>>, vector<128x256xf32>
      tpu.vector_store %arg1[%swap3A_248, %swap3A_249], %min3A_237 {strides = array<i32>} : memref<4096x256xf32, #tpu.memory_space<vmem>>, vector<128x256xf32>,
      %add3A_251 = arith.constant 512 : i32
      %add3A_252 = arith.addi %add3A_209, %add3A_251 : i32
      %add3A_253 = arith.constant 256 : i32
      %add3A_254 = arith.addi %add3A_252, %add3A_253 : i32
      %swap3A_255 = arith.index_cast %add3A_254 : i32 to index
      %swap3A_256 = arith.constant 0 : index
      %swap3A_257 = vector.load %arg1[%swap3A_255, %swap3A_256] : memref<4096x256xf32, #tpu.memory_space<vmem>>, vector<128x256xf32>
      tpu.vector_store %arg1[%swap3A_255, %swap3A_256], %max3A_236 {strides = array<i32>} : memref<4096x256xf32, #tpu.memory_space<vmem>>, vector<128x256xf32>,
    }
    %scan3A_28 = arith.constant 4 : i32
    %scan3A_29 = arith.constant 0 : i32
    %scan3A_30 = arith.constant 8 : i32
    %scan3A_31 = arith.addi %scan3A_29, %scan3A_30 : i32
    %scan3A_32 = arith.constant 1 : i32
    scf.for %scan3A_114 = %scan3A_29 to %scan3A_31 step %scan3A_32  : i32 {
      %jit3A = arith.constant 1 : i32
      %eq3A = arith.constant 0 : i32
      %eq3A_115 = arith.cmpi eq, %jit3A, %eq3A : i32
      %jit3A_116 = arith.constant 1 : i32
      %select_n3A = arith.select %eq3A_115, %jit3A_116, %jit3A : i32
      %rem3A = arith.remsi %scan3A_114, %select_n3A : i32
      %ne3A = arith.constant 0 : i32
      %ne3A_117 = arith.cmpi ne, %rem3A, %ne3A : i32
      %lt3A = arith.constant 0 : i32
      %lt3A_118 = arith.cmpi slt, %rem3A, %lt3A : i32
      %lt3A_119 = arith.constant 0 : i32
      %lt3A_120 = arith.cmpi slt, %select_n3A, %lt3A_119 : i32
      %ne3A_121 = arith.xori %lt3A_118, %lt3A_120 : i1
      %and3A = arith.andi %ne3A_121, %ne3A_117 : i1
      %add3A = arith.addi %rem3A, %select_n3A : i32
      %select_n3A_122 = arith.select %and3A, %add3A, %rem3A : i32
      %jit3A_123 = arith.constant 1 : i32
      %div3A = arith.divsi %scan3A_114, %jit3A_123 : i32
      %sign3A = arith.constant 0 : i32
      %sign3A_124 = arith.cmpi sgt, %scan3A_114, %sign3A : i32
      %sign3A_125 = arith.extui %sign3A_124 : i1 to i32
      %sign3A_126 = arith.constant 0 : i32
      %sign3A_127 = arith.cmpi slt, %scan3A_114, %sign3A_126 : i32
      %sign3A_128 = arith.extui %sign3A_127 : i1 to i32
      %sign3A_129 = arith.subi %sign3A_125, %sign3A_128 : i32
      %sign3A_130 = arith.constant 0 : i32
      %sign3A_131 = arith.cmpi sgt, %jit3A_123, %sign3A_130 : i32
      %sign3A_132 = arith.extui %sign3A_131 : i1 to i32
      %sign3A_133 = arith.constant 0 : i32
      %sign3A_134 = arith.cmpi slt, %jit3A_123, %sign3A_133 : i32
      %sign3A_135 = arith.extui %sign3A_134 : i1 to i32
      %sign3A_136 = arith.subi %sign3A_132, %sign3A_135 : i32
      %ne3A_137 = arith.cmpi ne, %sign3A_129, %sign3A_136 : i32
      %rem3A_138 = arith.remsi %scan3A_114, %jit3A_123 : i32
      %ne3A_139 = arith.constant 0 : i32
      %ne3A_140 = arith.cmpi ne, %rem3A_138, %ne3A_139 : i32
      %and3A_141 = arith.andi %ne3A_137, %ne3A_140 : i1
      %sub3A = arith.constant 1 : i32
      %sub3A_142 = arith.subi %div3A, %sub3A : i32
      %select_n3A_143 = arith.select %and3A_141, %sub3A_142, %div3A : i32
      %and3A_144 = arith.constant 3 : i32
      %and3A_145 = arith.andi %select_n3A_143, %and3A_144 : i32
      %shift_right_arithmetic3A = arith.constant 2 : i32
      %shift_right_arithmetic3A_146 = arith.shrsi %select_n3A_143, %shift_right_arithmetic3A : i32
      %mul3A = arith.constant 2 : i32
      %mul3A_147 = arith.muli %shift_right_arithmetic3A_146, %mul3A : i32
      %mul3A_148 = arith.constant 4 : i32
      %mul3A_149 = arith.muli %mul3A_147, %mul3A_148 : i32
      %or3A = arith.ori %mul3A_149, %and3A_145 : i32
      %mul3A_150 = arith.constant 2 : i32
      %mul3A_151 = arith.muli %or3A, %mul3A_150 : i32
      %mul3A_152 = arith.constant 128 : i32
      %mul3A_153 = arith.muli %mul3A_151, %mul3A_152 : i32
      %mul3A_154 = arith.constant 128 : i32
      %mul3A_155 = arith.muli %select_n3A_122, %mul3A_154 : i32
      %add3A_156 = arith.addi %mul3A_153, %mul3A_155 : i32
      %get3A = arith.index_cast %add3A_156 : i32 to index
      %get3A_157 = arith.constant 0 : index
      %get3A_158 = vector.load %arg1[%get3A, %get3A_157] : memref<4096x256xf32, #tpu.memory_space<vmem>>, vector<128x256xf32>
      %add3A_159 = arith.constant 128 : i32
      %add3A_160 = arith.addi %add3A_156, %add3A_159 : i32
      %get3A_161 = arith.index_cast %add3A_160 : i32 to index
      %get3A_162 = arith.constant 0 : index
      %get3A_163 = vector.load %arg1[%get3A_161, %get3A_162] : memref<4096x256xf32, #tpu.memory_space<vmem>>, vector<128x256xf32>
      %max3A = arith.maximumf %get3A_158, %get3A_163 : vector<128x256xf32>
      %min3A = arith.minimumf %get3A_158, %get3A_163 : vector<128x256xf32>
      %swap3A = arith.index_cast %add3A_156 : i32 to index
      %swap3A_164 = arith.constant 0 : index
      %swap3A_165 = vector.load %arg1[%swap3A, %swap3A_164] : memref<4096x256xf32, #tpu.memory_space<vmem>>, vector<128x256xf32>
      tpu.vector_store %arg1[%swap3A, %swap3A_164], %max3A {strides = array<i32>} : memref<4096x256xf32, #tpu.memory_space<vmem>>, vector<128x256xf32>,
      %add3A_166 = arith.constant 128 : i32
      %add3A_167 = arith.addi %add3A_156, %add3A_166 : i32
      %swap3A_168 = arith.index_cast %add3A_167 : i32 to index
      %swap3A_169 = arith.constant 0 : index
      %swap3A_170 = vector.load %arg1[%swap3A_168, %swap3A_169] : memref<4096x256xf32, #tpu.memory_space<vmem>>, vector<128x256xf32>
      tpu.vector_store %arg1[%swap3A_168, %swap3A_169], %min3A {strides = array<i32>} : memref<4096x256xf32, #tpu.memory_space<vmem>>, vector<128x256xf32>,
      %add3A_171 = arith.constant 4 : i32
      %add3A_172 = arith.addi %or3A, %add3A_171 : i32
      %mul3A_173 = arith.constant 2 : i32
      %mul3A_174 = arith.muli %add3A_172, %mul3A_173 : i32
      %mul3A_175 = arith.constant 128 : i32
      %mul3A_176 = arith.muli %mul3A_174, %mul3A_175 : i32
      %mul3A_177 = arith.constant 128 : i32
      %mul3A_178 = arith.muli %select_n3A_122, %mul3A_177 : i32
      %add3A_179 = arith.addi %mul3A_176, %mul3A_178 : i32
      %get3A_180 = arith.index_cast %add3A_179 : i32 to index
      %get3A_181 = arith.constant 0 : index
      %get3A_182 = vector.load %arg1[%get3A_180, %get3A_181] : memref<4096x256xf32, #tpu.memory_space<vmem>>, vector<128x256xf32>
      %add3A_183 = arith.constant 128 : i32
      %add3A_184 = arith.addi %add3A_179, %add3A_183 : i32
      %get3A_185 = arith.index_cast %add3A_184 : i32 to index
      %get3A_186 = arith.constant 0 : index
      %get3A_187 = vector.load %arg1[%get3A_185, %get3A_186] : memref<4096x256xf32, #tpu.memory_space<vmem>>, vector<128x256xf32>
      %max3A_188 = arith.maximumf %get3A_182, %get3A_187 : vector<128x256xf32>
      %min3A_189 = arith.minimumf %get3A_182, %get3A_187 : vector<128x256xf32>
      %swap3A_190 = arith.index_cast %add3A_179 : i32 to index
      %swap3A_191 = arith.constant 0 : index
      %swap3A_192 = vector.load %arg1[%swap3A_190, %swap3A_191] : memref<4096x256xf32, #tpu.memory_space<vmem>>, vector<128x256xf32>
      tpu.vector_store %arg1[%swap3A_190, %swap3A_191], %min3A_189 {strides = array<i32>} : memref<4096x256xf32, #tpu.memory_space<vmem>>, vector<128x256xf32>,
      %add3A_193 = arith.constant 128 : i32
      %add3A_194 = arith.addi %add3A_179, %add3A_193 : i32
      %swap3A_195 = arith.index_cast %add3A_194 : i32 to index
      %swap3A_196 = arith.constant 0 : index
      %swap3A_197 = vector.load %arg1[%swap3A_195, %swap3A_196] : memref<4096x256xf32, #tpu.memory_space<vmem>>, vector<128x256xf32>
      tpu.vector_store %arg1[%swap3A_195, %swap3A_196], %max3A_188 {strides = array<i32>} : memref<4096x256xf32, #tpu.memory_space<vmem>>, vector<128x256xf32>,
    }
    %scan3A_33 = arith.constant 8 : i32
    %scan3A_34 = arith.constant 0 : i32
    %scan3A_35 = arith.constant 16 : i32
    %scan3A_36 = arith.addi %scan3A_34, %scan3A_35 : i32
    %scan3A_37 = arith.constant 1 : i32
    scf.for %scan3A_114 = %scan3A_34 to %scan3A_36 step %scan3A_37  : i32 {
      %and3A = arith.constant 7 : i32
      %and3A_115 = arith.andi %scan3A_114, %and3A : i32
      %shift_right_arithmetic3A = arith.constant 3 : i32
      %shift_right_arithmetic3A_116 = arith.shrsi %scan3A_114, %shift_right_arithmetic3A : i32
      %mul3A = arith.constant 2 : i32
      %mul3A_117 = arith.muli %shift_right_arithmetic3A_116, %mul3A : i32
      %mul3A_118 = arith.constant 8 : i32
      %mul3A_119 = arith.muli %mul3A_117, %mul3A_118 : i32
      %or3A = arith.ori %mul3A_119, %and3A_115 : i32
      %add3A = arith.constant 8 : i32
      %add3A_120 = arith.addi %or3A, %add3A : i32
      %mul3A_121 = arith.constant 128 : i32
      %mul3A_122 = arith.muli %or3A, %mul3A_121 : i32
      %get3A = arith.index_cast %mul3A_122 : i32 to index
      %get3A_123 = arith.constant 0 : index
      %get3A_124 = vector.load %arg1[%get3A, %get3A_123] : memref<4096x256xf32, #tpu.memory_space<vmem>>, vector<128x256xf32>
      %slice3A = vector.extract_strided_slice %get3A_124 {offsets = [0, 0], sizes = [8, 256], strides = [1, 1]} : vector<128x256xf32> to vector<8x256xf32>
      %slice3A_125 = vector.extract_strided_slice %get3A_124 {offsets = [8, 0], sizes = [8, 256], strides = [1, 1]} : vector<128x256xf32> to vector<8x256xf32>
      %max3A = arith.maximumf %slice3A, %slice3A_125 : vector<8x256xf32>
      %min3A = arith.minimumf %slice3A, %slice3A_125 : vector<8x256xf32>
      %slice3A_126 = vector.extract_strided_slice %get3A_124 {offsets = [16, 0], sizes = [8, 256], strides = [1, 1]} : vector<128x256xf32> to vector<8x256xf32>
      %slice3A_127 = vector.extract_strided_slice %get3A_124 {offsets = [24, 0], sizes = [8, 256], strides = [1, 1]} : vector<128x256xf32> to vector<8x256xf32>
      %max3A_128 = arith.maximumf %slice3A_126, %slice3A_127 : vector<8x256xf32>
      %min3A_129 = arith.minimumf %slice3A_126, %slice3A_127 : vector<8x256xf32>
      %slice3A_130 = vector.extract_strided_slice %get3A_124 {offsets = [32, 0], sizes = [8, 256], strides = [1, 1]} : vector<128x256xf32> to vector<8x256xf32>
      %slice3A_131 = vector.extract_strided_slice %get3A_124 {offsets = [40, 0], sizes = [8, 256], strides = [1, 1]} : vector<128x256xf32> to vector<8x256xf32>
      %max3A_132 = arith.maximumf %slice3A_130, %slice3A_131 : vector<8x256xf32>
      %min3A_133 = arith.minimumf %slice3A_130, %slice3A_131 : vector<8x256xf32>
      %slice3A_134 = vector.extract_strided_slice %get3A_124 {offsets = [48, 0], sizes = [8, 256], strides = [1, 1]} : vector<128x256xf32> to vector<8x256xf32>
      %slice3A_135 = vector.extract_strided_slice %get3A_124 {offsets = [56, 0], sizes = [8, 256], strides = [1, 1]} : vector<128x256xf32> to vector<8x256xf32>
      %max3A_136 = arith.maximumf %slice3A_134, %slice3A_135 : vector<8x256xf32>
      %min3A_137 = arith.minimumf %slice3A_134, %slice3A_135 : vector<8x256xf32>
      %slice3A_138 = vector.extract_strided_slice %get3A_124 {offsets = [64, 0], sizes = [8, 256], strides = [1, 1]} : vector<128x256xf32> to vector<8x256xf32>
      %slice3A_139 = vector.extract_strided_slice %get3A_124 {offsets = [72, 0], sizes = [8, 256], strides = [1, 1]} : vector<128x256xf32> to vector<8x256xf32>
      %max3A_140 = arith.maximumf %slice3A_138, %slice3A_139 : vector<8x256xf32>
      %min3A_141 = arith.minimumf %slice3A_138, %slice3A_139 : vector<8x256xf32>
      %slice3A_142 = vector.extract_strided_slice %get3A_124 {offsets = [80, 0], sizes = [8, 256], strides = [1, 1]} : vector<128x256xf32> to vector<8x256xf32>
      %slice3A_143 = vector.extract_strided_slice %get3A_124 {offsets = [88, 0], sizes = [8, 256], strides = [1, 1]} : vector<128x256xf32> to vector<8x256xf32>
      %max3A_144 = arith.maximumf %slice3A_142, %slice3A_143 : vector<8x256xf32>
      %min3A_145 = arith.minimumf %slice3A_142, %slice3A_143 : vector<8x256xf32>
      %slice3A_146 = vector.extract_strided_slice %get3A_124 {offsets = [96, 0], sizes = [8, 256], strides = [1, 1]} : vector<128x256xf32> to vector<8x256xf32>
      %slice3A_147 = vector.extract_strided_slice %get3A_124 {offsets = [104, 0], sizes = [8, 256], strides = [1, 1]} : vector<128x256xf32> to vector<8x256xf32>
      %max3A_148 = arith.maximumf %slice3A_146, %slice3A_147 : vector<8x256xf32>
      %min3A_149 = arith.minimumf %slice3A_146, %slice3A_147 : vector<8x256xf32>
      %slice3A_150 = vector.extract_strided_slice %get3A_124 {offsets = [112, 0], sizes = [8, 256], strides = [1, 1]} : vector<128x256xf32> to vector<8x256xf32>
      %slice3A_151 = vector.extract_strided_slice %get3A_124 {offsets = [120, 0], sizes = [8, 256], strides = [1, 1]} : vector<128x256xf32> to vector<8x256xf32>
      %max3A_152 = arith.maximumf %slice3A_150, %slice3A_151 : vector<8x256xf32>
      %min3A_153 = arith.minimumf %slice3A_150, %slice3A_151 : vector<8x256xf32>
      %concatenate3A = tpu.concatenate %max3A, %min3A, %max3A_128, %min3A_129, %max3A_132, %min3A_133, %max3A_136, %min3A_137, %max3A_140, %min3A_141, %max3A_144, %min3A_145, %max3A_148, %min3A_149, %max3A_152, %min3A_153 in 0 : vector<8x256xf32>, vector<8x256xf32>, vector<8x256xf32>, vector<8x256xf32>, vector<8x256xf32>, vector<8x256xf32>, vector<8x256xf32>, vector<8x256xf32>, vector<8x256xf32>, vector<8x256xf32>, vector<8x256xf32>, vector<8x256xf32>, vector<8x256xf32>, vector<8x256xf32>, vector<8x256xf32>, vector<8x256xf32> -> vector<128x256xf32>
      %slice3A_154 = vector.extract_strided_slice %concatenate3A {offsets = [0, 0], sizes = [16, 256], strides = [1, 1]} : vector<128x256xf32> to vector<16x256xf32>
      %slice3A_155 = vector.extract_strided_slice %concatenate3A {offsets = [16, 0], sizes = [16, 256], strides = [1, 1]} : vector<128x256xf32> to vector<16x256xf32>
      %max3A_156 = arith.maximumf %slice3A_154, %slice3A_155 : vector<16x256xf32>
      %min3A_157 = arith.minimumf %slice3A_154, %slice3A_155 : vector<16x256xf32>
      %slice3A_158 = vector.extract_strided_slice %concatenate3A {offsets = [32, 0], sizes = [16, 256], strides = [1, 1]} : vector<128x256xf32> to vector<16x256xf32>
      %slice3A_159 = vector.extract_strided_slice %concatenate3A {offsets = [48, 0], sizes = [16, 256], strides = [1, 1]} : vector<128x256xf32> to vector<16x256xf32>
      %max3A_160 = arith.maximumf %slice3A_158, %slice3A_159 : vector<16x256xf32>
      %min3A_161 = arith.minimumf %slice3A_158, %slice3A_159 : vector<16x256xf32>
      %slice3A_162 = vector.extract_strided_slice %concatenate3A {offsets = [64, 0], sizes = [16, 256], strides = [1, 1]} : vector<128x256xf32> to vector<16x256xf32>
      %slice3A_163 = vector.extract_strided_slice %concatenate3A {offsets = [80, 0], sizes = [16, 256], strides = [1, 1]} : vector<128x256xf32> to vector<16x256xf32>
      %max3A_164 = arith.maximumf %slice3A_162, %slice3A_163 : vector<16x256xf32>
      %min3A_165 = arith.minimumf %slice3A_162, %slice3A_163 : vector<16x256xf32>
      %slice3A_166 = vector.extract_strided_slice %concatenate3A {offsets = [96, 0], sizes = [16, 256], strides = [1, 1]} : vector<128x256xf32> to vector<16x256xf32>
      %slice3A_167 = vector.extract_strided_slice %concatenate3A {offsets = [112, 0], sizes = [16, 256], strides = [1, 1]} : vector<128x256xf32> to vector<16x256xf32>
      %max3A_168 = arith.maximumf %slice3A_166, %slice3A_167 : vector<16x256xf32>
      %min3A_169 = arith.minimumf %slice3A_166, %slice3A_167 : vector<16x256xf32>
      %concatenate3A_170 = tpu.concatenate %max3A_156, %min3A_157, %max3A_160, %min3A_161, %max3A_164, %min3A_165, %max3A_168, %min3A_169 in 0 : vector<16x256xf32>, vector<16x256xf32>, vector<16x256xf32>, vector<16x256xf32>, vector<16x256xf32>, vector<16x256xf32>, vector<16x256xf32>, vector<16x256xf32> -> vector<128x256xf32>
      %slice3A_171 = vector.extract_strided_slice %concatenate3A_170 {offsets = [0, 0], sizes = [32, 256], strides = [1, 1]} : vector<128x256xf32> to vector<32x256xf32>
      %slice3A_172 = vector.extract_strided_slice %concatenate3A_170 {offsets = [32, 0], sizes = [32, 256], strides = [1, 1]} : vector<128x256xf32> to vector<32x256xf32>
      %max3A_173 = arith.maximumf %slice3A_171, %slice3A_172 : vector<32x256xf32>
      %min3A_174 = arith.minimumf %slice3A_171, %slice3A_172 : vector<32x256xf32>
      %slice3A_175 = vector.extract_strided_slice %concatenate3A_170 {offsets = [64, 0], sizes = [32, 256], strides = [1, 1]} : vector<128x256xf32> to vector<32x256xf32>
      %slice3A_176 = vector.extract_strided_slice %concatenate3A_170 {offsets = [96, 0], sizes = [32, 256], strides = [1, 1]} : vector<128x256xf32> to vector<32x256xf32>
      %max3A_177 = arith.maximumf %slice3A_175, %slice3A_176 : vector<32x256xf32>
      %min3A_178 = arith.minimumf %slice3A_175, %slice3A_176 : vector<32x256xf32>
      %concatenate3A_179 = tpu.concatenate %max3A_173, %min3A_174, %max3A_177, %min3A_178 in 0 : vector<32x256xf32>, vector<32x256xf32>, vector<32x256xf32>, vector<32x256xf32> -> vector<128x256xf32>
      %slice3A_180 = vector.extract_strided_slice %concatenate3A_179 {offsets = [0, 0], sizes = [64, 256], strides = [1, 1]} : vector<128x256xf32> to vector<64x256xf32>
      %slice3A_181 = vector.extract_strided_slice %concatenate3A_179 {offsets = [64, 0], sizes = [64, 256], strides = [1, 1]} : vector<128x256xf32> to vector<64x256xf32>
      %max3A_182 = arith.maximumf %slice3A_180, %slice3A_181 : vector<64x256xf32>
      %min3A_183 = arith.minimumf %slice3A_180, %slice3A_181 : vector<64x256xf32>
      %concatenate3A_184 = tpu.concatenate %max3A_182, %min3A_183 in 0 : vector<64x256xf32>, vector<64x256xf32> -> vector<128x256xf32>
      %swap3A = arith.index_cast %mul3A_122 : i32 to index
      %swap3A_185 = arith.constant 0 : index
      %swap3A_186 = vector.load %arg1[%swap3A, %swap3A_185] : memref<4096x256xf32, #tpu.memory_space<vmem>>, vector<128x256xf32>
      tpu.vector_store %arg1[%swap3A, %swap3A_185], %concatenate3A_184 {strides = array<i32>} : memref<4096x256xf32, #tpu.memory_space<vmem>>, vector<128x256xf32>,
      %mul3A_187 = arith.constant 128 : i32
      %mul3A_188 = arith.muli %add3A_120, %mul3A_187 : i32
      %get3A_189 = arith.index_cast %mul3A_188 : i32 to index
      %get3A_190 = arith.constant 0 : index
      %get3A_191 = vector.load %arg1[%get3A_189, %get3A_190] : memref<4096x256xf32, #tpu.memory_space<vmem>>, vector<128x256xf32>
      %slice3A_192 = vector.extract_strided_slice %get3A_191 {offsets = [0, 0], sizes = [8, 256], strides = [1, 1]} : vector<128x256xf32> to vector<8x256xf32>
      %slice3A_193 = vector.extract_strided_slice %get3A_191 {offsets = [8, 0], sizes = [8, 256], strides = [1, 1]} : vector<128x256xf32> to vector<8x256xf32>
      %max3A_194 = arith.maximumf %slice3A_192, %slice3A_193 : vector<8x256xf32>
      %min3A_195 = arith.minimumf %slice3A_192, %slice3A_193 : vector<8x256xf32>
      %slice3A_196 = vector.extract_strided_slice %get3A_191 {offsets = [16, 0], sizes = [8, 256], strides = [1, 1]} : vector<128x256xf32> to vector<8x256xf32>
      %slice3A_197 = vector.extract_strided_slice %get3A_191 {offsets = [24, 0], sizes = [8, 256], strides = [1, 1]} : vector<128x256xf32> to vector<8x256xf32>
      %max3A_198 = arith.maximumf %slice3A_196, %slice3A_197 : vector<8x256xf32>
      %min3A_199 = arith.minimumf %slice3A_196, %slice3A_197 : vector<8x256xf32>
      %slice3A_200 = vector.extract_strided_slice %get3A_191 {offsets = [32, 0], sizes = [8, 256], strides = [1, 1]} : vector<128x256xf32> to vector<8x256xf32>
      %slice3A_201 = vector.extract_strided_slice %get3A_191 {offsets = [40, 0], sizes = [8, 256], strides = [1, 1]} : vector<128x256xf32> to vector<8x256xf32>
      %max3A_202 = arith.maximumf %slice3A_200, %slice3A_201 : vector<8x256xf32>
      %min3A_203 = arith.minimumf %slice3A_200, %slice3A_201 : vector<8x256xf32>
      %slice3A_204 = vector.extract_strided_slice %get3A_191 {offsets = [48, 0], sizes = [8, 256], strides = [1, 1]} : vector<128x256xf32> to vector<8x256xf32>
      %slice3A_205 = vector.extract_strided_slice %get3A_191 {offsets = [56, 0], sizes = [8, 256], strides = [1, 1]} : vector<128x256xf32> to vector<8x256xf32>
      %max3A_206 = arith.maximumf %slice3A_204, %slice3A_205 : vector<8x256xf32>
      %min3A_207 = arith.minimumf %slice3A_204, %slice3A_205 : vector<8x256xf32>
      %slice3A_208 = vector.extract_strided_slice %get3A_191 {offsets = [64, 0], sizes = [8, 256], strides = [1, 1]} : vector<128x256xf32> to vector<8x256xf32>
      %slice3A_209 = vector.extract_strided_slice %get3A_191 {offsets = [72, 0], sizes = [8, 256], strides = [1, 1]} : vector<128x256xf32> to vector<8x256xf32>
      %max3A_210 = arith.maximumf %slice3A_208, %slice3A_209 : vector<8x256xf32>
      %min3A_211 = arith.minimumf %slice3A_208, %slice3A_209 : vector<8x256xf32>
      %slice3A_212 = vector.extract_strided_slice %get3A_191 {offsets = [80, 0], sizes = [8, 256], strides = [1, 1]} : vector<128x256xf32> to vector<8x256xf32>
      %slice3A_213 = vector.extract_strided_slice %get3A_191 {offsets = [88, 0], sizes = [8, 256], strides = [1, 1]} : vector<128x256xf32> to vector<8x256xf32>
      %max3A_214 = arith.maximumf %slice3A_212, %slice3A_213 : vector<8x256xf32>
      %min3A_215 = arith.minimumf %slice3A_212, %slice3A_213 : vector<8x256xf32>
      %slice3A_216 = vector.extract_strided_slice %get3A_191 {offsets = [96, 0], sizes = [8, 256], strides = [1, 1]} : vector<128x256xf32> to vector<8x256xf32>
      %slice3A_217 = vector.extract_strided_slice %get3A_191 {offsets = [104, 0], sizes = [8, 256], strides = [1, 1]} : vector<128x256xf32> to vector<8x256xf32>
      %max3A_218 = arith.maximumf %slice3A_216, %slice3A_217 : vector<8x256xf32>
      %min3A_219 = arith.minimumf %slice3A_216, %slice3A_217 : vector<8x256xf32>
      %slice3A_220 = vector.extract_strided_slice %get3A_191 {offsets = [112, 0], sizes = [8, 256], strides = [1, 1]} : vector<128x256xf32> to vector<8x256xf32>
      %slice3A_221 = vector.extract_strided_slice %get3A_191 {offsets = [120, 0], sizes = [8, 256], strides = [1, 1]} : vector<128x256xf32> to vector<8x256xf32>
      %max3A_222 = arith.maximumf %slice3A_220, %slice3A_221 : vector<8x256xf32>
      %min3A_223 = arith.minimumf %slice3A_220, %slice3A_221 : vector<8x256xf32>
      %concatenate3A_224 = tpu.concatenate %min3A_195, %max3A_194, %min3A_199, %max3A_198, %min3A_203, %max3A_202, %min3A_207, %max3A_206, %min3A_211, %max3A_210, %min3A_215, %max3A_214, %min3A_219, %max3A_218, %min3A_223, %max3A_222 in 0 : vector<8x256xf32>, vector<8x256xf32>, vector<8x256xf32>, vector<8x256xf32>, vector<8x256xf32>, vector<8x256xf32>, vector<8x256xf32>, vector<8x256xf32>, vector<8x256xf32>, vector<8x256xf32>, vector<8x256xf32>, vector<8x256xf32>, vector<8x256xf32>, vector<8x256xf32>, vector<8x256xf32>, vector<8x256xf32> -> vector<128x256xf32>
      %slice3A_225 = vector.extract_strided_slice %concatenate3A_224 {offsets = [0, 0], sizes = [16, 256], strides = [1, 1]} : vector<128x256xf32> to vector<16x256xf32>
      %slice3A_226 = vector.extract_strided_slice %concatenate3A_224 {offsets = [16, 0], sizes = [16, 256], strides = [1, 1]} : vector<128x256xf32> to vector<16x256xf32>
      %max3A_227 = arith.maximumf %slice3A_225, %slice3A_226 : vector<16x256xf32>
      %min3A_228 = arith.minimumf %slice3A_225, %slice3A_226 : vector<16x256xf32>
      %slice3A_229 = vector.extract_strided_slice %concatenate3A_224 {offsets = [32, 0], sizes = [16, 256], strides = [1, 1]} : vector<128x256xf32> to vector<16x256xf32>
      %slice3A_230 = vector.extract_strided_slice %concatenate3A_224 {offsets = [48, 0], sizes = [16, 256], strides = [1, 1]} : vector<128x256xf32> to vector<16x256xf32>
      %max3A_231 = arith.maximumf %slice3A_229, %slice3A_230 : vector<16x256xf32>
      %min3A_232 = arith.minimumf %slice3A_229, %slice3A_230 : vector<16x256xf32>
      %slice3A_233 = vector.extract_strided_slice %concatenate3A_224 {offsets = [64, 0], sizes = [16, 256], strides = [1, 1]} : vector<128x256xf32> to vector<16x256xf32>
      %slice3A_234 = vector.extract_strided_slice %concatenate3A_224 {offsets = [80, 0], sizes = [16, 256], strides = [1, 1]} : vector<128x256xf32> to vector<16x256xf32>
      %max3A_235 = arith.maximumf %slice3A_233, %slice3A_234 : vector<16x256xf32>
      %min3A_236 = arith.minimumf %slice3A_233, %slice3A_234 : vector<16x256xf32>
      %slice3A_237 = vector.extract_strided_slice %concatenate3A_224 {offsets = [96, 0], sizes = [16, 256], strides = [1, 1]} : vector<128x256xf32> to vector<16x256xf32>
      %slice3A_238 = vector.extract_strided_slice %concatenate3A_224 {offsets = [112, 0], sizes = [16, 256], strides = [1, 1]} : vector<128x256xf32> to vector<16x256xf32>
      %max3A_239 = arith.maximumf %slice3A_237, %slice3A_238 : vector<16x256xf32>
      %min3A_240 = arith.minimumf %slice3A_237, %slice3A_238 : vector<16x256xf32>
      %concatenate3A_241 = tpu.concatenate %min3A_228, %max3A_227, %min3A_232, %max3A_231, %min3A_236, %max3A_235, %min3A_240, %max3A_239 in 0 : vector<16x256xf32>, vector<16x256xf32>, vector<16x256xf32>, vector<16x256xf32>, vector<16x256xf32>, vector<16x256xf32>, vector<16x256xf32>, vector<16x256xf32> -> vector<128x256xf32>
      %slice3A_242 = vector.extract_strided_slice %concatenate3A_241 {offsets = [0, 0], sizes = [32, 256], strides = [1, 1]} : vector<128x256xf32> to vector<32x256xf32>
      %slice3A_243 = vector.extract_strided_slice %concatenate3A_241 {offsets = [32, 0], sizes = [32, 256], strides = [1, 1]} : vector<128x256xf32> to vector<32x256xf32>
      %max3A_244 = arith.maximumf %slice3A_242, %slice3A_243 : vector<32x256xf32>
      %min3A_245 = arith.minimumf %slice3A_242, %slice3A_243 : vector<32x256xf32>
      %slice3A_246 = vector.extract_strided_slice %concatenate3A_241 {offsets = [64, 0], sizes = [32, 256], strides = [1, 1]} : vector<128x256xf32> to vector<32x256xf32>
      %slice3A_247 = vector.extract_strided_slice %concatenate3A_241 {offsets = [96, 0], sizes = [32, 256], strides = [1, 1]} : vector<128x256xf32> to vector<32x256xf32>
      %max3A_248 = arith.maximumf %slice3A_246, %slice3A_247 : vector<32x256xf32>
      %min3A_249 = arith.minimumf %slice3A_246, %slice3A_247 : vector<32x256xf32>
      %concatenate3A_250 = tpu.concatenate %min3A_245, %max3A_244, %min3A_249, %max3A_248 in 0 : vector<32x256xf32>, vector<32x256xf32>, vector<32x256xf32>, vector<32x256xf32> -> vector<128x256xf32>
      %slice3A_251 = vector.extract_strided_slice %concatenate3A_250 {offsets = [0, 0], sizes = [64, 256], strides = [1, 1]} : vector<128x256xf32> to vector<64x256xf32>
      %slice3A_252 = vector.extract_strided_slice %concatenate3A_250 {offsets = [64, 0], sizes = [64, 256], strides = [1, 1]} : vector<128x256xf32> to vector<64x256xf32>
      %max3A_253 = arith.maximumf %slice3A_251, %slice3A_252 : vector<64x256xf32>
      %min3A_254 = arith.minimumf %slice3A_251, %slice3A_252 : vector<64x256xf32>
      %concatenate3A_255 = tpu.concatenate %min3A_254, %max3A_253 in 0 : vector<64x256xf32>, vector<64x256xf32> -> vector<128x256xf32>
      %swap3A_256 = arith.index_cast %mul3A_188 : i32 to index
      %swap3A_257 = arith.constant 0 : index
      %swap3A_258 = vector.load %arg1[%swap3A_256, %swap3A_257] : memref<4096x256xf32, #tpu.memory_space<vmem>>, vector<128x256xf32>
      tpu.vector_store %arg1[%swap3A_256, %swap3A_257], %concatenate3A_255 {strides = array<i32>} : memref<4096x256xf32, #tpu.memory_space<vmem>>, vector<128x256xf32>,
    }
    %scan3A_38 = arith.constant 16 : i32
    %scan3A_39 = arith.constant 0 : i32
    %scan3A_40 = arith.constant 8 : i32
    %scan3A_41 = arith.addi %scan3A_39, %scan3A_40 : i32
    %scan3A_42 = arith.constant 1 : i32
    scf.for %scan3A_114 = %scan3A_39 to %scan3A_41 step %scan3A_42  : i32 {
      %jit3A = arith.constant 4 : i32
      %div3A = arith.divsi %scan3A_114, %jit3A : i32
      %sign3A = arith.constant 0 : i32
      %sign3A_115 = arith.cmpi sgt, %scan3A_114, %sign3A : i32
      %sign3A_116 = arith.extui %sign3A_115 : i1 to i32
      %sign3A_117 = arith.constant 0 : i32
      %sign3A_118 = arith.cmpi slt, %scan3A_114, %sign3A_117 : i32
      %sign3A_119 = arith.extui %sign3A_118 : i1 to i32
      %sign3A_120 = arith.subi %sign3A_116, %sign3A_119 : i32
      %sign3A_121 = arith.constant 0 : i32
      %sign3A_122 = arith.cmpi sgt, %jit3A, %sign3A_121 : i32
      %sign3A_123 = arith.extui %sign3A_122 : i1 to i32
      %sign3A_124 = arith.constant 0 : i32
      %sign3A_125 = arith.cmpi slt, %jit3A, %sign3A_124 : i32
      %sign3A_126 = arith.extui %sign3A_125 : i1 to i32
      %sign3A_127 = arith.subi %sign3A_123, %sign3A_126 : i32
      %ne3A = arith.cmpi ne, %sign3A_120, %sign3A_127 : i32
      %rem3A = arith.remsi %scan3A_114, %jit3A : i32
      %ne3A_128 = arith.constant 0 : i32
      %ne3A_129 = arith.cmpi ne, %rem3A, %ne3A_128 : i32
      %and3A = arith.andi %ne3A, %ne3A_129 : i1
      %sub3A = arith.constant 1 : i32
      %sub3A_130 = arith.subi %div3A, %sub3A : i32
      %select_n3A = arith.select %and3A, %sub3A_130, %div3A : i32
      %jit3A_131 = arith.constant 4 : i32
      %eq3A = arith.constant 0 : i32
      %eq3A_132 = arith.cmpi eq, %jit3A_131, %eq3A : i32
      %jit3A_133 = arith.constant 1 : i32
      %select_n3A_134 = arith.select %eq3A_132, %jit3A_133, %jit3A_131 : i32
      %rem3A_135 = arith.remsi %scan3A_114, %select_n3A_134 : i32
      %ne3A_136 = arith.constant 0 : i32
      %ne3A_137 = arith.cmpi ne, %rem3A_135, %ne3A_136 : i32
      %lt3A = arith.constant 0 : i32
      %lt3A_138 = arith.cmpi slt, %rem3A_135, %lt3A : i32
      %lt3A_139 = arith.constant 0 : i32
      %lt3A_140 = arith.cmpi slt, %select_n3A_134, %lt3A_139 : i32
      %ne3A_141 = arith.xori %lt3A_138, %lt3A_140 : i1
      %and3A_142 = arith.andi %ne3A_141, %ne3A_137 : i1
      %add3A = arith.addi %rem3A_135, %select_n3A_134 : i32
      %select_n3A_143 = arith.select %and3A_142, %add3A, %rem3A_135 : i32
      %mul3A = arith.constant 2 : i32
      %mul3A_144 = arith.muli %select_n3A, %mul3A : i32
      %mul3A_145 = arith.constant 1024 : i32
      %mul3A_146 = arith.muli %mul3A_144, %mul3A_145 : i32
      %mul3A_147 = arith.constant 128 : i32
      %mul3A_148 = arith.muli %select_n3A_143, %mul3A_147 : i32
      %add3A_149 = arith.addi %mul3A_146, %mul3A_148 : i32
      %get3A = arith.index_cast %add3A_149 : i32 to index
      %get3A_150 = arith.constant 0 : index
      %get3A_151 = vector.load %arg1[%get3A, %get3A_150] : memref<4096x256xf32, #tpu.memory_space<vmem>>, vector<128x256xf32>
      %add3A_152 = arith.constant 512 : i32
      %add3A_153 = arith.addi %add3A_149, %add3A_152 : i32
      %get3A_154 = arith.index_cast %add3A_153 : i32 to index
      %get3A_155 = arith.constant 0 : index
      %get3A_156 = vector.load %arg1[%get3A_154, %get3A_155] : memref<4096x256xf32, #tpu.memory_space<vmem>>, vector<128x256xf32>
      %add3A_157 = arith.constant 1024 : i32
      %add3A_158 = arith.addi %add3A_149, %add3A_157 : i32
      %get3A_159 = arith.index_cast %add3A_158 : i32 to index
      %get3A_160 = arith.constant 0 : index
      %get3A_161 = vector.load %arg1[%get3A_159, %get3A_160] : memref<4096x256xf32, #tpu.memory_space<vmem>>, vector<128x256xf32>
      %add3A_162 = arith.constant 1024 : i32
      %add3A_163 = arith.addi %add3A_149, %add3A_162 : i32
      %add3A_164 = arith.constant 512 : i32
      %add3A_165 = arith.addi %add3A_163, %add3A_164 : i32
      %get3A_166 = arith.index_cast %add3A_165 : i32 to index
      %get3A_167 = arith.constant 0 : index
      %get3A_168 = vector.load %arg1[%get3A_166, %get3A_167] : memref<4096x256xf32, #tpu.memory_space<vmem>>, vector<128x256xf32>
      %iota3A = tpu.iota {dimensions = array<i32: 0>} : vector<128x1xi32>
      %and3A_169 = arith.constant 4 : i32
      %and3A_170 = vector.broadcast %and3A_169 : i32 to vector<128x1xi32>
      %and3A_171 = arith.andi %iota3A, %and3A_170 : vector<128x1xi32>
      %shift_right_arithmetic3A = arith.constant 4 : i32
      %shift_right_arithmetic3A_172 = vector.broadcast %shift_right_arithmetic3A : i32 to vector<128x1xi32>
      %shift_right_arithmetic3A_173 = arith.shrsi %and3A_171, %shift_right_arithmetic3A_172 : vector<128x1xi32>
      %xor3A = arith.xori %and3A_171, %shift_right_arithmetic3A_173 : vector<128x1xi32>
      %shift_right_arithmetic3A_174 = arith.constant 1 : i32
      %shift_right_arithmetic3A_175 = vector.broadcast %shift_right_arithmetic3A_174 : i32 to vector<128x1xi32>
      %shift_right_arithmetic3A_176 = arith.shrsi %xor3A, %shift_right_arithmetic3A_175 : vector<128x1xi32>
      %xor3A_177 = arith.xori %xor3A, %shift_right_arithmetic3A_176 : vector<128x1xi32>
      %shift_right_arithmetic3A_178 = arith.constant 2 : i32
      %shift_right_arithmetic3A_179 = vector.broadcast %shift_right_arithmetic3A_178 : i32 to vector<128x1xi32>
      %shift_right_arithmetic3A_180 = arith.shrsi %xor3A, %shift_right_arithmetic3A_179 : vector<128x1xi32>
      %xor3A_181 = arith.xori %xor3A_177, %shift_right_arithmetic3A_180 : vector<128x1xi32>
      %shift_right_arithmetic3A_182 = arith.constant 3 : i32
      %shift_right_arithmetic3A_183 = vector.broadcast %shift_right_arithmetic3A_182 : i32 to vector<128x1xi32>
      %shift_right_arithmetic3A_184 = arith.shrsi %xor3A, %shift_right_arithmetic3A_183 : vector<128x1xi32>
      %xor3A_185 = arith.xori %xor3A_181, %shift_right_arithmetic3A_184 : vector<128x1xi32>
      %and3A_186 = arith.constant 1 : i32
      %and3A_187 = vector.broadcast %and3A_186 : i32 to vector<128x1xi32>
      %and3A_188 = arith.andi %xor3A_185, %and3A_187 : vector<128x1xi32>
      %ne3A_189 = arith.constant 0 : i32
      %ne3A_190 = vector.broadcast %ne3A_189 : i32 to vector<128x1xi32>
      %ne3A_191 = arith.cmpi ne, %and3A_188, %ne3A_190 : vector<128x1xi32>
      %jit3A_192 = arith.constant -1.000000e+00 : f32
      %jit3A_193 = arith.constant 1.000000e+00 : f32
      %broadcast_in_dim3A = vector.broadcast %jit3A_192 : f32 to vector<128x1xf32>
      %broadcast_in_dim3A_194 = vector.broadcast %jit3A_193 : f32 to vector<128x1xf32>
      %select_n3A_195 = arith.select %ne3A_191, %broadcast_in_dim3A, %broadcast_in_dim3A_194 : vector<128x1xi1>, vector<128x1xf32>
      %mul3A_196 = vector.broadcast %select_n3A_195 : vector<128x1xf32> to vector<128x256xf32>
      %mul3A_197 = arith.mulf %get3A_151, %mul3A_196 : vector<128x256xf32>
      %mul3A_198 = vector.broadcast %select_n3A_195 : vector<128x1xf32> to vector<128x256xf32>
      %mul3A_199 = arith.mulf %get3A_156, %mul3A_198 : vector<128x256xf32>
      %mul3A_200 = vector.broadcast %select_n3A_195 : vector<128x1xf32> to vector<128x256xf32>
      %mul3A_201 = arith.mulf %get3A_161, %mul3A_200 : vector<128x256xf32>
      %mul3A_202 = vector.broadcast %select_n3A_195 : vector<128x1xf32> to vector<128x256xf32>
      %mul3A_203 = arith.mulf %get3A_168, %mul3A_202 : vector<128x256xf32>
      %max3A = arith.maximumf %mul3A_197, %mul3A_201 : vector<128x256xf32>
      %min3A = arith.minimumf %mul3A_197, %mul3A_201 : vector<128x256xf32>
      %max3A_204 = arith.maximumf %mul3A_199, %mul3A_203 : vector<128x256xf32>
      %min3A_205 = arith.minimumf %mul3A_199, %mul3A_203 : vector<128x256xf32>
      %max3A_206 = arith.maximumf %max3A, %max3A_204 : vector<128x256xf32>
      %min3A_207 = arith.minimumf %max3A, %max3A_204 : vector<128x256xf32>
      %max3A_208 = arith.maximumf %min3A, %min3A_205 : vector<128x256xf32>
      %min3A_209 = arith.minimumf %min3A, %min3A_205 : vector<128x256xf32>
      %swap3A = arith.index_cast %add3A_149 : i32 to index
      %swap3A_210 = arith.constant 0 : index
      %swap3A_211 = vector.load %arg1[%swap3A, %swap3A_210] : memref<4096x256xf32, #tpu.memory_space<vmem>>, vector<128x256xf32>
      tpu.vector_store %arg1[%swap3A, %swap3A_210], %max3A_206 {strides = array<i32>} : memref<4096x256xf32, #tpu.memory_space<vmem>>, vector<128x256xf32>,
      %add3A_212 = arith.constant 512 : i32
      %add3A_213 = arith.addi %add3A_149, %add3A_212 : i32
      %swap3A_214 = arith.index_cast %add3A_213 : i32 to index
      %swap3A_215 = arith.constant 0 : index
      %swap3A_216 = vector.load %arg1[%swap3A_214, %swap3A_215] : memref<4096x256xf32, #tpu.memory_space<vmem>>, vector<128x256xf32>
      tpu.vector_store %arg1[%swap3A_214, %swap3A_215], %min3A_207 {strides = array<i32>} : memref<4096x256xf32, #tpu.memory_space<vmem>>, vector<128x256xf32>,
      %add3A_217 = arith.constant 1024 : i32
      %add3A_218 = arith.addi %add3A_149, %add3A_217 : i32
      %swap3A_219 = arith.index_cast %add3A_218 : i32 to index
      %swap3A_220 = arith.constant 0 : index
      %swap3A_221 = vector.load %arg1[%swap3A_219, %swap3A_220] : memref<4096x256xf32, #tpu.memory_space<vmem>>, vector<128x256xf32>
      tpu.vector_store %arg1[%swap3A_219, %swap3A_220], %max3A_208 {strides = array<i32>} : memref<4096x256xf32, #tpu.memory_space<vmem>>, vector<128x256xf32>,
      %add3A_222 = arith.constant 1024 : i32
      %add3A_223 = arith.addi %add3A_149, %add3A_222 : i32
      %add3A_224 = arith.constant 512 : i32
      %add3A_225 = arith.addi %add3A_223, %add3A_224 : i32
      %swap3A_226 = arith.index_cast %add3A_225 : i32 to index
      %swap3A_227 = arith.constant 0 : index
      %swap3A_228 = vector.load %arg1[%swap3A_226, %swap3A_227] : memref<4096x256xf32, #tpu.memory_space<vmem>>, vector<128x256xf32>
      tpu.vector_store %arg1[%swap3A_226, %swap3A_227], %min3A_209 {strides = array<i32>} : memref<4096x256xf32, #tpu.memory_space<vmem>>, vector<128x256xf32>,
    }
    %scan3A_43 = arith.constant 8 : i32
    %scan3A_44 = arith.constant 0 : i32
    %scan3A_45 = arith.constant 8 : i32
    %scan3A_46 = arith.addi %scan3A_44, %scan3A_45 : i32
    %scan3A_47 = arith.constant 1 : i32
    scf.for %scan3A_114 = %scan3A_44 to %scan3A_46 step %scan3A_47  : i32 {
      %jit3A = arith.constant 1 : i32
      %div3A = arith.divsi %scan3A_114, %jit3A : i32
      %sign3A = arith.constant 0 : i32
      %sign3A_115 = arith.cmpi sgt, %scan3A_114, %sign3A : i32
      %sign3A_116 = arith.extui %sign3A_115 : i1 to i32
      %sign3A_117 = arith.constant 0 : i32
      %sign3A_118 = arith.cmpi slt, %scan3A_114, %sign3A_117 : i32
      %sign3A_119 = arith.extui %sign3A_118 : i1 to i32
      %sign3A_120 = arith.subi %sign3A_116, %sign3A_119 : i32
      %sign3A_121 = arith.constant 0 : i32
      %sign3A_122 = arith.cmpi sgt, %jit3A, %sign3A_121 : i32
      %sign3A_123 = arith.extui %sign3A_122 : i1 to i32
      %sign3A_124 = arith.constant 0 : i32
      %sign3A_125 = arith.cmpi slt, %jit3A, %sign3A_124 : i32
      %sign3A_126 = arith.extui %sign3A_125 : i1 to i32
      %sign3A_127 = arith.subi %sign3A_123, %sign3A_126 : i32
      %ne3A = arith.cmpi ne, %sign3A_120, %sign3A_127 : i32
      %rem3A = arith.remsi %scan3A_114, %jit3A : i32
      %ne3A_128 = arith.constant 0 : i32
      %ne3A_129 = arith.cmpi ne, %rem3A, %ne3A_128 : i32
      %and3A = arith.andi %ne3A, %ne3A_129 : i1
      %sub3A = arith.constant 1 : i32
      %sub3A_130 = arith.subi %div3A, %sub3A : i32
      %select_n3A = arith.select %and3A, %sub3A_130, %div3A : i32
      %jit3A_131 = arith.constant 1 : i32
      %eq3A = arith.constant 0 : i32
      %eq3A_132 = arith.cmpi eq, %jit3A_131, %eq3A : i32
      %jit3A_133 = arith.constant 1 : i32
      %select_n3A_134 = arith.select %eq3A_132, %jit3A_133, %jit3A_131 : i32
      %rem3A_135 = arith.remsi %scan3A_114, %select_n3A_134 : i32
      %ne3A_136 = arith.constant 0 : i32
      %ne3A_137 = arith.cmpi ne, %rem3A_135, %ne3A_136 : i32
      %lt3A = arith.constant 0 : i32
      %lt3A_138 = arith.cmpi slt, %rem3A_135, %lt3A : i32
      %lt3A_139 = arith.constant 0 : i32
      %lt3A_140 = arith.cmpi slt, %select_n3A_134, %lt3A_139 : i32
      %ne3A_141 = arith.xori %lt3A_138, %lt3A_140 : i1
      %and3A_142 = arith.andi %ne3A_141, %ne3A_137 : i1
      %add3A = arith.addi %rem3A_135, %select_n3A_134 : i32
      %select_n3A_143 = arith.select %and3A_142, %add3A, %rem3A_135 : i32
      %mul3A = arith.constant 2 : i32
      %mul3A_144 = arith.muli %select_n3A, %mul3A : i32
      %mul3A_145 = arith.constant 256 : i32
      %mul3A_146 = arith.muli %mul3A_144, %mul3A_145 : i32
      %mul3A_147 = arith.constant 128 : i32
      %mul3A_148 = arith.muli %select_n3A_143, %mul3A_147 : i32
      %add3A_149 = arith.addi %mul3A_146, %mul3A_148 : i32
      %get3A = arith.index_cast %add3A_149 : i32 to index
      %get3A_150 = arith.constant 0 : index
      %get3A_151 = vector.load %arg1[%get3A, %get3A_150] : memref<4096x256xf32, #tpu.memory_space<vmem>>, vector<128x256xf32>
      %add3A_152 = arith.constant 128 : i32
      %add3A_153 = arith.addi %add3A_149, %add3A_152 : i32
      %get3A_154 = arith.index_cast %add3A_153 : i32 to index
      %get3A_155 = arith.constant 0 : index
      %get3A_156 = vector.load %arg1[%get3A_154, %get3A_155] : memref<4096x256xf32, #tpu.memory_space<vmem>>, vector<128x256xf32>
      %add3A_157 = arith.constant 256 : i32
      %add3A_158 = arith.addi %add3A_149, %add3A_157 : i32
      %get3A_159 = arith.index_cast %add3A_158 : i32 to index
      %get3A_160 = arith.constant 0 : index
      %get3A_161 = vector.load %arg1[%get3A_159, %get3A_160] : memref<4096x256xf32, #tpu.memory_space<vmem>>, vector<128x256xf32>
      %add3A_162 = arith.constant 256 : i32
      %add3A_163 = arith.addi %add3A_149, %add3A_162 : i32
      %add3A_164 = arith.constant 128 : i32
      %add3A_165 = arith.addi %add3A_163, %add3A_164 : i32
      %get3A_166 = arith.index_cast %add3A_165 : i32 to index
      %get3A_167 = arith.constant 0 : index
      %get3A_168 = vector.load %arg1[%get3A_166, %get3A_167] : memref<4096x256xf32, #tpu.memory_space<vmem>>, vector<128x256xf32>
      %max3A = arith.maximumf %get3A_151, %get3A_161 : vector<128x256xf32>
      %min3A = arith.minimumf %get3A_151, %get3A_161 : vector<128x256xf32>
      %max3A_169 = arith.maximumf %get3A_156, %get3A_168 : vector<128x256xf32>
      %min3A_170 = arith.minimumf %get3A_156, %get3A_168 : vector<128x256xf32>
      %max3A_171 = arith.maximumf %max3A, %max3A_169 : vector<128x256xf32>
      %min3A_172 = arith.minimumf %max3A, %max3A_169 : vector<128x256xf32>
      %max3A_173 = arith.maximumf %min3A, %min3A_170 : vector<128x256xf32>
      %min3A_174 = arith.minimumf %min3A, %min3A_170 : vector<128x256xf32>
      %swap3A = arith.index_cast %add3A_149 : i32 to index
      %swap3A_175 = arith.constant 0 : index
      %swap3A_176 = vector.load %arg1[%swap3A, %swap3A_175] : memref<4096x256xf32, #tpu.memory_space<vmem>>, vector<128x256xf32>
      tpu.vector_store %arg1[%swap3A, %swap3A_175], %max3A_171 {strides = array<i32>} : memref<4096x256xf32, #tpu.memory_space<vmem>>, vector<128x256xf32>,
      %add3A_177 = arith.constant 128 : i32
      %add3A_178 = arith.addi %add3A_149, %add3A_177 : i32
      %swap3A_179 = arith.index_cast %add3A_178 : i32 to index
      %swap3A_180 = arith.constant 0 : index
      %swap3A_181 = vector.load %arg1[%swap3A_179, %swap3A_180] : memref<4096x256xf32, #tpu.memory_space<vmem>>, vector<128x256xf32>
      tpu.vector_store %arg1[%swap3A_179, %swap3A_180], %min3A_172 {strides = array<i32>} : memref<4096x256xf32, #tpu.memory_space<vmem>>, vector<128x256xf32>,
      %add3A_182 = arith.constant 256 : i32
      %add3A_183 = arith.addi %add3A_149, %add3A_182 : i32
      %swap3A_184 = arith.index_cast %add3A_183 : i32 to index
      %swap3A_185 = arith.constant 0 : index
      %swap3A_186 = vector.load %arg1[%swap3A_184, %swap3A_185] : memref<4096x256xf32, #tpu.memory_space<vmem>>, vector<128x256xf32>
      tpu.vector_store %arg1[%swap3A_184, %swap3A_185], %max3A_173 {strides = array<i32>} : memref<4096x256xf32, #tpu.memory_space<vmem>>, vector<128x256xf32>,
      %add3A_187 = arith.constant 256 : i32
      %add3A_188 = arith.addi %add3A_149, %add3A_187 : i32
      %add3A_189 = arith.constant 128 : i32
      %add3A_190 = arith.addi %add3A_188, %add3A_189 : i32
      %swap3A_191 = arith.index_cast %add3A_190 : i32 to index
      %swap3A_192 = arith.constant 0 : index
      %swap3A_193 = vector.load %arg1[%swap3A_191, %swap3A_192] : memref<4096x256xf32, #tpu.memory_space<vmem>>, vector<128x256xf32>
      tpu.vector_store %arg1[%swap3A_191, %swap3A_192], %min3A_174 {strides = array<i32>} : memref<4096x256xf32, #tpu.memory_space<vmem>>, vector<128x256xf32>,
    }
    %scan3A_48 = arith.constant 8 : i32
    %scan3A_49 = arith.constant 0 : i32
    %scan3A_50 = arith.constant 32 : i32
    %scan3A_51 = arith.addi %scan3A_49, %scan3A_50 : i32
    %scan3A_52 = arith.constant 1 : i32
    scf.for %scan3A_114 = %scan3A_49 to %scan3A_51 step %scan3A_52  : i32 {
      %mul3A = arith.constant 128 : i32
      %mul3A_115 = arith.muli %scan3A_114, %mul3A : i32
      %get3A = arith.index_cast %mul3A_115 : i32 to index
      %get3A_116 = arith.constant 0 : index
      %get3A_117 = vector.load %arg1[%get3A, %get3A_116] : memref<4096x256xf32, #tpu.memory_space<vmem>>, vector<128x256xf32>
      %slice3A = vector.extract_strided_slice %get3A_117 {offsets = [0, 0], sizes = [8, 256], strides = [1, 1]} : vector<128x256xf32> to vector<8x256xf32>
      %slice3A_118 = vector.extract_strided_slice %get3A_117 {offsets = [8, 0], sizes = [8, 256], strides = [1, 1]} : vector<128x256xf32> to vector<8x256xf32>
      %max3A = arith.maximumf %slice3A, %slice3A_118 : vector<8x256xf32>
      %min3A = arith.minimumf %slice3A, %slice3A_118 : vector<8x256xf32>
      %slice3A_119 = vector.extract_strided_slice %get3A_117 {offsets = [16, 0], sizes = [8, 256], strides = [1, 1]} : vector<128x256xf32> to vector<8x256xf32>
      %slice3A_120 = vector.extract_strided_slice %get3A_117 {offsets = [24, 0], sizes = [8, 256], strides = [1, 1]} : vector<128x256xf32> to vector<8x256xf32>
      %max3A_121 = arith.maximumf %slice3A_119, %slice3A_120 : vector<8x256xf32>
      %min3A_122 = arith.minimumf %slice3A_119, %slice3A_120 : vector<8x256xf32>
      %slice3A_123 = vector.extract_strided_slice %get3A_117 {offsets = [32, 0], sizes = [8, 256], strides = [1, 1]} : vector<128x256xf32> to vector<8x256xf32>
      %slice3A_124 = vector.extract_strided_slice %get3A_117 {offsets = [40, 0], sizes = [8, 256], strides = [1, 1]} : vector<128x256xf32> to vector<8x256xf32>
      %max3A_125 = arith.maximumf %slice3A_123, %slice3A_124 : vector<8x256xf32>
      %min3A_126 = arith.minimumf %slice3A_123, %slice3A_124 : vector<8x256xf32>
      %slice3A_127 = vector.extract_strided_slice %get3A_117 {offsets = [48, 0], sizes = [8, 256], strides = [1, 1]} : vector<128x256xf32> to vector<8x256xf32>
      %slice3A_128 = vector.extract_strided_slice %get3A_117 {offsets = [56, 0], sizes = [8, 256], strides = [1, 1]} : vector<128x256xf32> to vector<8x256xf32>
      %max3A_129 = arith.maximumf %slice3A_127, %slice3A_128 : vector<8x256xf32>
      %min3A_130 = arith.minimumf %slice3A_127, %slice3A_128 : vector<8x256xf32>
      %slice3A_131 = vector.extract_strided_slice %get3A_117 {offsets = [64, 0], sizes = [8, 256], strides = [1, 1]} : vector<128x256xf32> to vector<8x256xf32>
      %slice3A_132 = vector.extract_strided_slice %get3A_117 {offsets = [72, 0], sizes = [8, 256], strides = [1, 1]} : vector<128x256xf32> to vector<8x256xf32>
      %max3A_133 = arith.maximumf %slice3A_131, %slice3A_132 : vector<8x256xf32>
      %min3A_134 = arith.minimumf %slice3A_131, %slice3A_132 : vector<8x256xf32>
      %slice3A_135 = vector.extract_strided_slice %get3A_117 {offsets = [80, 0], sizes = [8, 256], strides = [1, 1]} : vector<128x256xf32> to vector<8x256xf32>
      %slice3A_136 = vector.extract_strided_slice %get3A_117 {offsets = [88, 0], sizes = [8, 256], strides = [1, 1]} : vector<128x256xf32> to vector<8x256xf32>
      %max3A_137 = arith.maximumf %slice3A_135, %slice3A_136 : vector<8x256xf32>
      %min3A_138 = arith.minimumf %slice3A_135, %slice3A_136 : vector<8x256xf32>
      %slice3A_139 = vector.extract_strided_slice %get3A_117 {offsets = [96, 0], sizes = [8, 256], strides = [1, 1]} : vector<128x256xf32> to vector<8x256xf32>
      %slice3A_140 = vector.extract_strided_slice %get3A_117 {offsets = [104, 0], sizes = [8, 256], strides = [1, 1]} : vector<128x256xf32> to vector<8x256xf32>
      %max3A_141 = arith.maximumf %slice3A_139, %slice3A_140 : vector<8x256xf32>
      %min3A_142 = arith.minimumf %slice3A_139, %slice3A_140 : vector<8x256xf32>
      %slice3A_143 = vector.extract_strided_slice %get3A_117 {offsets = [112, 0], sizes = [8, 256], strides = [1, 1]} : vector<128x256xf32> to vector<8x256xf32>
      %slice3A_144 = vector.extract_strided_slice %get3A_117 {offsets = [120, 0], sizes = [8, 256], strides = [1, 1]} : vector<128x256xf32> to vector<8x256xf32>
      %max3A_145 = arith.maximumf %slice3A_143, %slice3A_144 : vector<8x256xf32>
      %min3A_146 = arith.minimumf %slice3A_143, %slice3A_144 : vector<8x256xf32>
      %concatenate3A = tpu.concatenate %max3A, %min3A, %max3A_121, %min3A_122, %max3A_125, %min3A_126, %max3A_129, %min3A_130, %max3A_133, %min3A_134, %max3A_137, %min3A_138, %max3A_141, %min3A_142, %max3A_145, %min3A_146 in 0 : vector<8x256xf32>, vector<8x256xf32>, vector<8x256xf32>, vector<8x256xf32>, vector<8x256xf32>, vector<8x256xf32>, vector<8x256xf32>, vector<8x256xf32>, vector<8x256xf32>, vector<8x256xf32>, vector<8x256xf32>, vector<8x256xf32>, vector<8x256xf32>, vector<8x256xf32>, vector<8x256xf32>, vector<8x256xf32> -> vector<128x256xf32>
      %slice3A_147 = vector.extract_strided_slice %concatenate3A {offsets = [0, 0], sizes = [16, 256], strides = [1, 1]} : vector<128x256xf32> to vector<16x256xf32>
      %slice3A_148 = vector.extract_strided_slice %concatenate3A {offsets = [16, 0], sizes = [16, 256], strides = [1, 1]} : vector<128x256xf32> to vector<16x256xf32>
      %max3A_149 = arith.maximumf %slice3A_147, %slice3A_148 : vector<16x256xf32>
      %min3A_150 = arith.minimumf %slice3A_147, %slice3A_148 : vector<16x256xf32>
      %slice3A_151 = vector.extract_strided_slice %concatenate3A {offsets = [32, 0], sizes = [16, 256], strides = [1, 1]} : vector<128x256xf32> to vector<16x256xf32>
      %slice3A_152 = vector.extract_strided_slice %concatenate3A {offsets = [48, 0], sizes = [16, 256], strides = [1, 1]} : vector<128x256xf32> to vector<16x256xf32>
      %max3A_153 = arith.maximumf %slice3A_151, %slice3A_152 : vector<16x256xf32>
      %min3A_154 = arith.minimumf %slice3A_151, %slice3A_152 : vector<16x256xf32>
      %slice3A_155 = vector.extract_strided_slice %concatenate3A {offsets = [64, 0], sizes = [16, 256], strides = [1, 1]} : vector<128x256xf32> to vector<16x256xf32>
      %slice3A_156 = vector.extract_strided_slice %concatenate3A {offsets = [80, 0], sizes = [16, 256], strides = [1, 1]} : vector<128x256xf32> to vector<16x256xf32>
      %max3A_157 = arith.maximumf %slice3A_155, %slice3A_156 : vector<16x256xf32>
      %min3A_158 = arith.minimumf %slice3A_155, %slice3A_156 : vector<16x256xf32>
      %slice3A_159 = vector.extract_strided_slice %concatenate3A {offsets = [96, 0], sizes = [16, 256], strides = [1, 1]} : vector<128x256xf32> to vector<16x256xf32>
      %slice3A_160 = vector.extract_strided_slice %concatenate3A {offsets = [112, 0], sizes = [16, 256], strides = [1, 1]} : vector<128x256xf32> to vector<16x256xf32>
      %max3A_161 = arith.maximumf %slice3A_159, %slice3A_160 : vector<16x256xf32>
      %min3A_162 = arith.minimumf %slice3A_159, %slice3A_160 : vector<16x256xf32>
      %concatenate3A_163 = tpu.concatenate %max3A_149, %min3A_150, %max3A_153, %min3A_154, %max3A_157, %min3A_158, %max3A_161, %min3A_162 in 0 : vector<16x256xf32>, vector<16x256xf32>, vector<16x256xf32>, vector<16x256xf32>, vector<16x256xf32>, vector<16x256xf32>, vector<16x256xf32>, vector<16x256xf32> -> vector<128x256xf32>
      %slice3A_164 = vector.extract_strided_slice %concatenate3A_163 {offsets = [0, 0], sizes = [32, 256], strides = [1, 1]} : vector<128x256xf32> to vector<32x256xf32>
      %slice3A_165 = vector.extract_strided_slice %concatenate3A_163 {offsets = [32, 0], sizes = [32, 256], strides = [1, 1]} : vector<128x256xf32> to vector<32x256xf32>
      %max3A_166 = arith.maximumf %slice3A_164, %slice3A_165 : vector<32x256xf32>
      %min3A_167 = arith.minimumf %slice3A_164, %slice3A_165 : vector<32x256xf32>
      %slice3A_168 = vector.extract_strided_slice %concatenate3A_163 {offsets = [64, 0], sizes = [32, 256], strides = [1, 1]} : vector<128x256xf32> to vector<32x256xf32>
      %slice3A_169 = vector.extract_strided_slice %concatenate3A_163 {offsets = [96, 0], sizes = [32, 256], strides = [1, 1]} : vector<128x256xf32> to vector<32x256xf32>
      %max3A_170 = arith.maximumf %slice3A_168, %slice3A_169 : vector<32x256xf32>
      %min3A_171 = arith.minimumf %slice3A_168, %slice3A_169 : vector<32x256xf32>
      %concatenate3A_172 = tpu.concatenate %max3A_166, %min3A_167, %max3A_170, %min3A_171 in 0 : vector<32x256xf32>, vector<32x256xf32>, vector<32x256xf32>, vector<32x256xf32> -> vector<128x256xf32>
      %slice3A_173 = vector.extract_strided_slice %concatenate3A_172 {offsets = [0, 0], sizes = [64, 256], strides = [1, 1]} : vector<128x256xf32> to vector<64x256xf32>
      %slice3A_174 = vector.extract_strided_slice %concatenate3A_172 {offsets = [64, 0], sizes = [64, 256], strides = [1, 1]} : vector<128x256xf32> to vector<64x256xf32>
      %max3A_175 = arith.maximumf %slice3A_173, %slice3A_174 : vector<64x256xf32>
      %min3A_176 = arith.minimumf %slice3A_173, %slice3A_174 : vector<64x256xf32>
      %concatenate3A_177 = tpu.concatenate %max3A_175, %min3A_176 in 0 : vector<64x256xf32>, vector<64x256xf32> -> vector<128x256xf32>
      %iota3A = tpu.iota {dimensions = array<i32: 0>} : vector<128x1xi32>
      %and3A = arith.constant 6 : i32
      %and3A_178 = vector.broadcast %and3A : i32 to vector<128x1xi32>
      %and3A_179 = arith.andi %iota3A, %and3A_178 : vector<128x1xi32>
      %shift_right_arithmetic3A = arith.constant 4 : i32
      %shift_right_arithmetic3A_180 = vector.broadcast %shift_right_arithmetic3A : i32 to vector<128x1xi32>
      %shift_right_arithmetic3A_181 = arith.shrsi %and3A_179, %shift_right_arithmetic3A_180 : vector<128x1xi32>
      %xor3A = arith.xori %and3A_179, %shift_right_arithmetic3A_181 : vector<128x1xi32>
      %shift_right_arithmetic3A_182 = arith.constant 1 : i32
      %shift_right_arithmetic3A_183 = vector.broadcast %shift_right_arithmetic3A_182 : i32 to vector<128x1xi32>
      %shift_right_arithmetic3A_184 = arith.shrsi %xor3A, %shift_right_arithmetic3A_183 : vector<128x1xi32>
      %xor3A_185 = arith.xori %xor3A, %shift_right_arithmetic3A_184 : vector<128x1xi32>
      %shift_right_arithmetic3A_186 = arith.constant 2 : i32
      %shift_right_arithmetic3A_187 = vector.broadcast %shift_right_arithmetic3A_186 : i32 to vector<128x1xi32>
      %shift_right_arithmetic3A_188 = arith.shrsi %xor3A, %shift_right_arithmetic3A_187 : vector<128x1xi32>
      %xor3A_189 = arith.xori %xor3A_185, %shift_right_arithmetic3A_188 : vector<128x1xi32>
      %shift_right_arithmetic3A_190 = arith.constant 3 : i32
      %shift_right_arithmetic3A_191 = vector.broadcast %shift_right_arithmetic3A_190 : i32 to vector<128x1xi32>
      %shift_right_arithmetic3A_192 = arith.shrsi %xor3A, %shift_right_arithmetic3A_191 : vector<128x1xi32>
      %xor3A_193 = arith.xori %xor3A_189, %shift_right_arithmetic3A_192 : vector<128x1xi32>
      %and3A_194 = arith.constant 1 : i32
      %and3A_195 = vector.broadcast %and3A_194 : i32 to vector<128x1xi32>
      %and3A_196 = arith.andi %xor3A_193, %and3A_195 : vector<128x1xi32>
      %ne3A = arith.constant 0 : i32
      %ne3A_197 = vector.broadcast %ne3A : i32 to vector<128x1xi32>
      %ne3A_198 = arith.cmpi ne, %and3A_196, %ne3A_197 : vector<128x1xi32>
      %jit3A = arith.constant -1.000000e+00 : f32
      %jit3A_199 = arith.constant 1.000000e+00 : f32
      %broadcast_in_dim3A = vector.broadcast %jit3A : f32 to vector<128x1xf32>
      %broadcast_in_dim3A_200 = vector.broadcast %jit3A_199 : f32 to vector<128x1xf32>
      %select_n3A = arith.select %ne3A_198, %broadcast_in_dim3A, %broadcast_in_dim3A_200 : vector<128x1xi1>, vector<128x1xf32>
      %mul3A_201 = vector.broadcast %select_n3A : vector<128x1xf32> to vector<128x256xf32>
      %mul3A_202 = arith.mulf %concatenate3A_177, %mul3A_201 : vector<128x256xf32>
      %iota3A_203 = tpu.iota {dimensions = array<i32: 0>} : vector<128x1xi32>
      %and3A_204 = arith.constant 4 : i32
      %and3A_205 = vector.broadcast %and3A_204 : i32 to vector<128x1xi32>
      %and3A_206 = arith.andi %iota3A_203, %and3A_205 : vector<128x1xi32>
      %ne3A_207 = arith.constant 0 : i32
      %ne3A_208 = vector.broadcast %ne3A_207 : i32 to vector<128x1xi32>
      %ne3A_209 = arith.cmpi ne, %and3A_206, %ne3A_208 : vector<128x1xi32>
      %not3A = arith.constant dense<true> : vector<128x1xi1>
      %not3A_210 = arith.xori %ne3A_209, %not3A : vector<128x1xi1>
      %roll3A = arith.constant 124 : i32
      %roll3A_211 = tpu.dynamic_rotate %mul3A_202 by %roll3A dim 0 : vector<128x256xf32>, i32 -> vector<128x256xf32>
      %roll3A_212 = arith.constant 4 : i32
      %roll3A_213 = tpu.dynamic_rotate %mul3A_202 by %roll3A_212 dim 0 : vector<128x256xf32>, i32 -> vector<128x256xf32>
      %broadcast_in_dim3A_214 = vector.shape_cast %ne3A_209 : vector<128x1xi1> to vector<128x1xi1>
      %broadcast_in_dim3A_215 = vector.broadcast %broadcast_in_dim3A_214 : vector<128x1xi1> to vector<128x256xi1>
      %select_n3A_216 = arith.select %broadcast_in_dim3A_215, %roll3A_213, %roll3A_211 : vector<128x256xi1>, vector<128x256xf32>
      %max3A_217 = arith.maximumf %mul3A_202, %select_n3A_216 : vector<128x256xf32>
      %min3A_218 = arith.minimumf %mul3A_202, %select_n3A_216 : vector<128x256xf32>
      %broadcast_in_dim3A_219 = vector.shape_cast %not3A_210 : vector<128x1xi1> to vector<128x1xi1>
      %broadcast_in_dim3A_220 = vector.broadcast %broadcast_in_dim3A_219 : vector<128x1xi1> to vector<128x256xi1>
      %select_n3A_221 = arith.select %broadcast_in_dim3A_220, %max3A_217, %min3A_218 : vector<128x256xi1>, vector<128x256xf32>
      %swap3A = arith.index_cast %mul3A_115 : i32 to index
      %swap3A_222 = arith.constant 0 : index
      %swap3A_223 = vector.load %arg1[%swap3A, %swap3A_222] : memref<4096x256xf32, #tpu.memory_space<vmem>>, vector<128x256xf32>
      tpu.vector_store %arg1[%swap3A, %swap3A_222], %select_n3A_221 {strides = array<i32>} : memref<4096x256xf32, #tpu.memory_space<vmem>>, vector<128x256xf32>,
    }
    %scan3A_53 = arith.constant 32 : i32
    %scan3A_54 = arith.constant 0 : i32
    %scan3A_55 = arith.constant 8 : i32
    %scan3A_56 = arith.addi %scan3A_54, %scan3A_55 : i32
    %scan3A_57 = arith.constant 1 : i32
    scf.for %scan3A_114 = %scan3A_54 to %scan3A_56 step %scan3A_57  : i32 {
      %jit3A = arith.constant 4 : i32
      %div3A = arith.divsi %scan3A_114, %jit3A : i32
      %sign3A = arith.constant 0 : i32
      %sign3A_115 = arith.cmpi sgt, %scan3A_114, %sign3A : i32
      %sign3A_116 = arith.extui %sign3A_115 : i1 to i32
      %sign3A_117 = arith.constant 0 : i32
      %sign3A_118 = arith.cmpi slt, %scan3A_114, %sign3A_117 : i32
      %sign3A_119 = arith.extui %sign3A_118 : i1 to i32
      %sign3A_120 = arith.subi %sign3A_116, %sign3A_119 : i32
      %sign3A_121 = arith.constant 0 : i32
      %sign3A_122 = arith.cmpi sgt, %jit3A, %sign3A_121 : i32
      %sign3A_123 = arith.extui %sign3A_122 : i1 to i32
      %sign3A_124 = arith.constant 0 : i32
      %sign3A_125 = arith.cmpi slt, %jit3A, %sign3A_124 : i32
      %sign3A_126 = arith.extui %sign3A_125 : i1 to i32
      %sign3A_127 = arith.subi %sign3A_123, %sign3A_126 : i32
      %ne3A = arith.cmpi ne, %sign3A_120, %sign3A_127 : i32
      %rem3A = arith.remsi %scan3A_114, %jit3A : i32
      %ne3A_128 = arith.constant 0 : i32
      %ne3A_129 = arith.cmpi ne, %rem3A, %ne3A_128 : i32
      %and3A = arith.andi %ne3A, %ne3A_129 : i1
      %sub3A = arith.constant 1 : i32
      %sub3A_130 = arith.subi %div3A, %sub3A : i32
      %select_n3A = arith.select %and3A, %sub3A_130, %div3A : i32
      %jit3A_131 = arith.constant 4 : i32
      %eq3A = arith.constant 0 : i32
      %eq3A_132 = arith.cmpi eq, %jit3A_131, %eq3A : i32
      %jit3A_133 = arith.constant 1 : i32
      %select_n3A_134 = arith.select %eq3A_132, %jit3A_133, %jit3A_131 : i32
      %rem3A_135 = arith.remsi %scan3A_114, %select_n3A_134 : i32
      %ne3A_136 = arith.constant 0 : i32
      %ne3A_137 = arith.cmpi ne, %rem3A_135, %ne3A_136 : i32
      %lt3A = arith.constant 0 : i32
      %lt3A_138 = arith.cmpi slt, %rem3A_135, %lt3A : i32
      %lt3A_139 = arith.constant 0 : i32
      %lt3A_140 = arith.cmpi slt, %select_n3A_134, %lt3A_139 : i32
      %ne3A_141 = arith.xori %lt3A_138, %lt3A_140 : i1
      %and3A_142 = arith.andi %ne3A_141, %ne3A_137 : i1
      %add3A = arith.addi %rem3A_135, %select_n3A_134 : i32
      %select_n3A_143 = arith.select %and3A_142, %add3A, %rem3A_135 : i32
      %mul3A = arith.constant 2 : i32
      %mul3A_144 = arith.muli %select_n3A, %mul3A : i32
      %mul3A_145 = arith.constant 1024 : i32
      %mul3A_146 = arith.muli %mul3A_144, %mul3A_145 : i32
      %mul3A_147 = arith.constant 128 : i32
      %mul3A_148 = arith.muli %select_n3A_143, %mul3A_147 : i32
      %add3A_149 = arith.addi %mul3A_146, %mul3A_148 : i32
      %get3A = arith.index_cast %add3A_149 : i32 to index
      %get3A_150 = arith.constant 0 : index
      %get3A_151 = vector.load %arg1[%get3A, %get3A_150] : memref<4096x256xf32, #tpu.memory_space<vmem>>, vector<128x256xf32>
      %add3A_152 = arith.constant 512 : i32
      %add3A_153 = arith.addi %add3A_149, %add3A_152 : i32
      %get3A_154 = arith.index_cast %add3A_153 : i32 to index
      %get3A_155 = arith.constant 0 : index
      %get3A_156 = vector.load %arg1[%get3A_154, %get3A_155] : memref<4096x256xf32, #tpu.memory_space<vmem>>, vector<128x256xf32>
      %add3A_157 = arith.constant 1024 : i32
      %add3A_158 = arith.addi %add3A_149, %add3A_157 : i32
      %get3A_159 = arith.index_cast %add3A_158 : i32 to index
      %get3A_160 = arith.constant 0 : index
      %get3A_161 = vector.load %arg1[%get3A_159, %get3A_160] : memref<4096x256xf32, #tpu.memory_space<vmem>>, vector<128x256xf32>
      %add3A_162 = arith.constant 1024 : i32
      %add3A_163 = arith.addi %add3A_149, %add3A_162 : i32
      %add3A_164 = arith.constant 512 : i32
      %add3A_165 = arith.addi %add3A_163, %add3A_164 : i32
      %get3A_166 = arith.index_cast %add3A_165 : i32 to index
      %get3A_167 = arith.constant 0 : index
      %get3A_168 = vector.load %arg1[%get3A_166, %get3A_167] : memref<4096x256xf32, #tpu.memory_space<vmem>>, vector<128x256xf32>
      %max3A = arith.maximumf %get3A_151, %get3A_161 : vector<128x256xf32>
      %min3A = arith.minimumf %get3A_151, %get3A_161 : vector<128x256xf32>
      %max3A_169 = arith.maximumf %get3A_156, %get3A_168 : vector<128x256xf32>
      %min3A_170 = arith.minimumf %get3A_156, %get3A_168 : vector<128x256xf32>
      %max3A_171 = arith.maximumf %max3A, %max3A_169 : vector<128x256xf32>
      %min3A_172 = arith.minimumf %max3A, %max3A_169 : vector<128x256xf32>
      %max3A_173 = arith.maximumf %min3A, %min3A_170 : vector<128x256xf32>
      %min3A_174 = arith.minimumf %min3A, %min3A_170 : vector<128x256xf32>
      %swap3A = arith.index_cast %add3A_149 : i32 to index
      %swap3A_175 = arith.constant 0 : index
      %swap3A_176 = vector.load %arg1[%swap3A, %swap3A_175] : memref<4096x256xf32, #tpu.memory_space<vmem>>, vector<128x256xf32>
      tpu.vector_store %arg1[%swap3A, %swap3A_175], %max3A_171 {strides = array<i32>} : memref<4096x256xf32, #tpu.memory_space<vmem>>, vector<128x256xf32>,
      %add3A_177 = arith.constant 512 : i32
      %add3A_178 = arith.addi %add3A_149, %add3A_177 : i32
      %swap3A_179 = arith.index_cast %add3A_178 : i32 to index
      %swap3A_180 = arith.constant 0 : index
      %swap3A_181 = vector.load %arg1[%swap3A_179, %swap3A_180] : memref<4096x256xf32, #tpu.memory_space<vmem>>, vector<128x256xf32>
      tpu.vector_store %arg1[%swap3A_179, %swap3A_180], %min3A_172 {strides = array<i32>} : memref<4096x256xf32, #tpu.memory_space<vmem>>, vector<128x256xf32>,
      %add3A_182 = arith.constant 1024 : i32
      %add3A_183 = arith.addi %add3A_149, %add3A_182 : i32
      %swap3A_184 = arith.index_cast %add3A_183 : i32 to index
      %swap3A_185 = arith.constant 0 : index
      %swap3A_186 = vector.load %arg1[%swap3A_184, %swap3A_185] : memref<4096x256xf32, #tpu.memory_space<vmem>>, vector<128x256xf32>
      tpu.vector_store %arg1[%swap3A_184, %swap3A_185], %max3A_173 {strides = array<i32>} : memref<4096x256xf32, #tpu.memory_space<vmem>>, vector<128x256xf32>,
      %add3A_187 = arith.constant 1024 : i32
      %add3A_188 = arith.addi %add3A_149, %add3A_187 : i32
      %add3A_189 = arith.constant 512 : i32
      %add3A_190 = arith.addi %add3A_188, %add3A_189 : i32
      %swap3A_191 = arith.index_cast %add3A_190 : i32 to index
      %swap3A_192 = arith.constant 0 : index
      %swap3A_193 = vector.load %arg1[%swap3A_191, %swap3A_192] : memref<4096x256xf32, #tpu.memory_space<vmem>>, vector<128x256xf32>
      tpu.vector_store %arg1[%swap3A_191, %swap3A_192], %min3A_174 {strides = array<i32>} : memref<4096x256xf32, #tpu.memory_space<vmem>>, vector<128x256xf32>,
    }
    %scan3A_58 = arith.constant 8 : i32
    %scan3A_59 = arith.constant 0 : i32
    %scan3A_60 = arith.constant 8 : i32
    %scan3A_61 = arith.addi %scan3A_59, %scan3A_60 : i32
    %scan3A_62 = arith.constant 1 : i32
    scf.for %scan3A_114 = %scan3A_59 to %scan3A_61 step %scan3A_62  : i32 {
      %jit3A = arith.constant 1 : i32
      %div3A = arith.divsi %scan3A_114, %jit3A : i32
      %sign3A = arith.constant 0 : i32
      %sign3A_115 = arith.cmpi sgt, %scan3A_114, %sign3A : i32
      %sign3A_116 = arith.extui %sign3A_115 : i1 to i32
      %sign3A_117 = arith.constant 0 : i32
      %sign3A_118 = arith.cmpi slt, %scan3A_114, %sign3A_117 : i32
      %sign3A_119 = arith.extui %sign3A_118 : i1 to i32
      %sign3A_120 = arith.subi %sign3A_116, %sign3A_119 : i32
      %sign3A_121 = arith.constant 0 : i32
      %sign3A_122 = arith.cmpi sgt, %jit3A, %sign3A_121 : i32
      %sign3A_123 = arith.extui %sign3A_122 : i1 to i32
      %sign3A_124 = arith.constant 0 : i32
      %sign3A_125 = arith.cmpi slt, %jit3A, %sign3A_124 : i32
      %sign3A_126 = arith.extui %sign3A_125 : i1 to i32
      %sign3A_127 = arith.subi %sign3A_123, %sign3A_126 : i32
      %ne3A = arith.cmpi ne, %sign3A_120, %sign3A_127 : i32
      %rem3A = arith.remsi %scan3A_114, %jit3A : i32
      %ne3A_128 = arith.constant 0 : i32
      %ne3A_129 = arith.cmpi ne, %rem3A, %ne3A_128 : i32
      %and3A = arith.andi %ne3A, %ne3A_129 : i1
      %sub3A = arith.constant 1 : i32
      %sub3A_130 = arith.subi %div3A, %sub3A : i32
      %select_n3A = arith.select %and3A, %sub3A_130, %div3A : i32
      %jit3A_131 = arith.constant 1 : i32
      %eq3A = arith.constant 0 : i32
      %eq3A_132 = arith.cmpi eq, %jit3A_131, %eq3A : i32
      %jit3A_133 = arith.constant 1 : i32
      %select_n3A_134 = arith.select %eq3A_132, %jit3A_133, %jit3A_131 : i32
      %rem3A_135 = arith.remsi %scan3A_114, %select_n3A_134 : i32
      %ne3A_136 = arith.constant 0 : i32
      %ne3A_137 = arith.cmpi ne, %rem3A_135, %ne3A_136 : i32
      %lt3A = arith.constant 0 : i32
      %lt3A_138 = arith.cmpi slt, %rem3A_135, %lt3A : i32
      %lt3A_139 = arith.constant 0 : i32
      %lt3A_140 = arith.cmpi slt, %select_n3A_134, %lt3A_139 : i32
      %ne3A_141 = arith.xori %lt3A_138, %lt3A_140 : i1
      %and3A_142 = arith.andi %ne3A_141, %ne3A_137 : i1
      %add3A = arith.addi %rem3A_135, %select_n3A_134 : i32
      %select_n3A_143 = arith.select %and3A_142, %add3A, %rem3A_135 : i32
      %mul3A = arith.constant 2 : i32
      %mul3A_144 = arith.muli %select_n3A, %mul3A : i32
      %mul3A_145 = arith.constant 256 : i32
      %mul3A_146 = arith.muli %mul3A_144, %mul3A_145 : i32
      %mul3A_147 = arith.constant 128 : i32
      %mul3A_148 = arith.muli %select_n3A_143, %mul3A_147 : i32
      %add3A_149 = arith.addi %mul3A_146, %mul3A_148 : i32
      %get3A = arith.index_cast %add3A_149 : i32 to index
      %get3A_150 = arith.constant 0 : index
      %get3A_151 = vector.load %arg1[%get3A, %get3A_150] : memref<4096x256xf32, #tpu.memory_space<vmem>>, vector<128x256xf32>
      %add3A_152 = arith.constant 128 : i32
      %add3A_153 = arith.addi %add3A_149, %add3A_152 : i32
      %get3A_154 = arith.index_cast %add3A_153 : i32 to index
      %get3A_155 = arith.constant 0 : index
      %get3A_156 = vector.load %arg1[%get3A_154, %get3A_155] : memref<4096x256xf32, #tpu.memory_space<vmem>>, vector<128x256xf32>
      %add3A_157 = arith.constant 256 : i32
      %add3A_158 = arith.addi %add3A_149, %add3A_157 : i32
      %get3A_159 = arith.index_cast %add3A_158 : i32 to index
      %get3A_160 = arith.constant 0 : index
      %get3A_161 = vector.load %arg1[%get3A_159, %get3A_160] : memref<4096x256xf32, #tpu.memory_space<vmem>>, vector<128x256xf32>
      %add3A_162 = arith.constant 256 : i32
      %add3A_163 = arith.addi %add3A_149, %add3A_162 : i32
      %add3A_164 = arith.constant 128 : i32
      %add3A_165 = arith.addi %add3A_163, %add3A_164 : i32
      %get3A_166 = arith.index_cast %add3A_165 : i32 to index
      %get3A_167 = arith.constant 0 : index
      %get3A_168 = vector.load %arg1[%get3A_166, %get3A_167] : memref<4096x256xf32, #tpu.memory_space<vmem>>, vector<128x256xf32>
      %max3A = arith.maximumf %get3A_151, %get3A_161 : vector<128x256xf32>
      %min3A = arith.minimumf %get3A_151, %get3A_161 : vector<128x256xf32>
      %max3A_169 = arith.maximumf %get3A_156, %get3A_168 : vector<128x256xf32>
      %min3A_170 = arith.minimumf %get3A_156, %get3A_168 : vector<128x256xf32>
      %max3A_171 = arith.maximumf %max3A, %max3A_169 : vector<128x256xf32>
      %min3A_172 = arith.minimumf %max3A, %max3A_169 : vector<128x256xf32>
      %max3A_173 = arith.maximumf %min3A, %min3A_170 : vector<128x256xf32>
      %min3A_174 = arith.minimumf %min3A, %min3A_170 : vector<128x256xf32>
      %swap3A = arith.index_cast %add3A_149 : i32 to index
      %swap3A_175 = arith.constant 0 : index
      %swap3A_176 = vector.load %arg1[%swap3A, %swap3A_175] : memref<4096x256xf32, #tpu.memory_space<vmem>>, vector<128x256xf32>
      tpu.vector_store %arg1[%swap3A, %swap3A_175], %max3A_171 {strides = array<i32>} : memref<4096x256xf32, #tpu.memory_space<vmem>>, vector<128x256xf32>,
      %add3A_177 = arith.constant 128 : i32
      %add3A_178 = arith.addi %add3A_149, %add3A_177 : i32
      %swap3A_179 = arith.index_cast %add3A_178 : i32 to index
      %swap3A_180 = arith.constant 0 : index
      %swap3A_181 = vector.load %arg1[%swap3A_179, %swap3A_180] : memref<4096x256xf32, #tpu.memory_space<vmem>>, vector<128x256xf32>
      tpu.vector_store %arg1[%swap3A_179, %swap3A_180], %min3A_172 {strides = array<i32>} : memref<4096x256xf32, #tpu.memory_space<vmem>>, vector<128x256xf32>,
      %add3A_182 = arith.constant 256 : i32
      %add3A_183 = arith.addi %add3A_149, %add3A_182 : i32
      %swap3A_184 = arith.index_cast %add3A_183 : i32 to index
      %swap3A_185 = arith.constant 0 : index
      %swap3A_186 = vector.load %arg1[%swap3A_184, %swap3A_185] : memref<4096x256xf32, #tpu.memory_space<vmem>>, vector<128x256xf32>
      tpu.vector_store %arg1[%swap3A_184, %swap3A_185], %max3A_173 {strides = array<i32>} : memref<4096x256xf32, #tpu.memory_space<vmem>>, vector<128x256xf32>,
      %add3A_187 = arith.constant 256 : i32
      %add3A_188 = arith.addi %add3A_149, %add3A_187 : i32
      %add3A_189 = arith.constant 128 : i32
      %add3A_190 = arith.addi %add3A_188, %add3A_189 : i32
      %swap3A_191 = arith.index_cast %add3A_190 : i32 to index
      %swap3A_192 = arith.constant 0 : index
      %swap3A_193 = vector.load %arg1[%swap3A_191, %swap3A_192] : memref<4096x256xf32, #tpu.memory_space<vmem>>, vector<128x256xf32>
      tpu.vector_store %arg1[%swap3A_191, %swap3A_192], %min3A_174 {strides = array<i32>} : memref<4096x256xf32, #tpu.memory_space<vmem>>, vector<128x256xf32>,
    }
    %scan3A_63 = arith.constant 8 : i32
    %scan3A_64 = arith.constant 0 : i32
    %scan3A_65 = arith.constant 32 : i32
    %scan3A_66 = arith.addi %scan3A_64, %scan3A_65 : i32
    %scan3A_67 = arith.constant 1 : i32
    scf.for %scan3A_114 = %scan3A_64 to %scan3A_66 step %scan3A_67  : i32 {
      %mul3A = arith.constant 128 : i32
      %mul3A_115 = arith.muli %scan3A_114, %mul3A : i32
      %get3A = arith.index_cast %mul3A_115 : i32 to index
      %get3A_116 = arith.constant 0 : index
      %get3A_117 = vector.load %arg1[%get3A, %get3A_116] : memref<4096x256xf32, #tpu.memory_space<vmem>>, vector<128x256xf32>
      %slice3A = vector.extract_strided_slice %get3A_117 {offsets = [0, 0], sizes = [8, 256], strides = [1, 1]} : vector<128x256xf32> to vector<8x256xf32>
      %slice3A_118 = vector.extract_strided_slice %get3A_117 {offsets = [8, 0], sizes = [8, 256], strides = [1, 1]} : vector<128x256xf32> to vector<8x256xf32>
      %max3A = arith.maximumf %slice3A, %slice3A_118 : vector<8x256xf32>
      %min3A = arith.minimumf %slice3A, %slice3A_118 : vector<8x256xf32>
      %slice3A_119 = vector.extract_strided_slice %get3A_117 {offsets = [16, 0], sizes = [8, 256], strides = [1, 1]} : vector<128x256xf32> to vector<8x256xf32>
      %slice3A_120 = vector.extract_strided_slice %get3A_117 {offsets = [24, 0], sizes = [8, 256], strides = [1, 1]} : vector<128x256xf32> to vector<8x256xf32>
      %max3A_121 = arith.maximumf %slice3A_119, %slice3A_120 : vector<8x256xf32>
      %min3A_122 = arith.minimumf %slice3A_119, %slice3A_120 : vector<8x256xf32>
      %slice3A_123 = vector.extract_strided_slice %get3A_117 {offsets = [32, 0], sizes = [8, 256], strides = [1, 1]} : vector<128x256xf32> to vector<8x256xf32>
      %slice3A_124 = vector.extract_strided_slice %get3A_117 {offsets = [40, 0], sizes = [8, 256], strides = [1, 1]} : vector<128x256xf32> to vector<8x256xf32>
      %max3A_125 = arith.maximumf %slice3A_123, %slice3A_124 : vector<8x256xf32>
      %min3A_126 = arith.minimumf %slice3A_123, %slice3A_124 : vector<8x256xf32>
      %slice3A_127 = vector.extract_strided_slice %get3A_117 {offsets = [48, 0], sizes = [8, 256], strides = [1, 1]} : vector<128x256xf32> to vector<8x256xf32>
      %slice3A_128 = vector.extract_strided_slice %get3A_117 {offsets = [56, 0], sizes = [8, 256], strides = [1, 1]} : vector<128x256xf32> to vector<8x256xf32>
      %max3A_129 = arith.maximumf %slice3A_127, %slice3A_128 : vector<8x256xf32>
      %min3A_130 = arith.minimumf %slice3A_127, %slice3A_128 : vector<8x256xf32>
      %slice3A_131 = vector.extract_strided_slice %get3A_117 {offsets = [64, 0], sizes = [8, 256], strides = [1, 1]} : vector<128x256xf32> to vector<8x256xf32>
      %slice3A_132 = vector.extract_strided_slice %get3A_117 {offsets = [72, 0], sizes = [8, 256], strides = [1, 1]} : vector<128x256xf32> to vector<8x256xf32>
      %max3A_133 = arith.maximumf %slice3A_131, %slice3A_132 : vector<8x256xf32>
      %min3A_134 = arith.minimumf %slice3A_131, %slice3A_132 : vector<8x256xf32>
      %slice3A_135 = vector.extract_strided_slice %get3A_117 {offsets = [80, 0], sizes = [8, 256], strides = [1, 1]} : vector<128x256xf32> to vector<8x256xf32>
      %slice3A_136 = vector.extract_strided_slice %get3A_117 {offsets = [88, 0], sizes = [8, 256], strides = [1, 1]} : vector<128x256xf32> to vector<8x256xf32>
      %max3A_137 = arith.maximumf %slice3A_135, %slice3A_136 : vector<8x256xf32>
      %min3A_138 = arith.minimumf %slice3A_135, %slice3A_136 : vector<8x256xf32>
      %slice3A_139 = vector.extract_strided_slice %get3A_117 {offsets = [96, 0], sizes = [8, 256], strides = [1, 1]} : vector<128x256xf32> to vector<8x256xf32>
      %slice3A_140 = vector.extract_strided_slice %get3A_117 {offsets = [104, 0], sizes = [8, 256], strides = [1, 1]} : vector<128x256xf32> to vector<8x256xf32>
      %max3A_141 = arith.maximumf %slice3A_139, %slice3A_140 : vector<8x256xf32>
      %min3A_142 = arith.minimumf %slice3A_139, %slice3A_140 : vector<8x256xf32>
      %slice3A_143 = vector.extract_strided_slice %get3A_117 {offsets = [112, 0], sizes = [8, 256], strides = [1, 1]} : vector<128x256xf32> to vector<8x256xf32>
      %slice3A_144 = vector.extract_strided_slice %get3A_117 {offsets = [120, 0], sizes = [8, 256], strides = [1, 1]} : vector<128x256xf32> to vector<8x256xf32>
      %max3A_145 = arith.maximumf %slice3A_143, %slice3A_144 : vector<8x256xf32>
      %min3A_146 = arith.minimumf %slice3A_143, %slice3A_144 : vector<8x256xf32>
      %concatenate3A = tpu.concatenate %max3A, %min3A, %max3A_121, %min3A_122, %max3A_125, %min3A_126, %max3A_129, %min3A_130, %max3A_133, %min3A_134, %max3A_137, %min3A_138, %max3A_141, %min3A_142, %max3A_145, %min3A_146 in 0 : vector<8x256xf32>, vector<8x256xf32>, vector<8x256xf32>, vector<8x256xf32>, vector<8x256xf32>, vector<8x256xf32>, vector<8x256xf32>, vector<8x256xf32>, vector<8x256xf32>, vector<8x256xf32>, vector<8x256xf32>, vector<8x256xf32>, vector<8x256xf32>, vector<8x256xf32>, vector<8x256xf32>, vector<8x256xf32> -> vector<128x256xf32>
      %slice3A_147 = vector.extract_strided_slice %concatenate3A {offsets = [0, 0], sizes = [16, 256], strides = [1, 1]} : vector<128x256xf32> to vector<16x256xf32>
      %slice3A_148 = vector.extract_strided_slice %concatenate3A {offsets = [16, 0], sizes = [16, 256], strides = [1, 1]} : vector<128x256xf32> to vector<16x256xf32>
      %max3A_149 = arith.maximumf %slice3A_147, %slice3A_148 : vector<16x256xf32>
      %min3A_150 = arith.minimumf %slice3A_147, %slice3A_148 : vector<16x256xf32>
      %slice3A_151 = vector.extract_strided_slice %concatenate3A {offsets = [32, 0], sizes = [16, 256], strides = [1, 1]} : vector<128x256xf32> to vector<16x256xf32>
      %slice3A_152 = vector.extract_strided_slice %concatenate3A {offsets = [48, 0], sizes = [16, 256], strides = [1, 1]} : vector<128x256xf32> to vector<16x256xf32>
      %max3A_153 = arith.maximumf %slice3A_151, %slice3A_152 : vector<16x256xf32>
      %min3A_154 = arith.minimumf %slice3A_151, %slice3A_152 : vector<16x256xf32>
      %slice3A_155 = vector.extract_strided_slice %concatenate3A {offsets = [64, 0], sizes = [16, 256], strides = [1, 1]} : vector<128x256xf32> to vector<16x256xf32>
      %slice3A_156 = vector.extract_strided_slice %concatenate3A {offsets = [80, 0], sizes = [16, 256], strides = [1, 1]} : vector<128x256xf32> to vector<16x256xf32>
      %max3A_157 = arith.maximumf %slice3A_155, %slice3A_156 : vector<16x256xf32>
      %min3A_158 = arith.minimumf %slice3A_155, %slice3A_156 : vector<16x256xf32>
      %slice3A_159 = vector.extract_strided_slice %concatenate3A {offsets = [96, 0], sizes = [16, 256], strides = [1, 1]} : vector<128x256xf32> to vector<16x256xf32>
      %slice3A_160 = vector.extract_strided_slice %concatenate3A {offsets = [112, 0], sizes = [16, 256], strides = [1, 1]} : vector<128x256xf32> to vector<16x256xf32>
      %max3A_161 = arith.maximumf %slice3A_159, %slice3A_160 : vector<16x256xf32>
      %min3A_162 = arith.minimumf %slice3A_159, %slice3A_160 : vector<16x256xf32>
      %concatenate3A_163 = tpu.concatenate %max3A_149, %min3A_150, %max3A_153, %min3A_154, %max3A_157, %min3A_158, %max3A_161, %min3A_162 in 0 : vector<16x256xf32>, vector<16x256xf32>, vector<16x256xf32>, vector<16x256xf32>, vector<16x256xf32>, vector<16x256xf32>, vector<16x256xf32>, vector<16x256xf32> -> vector<128x256xf32>
      %slice3A_164 = vector.extract_strided_slice %concatenate3A_163 {offsets = [0, 0], sizes = [32, 256], strides = [1, 1]} : vector<128x256xf32> to vector<32x256xf32>
      %slice3A_165 = vector.extract_strided_slice %concatenate3A_163 {offsets = [32, 0], sizes = [32, 256], strides = [1, 1]} : vector<128x256xf32> to vector<32x256xf32>
      %max3A_166 = arith.maximumf %slice3A_164, %slice3A_165 : vector<32x256xf32>
      %min3A_167 = arith.minimumf %slice3A_164, %slice3A_165 : vector<32x256xf32>
      %slice3A_168 = vector.extract_strided_slice %concatenate3A_163 {offsets = [64, 0], sizes = [32, 256], strides = [1, 1]} : vector<128x256xf32> to vector<32x256xf32>
      %slice3A_169 = vector.extract_strided_slice %concatenate3A_163 {offsets = [96, 0], sizes = [32, 256], strides = [1, 1]} : vector<128x256xf32> to vector<32x256xf32>
      %max3A_170 = arith.maximumf %slice3A_168, %slice3A_169 : vector<32x256xf32>
      %min3A_171 = arith.minimumf %slice3A_168, %slice3A_169 : vector<32x256xf32>
      %concatenate3A_172 = tpu.concatenate %max3A_166, %min3A_167, %max3A_170, %min3A_171 in 0 : vector<32x256xf32>, vector<32x256xf32>, vector<32x256xf32>, vector<32x256xf32> -> vector<128x256xf32>
      %slice3A_173 = vector.extract_strided_slice %concatenate3A_172 {offsets = [0, 0], sizes = [64, 256], strides = [1, 1]} : vector<128x256xf32> to vector<64x256xf32>
      %slice3A_174 = vector.extract_strided_slice %concatenate3A_172 {offsets = [64, 0], sizes = [64, 256], strides = [1, 1]} : vector<128x256xf32> to vector<64x256xf32>
      %max3A_175 = arith.maximumf %slice3A_173, %slice3A_174 : vector<64x256xf32>
      %min3A_176 = arith.minimumf %slice3A_173, %slice3A_174 : vector<64x256xf32>
      %concatenate3A_177 = tpu.concatenate %max3A_175, %min3A_176 in 0 : vector<64x256xf32>, vector<64x256xf32> -> vector<128x256xf32>
      %iota3A = tpu.iota {dimensions = array<i32: 0>} : vector<128x1xi32>
      %and3A = arith.constant 3 : i32
      %and3A_178 = vector.broadcast %and3A : i32 to vector<128x1xi32>
      %and3A_179 = arith.andi %iota3A, %and3A_178 : vector<128x1xi32>
      %shift_right_arithmetic3A = arith.constant 4 : i32
      %shift_right_arithmetic3A_180 = vector.broadcast %shift_right_arithmetic3A : i32 to vector<128x1xi32>
      %shift_right_arithmetic3A_181 = arith.shrsi %and3A_179, %shift_right_arithmetic3A_180 : vector<128x1xi32>
      %xor3A = arith.xori %and3A_179, %shift_right_arithmetic3A_181 : vector<128x1xi32>
      %shift_right_arithmetic3A_182 = arith.constant 1 : i32
      %shift_right_arithmetic3A_183 = vector.broadcast %shift_right_arithmetic3A_182 : i32 to vector<128x1xi32>
      %shift_right_arithmetic3A_184 = arith.shrsi %xor3A, %shift_right_arithmetic3A_183 : vector<128x1xi32>
      %xor3A_185 = arith.xori %xor3A, %shift_right_arithmetic3A_184 : vector<128x1xi32>
      %shift_right_arithmetic3A_186 = arith.constant 2 : i32
      %shift_right_arithmetic3A_187 = vector.broadcast %shift_right_arithmetic3A_186 : i32 to vector<128x1xi32>
      %shift_right_arithmetic3A_188 = arith.shrsi %xor3A, %shift_right_arithmetic3A_187 : vector<128x1xi32>
      %xor3A_189 = arith.xori %xor3A_185, %shift_right_arithmetic3A_188 : vector<128x1xi32>
      %shift_right_arithmetic3A_190 = arith.constant 3 : i32
      %shift_right_arithmetic3A_191 = vector.broadcast %shift_right_arithmetic3A_190 : i32 to vector<128x1xi32>
      %shift_right_arithmetic3A_192 = arith.shrsi %xor3A, %shift_right_arithmetic3A_191 : vector<128x1xi32>
      %xor3A_193 = arith.xori %xor3A_189, %shift_right_arithmetic3A_192 : vector<128x1xi32>
      %and3A_194 = arith.constant 1 : i32
      %and3A_195 = vector.broadcast %and3A_194 : i32 to vector<128x1xi32>
      %and3A_196 = arith.andi %xor3A_193, %and3A_195 : vector<128x1xi32>
      %ne3A = arith.constant 0 : i32
      %ne3A_197 = vector.broadcast %ne3A : i32 to vector<128x1xi32>
      %ne3A_198 = arith.cmpi ne, %and3A_196, %ne3A_197 : vector<128x1xi32>
      %jit3A = arith.constant -1.000000e+00 : f32
      %jit3A_199 = arith.constant 1.000000e+00 : f32
      %broadcast_in_dim3A = vector.broadcast %jit3A : f32 to vector<128x1xf32>
      %broadcast_in_dim3A_200 = vector.broadcast %jit3A_199 : f32 to vector<128x1xf32>
      %select_n3A = arith.select %ne3A_198, %broadcast_in_dim3A, %broadcast_in_dim3A_200 : vector<128x1xi1>, vector<128x1xf32>
      %mul3A_201 = vector.broadcast %select_n3A : vector<128x1xf32> to vector<128x256xf32>
      %mul3A_202 = arith.mulf %concatenate3A_177, %mul3A_201 : vector<128x256xf32>
      %iota3A_203 = tpu.iota {dimensions = array<i32: 0>} : vector<128x1xi32>
      %and3A_204 = arith.constant 2 : i32
      %and3A_205 = vector.broadcast %and3A_204 : i32 to vector<128x1xi32>
      %and3A_206 = arith.andi %iota3A_203, %and3A_205 : vector<128x1xi32>
      %ne3A_207 = arith.constant 0 : i32
      %ne3A_208 = vector.broadcast %ne3A_207 : i32 to vector<128x1xi32>
      %ne3A_209 = arith.cmpi ne, %and3A_206, %ne3A_208 : vector<128x1xi32>
      %not3A = arith.constant dense<true> : vector<128x1xi1>
      %not3A_210 = arith.xori %ne3A_209, %not3A : vector<128x1xi1>
      %roll3A = arith.constant 126 : i32
      %roll3A_211 = tpu.dynamic_rotate %mul3A_202 by %roll3A dim 0 : vector<128x256xf32>, i32 -> vector<128x256xf32>
      %roll3A_212 = arith.constant 2 : i32
      %roll3A_213 = tpu.dynamic_rotate %mul3A_202 by %roll3A_212 dim 0 : vector<128x256xf32>, i32 -> vector<128x256xf32>
      %broadcast_in_dim3A_214 = vector.shape_cast %ne3A_209 : vector<128x1xi1> to vector<128x1xi1>
      %broadcast_in_dim3A_215 = vector.broadcast %broadcast_in_dim3A_214 : vector<128x1xi1> to vector<128x256xi1>
      %select_n3A_216 = arith.select %broadcast_in_dim3A_215, %roll3A_213, %roll3A_211 : vector<128x256xi1>, vector<128x256xf32>
      %max3A_217 = arith.maximumf %mul3A_202, %select_n3A_216 : vector<128x256xf32>
      %min3A_218 = arith.minimumf %mul3A_202, %select_n3A_216 : vector<128x256xf32>
      %broadcast_in_dim3A_219 = vector.shape_cast %not3A_210 : vector<128x1xi1> to vector<128x1xi1>
      %broadcast_in_dim3A_220 = vector.broadcast %broadcast_in_dim3A_219 : vector<128x1xi1> to vector<128x256xi1>
      %select_n3A_221 = arith.select %broadcast_in_dim3A_220, %max3A_217, %min3A_218 : vector<128x256xi1>, vector<128x256xf32>
      %iota3A_222 = tpu.iota {dimensions = array<i32: 0>} : vector<128x1xi32>
      %and3A_223 = arith.constant 4 : i32
      %and3A_224 = vector.broadcast %and3A_223 : i32 to vector<128x1xi32>
      %and3A_225 = arith.andi %iota3A_222, %and3A_224 : vector<128x1xi32>
      %ne3A_226 = arith.constant 0 : i32
      %ne3A_227 = vector.broadcast %ne3A_226 : i32 to vector<128x1xi32>
      %ne3A_228 = arith.cmpi ne, %and3A_225, %ne3A_227 : vector<128x1xi32>
      %not3A_229 = arith.constant dense<true> : vector<128x1xi1>
      %not3A_230 = arith.xori %ne3A_228, %not3A_229 : vector<128x1xi1>
      %roll3A_231 = arith.constant 124 : i32
      %roll3A_232 = tpu.dynamic_rotate %select_n3A_221 by %roll3A_231 dim 0 : vector<128x256xf32>, i32 -> vector<128x256xf32>
      %roll3A_233 = arith.constant 4 : i32
      %roll3A_234 = tpu.dynamic_rotate %select_n3A_221 by %roll3A_233 dim 0 : vector<128x256xf32>, i32 -> vector<128x256xf32>
      %broadcast_in_dim3A_235 = vector.shape_cast %ne3A_228 : vector<128x1xi1> to vector<128x1xi1>
      %broadcast_in_dim3A_236 = vector.broadcast %broadcast_in_dim3A_235 : vector<128x1xi1> to vector<128x256xi1>
      %select_n3A_237 = arith.select %broadcast_in_dim3A_236, %roll3A_234, %roll3A_232 : vector<128x256xi1>, vector<128x256xf32>
      %max3A_238 = arith.maximumf %select_n3A_221, %select_n3A_237 : vector<128x256xf32>
      %min3A_239 = arith.minimumf %select_n3A_221, %select_n3A_237 : vector<128x256xf32>
      %broadcast_in_dim3A_240 = vector.shape_cast %not3A_230 : vector<128x1xi1> to vector<128x1xi1>
      %broadcast_in_dim3A_241 = vector.broadcast %broadcast_in_dim3A_240 : vector<128x1xi1> to vector<128x256xi1>
      %select_n3A_242 = arith.select %broadcast_in_dim3A_241, %max3A_238, %min3A_239 : vector<128x256xi1>, vector<128x256xf32>
      %swap3A = arith.index_cast %mul3A_115 : i32 to index
      %swap3A_243 = arith.constant 0 : index
      %swap3A_244 = vector.load %arg1[%swap3A, %swap3A_243] : memref<4096x256xf32, #tpu.memory_space<vmem>>, vector<128x256xf32>
      tpu.vector_store %arg1[%swap3A, %swap3A_243], %select_n3A_242 {strides = array<i32>} : memref<4096x256xf32, #tpu.memory_space<vmem>>, vector<128x256xf32>,
    }
    %scan3A_68 = arith.constant 32 : i32
    %scan3A_69 = arith.constant 0 : i32
    %scan3A_70 = arith.constant 8 : i32
    %scan3A_71 = arith.addi %scan3A_69, %scan3A_70 : i32
    %scan3A_72 = arith.constant 1 : i32
    scf.for %scan3A_114 = %scan3A_69 to %scan3A_71 step %scan3A_72  : i32 {
      %jit3A = arith.constant 4 : i32
      %div3A = arith.divsi %scan3A_114, %jit3A : i32
      %sign3A = arith.constant 0 : i32
      %sign3A_115 = arith.cmpi sgt, %scan3A_114, %sign3A : i32
      %sign3A_116 = arith.extui %sign3A_115 : i1 to i32
      %sign3A_117 = arith.constant 0 : i32
      %sign3A_118 = arith.cmpi slt, %scan3A_114, %sign3A_117 : i32
      %sign3A_119 = arith.extui %sign3A_118 : i1 to i32
      %sign3A_120 = arith.subi %sign3A_116, %sign3A_119 : i32
      %sign3A_121 = arith.constant 0 : i32
      %sign3A_122 = arith.cmpi sgt, %jit3A, %sign3A_121 : i32
      %sign3A_123 = arith.extui %sign3A_122 : i1 to i32
      %sign3A_124 = arith.constant 0 : i32
      %sign3A_125 = arith.cmpi slt, %jit3A, %sign3A_124 : i32
      %sign3A_126 = arith.extui %sign3A_125 : i1 to i32
      %sign3A_127 = arith.subi %sign3A_123, %sign3A_126 : i32
      %ne3A = arith.cmpi ne, %sign3A_120, %sign3A_127 : i32
      %rem3A = arith.remsi %scan3A_114, %jit3A : i32
      %ne3A_128 = arith.constant 0 : i32
      %ne3A_129 = arith.cmpi ne, %rem3A, %ne3A_128 : i32
      %and3A = arith.andi %ne3A, %ne3A_129 : i1
      %sub3A = arith.constant 1 : i32
      %sub3A_130 = arith.subi %div3A, %sub3A : i32
      %select_n3A = arith.select %and3A, %sub3A_130, %div3A : i32
      %jit3A_131 = arith.constant 4 : i32
      %eq3A = arith.constant 0 : i32
      %eq3A_132 = arith.cmpi eq, %jit3A_131, %eq3A : i32
      %jit3A_133 = arith.constant 1 : i32
      %select_n3A_134 = arith.select %eq3A_132, %jit3A_133, %jit3A_131 : i32
      %rem3A_135 = arith.remsi %scan3A_114, %select_n3A_134 : i32
      %ne3A_136 = arith.constant 0 : i32
      %ne3A_137 = arith.cmpi ne, %rem3A_135, %ne3A_136 : i32
      %lt3A = arith.constant 0 : i32
      %lt3A_138 = arith.cmpi slt, %rem3A_135, %lt3A : i32
      %lt3A_139 = arith.constant 0 : i32
      %lt3A_140 = arith.cmpi slt, %select_n3A_134, %lt3A_139 : i32
      %ne3A_141 = arith.xori %lt3A_138, %lt3A_140 : i1
      %and3A_142 = arith.andi %ne3A_141, %ne3A_137 : i1
      %add3A = arith.addi %rem3A_135, %select_n3A_134 : i32
      %select_n3A_143 = arith.select %and3A_142, %add3A, %rem3A_135 : i32
      %mul3A = arith.constant 2 : i32
      %mul3A_144 = arith.muli %select_n3A, %mul3A : i32
      %mul3A_145 = arith.constant 1024 : i32
      %mul3A_146 = arith.muli %mul3A_144, %mul3A_145 : i32
      %mul3A_147 = arith.constant 128 : i32
      %mul3A_148 = arith.muli %select_n3A_143, %mul3A_147 : i32
      %add3A_149 = arith.addi %mul3A_146, %mul3A_148 : i32
      %get3A = arith.index_cast %add3A_149 : i32 to index
      %get3A_150 = arith.constant 0 : index
      %get3A_151 = vector.load %arg1[%get3A, %get3A_150] : memref<4096x256xf32, #tpu.memory_space<vmem>>, vector<128x256xf32>
      %add3A_152 = arith.constant 512 : i32
      %add3A_153 = arith.addi %add3A_149, %add3A_152 : i32
      %get3A_154 = arith.index_cast %add3A_153 : i32 to index
      %get3A_155 = arith.constant 0 : index
      %get3A_156 = vector.load %arg1[%get3A_154, %get3A_155] : memref<4096x256xf32, #tpu.memory_space<vmem>>, vector<128x256xf32>
      %add3A_157 = arith.constant 1024 : i32
      %add3A_158 = arith.addi %add3A_149, %add3A_157 : i32
      %get3A_159 = arith.index_cast %add3A_158 : i32 to index
      %get3A_160 = arith.constant 0 : index
      %get3A_161 = vector.load %arg1[%get3A_159, %get3A_160] : memref<4096x256xf32, #tpu.memory_space<vmem>>, vector<128x256xf32>
      %add3A_162 = arith.constant 1024 : i32
      %add3A_163 = arith.addi %add3A_149, %add3A_162 : i32
      %add3A_164 = arith.constant 512 : i32
      %add3A_165 = arith.addi %add3A_163, %add3A_164 : i32
      %get3A_166 = arith.index_cast %add3A_165 : i32 to index
      %get3A_167 = arith.constant 0 : index
      %get3A_168 = vector.load %arg1[%get3A_166, %get3A_167] : memref<4096x256xf32, #tpu.memory_space<vmem>>, vector<128x256xf32>
      %max3A = arith.maximumf %get3A_151, %get3A_161 : vector<128x256xf32>
      %min3A = arith.minimumf %get3A_151, %get3A_161 : vector<128x256xf32>
      %max3A_169 = arith.maximumf %get3A_156, %get3A_168 : vector<128x256xf32>
      %min3A_170 = arith.minimumf %get3A_156, %get3A_168 : vector<128x256xf32>
      %max3A_171 = arith.maximumf %max3A, %max3A_169 : vector<128x256xf32>
      %min3A_172 = arith.minimumf %max3A, %max3A_169 : vector<128x256xf32>
      %max3A_173 = arith.maximumf %min3A, %min3A_170 : vector<128x256xf32>
      %min3A_174 = arith.minimumf %min3A, %min3A_170 : vector<128x256xf32>
      %swap3A = arith.index_cast %add3A_149 : i32 to index
      %swap3A_175 = arith.constant 0 : index
      %swap3A_176 = vector.load %arg1[%swap3A, %swap3A_175] : memref<4096x256xf32, #tpu.memory_space<vmem>>, vector<128x256xf32>
      tpu.vector_store %arg1[%swap3A, %swap3A_175], %max3A_171 {strides = array<i32>} : memref<4096x256xf32, #tpu.memory_space<vmem>>, vector<128x256xf32>,
      %add3A_177 = arith.constant 512 : i32
      %add3A_178 = arith.addi %add3A_149, %add3A_177 : i32
      %swap3A_179 = arith.index_cast %add3A_178 : i32 to index
      %swap3A_180 = arith.constant 0 : index
      %swap3A_181 = vector.load %arg1[%swap3A_179, %swap3A_180] : memref<4096x256xf32, #tpu.memory_space<vmem>>, vector<128x256xf32>
      tpu.vector_store %arg1[%swap3A_179, %swap3A_180], %min3A_172 {strides = array<i32>} : memref<4096x256xf32, #tpu.memory_space<vmem>>, vector<128x256xf32>,
      %add3A_182 = arith.constant 1024 : i32
      %add3A_183 = arith.addi %add3A_149, %add3A_182 : i32
      %swap3A_184 = arith.index_cast %add3A_183 : i32 to index
      %swap3A_185 = arith.constant 0 : index
      %swap3A_186 = vector.load %arg1[%swap3A_184, %swap3A_185] : memref<4096x256xf32, #tpu.memory_space<vmem>>, vector<128x256xf32>
      tpu.vector_store %arg1[%swap3A_184, %swap3A_185], %max3A_173 {strides = array<i32>} : memref<4096x256xf32, #tpu.memory_space<vmem>>, vector<128x256xf32>,
      %add3A_187 = arith.constant 1024 : i32
      %add3A_188 = arith.addi %add3A_149, %add3A_187 : i32
      %add3A_189 = arith.constant 512 : i32
      %add3A_190 = arith.addi %add3A_188, %add3A_189 : i32
      %swap3A_191 = arith.index_cast %add3A_190 : i32 to index
      %swap3A_192 = arith.constant 0 : index
      %swap3A_193 = vector.load %arg1[%swap3A_191, %swap3A_192] : memref<4096x256xf32, #tpu.memory_space<vmem>>, vector<128x256xf32>
      tpu.vector_store %arg1[%swap3A_191, %swap3A_192], %min3A_174 {strides = array<i32>} : memref<4096x256xf32, #tpu.memory_space<vmem>>, vector<128x256xf32>,
    }
    %scan3A_73 = arith.constant 8 : i32
    %scan3A_74 = arith.constant 0 : i32
    %scan3A_75 = arith.constant 8 : i32
    %scan3A_76 = arith.addi %scan3A_74, %scan3A_75 : i32
    %scan3A_77 = arith.constant 1 : i32
    scf.for %scan3A_114 = %scan3A_74 to %scan3A_76 step %scan3A_77  : i32 {
      %jit3A = arith.constant 1 : i32
      %div3A = arith.divsi %scan3A_114, %jit3A : i32
      %sign3A = arith.constant 0 : i32
      %sign3A_115 = arith.cmpi sgt, %scan3A_114, %sign3A : i32
      %sign3A_116 = arith.extui %sign3A_115 : i1 to i32
      %sign3A_117 = arith.constant 0 : i32
      %sign3A_118 = arith.cmpi slt, %scan3A_114, %sign3A_117 : i32
      %sign3A_119 = arith.extui %sign3A_118 : i1 to i32
      %sign3A_120 = arith.subi %sign3A_116, %sign3A_119 : i32
      %sign3A_121 = arith.constant 0 : i32
      %sign3A_122 = arith.cmpi sgt, %jit3A, %sign3A_121 : i32
      %sign3A_123 = arith.extui %sign3A_122 : i1 to i32
      %sign3A_124 = arith.constant 0 : i32
      %sign3A_125 = arith.cmpi slt, %jit3A, %sign3A_124 : i32
      %sign3A_126 = arith.extui %sign3A_125 : i1 to i32
      %sign3A_127 = arith.subi %sign3A_123, %sign3A_126 : i32
      %ne3A = arith.cmpi ne, %sign3A_120, %sign3A_127 : i32
      %rem3A = arith.remsi %scan3A_114, %jit3A : i32
      %ne3A_128 = arith.constant 0 : i32
      %ne3A_129 = arith.cmpi ne, %rem3A, %ne3A_128 : i32
      %and3A = arith.andi %ne3A, %ne3A_129 : i1
      %sub3A = arith.constant 1 : i32
      %sub3A_130 = arith.subi %div3A, %sub3A : i32
      %select_n3A = arith.select %and3A, %sub3A_130, %div3A : i32
      %jit3A_131 = arith.constant 1 : i32
      %eq3A = arith.constant 0 : i32
      %eq3A_132 = arith.cmpi eq, %jit3A_131, %eq3A : i32
      %jit3A_133 = arith.constant 1 : i32
      %select_n3A_134 = arith.select %eq3A_132, %jit3A_133, %jit3A_131 : i32
      %rem3A_135 = arith.remsi %scan3A_114, %select_n3A_134 : i32
      %ne3A_136 = arith.constant 0 : i32
      %ne3A_137 = arith.cmpi ne, %rem3A_135, %ne3A_136 : i32
      %lt3A = arith.constant 0 : i32
      %lt3A_138 = arith.cmpi slt, %rem3A_135, %lt3A : i32
      %lt3A_139 = arith.constant 0 : i32
      %lt3A_140 = arith.cmpi slt, %select_n3A_134, %lt3A_139 : i32
      %ne3A_141 = arith.xori %lt3A_138, %lt3A_140 : i1
      %and3A_142 = arith.andi %ne3A_141, %ne3A_137 : i1
      %add3A = arith.addi %rem3A_135, %select_n3A_134 : i32
      %select_n3A_143 = arith.select %and3A_142, %add3A, %rem3A_135 : i32
      %mul3A = arith.constant 2 : i32
      %mul3A_144 = arith.muli %select_n3A, %mul3A : i32
      %mul3A_145 = arith.constant 256 : i32
      %mul3A_146 = arith.muli %mul3A_144, %mul3A_145 : i32
      %mul3A_147 = arith.constant 128 : i32
      %mul3A_148 = arith.muli %select_n3A_143, %mul3A_147 : i32
      %add3A_149 = arith.addi %mul3A_146, %mul3A_148 : i32
      %get3A = arith.index_cast %add3A_149 : i32 to index
      %get3A_150 = arith.constant 0 : index
      %get3A_151 = vector.load %arg1[%get3A, %get3A_150] : memref<4096x256xf32, #tpu.memory_space<vmem>>, vector<128x256xf32>
      %add3A_152 = arith.constant 128 : i32
      %add3A_153 = arith.addi %add3A_149, %add3A_152 : i32
      %get3A_154 = arith.index_cast %add3A_153 : i32 to index
      %get3A_155 = arith.constant 0 : index
      %get3A_156 = vector.load %arg1[%get3A_154, %get3A_155] : memref<4096x256xf32, #tpu.memory_space<vmem>>, vector<128x256xf32>
      %add3A_157 = arith.constant 256 : i32
      %add3A_158 = arith.addi %add3A_149, %add3A_157 : i32
      %get3A_159 = arith.index_cast %add3A_158 : i32 to index
      %get3A_160 = arith.constant 0 : index
      %get3A_161 = vector.load %arg1[%get3A_159, %get3A_160] : memref<4096x256xf32, #tpu.memory_space<vmem>>, vector<128x256xf32>
      %add3A_162 = arith.constant 256 : i32
      %add3A_163 = arith.addi %add3A_149, %add3A_162 : i32
      %add3A_164 = arith.constant 128 : i32
      %add3A_165 = arith.addi %add3A_163, %add3A_164 : i32
      %get3A_166 = arith.index_cast %add3A_165 : i32 to index
      %get3A_167 = arith.constant 0 : index
      %get3A_168 = vector.load %arg1[%get3A_166, %get3A_167] : memref<4096x256xf32, #tpu.memory_space<vmem>>, vector<128x256xf32>
      %max3A = arith.maximumf %get3A_151, %get3A_161 : vector<128x256xf32>
      %min3A = arith.minimumf %get3A_151, %get3A_161 : vector<128x256xf32>
      %max3A_169 = arith.maximumf %get3A_156, %get3A_168 : vector<128x256xf32>
      %min3A_170 = arith.minimumf %get3A_156, %get3A_168 : vector<128x256xf32>
      %max3A_171 = arith.maximumf %max3A, %max3A_169 : vector<128x256xf32>
      %min3A_172 = arith.minimumf %max3A, %max3A_169 : vector<128x256xf32>
      %max3A_173 = arith.maximumf %min3A, %min3A_170 : vector<128x256xf32>
      %min3A_174 = arith.minimumf %min3A, %min3A_170 : vector<128x256xf32>
      %swap3A = arith.index_cast %add3A_149 : i32 to index
      %swap3A_175 = arith.constant 0 : index
      %swap3A_176 = vector.load %arg1[%swap3A, %swap3A_175] : memref<4096x256xf32, #tpu.memory_space<vmem>>, vector<128x256xf32>
      tpu.vector_store %arg1[%swap3A, %swap3A_175], %max3A_171 {strides = array<i32>} : memref<4096x256xf32, #tpu.memory_space<vmem>>, vector<128x256xf32>,
      %add3A_177 = arith.constant 128 : i32
      %add3A_178 = arith.addi %add3A_149, %add3A_177 : i32
      %swap3A_179 = arith.index_cast %add3A_178 : i32 to index
      %swap3A_180 = arith.constant 0 : index
      %swap3A_181 = vector.load %arg1[%swap3A_179, %swap3A_180] : memref<4096x256xf32, #tpu.memory_space<vmem>>, vector<128x256xf32>
      tpu.vector_store %arg1[%swap3A_179, %swap3A_180], %min3A_172 {strides = array<i32>} : memref<4096x256xf32, #tpu.memory_space<vmem>>, vector<128x256xf32>,
      %add3A_182 = arith.constant 256 : i32
      %add3A_183 = arith.addi %add3A_149, %add3A_182 : i32
      %swap3A_184 = arith.index_cast %add3A_183 : i32 to index
      %swap3A_185 = arith.constant 0 : index
      %swap3A_186 = vector.load %arg1[%swap3A_184, %swap3A_185] : memref<4096x256xf32, #tpu.memory_space<vmem>>, vector<128x256xf32>
      tpu.vector_store %arg1[%swap3A_184, %swap3A_185], %max3A_173 {strides = array<i32>} : memref<4096x256xf32, #tpu.memory_space<vmem>>, vector<128x256xf32>,
      %add3A_187 = arith.constant 256 : i32
      %add3A_188 = arith.addi %add3A_149, %add3A_187 : i32
      %add3A_189 = arith.constant 128 : i32
      %add3A_190 = arith.addi %add3A_188, %add3A_189 : i32
      %swap3A_191 = arith.index_cast %add3A_190 : i32 to index
      %swap3A_192 = arith.constant 0 : index
      %swap3A_193 = vector.load %arg1[%swap3A_191, %swap3A_192] : memref<4096x256xf32, #tpu.memory_space<vmem>>, vector<128x256xf32>
      tpu.vector_store %arg1[%swap3A_191, %swap3A_192], %min3A_174 {strides = array<i32>} : memref<4096x256xf32, #tpu.memory_space<vmem>>, vector<128x256xf32>,
    }
    %scan3A_78 = arith.constant 8 : i32
    %scan3A_79 = arith.constant 0 : i32
    %scan3A_80 = arith.constant 16 : i32
    %scan3A_81 = arith.addi %scan3A_79, %scan3A_80 : i32
    %scan3A_82 = arith.constant 1 : i32
    scf.for %scan3A_114 = %scan3A_79 to %scan3A_81 step %scan3A_82  : i32 {
      %and3A = arith.constant 15 : i32
      %and3A_115 = arith.andi %scan3A_114, %and3A : i32
      %shift_right_arithmetic3A = arith.constant 4 : i32
      %shift_right_arithmetic3A_116 = arith.shrsi %scan3A_114, %shift_right_arithmetic3A : i32
      %mul3A = arith.constant 2 : i32
      %mul3A_117 = arith.muli %shift_right_arithmetic3A_116, %mul3A : i32
      %mul3A_118 = arith.constant 16 : i32
      %mul3A_119 = arith.muli %mul3A_117, %mul3A_118 : i32
      %or3A = arith.ori %mul3A_119, %and3A_115 : i32
      %add3A = arith.constant 16 : i32
      %add3A_120 = arith.addi %or3A, %add3A : i32
      %mul3A_121 = arith.constant 128 : i32
      %mul3A_122 = arith.muli %or3A, %mul3A_121 : i32
      %get3A = arith.index_cast %mul3A_122 : i32 to index
      %get3A_123 = arith.constant 0 : index
      %get3A_124 = vector.load %arg1[%get3A, %get3A_123] : memref<4096x256xf32, #tpu.memory_space<vmem>>, vector<128x256xf32>
      %slice3A = vector.extract_strided_slice %get3A_124 {offsets = [0, 0], sizes = [8, 256], strides = [1, 1]} : vector<128x256xf32> to vector<8x256xf32>
      %slice3A_125 = vector.extract_strided_slice %get3A_124 {offsets = [8, 0], sizes = [8, 256], strides = [1, 1]} : vector<128x256xf32> to vector<8x256xf32>
      %max3A = arith.maximumf %slice3A, %slice3A_125 : vector<8x256xf32>
      %min3A = arith.minimumf %slice3A, %slice3A_125 : vector<8x256xf32>
      %slice3A_126 = vector.extract_strided_slice %get3A_124 {offsets = [16, 0], sizes = [8, 256], strides = [1, 1]} : vector<128x256xf32> to vector<8x256xf32>
      %slice3A_127 = vector.extract_strided_slice %get3A_124 {offsets = [24, 0], sizes = [8, 256], strides = [1, 1]} : vector<128x256xf32> to vector<8x256xf32>
      %max3A_128 = arith.maximumf %slice3A_126, %slice3A_127 : vector<8x256xf32>
      %min3A_129 = arith.minimumf %slice3A_126, %slice3A_127 : vector<8x256xf32>
      %slice3A_130 = vector.extract_strided_slice %get3A_124 {offsets = [32, 0], sizes = [8, 256], strides = [1, 1]} : vector<128x256xf32> to vector<8x256xf32>
      %slice3A_131 = vector.extract_strided_slice %get3A_124 {offsets = [40, 0], sizes = [8, 256], strides = [1, 1]} : vector<128x256xf32> to vector<8x256xf32>
      %max3A_132 = arith.maximumf %slice3A_130, %slice3A_131 : vector<8x256xf32>
      %min3A_133 = arith.minimumf %slice3A_130, %slice3A_131 : vector<8x256xf32>
      %slice3A_134 = vector.extract_strided_slice %get3A_124 {offsets = [48, 0], sizes = [8, 256], strides = [1, 1]} : vector<128x256xf32> to vector<8x256xf32>
      %slice3A_135 = vector.extract_strided_slice %get3A_124 {offsets = [56, 0], sizes = [8, 256], strides = [1, 1]} : vector<128x256xf32> to vector<8x256xf32>
      %max3A_136 = arith.maximumf %slice3A_134, %slice3A_135 : vector<8x256xf32>
      %min3A_137 = arith.minimumf %slice3A_134, %slice3A_135 : vector<8x256xf32>
      %slice3A_138 = vector.extract_strided_slice %get3A_124 {offsets = [64, 0], sizes = [8, 256], strides = [1, 1]} : vector<128x256xf32> to vector<8x256xf32>
      %slice3A_139 = vector.extract_strided_slice %get3A_124 {offsets = [72, 0], sizes = [8, 256], strides = [1, 1]} : vector<128x256xf32> to vector<8x256xf32>
      %max3A_140 = arith.maximumf %slice3A_138, %slice3A_139 : vector<8x256xf32>
      %min3A_141 = arith.minimumf %slice3A_138, %slice3A_139 : vector<8x256xf32>
      %slice3A_142 = vector.extract_strided_slice %get3A_124 {offsets = [80, 0], sizes = [8, 256], strides = [1, 1]} : vector<128x256xf32> to vector<8x256xf32>
      %slice3A_143 = vector.extract_strided_slice %get3A_124 {offsets = [88, 0], sizes = [8, 256], strides = [1, 1]} : vector<128x256xf32> to vector<8x256xf32>
      %max3A_144 = arith.maximumf %slice3A_142, %slice3A_143 : vector<8x256xf32>
      %min3A_145 = arith.minimumf %slice3A_142, %slice3A_143 : vector<8x256xf32>
      %slice3A_146 = vector.extract_strided_slice %get3A_124 {offsets = [96, 0], sizes = [8, 256], strides = [1, 1]} : vector<128x256xf32> to vector<8x256xf32>
      %slice3A_147 = vector.extract_strided_slice %get3A_124 {offsets = [104, 0], sizes = [8, 256], strides = [1, 1]} : vector<128x256xf32> to vector<8x256xf32>
      %max3A_148 = arith.maximumf %slice3A_146, %slice3A_147 : vector<8x256xf32>
      %min3A_149 = arith.minimumf %slice3A_146, %slice3A_147 : vector<8x256xf32>
      %slice3A_150 = vector.extract_strided_slice %get3A_124 {offsets = [112, 0], sizes = [8, 256], strides = [1, 1]} : vector<128x256xf32> to vector<8x256xf32>
      %slice3A_151 = vector.extract_strided_slice %get3A_124 {offsets = [120, 0], sizes = [8, 256], strides = [1, 1]} : vector<128x256xf32> to vector<8x256xf32>
      %max3A_152 = arith.maximumf %slice3A_150, %slice3A_151 : vector<8x256xf32>
      %min3A_153 = arith.minimumf %slice3A_150, %slice3A_151 : vector<8x256xf32>
      %concatenate3A = tpu.concatenate %max3A, %min3A, %max3A_128, %min3A_129, %max3A_132, %min3A_133, %max3A_136, %min3A_137, %max3A_140, %min3A_141, %max3A_144, %min3A_145, %max3A_148, %min3A_149, %max3A_152, %min3A_153 in 0 : vector<8x256xf32>, vector<8x256xf32>, vector<8x256xf32>, vector<8x256xf32>, vector<8x256xf32>, vector<8x256xf32>, vector<8x256xf32>, vector<8x256xf32>, vector<8x256xf32>, vector<8x256xf32>, vector<8x256xf32>, vector<8x256xf32>, vector<8x256xf32>, vector<8x256xf32>, vector<8x256xf32>, vector<8x256xf32> -> vector<128x256xf32>
      %slice3A_154 = vector.extract_strided_slice %concatenate3A {offsets = [0, 0], sizes = [16, 256], strides = [1, 1]} : vector<128x256xf32> to vector<16x256xf32>
      %slice3A_155 = vector.extract_strided_slice %concatenate3A {offsets = [16, 0], sizes = [16, 256], strides = [1, 1]} : vector<128x256xf32> to vector<16x256xf32>
      %max3A_156 = arith.maximumf %slice3A_154, %slice3A_155 : vector<16x256xf32>
      %min3A_157 = arith.minimumf %slice3A_154, %slice3A_155 : vector<16x256xf32>
      %slice3A_158 = vector.extract_strided_slice %concatenate3A {offsets = [32, 0], sizes = [16, 256], strides = [1, 1]} : vector<128x256xf32> to vector<16x256xf32>
      %slice3A_159 = vector.extract_strided_slice %concatenate3A {offsets = [48, 0], sizes = [16, 256], strides = [1, 1]} : vector<128x256xf32> to vector<16x256xf32>
      %max3A_160 = arith.maximumf %slice3A_158, %slice3A_159 : vector<16x256xf32>
      %min3A_161 = arith.minimumf %slice3A_158, %slice3A_159 : vector<16x256xf32>
      %slice3A_162 = vector.extract_strided_slice %concatenate3A {offsets = [64, 0], sizes = [16, 256], strides = [1, 1]} : vector<128x256xf32> to vector<16x256xf32>
      %slice3A_163 = vector.extract_strided_slice %concatenate3A {offsets = [80, 0], sizes = [16, 256], strides = [1, 1]} : vector<128x256xf32> to vector<16x256xf32>
      %max3A_164 = arith.maximumf %slice3A_162, %slice3A_163 : vector<16x256xf32>
      %min3A_165 = arith.minimumf %slice3A_162, %slice3A_163 : vector<16x256xf32>
      %slice3A_166 = vector.extract_strided_slice %concatenate3A {offsets = [96, 0], sizes = [16, 256], strides = [1, 1]} : vector<128x256xf32> to vector<16x256xf32>
      %slice3A_167 = vector.extract_strided_slice %concatenate3A {offsets = [112, 0], sizes = [16, 256], strides = [1, 1]} : vector<128x256xf32> to vector<16x256xf32>
      %max3A_168 = arith.maximumf %slice3A_166, %slice3A_167 : vector<16x256xf32>
      %min3A_169 = arith.minimumf %slice3A_166, %slice3A_167 : vector<16x256xf32>
      %concatenate3A_170 = tpu.concatenate %max3A_156, %min3A_157, %max3A_160, %min3A_161, %max3A_164, %min3A_165, %max3A_168, %min3A_169 in 0 : vector<16x256xf32>, vector<16x256xf32>, vector<16x256xf32>, vector<16x256xf32>, vector<16x256xf32>, vector<16x256xf32>, vector<16x256xf32>, vector<16x256xf32> -> vector<128x256xf32>
      %slice3A_171 = vector.extract_strided_slice %concatenate3A_170 {offsets = [0, 0], sizes = [32, 256], strides = [1, 1]} : vector<128x256xf32> to vector<32x256xf32>
      %slice3A_172 = vector.extract_strided_slice %concatenate3A_170 {offsets = [32, 0], sizes = [32, 256], strides = [1, 1]} : vector<128x256xf32> to vector<32x256xf32>
      %max3A_173 = arith.maximumf %slice3A_171, %slice3A_172 : vector<32x256xf32>
      %min3A_174 = arith.minimumf %slice3A_171, %slice3A_172 : vector<32x256xf32>
      %slice3A_175 = vector.extract_strided_slice %concatenate3A_170 {offsets = [64, 0], sizes = [32, 256], strides = [1, 1]} : vector<128x256xf32> to vector<32x256xf32>
      %slice3A_176 = vector.extract_strided_slice %concatenate3A_170 {offsets = [96, 0], sizes = [32, 256], strides = [1, 1]} : vector<128x256xf32> to vector<32x256xf32>
      %max3A_177 = arith.maximumf %slice3A_175, %slice3A_176 : vector<32x256xf32>
      %min3A_178 = arith.minimumf %slice3A_175, %slice3A_176 : vector<32x256xf32>
      %concatenate3A_179 = tpu.concatenate %max3A_173, %min3A_174, %max3A_177, %min3A_178 in 0 : vector<32x256xf32>, vector<32x256xf32>, vector<32x256xf32>, vector<32x256xf32> -> vector<128x256xf32>
      %slice3A_180 = vector.extract_strided_slice %concatenate3A_179 {offsets = [0, 0], sizes = [64, 256], strides = [1, 1]} : vector<128x256xf32> to vector<64x256xf32>
      %slice3A_181 = vector.extract_strided_slice %concatenate3A_179 {offsets = [64, 0], sizes = [64, 256], strides = [1, 1]} : vector<128x256xf32> to vector<64x256xf32>
      %max3A_182 = arith.maximumf %slice3A_180, %slice3A_181 : vector<64x256xf32>
      %min3A_183 = arith.minimumf %slice3A_180, %slice3A_181 : vector<64x256xf32>
      %concatenate3A_184 = tpu.concatenate %max3A_182, %min3A_183 in 0 : vector<64x256xf32>, vector<64x256xf32> -> vector<128x256xf32>
      %iota3A = tpu.iota {dimensions = array<i32: 0>} : vector<128x1xi32>
      %and3A_185 = arith.constant 1 : i32
      %and3A_186 = vector.broadcast %and3A_185 : i32 to vector<128x1xi32>
      %and3A_187 = arith.andi %iota3A, %and3A_186 : vector<128x1xi32>
      %shift_right_arithmetic3A_188 = arith.constant 4 : i32
      %shift_right_arithmetic3A_189 = vector.broadcast %shift_right_arithmetic3A_188 : i32 to vector<128x1xi32>
      %shift_right_arithmetic3A_190 = arith.shrsi %and3A_187, %shift_right_arithmetic3A_189 : vector<128x1xi32>
      %xor3A = arith.xori %and3A_187, %shift_right_arithmetic3A_190 : vector<128x1xi32>
      %shift_right_arithmetic3A_191 = arith.constant 1 : i32
      %shift_right_arithmetic3A_192 = vector.broadcast %shift_right_arithmetic3A_191 : i32 to vector<128x1xi32>
      %shift_right_arithmetic3A_193 = arith.shrsi %xor3A, %shift_right_arithmetic3A_192 : vector<128x1xi32>
      %xor3A_194 = arith.xori %xor3A, %shift_right_arithmetic3A_193 : vector<128x1xi32>
      %shift_right_arithmetic3A_195 = arith.constant 2 : i32
      %shift_right_arithmetic3A_196 = vector.broadcast %shift_right_arithmetic3A_195 : i32 to vector<128x1xi32>
      %shift_right_arithmetic3A_197 = arith.shrsi %xor3A, %shift_right_arithmetic3A_196 : vector<128x1xi32>
      %xor3A_198 = arith.xori %xor3A_194, %shift_right_arithmetic3A_197 : vector<128x1xi32>
      %shift_right_arithmetic3A_199 = arith.constant 3 : i32
      %shift_right_arithmetic3A_200 = vector.broadcast %shift_right_arithmetic3A_199 : i32 to vector<128x1xi32>
      %shift_right_arithmetic3A_201 = arith.shrsi %xor3A, %shift_right_arithmetic3A_200 : vector<128x1xi32>
      %xor3A_202 = arith.xori %xor3A_198, %shift_right_arithmetic3A_201 : vector<128x1xi32>
      %and3A_203 = arith.constant 1 : i32
      %and3A_204 = vector.broadcast %and3A_203 : i32 to vector<128x1xi32>
      %and3A_205 = arith.andi %xor3A_202, %and3A_204 : vector<128x1xi32>
      %ne3A = arith.constant 0 : i32
      %ne3A_206 = vector.broadcast %ne3A : i32 to vector<128x1xi32>
      %ne3A_207 = arith.cmpi ne, %and3A_205, %ne3A_206 : vector<128x1xi32>
      %jit3A = arith.constant -1.000000e+00 : f32
      %jit3A_208 = arith.constant 1.000000e+00 : f32
      %broadcast_in_dim3A = vector.broadcast %jit3A : f32 to vector<128x1xf32>
      %broadcast_in_dim3A_209 = vector.broadcast %jit3A_208 : f32 to vector<128x1xf32>
      %select_n3A = arith.select %ne3A_207, %broadcast_in_dim3A, %broadcast_in_dim3A_209 : vector<128x1xi1>, vector<128x1xf32>
      %mul3A_210 = vector.broadcast %select_n3A : vector<128x1xf32> to vector<128x256xf32>
      %mul3A_211 = arith.mulf %concatenate3A_184, %mul3A_210 : vector<128x256xf32>
      %iota3A_212 = tpu.iota {dimensions = array<i32: 0>} : vector<128x1xi32>
      %and3A_213 = arith.constant 1 : i32
      %and3A_214 = vector.broadcast %and3A_213 : i32 to vector<128x1xi32>
      %and3A_215 = arith.andi %iota3A_212, %and3A_214 : vector<128x1xi32>
      %ne3A_216 = arith.constant 0 : i32
      %ne3A_217 = vector.broadcast %ne3A_216 : i32 to vector<128x1xi32>
      %ne3A_218 = arith.cmpi ne, %and3A_215, %ne3A_217 : vector<128x1xi32>
      %not3A = arith.constant dense<true> : vector<128x1xi1>
      %not3A_219 = arith.xori %ne3A_218, %not3A : vector<128x1xi1>
      %roll3A = arith.constant 127 : i32
      %roll3A_220 = tpu.dynamic_rotate %mul3A_211 by %roll3A dim 0 : vector<128x256xf32>, i32 -> vector<128x256xf32>
      %roll3A_221 = arith.constant 1 : i32
      %roll3A_222 = tpu.dynamic_rotate %mul3A_211 by %roll3A_221 dim 0 : vector<128x256xf32>, i32 -> vector<128x256xf32>
      %broadcast_in_dim3A_223 = vector.shape_cast %ne3A_218 : vector<128x1xi1> to vector<128x1xi1>
      %broadcast_in_dim3A_224 = vector.broadcast %broadcast_in_dim3A_223 : vector<128x1xi1> to vector<128x256xi1>
      %select_n3A_225 = arith.select %broadcast_in_dim3A_224, %roll3A_222, %roll3A_220 : vector<128x256xi1>, vector<128x256xf32>
      %max3A_226 = arith.maximumf %mul3A_211, %select_n3A_225 : vector<128x256xf32>
      %min3A_227 = arith.minimumf %mul3A_211, %select_n3A_225 : vector<128x256xf32>
      %broadcast_in_dim3A_228 = vector.shape_cast %not3A_219 : vector<128x1xi1> to vector<128x1xi1>
      %broadcast_in_dim3A_229 = vector.broadcast %broadcast_in_dim3A_228 : vector<128x1xi1> to vector<128x256xi1>
      %select_n3A_230 = arith.select %broadcast_in_dim3A_229, %max3A_226, %min3A_227 : vector<128x256xi1>, vector<128x256xf32>
      %iota3A_231 = tpu.iota {dimensions = array<i32: 0>} : vector<128x1xi32>
      %and3A_232 = arith.constant 2 : i32
      %and3A_233 = vector.broadcast %and3A_232 : i32 to vector<128x1xi32>
      %and3A_234 = arith.andi %iota3A_231, %and3A_233 : vector<128x1xi32>
      %ne3A_235 = arith.constant 0 : i32
      %ne3A_236 = vector.broadcast %ne3A_235 : i32 to vector<128x1xi32>
      %ne3A_237 = arith.cmpi ne, %and3A_234, %ne3A_236 : vector<128x1xi32>
      %not3A_238 = arith.constant dense<true> : vector<128x1xi1>
      %not3A_239 = arith.xori %ne3A_237, %not3A_238 : vector<128x1xi1>
      %roll3A_240 = arith.constant 126 : i32
      %roll3A_241 = tpu.dynamic_rotate %select_n3A_230 by %roll3A_240 dim 0 : vector<128x256xf32>, i32 -> vector<128x256xf32>
      %roll3A_242 = arith.constant 2 : i32
      %roll3A_243 = tpu.dynamic_rotate %select_n3A_230 by %roll3A_242 dim 0 : vector<128x256xf32>, i32 -> vector<128x256xf32>
      %broadcast_in_dim3A_244 = vector.shape_cast %ne3A_237 : vector<128x1xi1> to vector<128x1xi1>
      %broadcast_in_dim3A_245 = vector.broadcast %broadcast_in_dim3A_244 : vector<128x1xi1> to vector<128x256xi1>
      %select_n3A_246 = arith.select %broadcast_in_dim3A_245, %roll3A_243, %roll3A_241 : vector<128x256xi1>, vector<128x256xf32>
      %max3A_247 = arith.maximumf %select_n3A_230, %select_n3A_246 : vector<128x256xf32>
      %min3A_248 = arith.minimumf %select_n3A_230, %select_n3A_246 : vector<128x256xf32>
      %broadcast_in_dim3A_249 = vector.shape_cast %not3A_239 : vector<128x1xi1> to vector<128x1xi1>
      %broadcast_in_dim3A_250 = vector.broadcast %broadcast_in_dim3A_249 : vector<128x1xi1> to vector<128x256xi1>
      %select_n3A_251 = arith.select %broadcast_in_dim3A_250, %max3A_247, %min3A_248 : vector<128x256xi1>, vector<128x256xf32>
      %iota3A_252 = tpu.iota {dimensions = array<i32: 0>} : vector<128x1xi32>
      %and3A_253 = arith.constant 4 : i32
      %and3A_254 = vector.broadcast %and3A_253 : i32 to vector<128x1xi32>
      %and3A_255 = arith.andi %iota3A_252, %and3A_254 : vector<128x1xi32>
      %ne3A_256 = arith.constant 0 : i32
      %ne3A_257 = vector.broadcast %ne3A_256 : i32 to vector<128x1xi32>
      %ne3A_258 = arith.cmpi ne, %and3A_255, %ne3A_257 : vector<128x1xi32>
      %not3A_259 = arith.constant dense<true> : vector<128x1xi1>
      %not3A_260 = arith.xori %ne3A_258, %not3A_259 : vector<128x1xi1>
      %roll3A_261 = arith.constant 124 : i32
      %roll3A_262 = tpu.dynamic_rotate %select_n3A_251 by %roll3A_261 dim 0 : vector<128x256xf32>, i32 -> vector<128x256xf32>
      %roll3A_263 = arith.constant 4 : i32
      %roll3A_264 = tpu.dynamic_rotate %select_n3A_251 by %roll3A_263 dim 0 : vector<128x256xf32>, i32 -> vector<128x256xf32>
      %broadcast_in_dim3A_265 = vector.shape_cast %ne3A_258 : vector<128x1xi1> to vector<128x1xi1>
      %broadcast_in_dim3A_266 = vector.broadcast %broadcast_in_dim3A_265 : vector<128x1xi1> to vector<128x256xi1>
      %select_n3A_267 = arith.select %broadcast_in_dim3A_266, %roll3A_264, %roll3A_262 : vector<128x256xi1>, vector<128x256xf32>
      %max3A_268 = arith.maximumf %select_n3A_251, %select_n3A_267 : vector<128x256xf32>
      %min3A_269 = arith.minimumf %select_n3A_251, %select_n3A_267 : vector<128x256xf32>
      %broadcast_in_dim3A_270 = vector.shape_cast %not3A_260 : vector<128x1xi1> to vector<128x1xi1>
      %broadcast_in_dim3A_271 = vector.broadcast %broadcast_in_dim3A_270 : vector<128x1xi1> to vector<128x256xi1>
      %select_n3A_272 = arith.select %broadcast_in_dim3A_271, %max3A_268, %min3A_269 : vector<128x256xi1>, vector<128x256xf32>
      %swap3A = arith.index_cast %mul3A_122 : i32 to index
      %swap3A_273 = arith.constant 0 : index
      %swap3A_274 = vector.load %arg1[%swap3A, %swap3A_273] : memref<4096x256xf32, #tpu.memory_space<vmem>>, vector<128x256xf32>
      tpu.vector_store %arg1[%swap3A, %swap3A_273], %select_n3A_272 {strides = array<i32>} : memref<4096x256xf32, #tpu.memory_space<vmem>>, vector<128x256xf32>,
      %mul3A_275 = arith.constant 128 : i32
      %mul3A_276 = arith.muli %add3A_120, %mul3A_275 : i32
      %get3A_277 = arith.index_cast %mul3A_276 : i32 to index
      %get3A_278 = arith.constant 0 : index
      %get3A_279 = vector.load %arg1[%get3A_277, %get3A_278] : memref<4096x256xf32, #tpu.memory_space<vmem>>, vector<128x256xf32>
      %slice3A_280 = vector.extract_strided_slice %get3A_279 {offsets = [0, 0], sizes = [8, 256], strides = [1, 1]} : vector<128x256xf32> to vector<8x256xf32>
      %slice3A_281 = vector.extract_strided_slice %get3A_279 {offsets = [8, 0], sizes = [8, 256], strides = [1, 1]} : vector<128x256xf32> to vector<8x256xf32>
      %max3A_282 = arith.maximumf %slice3A_280, %slice3A_281 : vector<8x256xf32>
      %min3A_283 = arith.minimumf %slice3A_280, %slice3A_281 : vector<8x256xf32>
      %slice3A_284 = vector.extract_strided_slice %get3A_279 {offsets = [16, 0], sizes = [8, 256], strides = [1, 1]} : vector<128x256xf32> to vector<8x256xf32>
      %slice3A_285 = vector.extract_strided_slice %get3A_279 {offsets = [24, 0], sizes = [8, 256], strides = [1, 1]} : vector<128x256xf32> to vector<8x256xf32>
      %max3A_286 = arith.maximumf %slice3A_284, %slice3A_285 : vector<8x256xf32>
      %min3A_287 = arith.minimumf %slice3A_284, %slice3A_285 : vector<8x256xf32>
      %slice3A_288 = vector.extract_strided_slice %get3A_279 {offsets = [32, 0], sizes = [8, 256], strides = [1, 1]} : vector<128x256xf32> to vector<8x256xf32>
      %slice3A_289 = vector.extract_strided_slice %get3A_279 {offsets = [40, 0], sizes = [8, 256], strides = [1, 1]} : vector<128x256xf32> to vector<8x256xf32>
      %max3A_290 = arith.maximumf %slice3A_288, %slice3A_289 : vector<8x256xf32>
      %min3A_291 = arith.minimumf %slice3A_288, %slice3A_289 : vector<8x256xf32>
      %slice3A_292 = vector.extract_strided_slice %get3A_279 {offsets = [48, 0], sizes = [8, 256], strides = [1, 1]} : vector<128x256xf32> to vector<8x256xf32>
      %slice3A_293 = vector.extract_strided_slice %get3A_279 {offsets = [56, 0], sizes = [8, 256], strides = [1, 1]} : vector<128x256xf32> to vector<8x256xf32>
      %max3A_294 = arith.maximumf %slice3A_292, %slice3A_293 : vector<8x256xf32>
      %min3A_295 = arith.minimumf %slice3A_292, %slice3A_293 : vector<8x256xf32>
      %slice3A_296 = vector.extract_strided_slice %get3A_279 {offsets = [64, 0], sizes = [8, 256], strides = [1, 1]} : vector<128x256xf32> to vector<8x256xf32>
      %slice3A_297 = vector.extract_strided_slice %get3A_279 {offsets = [72, 0], sizes = [8, 256], strides = [1, 1]} : vector<128x256xf32> to vector<8x256xf32>
      %max3A_298 = arith.maximumf %slice3A_296, %slice3A_297 : vector<8x256xf32>
      %min3A_299 = arith.minimumf %slice3A_296, %slice3A_297 : vector<8x256xf32>
      %slice3A_300 = vector.extract_strided_slice %get3A_279 {offsets = [80, 0], sizes = [8, 256], strides = [1, 1]} : vector<128x256xf32> to vector<8x256xf32>
      %slice3A_301 = vector.extract_strided_slice %get3A_279 {offsets = [88, 0], sizes = [8, 256], strides = [1, 1]} : vector<128x256xf32> to vector<8x256xf32>
      %max3A_302 = arith.maximumf %slice3A_300, %slice3A_301 : vector<8x256xf32>
      %min3A_303 = arith.minimumf %slice3A_300, %slice3A_301 : vector<8x256xf32>
      %slice3A_304 = vector.extract_strided_slice %get3A_279 {offsets = [96, 0], sizes = [8, 256], strides = [1, 1]} : vector<128x256xf32> to vector<8x256xf32>
      %slice3A_305 = vector.extract_strided_slice %get3A_279 {offsets = [104, 0], sizes = [8, 256], strides = [1, 1]} : vector<128x256xf32> to vector<8x256xf32>
      %max3A_306 = arith.maximumf %slice3A_304, %slice3A_305 : vector<8x256xf32>
      %min3A_307 = arith.minimumf %slice3A_304, %slice3A_305 : vector<8x256xf32>
      %slice3A_308 = vector.extract_strided_slice %get3A_279 {offsets = [112, 0], sizes = [8, 256], strides = [1, 1]} : vector<128x256xf32> to vector<8x256xf32>
      %slice3A_309 = vector.extract_strided_slice %get3A_279 {offsets = [120, 0], sizes = [8, 256], strides = [1, 1]} : vector<128x256xf32> to vector<8x256xf32>
      %max3A_310 = arith.maximumf %slice3A_308, %slice3A_309 : vector<8x256xf32>
      %min3A_311 = arith.minimumf %slice3A_308, %slice3A_309 : vector<8x256xf32>
      %concatenate3A_312 = tpu.concatenate %max3A_282, %min3A_283, %max3A_286, %min3A_287, %max3A_290, %min3A_291, %max3A_294, %min3A_295, %max3A_298, %min3A_299, %max3A_302, %min3A_303, %max3A_306, %min3A_307, %max3A_310, %min3A_311 in 0 : vector<8x256xf32>, vector<8x256xf32>, vector<8x256xf32>, vector<8x256xf32>, vector<8x256xf32>, vector<8x256xf32>, vector<8x256xf32>, vector<8x256xf32>, vector<8x256xf32>, vector<8x256xf32>, vector<8x256xf32>, vector<8x256xf32>, vector<8x256xf32>, vector<8x256xf32>, vector<8x256xf32>, vector<8x256xf32> -> vector<128x256xf32>
      %slice3A_313 = vector.extract_strided_slice %concatenate3A_312 {offsets = [0, 0], sizes = [16, 256], strides = [1, 1]} : vector<128x256xf32> to vector<16x256xf32>
      %slice3A_314 = vector.extract_strided_slice %concatenate3A_312 {offsets = [16, 0], sizes = [16, 256], strides = [1, 1]} : vector<128x256xf32> to vector<16x256xf32>
      %max3A_315 = arith.maximumf %slice3A_313, %slice3A_314 : vector<16x256xf32>
      %min3A_316 = arith.minimumf %slice3A_313, %slice3A_314 : vector<16x256xf32>
      %slice3A_317 = vector.extract_strided_slice %concatenate3A_312 {offsets = [32, 0], sizes = [16, 256], strides = [1, 1]} : vector<128x256xf32> to vector<16x256xf32>
      %slice3A_318 = vector.extract_strided_slice %concatenate3A_312 {offsets = [48, 0], sizes = [16, 256], strides = [1, 1]} : vector<128x256xf32> to vector<16x256xf32>
      %max3A_319 = arith.maximumf %slice3A_317, %slice3A_318 : vector<16x256xf32>
      %min3A_320 = arith.minimumf %slice3A_317, %slice3A_318 : vector<16x256xf32>
      %slice3A_321 = vector.extract_strided_slice %concatenate3A_312 {offsets = [64, 0], sizes = [16, 256], strides = [1, 1]} : vector<128x256xf32> to vector<16x256xf32>
      %slice3A_322 = vector.extract_strided_slice %concatenate3A_312 {offsets = [80, 0], sizes = [16, 256], strides = [1, 1]} : vector<128x256xf32> to vector<16x256xf32>
      %max3A_323 = arith.maximumf %slice3A_321, %slice3A_322 : vector<16x256xf32>
      %min3A_324 = arith.minimumf %slice3A_321, %slice3A_322 : vector<16x256xf32>
      %slice3A_325 = vector.extract_strided_slice %concatenate3A_312 {offsets = [96, 0], sizes = [16, 256], strides = [1, 1]} : vector<128x256xf32> to vector<16x256xf32>
      %slice3A_326 = vector.extract_strided_slice %concatenate3A_312 {offsets = [112, 0], sizes = [16, 256], strides = [1, 1]} : vector<128x256xf32> to vector<16x256xf32>
      %max3A_327 = arith.maximumf %slice3A_325, %slice3A_326 : vector<16x256xf32>
      %min3A_328 = arith.minimumf %slice3A_325, %slice3A_326 : vector<16x256xf32>
      %concatenate3A_329 = tpu.concatenate %max3A_315, %min3A_316, %max3A_319, %min3A_320, %max3A_323, %min3A_324, %max3A_327, %min3A_328 in 0 : vector<16x256xf32>, vector<16x256xf32>, vector<16x256xf32>, vector<16x256xf32>, vector<16x256xf32>, vector<16x256xf32>, vector<16x256xf32>, vector<16x256xf32> -> vector<128x256xf32>
      %slice3A_330 = vector.extract_strided_slice %concatenate3A_329 {offsets = [0, 0], sizes = [32, 256], strides = [1, 1]} : vector<128x256xf32> to vector<32x256xf32>
      %slice3A_331 = vector.extract_strided_slice %concatenate3A_329 {offsets = [32, 0], sizes = [32, 256], strides = [1, 1]} : vector<128x256xf32> to vector<32x256xf32>
      %max3A_332 = arith.maximumf %slice3A_330, %slice3A_331 : vector<32x256xf32>
      %min3A_333 = arith.minimumf %slice3A_330, %slice3A_331 : vector<32x256xf32>
      %slice3A_334 = vector.extract_strided_slice %concatenate3A_329 {offsets = [64, 0], sizes = [32, 256], strides = [1, 1]} : vector<128x256xf32> to vector<32x256xf32>
      %slice3A_335 = vector.extract_strided_slice %concatenate3A_329 {offsets = [96, 0], sizes = [32, 256], strides = [1, 1]} : vector<128x256xf32> to vector<32x256xf32>
      %max3A_336 = arith.maximumf %slice3A_334, %slice3A_335 : vector<32x256xf32>
      %min3A_337 = arith.minimumf %slice3A_334, %slice3A_335 : vector<32x256xf32>
      %concatenate3A_338 = tpu.concatenate %max3A_332, %min3A_333, %max3A_336, %min3A_337 in 0 : vector<32x256xf32>, vector<32x256xf32>, vector<32x256xf32>, vector<32x256xf32> -> vector<128x256xf32>
      %slice3A_339 = vector.extract_strided_slice %concatenate3A_338 {offsets = [0, 0], sizes = [64, 256], strides = [1, 1]} : vector<128x256xf32> to vector<64x256xf32>
      %slice3A_340 = vector.extract_strided_slice %concatenate3A_338 {offsets = [64, 0], sizes = [64, 256], strides = [1, 1]} : vector<128x256xf32> to vector<64x256xf32>
      %max3A_341 = arith.maximumf %slice3A_339, %slice3A_340 : vector<64x256xf32>
      %min3A_342 = arith.minimumf %slice3A_339, %slice3A_340 : vector<64x256xf32>
      %concatenate3A_343 = tpu.concatenate %max3A_341, %min3A_342 in 0 : vector<64x256xf32>, vector<64x256xf32> -> vector<128x256xf32>
      %iota3A_344 = tpu.iota {dimensions = array<i32: 0>} : vector<128x1xi32>
      %and3A_345 = arith.constant 1 : i32
      %and3A_346 = vector.broadcast %and3A_345 : i32 to vector<128x1xi32>
      %and3A_347 = arith.andi %iota3A_344, %and3A_346 : vector<128x1xi32>
      %shift_right_arithmetic3A_348 = arith.constant 4 : i32
      %shift_right_arithmetic3A_349 = vector.broadcast %shift_right_arithmetic3A_348 : i32 to vector<128x1xi32>
      %shift_right_arithmetic3A_350 = arith.shrsi %and3A_347, %shift_right_arithmetic3A_349 : vector<128x1xi32>
      %xor3A_351 = arith.xori %and3A_347, %shift_right_arithmetic3A_350 : vector<128x1xi32>
      %shift_right_arithmetic3A_352 = arith.constant 1 : i32
      %shift_right_arithmetic3A_353 = vector.broadcast %shift_right_arithmetic3A_352 : i32 to vector<128x1xi32>
      %shift_right_arithmetic3A_354 = arith.shrsi %xor3A_351, %shift_right_arithmetic3A_353 : vector<128x1xi32>
      %xor3A_355 = arith.xori %xor3A_351, %shift_right_arithmetic3A_354 : vector<128x1xi32>
      %shift_right_arithmetic3A_356 = arith.constant 2 : i32
      %shift_right_arithmetic3A_357 = vector.broadcast %shift_right_arithmetic3A_356 : i32 to vector<128x1xi32>
      %shift_right_arithmetic3A_358 = arith.shrsi %xor3A_351, %shift_right_arithmetic3A_357 : vector<128x1xi32>
      %xor3A_359 = arith.xori %xor3A_355, %shift_right_arithmetic3A_358 : vector<128x1xi32>
      %shift_right_arithmetic3A_360 = arith.constant 3 : i32
      %shift_right_arithmetic3A_361 = vector.broadcast %shift_right_arithmetic3A_360 : i32 to vector<128x1xi32>
      %shift_right_arithmetic3A_362 = arith.shrsi %xor3A_351, %shift_right_arithmetic3A_361 : vector<128x1xi32>
      %xor3A_363 = arith.xori %xor3A_359, %shift_right_arithmetic3A_362 : vector<128x1xi32>
      %and3A_364 = arith.constant 1 : i32
      %and3A_365 = vector.broadcast %and3A_364 : i32 to vector<128x1xi32>
      %and3A_366 = arith.andi %xor3A_363, %and3A_365 : vector<128x1xi32>
      %ne3A_367 = arith.constant 0 : i32
      %ne3A_368 = vector.broadcast %ne3A_367 : i32 to vector<128x1xi32>
      %ne3A_369 = arith.cmpi ne, %and3A_366, %ne3A_368 : vector<128x1xi32>
      %jit3A_370 = arith.constant -1.000000e+00 : f32
      %jit3A_371 = arith.constant 1.000000e+00 : f32
      %broadcast_in_dim3A_372 = vector.broadcast %jit3A_370 : f32 to vector<128x1xf32>
      %broadcast_in_dim3A_373 = vector.broadcast %jit3A_371 : f32 to vector<128x1xf32>
      %select_n3A_374 = arith.select %ne3A_369, %broadcast_in_dim3A_372, %broadcast_in_dim3A_373 : vector<128x1xi1>, vector<128x1xf32>
      %mul3A_375 = vector.broadcast %select_n3A_374 : vector<128x1xf32> to vector<128x256xf32>
      %mul3A_376 = arith.mulf %concatenate3A_343, %mul3A_375 : vector<128x256xf32>
      %iota3A_377 = tpu.iota {dimensions = array<i32: 0>} : vector<128x1xi32>
      %and3A_378 = arith.constant 1 : i32
      %and3A_379 = vector.broadcast %and3A_378 : i32 to vector<128x1xi32>
      %and3A_380 = arith.andi %iota3A_377, %and3A_379 : vector<128x1xi32>
      %ne3A_381 = arith.constant 0 : i32
      %ne3A_382 = vector.broadcast %ne3A_381 : i32 to vector<128x1xi32>
      %ne3A_383 = arith.cmpi ne, %and3A_380, %ne3A_382 : vector<128x1xi32>
      %roll3A_384 = arith.constant 127 : i32
      %roll3A_385 = tpu.dynamic_rotate %mul3A_376 by %roll3A_384 dim 0 : vector<128x256xf32>, i32 -> vector<128x256xf32>
      %roll3A_386 = arith.constant 1 : i32
      %roll3A_387 = tpu.dynamic_rotate %mul3A_376 by %roll3A_386 dim 0 : vector<128x256xf32>, i32 -> vector<128x256xf32>
      %broadcast_in_dim3A_388 = vector.shape_cast %ne3A_383 : vector<128x1xi1> to vector<128x1xi1>
      %broadcast_in_dim3A_389 = vector.broadcast %broadcast_in_dim3A_388 : vector<128x1xi1> to vector<128x256xi1>
      %select_n3A_390 = arith.select %broadcast_in_dim3A_389, %roll3A_387, %roll3A_385 : vector<128x256xi1>, vector<128x256xf32>
      %max3A_391 = arith.maximumf %mul3A_376, %select_n3A_390 : vector<128x256xf32>
      %min3A_392 = arith.minimumf %mul3A_376, %select_n3A_390 : vector<128x256xf32>
      %broadcast_in_dim3A_393 = vector.shape_cast %ne3A_383 : vector<128x1xi1> to vector<128x1xi1>
      %broadcast_in_dim3A_394 = vector.broadcast %broadcast_in_dim3A_393 : vector<128x1xi1> to vector<128x256xi1>
      %select_n3A_395 = arith.select %broadcast_in_dim3A_394, %max3A_391, %min3A_392 : vector<128x256xi1>, vector<128x256xf32>
      %iota3A_396 = tpu.iota {dimensions = array<i32: 0>} : vector<128x1xi32>
      %and3A_397 = arith.constant 2 : i32
      %and3A_398 = vector.broadcast %and3A_397 : i32 to vector<128x1xi32>
      %and3A_399 = arith.andi %iota3A_396, %and3A_398 : vector<128x1xi32>
      %ne3A_400 = arith.constant 0 : i32
      %ne3A_401 = vector.broadcast %ne3A_400 : i32 to vector<128x1xi32>
      %ne3A_402 = arith.cmpi ne, %and3A_399, %ne3A_401 : vector<128x1xi32>
      %roll3A_403 = arith.constant 126 : i32
      %roll3A_404 = tpu.dynamic_rotate %select_n3A_395 by %roll3A_403 dim 0 : vector<128x256xf32>, i32 -> vector<128x256xf32>
      %roll3A_405 = arith.constant 2 : i32
      %roll3A_406 = tpu.dynamic_rotate %select_n3A_395 by %roll3A_405 dim 0 : vector<128x256xf32>, i32 -> vector<128x256xf32>
      %broadcast_in_dim3A_407 = vector.shape_cast %ne3A_402 : vector<128x1xi1> to vector<128x1xi1>
      %broadcast_in_dim3A_408 = vector.broadcast %broadcast_in_dim3A_407 : vector<128x1xi1> to vector<128x256xi1>
      %select_n3A_409 = arith.select %broadcast_in_dim3A_408, %roll3A_406, %roll3A_404 : vector<128x256xi1>, vector<128x256xf32>
      %max3A_410 = arith.maximumf %select_n3A_395, %select_n3A_409 : vector<128x256xf32>
      %min3A_411 = arith.minimumf %select_n3A_395, %select_n3A_409 : vector<128x256xf32>
      %broadcast_in_dim3A_412 = vector.shape_cast %ne3A_402 : vector<128x1xi1> to vector<128x1xi1>
      %broadcast_in_dim3A_413 = vector.broadcast %broadcast_in_dim3A_412 : vector<128x1xi1> to vector<128x256xi1>
      %select_n3A_414 = arith.select %broadcast_in_dim3A_413, %max3A_410, %min3A_411 : vector<128x256xi1>, vector<128x256xf32>
      %iota3A_415 = tpu.iota {dimensions = array<i32: 0>} : vector<128x1xi32>
      %and3A_416 = arith.constant 4 : i32
      %and3A_417 = vector.broadcast %and3A_416 : i32 to vector<128x1xi32>
      %and3A_418 = arith.andi %iota3A_415, %and3A_417 : vector<128x1xi32>
      %ne3A_419 = arith.constant 0 : i32
      %ne3A_420 = vector.broadcast %ne3A_419 : i32 to vector<128x1xi32>
      %ne3A_421 = arith.cmpi ne, %and3A_418, %ne3A_420 : vector<128x1xi32>
      %roll3A_422 = arith.constant 124 : i32
      %roll3A_423 = tpu.dynamic_rotate %select_n3A_414 by %roll3A_422 dim 0 : vector<128x256xf32>, i32 -> vector<128x256xf32>
      %roll3A_424 = arith.constant 4 : i32
      %roll3A_425 = tpu.dynamic_rotate %select_n3A_414 by %roll3A_424 dim 0 : vector<128x256xf32>, i32 -> vector<128x256xf32>
      %broadcast_in_dim3A_426 = vector.shape_cast %ne3A_421 : vector<128x1xi1> to vector<128x1xi1>
      %broadcast_in_dim3A_427 = vector.broadcast %broadcast_in_dim3A_426 : vector<128x1xi1> to vector<128x256xi1>
      %select_n3A_428 = arith.select %broadcast_in_dim3A_427, %roll3A_425, %roll3A_423 : vector<128x256xi1>, vector<128x256xf32>
      %max3A_429 = arith.maximumf %select_n3A_414, %select_n3A_428 : vector<128x256xf32>
      %min3A_430 = arith.minimumf %select_n3A_414, %select_n3A_428 : vector<128x256xf32>
      %broadcast_in_dim3A_431 = vector.shape_cast %ne3A_421 : vector<128x1xi1> to vector<128x1xi1>
      %broadcast_in_dim3A_432 = vector.broadcast %broadcast_in_dim3A_431 : vector<128x1xi1> to vector<128x256xi1>
      %select_n3A_433 = arith.select %broadcast_in_dim3A_432, %max3A_429, %min3A_430 : vector<128x256xi1>, vector<128x256xf32>
      %swap3A_434 = arith.index_cast %mul3A_276 : i32 to index
      %swap3A_435 = arith.constant 0 : index
      %swap3A_436 = vector.load %arg1[%swap3A_434, %swap3A_435] : memref<4096x256xf32, #tpu.memory_space<vmem>>, vector<128x256xf32>
      tpu.vector_store %arg1[%swap3A_434, %swap3A_435], %select_n3A_433 {strides = array<i32>} : memref<4096x256xf32, #tpu.memory_space<vmem>>, vector<128x256xf32>,
    }
    %scan3A_83 = arith.constant 16 : i32
    %scan3A_84 = arith.constant 0 : i32
    %scan3A_85 = arith.constant 4 : i32
    %scan3A_86 = arith.addi %scan3A_84, %scan3A_85 : i32
    %scan3A_87 = arith.constant 1 : i32
    scf.for %scan3A_114 = %scan3A_84 to %scan3A_86 step %scan3A_87  : i32 {
      %jit3A = arith.constant 4 : i32
      %eq3A = arith.constant 0 : i32
      %eq3A_115 = arith.cmpi eq, %jit3A, %eq3A : i32
      %jit3A_116 = arith.constant 1 : i32
      %select_n3A = arith.select %eq3A_115, %jit3A_116, %jit3A : i32
      %rem3A = arith.remsi %scan3A_114, %select_n3A : i32
      %ne3A = arith.constant 0 : i32
      %ne3A_117 = arith.cmpi ne, %rem3A, %ne3A : i32
      %lt3A = arith.constant 0 : i32
      %lt3A_118 = arith.cmpi slt, %rem3A, %lt3A : i32
      %lt3A_119 = arith.constant 0 : i32
      %lt3A_120 = arith.cmpi slt, %select_n3A, %lt3A_119 : i32
      %ne3A_121 = arith.xori %lt3A_118, %lt3A_120 : i1
      %and3A = arith.andi %ne3A_121, %ne3A_117 : i1
      %add3A = arith.addi %rem3A, %select_n3A : i32
      %select_n3A_122 = arith.select %and3A, %add3A, %rem3A : i32
      %jit3A_123 = arith.constant 4 : i32
      %div3A = arith.divsi %scan3A_114, %jit3A_123 : i32
      %sign3A = arith.constant 0 : i32
      %sign3A_124 = arith.cmpi sgt, %scan3A_114, %sign3A : i32
      %sign3A_125 = arith.extui %sign3A_124 : i1 to i32
      %sign3A_126 = arith.constant 0 : i32
      %sign3A_127 = arith.cmpi slt, %scan3A_114, %sign3A_126 : i32
      %sign3A_128 = arith.extui %sign3A_127 : i1 to i32
      %sign3A_129 = arith.subi %sign3A_125, %sign3A_128 : i32
      %sign3A_130 = arith.constant 0 : i32
      %sign3A_131 = arith.cmpi sgt, %jit3A_123, %sign3A_130 : i32
      %sign3A_132 = arith.extui %sign3A_131 : i1 to i32
      %sign3A_133 = arith.constant 0 : i32
      %sign3A_134 = arith.cmpi slt, %jit3A_123, %sign3A_133 : i32
      %sign3A_135 = arith.extui %sign3A_134 : i1 to i32
      %sign3A_136 = arith.subi %sign3A_132, %sign3A_135 : i32
      %ne3A_137 = arith.cmpi ne, %sign3A_129, %sign3A_136 : i32
      %rem3A_138 = arith.remsi %scan3A_114, %jit3A_123 : i32
      %ne3A_139 = arith.constant 0 : i32
      %ne3A_140 = arith.cmpi ne, %rem3A_138, %ne3A_139 : i32
      %and3A_141 = arith.andi %ne3A_137, %ne3A_140 : i1
      %sub3A = arith.constant 1 : i32
      %sub3A_142 = arith.subi %div3A, %sub3A : i32
      %select_n3A_143 = arith.select %and3A_141, %sub3A_142, %div3A : i32
      %and3A_144 = arith.constant 0 : i32
      %and3A_145 = arith.andi %select_n3A_143, %and3A_144 : i32
      %shift_right_arithmetic3A = arith.constant 0 : i32
      %shift_right_arithmetic3A_146 = arith.shrsi %select_n3A_143, %shift_right_arithmetic3A : i32
      %mul3A = arith.constant 2 : i32
      %mul3A_147 = arith.muli %shift_right_arithmetic3A_146, %mul3A : i32
      %mul3A_148 = arith.constant 1 : i32
      %mul3A_149 = arith.muli %mul3A_147, %mul3A_148 : i32
      %or3A = arith.ori %mul3A_149, %and3A_145 : i32
      %mul3A_150 = arith.constant 2 : i32
      %mul3A_151 = arith.muli %or3A, %mul3A_150 : i32
      %mul3A_152 = arith.constant 1024 : i32
      %mul3A_153 = arith.muli %mul3A_151, %mul3A_152 : i32
      %mul3A_154 = arith.constant 128 : i32
      %mul3A_155 = arith.muli %select_n3A_122, %mul3A_154 : i32
      %add3A_156 = arith.addi %mul3A_153, %mul3A_155 : i32
      %get3A = arith.index_cast %add3A_156 : i32 to index
      %get3A_157 = arith.constant 0 : index
      %get3A_158 = vector.load %arg1[%get3A, %get3A_157] : memref<4096x256xf32, #tpu.memory_space<vmem>>, vector<128x256xf32>
      %add3A_159 = arith.constant 512 : i32
      %add3A_160 = arith.addi %add3A_156, %add3A_159 : i32
      %get3A_161 = arith.index_cast %add3A_160 : i32 to index
      %get3A_162 = arith.constant 0 : index
      %get3A_163 = vector.load %arg1[%get3A_161, %get3A_162] : memref<4096x256xf32, #tpu.memory_space<vmem>>, vector<128x256xf32>
      %add3A_164 = arith.constant 1024 : i32
      %add3A_165 = arith.addi %add3A_156, %add3A_164 : i32
      %get3A_166 = arith.index_cast %add3A_165 : i32 to index
      %get3A_167 = arith.constant 0 : index
      %get3A_168 = vector.load %arg1[%get3A_166, %get3A_167] : memref<4096x256xf32, #tpu.memory_space<vmem>>, vector<128x256xf32>
      %add3A_169 = arith.constant 1024 : i32
      %add3A_170 = arith.addi %add3A_156, %add3A_169 : i32
      %add3A_171 = arith.constant 512 : i32
      %add3A_172 = arith.addi %add3A_170, %add3A_171 : i32
      %get3A_173 = arith.index_cast %add3A_172 : i32 to index
      %get3A_174 = arith.constant 0 : index
      %get3A_175 = vector.load %arg1[%get3A_173, %get3A_174] : memref<4096x256xf32, #tpu.memory_space<vmem>>, vector<128x256xf32>
      %max3A = arith.maximumf %get3A_158, %get3A_168 : vector<128x256xf32>
      %min3A = arith.minimumf %get3A_158, %get3A_168 : vector<128x256xf32>
      %max3A_176 = arith.maximumf %get3A_163, %get3A_175 : vector<128x256xf32>
      %min3A_177 = arith.minimumf %get3A_163, %get3A_175 : vector<128x256xf32>
      %max3A_178 = arith.maximumf %max3A, %max3A_176 : vector<128x256xf32>
      %min3A_179 = arith.minimumf %max3A, %max3A_176 : vector<128x256xf32>
      %max3A_180 = arith.maximumf %min3A, %min3A_177 : vector<128x256xf32>
      %min3A_181 = arith.minimumf %min3A, %min3A_177 : vector<128x256xf32>
      %swap3A = arith.index_cast %add3A_156 : i32 to index
      %swap3A_182 = arith.constant 0 : index
      %swap3A_183 = vector.load %arg1[%swap3A, %swap3A_182] : memref<4096x256xf32, #tpu.memory_space<vmem>>, vector<128x256xf32>
      tpu.vector_store %arg1[%swap3A, %swap3A_182], %max3A_178 {strides = array<i32>} : memref<4096x256xf32, #tpu.memory_space<vmem>>, vector<128x256xf32>,
      %add3A_184 = arith.constant 512 : i32
      %add3A_185 = arith.addi %add3A_156, %add3A_184 : i32
      %swap3A_186 = arith.index_cast %add3A_185 : i32 to index
      %swap3A_187 = arith.constant 0 : index
      %swap3A_188 = vector.load %arg1[%swap3A_186, %swap3A_187] : memref<4096x256xf32, #tpu.memory_space<vmem>>, vector<128x256xf32>
      tpu.vector_store %arg1[%swap3A_186, %swap3A_187], %min3A_179 {strides = array<i32>} : memref<4096x256xf32, #tpu.memory_space<vmem>>, vector<128x256xf32>,
      %add3A_189 = arith.constant 1024 : i32
      %add3A_190 = arith.addi %add3A_156, %add3A_189 : i32
      %swap3A_191 = arith.index_cast %add3A_190 : i32 to index
      %swap3A_192 = arith.constant 0 : index
      %swap3A_193 = vector.load %arg1[%swap3A_191, %swap3A_192] : memref<4096x256xf32, #tpu.memory_space<vmem>>, vector<128x256xf32>
      tpu.vector_store %arg1[%swap3A_191, %swap3A_192], %max3A_180 {strides = array<i32>} : memref<4096x256xf32, #tpu.memory_space<vmem>>, vector<128x256xf32>,
      %add3A_194 = arith.constant 1024 : i32
      %add3A_195 = arith.addi %add3A_156, %add3A_194 : i32
      %add3A_196 = arith.constant 512 : i32
      %add3A_197 = arith.addi %add3A_195, %add3A_196 : i32
      %swap3A_198 = arith.index_cast %add3A_197 : i32 to index
      %swap3A_199 = arith.constant 0 : index
      %swap3A_200 = vector.load %arg1[%swap3A_198, %swap3A_199] : memref<4096x256xf32, #tpu.memory_space<vmem>>, vector<128x256xf32>
      tpu.vector_store %arg1[%swap3A_198, %swap3A_199], %min3A_181 {strides = array<i32>} : memref<4096x256xf32, #tpu.memory_space<vmem>>, vector<128x256xf32>,
      %add3A_201 = arith.constant 1 : i32
      %add3A_202 = arith.addi %or3A, %add3A_201 : i32
      %mul3A_203 = arith.constant 2 : i32
      %mul3A_204 = arith.muli %add3A_202, %mul3A_203 : i32
      %mul3A_205 = arith.constant 1024 : i32
      %mul3A_206 = arith.muli %mul3A_204, %mul3A_205 : i32
      %mul3A_207 = arith.constant 128 : i32
      %mul3A_208 = arith.muli %select_n3A_122, %mul3A_207 : i32
      %add3A_209 = arith.addi %mul3A_206, %mul3A_208 : i32
      %get3A_210 = arith.index_cast %add3A_209 : i32 to index
      %get3A_211 = arith.constant 0 : index
      %get3A_212 = vector.load %arg1[%get3A_210, %get3A_211] : memref<4096x256xf32, #tpu.memory_space<vmem>>, vector<128x256xf32>
      %add3A_213 = arith.constant 512 : i32
      %add3A_214 = arith.addi %add3A_209, %add3A_213 : i32
      %get3A_215 = arith.index_cast %add3A_214 : i32 to index
      %get3A_216 = arith.constant 0 : index
      %get3A_217 = vector.load %arg1[%get3A_215, %get3A_216] : memref<4096x256xf32, #tpu.memory_space<vmem>>, vector<128x256xf32>
      %add3A_218 = arith.constant 1024 : i32
      %add3A_219 = arith.addi %add3A_209, %add3A_218 : i32
      %get3A_220 = arith.index_cast %add3A_219 : i32 to index
      %get3A_221 = arith.constant 0 : index
      %get3A_222 = vector.load %arg1[%get3A_220, %get3A_221] : memref<4096x256xf32, #tpu.memory_space<vmem>>, vector<128x256xf32>
      %add3A_223 = arith.constant 1024 : i32
      %add3A_224 = arith.addi %add3A_209, %add3A_223 : i32
      %add3A_225 = arith.constant 512 : i32
      %add3A_226 = arith.addi %add3A_224, %add3A_225 : i32
      %get3A_227 = arith.index_cast %add3A_226 : i32 to index
      %get3A_228 = arith.constant 0 : index
      %get3A_229 = vector.load %arg1[%get3A_227, %get3A_228] : memref<4096x256xf32, #tpu.memory_space<vmem>>, vector<128x256xf32>
      %max3A_230 = arith.maximumf %get3A_212, %get3A_222 : vector<128x256xf32>
      %min3A_231 = arith.minimumf %get3A_212, %get3A_222 : vector<128x256xf32>
      %max3A_232 = arith.maximumf %get3A_217, %get3A_229 : vector<128x256xf32>
      %min3A_233 = arith.minimumf %get3A_217, %get3A_229 : vector<128x256xf32>
      %max3A_234 = arith.maximumf %min3A_231, %min3A_233 : vector<128x256xf32>
      %min3A_235 = arith.minimumf %min3A_231, %min3A_233 : vector<128x256xf32>
      %max3A_236 = arith.maximumf %max3A_230, %max3A_232 : vector<128x256xf32>
      %min3A_237 = arith.minimumf %max3A_230, %max3A_232 : vector<128x256xf32>
      %swap3A_238 = arith.index_cast %add3A_209 : i32 to index
      %swap3A_239 = arith.constant 0 : index
      %swap3A_240 = vector.load %arg1[%swap3A_238, %swap3A_239] : memref<4096x256xf32, #tpu.memory_space<vmem>>, vector<128x256xf32>
      tpu.vector_store %arg1[%swap3A_238, %swap3A_239], %min3A_235 {strides = array<i32>} : memref<4096x256xf32, #tpu.memory_space<vmem>>, vector<128x256xf32>,
      %add3A_241 = arith.constant 512 : i32
      %add3A_242 = arith.addi %add3A_209, %add3A_241 : i32
      %swap3A_243 = arith.index_cast %add3A_242 : i32 to index
      %swap3A_244 = arith.constant 0 : index
      %swap3A_245 = vector.load %arg1[%swap3A_243, %swap3A_244] : memref<4096x256xf32, #tpu.memory_space<vmem>>, vector<128x256xf32>
      tpu.vector_store %arg1[%swap3A_243, %swap3A_244], %max3A_234 {strides = array<i32>} : memref<4096x256xf32, #tpu.memory_space<vmem>>, vector<128x256xf32>,
      %add3A_246 = arith.constant 1024 : i32
      %add3A_247 = arith.addi %add3A_209, %add3A_246 : i32
      %swap3A_248 = arith.index_cast %add3A_247 : i32 to index
      %swap3A_249 = arith.constant 0 : index
      %swap3A_250 = vector.load %arg1[%swap3A_248, %swap3A_249] : memref<4096x256xf32, #tpu.memory_space<vmem>>, vector<128x256xf32>
      tpu.vector_store %arg1[%swap3A_248, %swap3A_249], %min3A_237 {strides = array<i32>} : memref<4096x256xf32, #tpu.memory_space<vmem>>, vector<128x256xf32>,
      %add3A_251 = arith.constant 1024 : i32
      %add3A_252 = arith.addi %add3A_209, %add3A_251 : i32
      %add3A_253 = arith.constant 512 : i32
      %add3A_254 = arith.addi %add3A_252, %add3A_253 : i32
      %swap3A_255 = arith.index_cast %add3A_254 : i32 to index
      %swap3A_256 = arith.constant 0 : index
      %swap3A_257 = vector.load %arg1[%swap3A_255, %swap3A_256] : memref<4096x256xf32, #tpu.memory_space<vmem>>, vector<128x256xf32>
      tpu.vector_store %arg1[%swap3A_255, %swap3A_256], %max3A_236 {strides = array<i32>} : memref<4096x256xf32, #tpu.memory_space<vmem>>, vector<128x256xf32>,
    }
    %scan3A_88 = arith.constant 4 : i32
    %scan3A_89 = arith.constant 0 : i32
    %scan3A_90 = arith.constant 4 : i32
    %scan3A_91 = arith.addi %scan3A_89, %scan3A_90 : i32
    %scan3A_92 = arith.constant 1 : i32
    scf.for %scan3A_114 = %scan3A_89 to %scan3A_91 step %scan3A_92  : i32 {
      %jit3A = arith.constant 1 : i32
      %eq3A = arith.constant 0 : i32
      %eq3A_115 = arith.cmpi eq, %jit3A, %eq3A : i32
      %jit3A_116 = arith.constant 1 : i32
      %select_n3A = arith.select %eq3A_115, %jit3A_116, %jit3A : i32
      %rem3A = arith.remsi %scan3A_114, %select_n3A : i32
      %ne3A = arith.constant 0 : i32
      %ne3A_117 = arith.cmpi ne, %rem3A, %ne3A : i32
      %lt3A = arith.constant 0 : i32
      %lt3A_118 = arith.cmpi slt, %rem3A, %lt3A : i32
      %lt3A_119 = arith.constant 0 : i32
      %lt3A_120 = arith.cmpi slt, %select_n3A, %lt3A_119 : i32
      %ne3A_121 = arith.xori %lt3A_118, %lt3A_120 : i1
      %and3A = arith.andi %ne3A_121, %ne3A_117 : i1
      %add3A = arith.addi %rem3A, %select_n3A : i32
      %select_n3A_122 = arith.select %and3A, %add3A, %rem3A : i32
      %jit3A_123 = arith.constant 1 : i32
      %div3A = arith.divsi %scan3A_114, %jit3A_123 : i32
      %sign3A = arith.constant 0 : i32
      %sign3A_124 = arith.cmpi sgt, %scan3A_114, %sign3A : i32
      %sign3A_125 = arith.extui %sign3A_124 : i1 to i32
      %sign3A_126 = arith.constant 0 : i32
      %sign3A_127 = arith.cmpi slt, %scan3A_114, %sign3A_126 : i32
      %sign3A_128 = arith.extui %sign3A_127 : i1 to i32
      %sign3A_129 = arith.subi %sign3A_125, %sign3A_128 : i32
      %sign3A_130 = arith.constant 0 : i32
      %sign3A_131 = arith.cmpi sgt, %jit3A_123, %sign3A_130 : i32
      %sign3A_132 = arith.extui %sign3A_131 : i1 to i32
      %sign3A_133 = arith.constant 0 : i32
      %sign3A_134 = arith.cmpi slt, %jit3A_123, %sign3A_133 : i32
      %sign3A_135 = arith.extui %sign3A_134 : i1 to i32
      %sign3A_136 = arith.subi %sign3A_132, %sign3A_135 : i32
      %ne3A_137 = arith.cmpi ne, %sign3A_129, %sign3A_136 : i32
      %rem3A_138 = arith.remsi %scan3A_114, %jit3A_123 : i32
      %ne3A_139 = arith.constant 0 : i32
      %ne3A_140 = arith.cmpi ne, %rem3A_138, %ne3A_139 : i32
      %and3A_141 = arith.andi %ne3A_137, %ne3A_140 : i1
      %sub3A = arith.constant 1 : i32
      %sub3A_142 = arith.subi %div3A, %sub3A : i32
      %select_n3A_143 = arith.select %and3A_141, %sub3A_142, %div3A : i32
      %and3A_144 = arith.constant 3 : i32
      %and3A_145 = arith.andi %select_n3A_143, %and3A_144 : i32
      %shift_right_arithmetic3A = arith.constant 2 : i32
      %shift_right_arithmetic3A_146 = arith.shrsi %select_n3A_143, %shift_right_arithmetic3A : i32
      %mul3A = arith.constant 2 : i32
      %mul3A_147 = arith.muli %shift_right_arithmetic3A_146, %mul3A : i32
      %mul3A_148 = arith.constant 4 : i32
      %mul3A_149 = arith.muli %mul3A_147, %mul3A_148 : i32
      %or3A = arith.ori %mul3A_149, %and3A_145 : i32
      %mul3A_150 = arith.constant 2 : i32
      %mul3A_151 = arith.muli %or3A, %mul3A_150 : i32
      %mul3A_152 = arith.constant 256 : i32
      %mul3A_153 = arith.muli %mul3A_151, %mul3A_152 : i32
      %mul3A_154 = arith.constant 128 : i32
      %mul3A_155 = arith.muli %select_n3A_122, %mul3A_154 : i32
      %add3A_156 = arith.addi %mul3A_153, %mul3A_155 : i32
      %get3A = arith.index_cast %add3A_156 : i32 to index
      %get3A_157 = arith.constant 0 : index
      %get3A_158 = vector.load %arg1[%get3A, %get3A_157] : memref<4096x256xf32, #tpu.memory_space<vmem>>, vector<128x256xf32>
      %add3A_159 = arith.constant 128 : i32
      %add3A_160 = arith.addi %add3A_156, %add3A_159 : i32
      %get3A_161 = arith.index_cast %add3A_160 : i32 to index
      %get3A_162 = arith.constant 0 : index
      %get3A_163 = vector.load %arg1[%get3A_161, %get3A_162] : memref<4096x256xf32, #tpu.memory_space<vmem>>, vector<128x256xf32>
      %add3A_164 = arith.constant 256 : i32
      %add3A_165 = arith.addi %add3A_156, %add3A_164 : i32
      %get3A_166 = arith.index_cast %add3A_165 : i32 to index
      %get3A_167 = arith.constant 0 : index
      %get3A_168 = vector.load %arg1[%get3A_166, %get3A_167] : memref<4096x256xf32, #tpu.memory_space<vmem>>, vector<128x256xf32>
      %add3A_169 = arith.constant 256 : i32
      %add3A_170 = arith.addi %add3A_156, %add3A_169 : i32
      %add3A_171 = arith.constant 128 : i32
      %add3A_172 = arith.addi %add3A_170, %add3A_171 : i32
      %get3A_173 = arith.index_cast %add3A_172 : i32 to index
      %get3A_174 = arith.constant 0 : index
      %get3A_175 = vector.load %arg1[%get3A_173, %get3A_174] : memref<4096x256xf32, #tpu.memory_space<vmem>>, vector<128x256xf32>
      %max3A = arith.maximumf %get3A_158, %get3A_168 : vector<128x256xf32>
      %min3A = arith.minimumf %get3A_158, %get3A_168 : vector<128x256xf32>
      %max3A_176 = arith.maximumf %get3A_163, %get3A_175 : vector<128x256xf32>
      %min3A_177 = arith.minimumf %get3A_163, %get3A_175 : vector<128x256xf32>
      %max3A_178 = arith.maximumf %max3A, %max3A_176 : vector<128x256xf32>
      %min3A_179 = arith.minimumf %max3A, %max3A_176 : vector<128x256xf32>
      %max3A_180 = arith.maximumf %min3A, %min3A_177 : vector<128x256xf32>
      %min3A_181 = arith.minimumf %min3A, %min3A_177 : vector<128x256xf32>
      %swap3A = arith.index_cast %add3A_156 : i32 to index
      %swap3A_182 = arith.constant 0 : index
      %swap3A_183 = vector.load %arg1[%swap3A, %swap3A_182] : memref<4096x256xf32, #tpu.memory_space<vmem>>, vector<128x256xf32>
      tpu.vector_store %arg1[%swap3A, %swap3A_182], %max3A_178 {strides = array<i32>} : memref<4096x256xf32, #tpu.memory_space<vmem>>, vector<128x256xf32>,
      %add3A_184 = arith.constant 128 : i32
      %add3A_185 = arith.addi %add3A_156, %add3A_184 : i32
      %swap3A_186 = arith.index_cast %add3A_185 : i32 to index
      %swap3A_187 = arith.constant 0 : index
      %swap3A_188 = vector.load %arg1[%swap3A_186, %swap3A_187] : memref<4096x256xf32, #tpu.memory_space<vmem>>, vector<128x256xf32>
      tpu.vector_store %arg1[%swap3A_186, %swap3A_187], %min3A_179 {strides = array<i32>} : memref<4096x256xf32, #tpu.memory_space<vmem>>, vector<128x256xf32>,
      %add3A_189 = arith.constant 256 : i32
      %add3A_190 = arith.addi %add3A_156, %add3A_189 : i32
      %swap3A_191 = arith.index_cast %add3A_190 : i32 to index
      %swap3A_192 = arith.constant 0 : index
      %swap3A_193 = vector.load %arg1[%swap3A_191, %swap3A_192] : memref<4096x256xf32, #tpu.memory_space<vmem>>, vector<128x256xf32>
      tpu.vector_store %arg1[%swap3A_191, %swap3A_192], %max3A_180 {strides = array<i32>} : memref<4096x256xf32, #tpu.memory_space<vmem>>, vector<128x256xf32>,
      %add3A_194 = arith.constant 256 : i32
      %add3A_195 = arith.addi %add3A_156, %add3A_194 : i32
      %add3A_196 = arith.constant 128 : i32
      %add3A_197 = arith.addi %add3A_195, %add3A_196 : i32
      %swap3A_198 = arith.index_cast %add3A_197 : i32 to index
      %swap3A_199 = arith.constant 0 : index
      %swap3A_200 = vector.load %arg1[%swap3A_198, %swap3A_199] : memref<4096x256xf32, #tpu.memory_space<vmem>>, vector<128x256xf32>
      tpu.vector_store %arg1[%swap3A_198, %swap3A_199], %min3A_181 {strides = array<i32>} : memref<4096x256xf32, #tpu.memory_space<vmem>>, vector<128x256xf32>,
      %add3A_201 = arith.constant 4 : i32
      %add3A_202 = arith.addi %or3A, %add3A_201 : i32
      %mul3A_203 = arith.constant 2 : i32
      %mul3A_204 = arith.muli %add3A_202, %mul3A_203 : i32
      %mul3A_205 = arith.constant 256 : i32
      %mul3A_206 = arith.muli %mul3A_204, %mul3A_205 : i32
      %mul3A_207 = arith.constant 128 : i32
      %mul3A_208 = arith.muli %select_n3A_122, %mul3A_207 : i32
      %add3A_209 = arith.addi %mul3A_206, %mul3A_208 : i32
      %get3A_210 = arith.index_cast %add3A_209 : i32 to index
      %get3A_211 = arith.constant 0 : index
      %get3A_212 = vector.load %arg1[%get3A_210, %get3A_211] : memref<4096x256xf32, #tpu.memory_space<vmem>>, vector<128x256xf32>
      %add3A_213 = arith.constant 128 : i32
      %add3A_214 = arith.addi %add3A_209, %add3A_213 : i32
      %get3A_215 = arith.index_cast %add3A_214 : i32 to index
      %get3A_216 = arith.constant 0 : index
      %get3A_217 = vector.load %arg1[%get3A_215, %get3A_216] : memref<4096x256xf32, #tpu.memory_space<vmem>>, vector<128x256xf32>
      %add3A_218 = arith.constant 256 : i32
      %add3A_219 = arith.addi %add3A_209, %add3A_218 : i32
      %get3A_220 = arith.index_cast %add3A_219 : i32 to index
      %get3A_221 = arith.constant 0 : index
      %get3A_222 = vector.load %arg1[%get3A_220, %get3A_221] : memref<4096x256xf32, #tpu.memory_space<vmem>>, vector<128x256xf32>
      %add3A_223 = arith.constant 256 : i32
      %add3A_224 = arith.addi %add3A_209, %add3A_223 : i32
      %add3A_225 = arith.constant 128 : i32
      %add3A_226 = arith.addi %add3A_224, %add3A_225 : i32
      %get3A_227 = arith.index_cast %add3A_226 : i32 to index
      %get3A_228 = arith.constant 0 : index
      %get3A_229 = vector.load %arg1[%get3A_227, %get3A_228] : memref<4096x256xf32, #tpu.memory_space<vmem>>, vector<128x256xf32>
      %max3A_230 = arith.maximumf %get3A_212, %get3A_222 : vector<128x256xf32>
      %min3A_231 = arith.minimumf %get3A_212, %get3A_222 : vector<128x256xf32>
      %max3A_232 = arith.maximumf %get3A_217, %get3A_229 : vector<128x256xf32>
      %min3A_233 = arith.minimumf %get3A_217, %get3A_229 : vector<128x256xf32>
      %max3A_234 = arith.maximumf %min3A_231, %min3A_233 : vector<128x256xf32>
      %min3A_235 = arith.minimumf %min3A_231, %min3A_233 : vector<128x256xf32>
      %max3A_236 = arith.maximumf %max3A_230, %max3A_232 : vector<128x256xf32>
      %min3A_237 = arith.minimumf %max3A_230, %max3A_232 : vector<128x256xf32>
      %swap3A_238 = arith.index_cast %add3A_209 : i32 to index
      %swap3A_239 = arith.constant 0 : index
      %swap3A_240 = vector.load %arg1[%swap3A_238, %swap3A_239] : memref<4096x256xf32, #tpu.memory_space<vmem>>, vector<128x256xf32>
      tpu.vector_store %arg1[%swap3A_238, %swap3A_239], %min3A_235 {strides = array<i32>} : memref<4096x256xf32, #tpu.memory_space<vmem>>, vector<128x256xf32>,
      %add3A_241 = arith.constant 128 : i32
      %add3A_242 = arith.addi %add3A_209, %add3A_241 : i32
      %swap3A_243 = arith.index_cast %add3A_242 : i32 to index
      %swap3A_244 = arith.constant 0 : index
      %swap3A_245 = vector.load %arg1[%swap3A_243, %swap3A_244] : memref<4096x256xf32, #tpu.memory_space<vmem>>, vector<128x256xf32>
      tpu.vector_store %arg1[%swap3A_243, %swap3A_244], %max3A_234 {strides = array<i32>} : memref<4096x256xf32, #tpu.memory_space<vmem>>, vector<128x256xf32>,
      %add3A_246 = arith.constant 256 : i32
      %add3A_247 = arith.addi %add3A_209, %add3A_246 : i32
      %swap3A_248 = arith.index_cast %add3A_247 : i32 to index
      %swap3A_249 = arith.constant 0 : index
      %swap3A_250 = vector.load %arg1[%swap3A_248, %swap3A_249] : memref<4096x256xf32, #tpu.memory_space<vmem>>, vector<128x256xf32>
      tpu.vector_store %arg1[%swap3A_248, %swap3A_249], %min3A_237 {strides = array<i32>} : memref<4096x256xf32, #tpu.memory_space<vmem>>, vector<128x256xf32>,
      %add3A_251 = arith.constant 256 : i32
      %add3A_252 = arith.addi %add3A_209, %add3A_251 : i32
      %add3A_253 = arith.constant 128 : i32
      %add3A_254 = arith.addi %add3A_252, %add3A_253 : i32
      %swap3A_255 = arith.index_cast %add3A_254 : i32 to index
      %swap3A_256 = arith.constant 0 : index
      %swap3A_257 = vector.load %arg1[%swap3A_255, %swap3A_256] : memref<4096x256xf32, #tpu.memory_space<vmem>>, vector<128x256xf32>
      tpu.vector_store %arg1[%swap3A_255, %swap3A_256], %max3A_236 {strides = array<i32>} : memref<4096x256xf32, #tpu.memory_space<vmem>>, vector<128x256xf32>,
    }
    %scan3A_93 = arith.constant 4 : i32
    %scan3A_94 = arith.constant 0 : i32
    %scan3A_95 = arith.constant 16 : i32
    %scan3A_96 = arith.addi %scan3A_94, %scan3A_95 : i32
    %scan3A_97 = arith.constant 1 : i32
    scf.for %scan3A_114 = %scan3A_94 to %scan3A_96 step %scan3A_97  : i32 {
      %mul3A = arith.constant 128 : i32
      %mul3A_115 = arith.muli %scan3A_114, %mul3A : i32
      %get3A = arith.index_cast %mul3A_115 : i32 to index
      %get3A_116 = arith.constant 0 : index
      %get3A_117 = vector.load %arg1[%get3A, %get3A_116] : memref<4096x256xf32, #tpu.memory_space<vmem>>, vector<128x256xf32>
      %slice3A = vector.extract_strided_slice %get3A_117 {offsets = [0, 0], sizes = [8, 256], strides = [1, 1]} : vector<128x256xf32> to vector<8x256xf32>
      %slice3A_118 = vector.extract_strided_slice %get3A_117 {offsets = [8, 0], sizes = [8, 256], strides = [1, 1]} : vector<128x256xf32> to vector<8x256xf32>
      %max3A = arith.maximumf %slice3A, %slice3A_118 : vector<8x256xf32>
      %min3A = arith.minimumf %slice3A, %slice3A_118 : vector<8x256xf32>
      %slice3A_119 = vector.extract_strided_slice %get3A_117 {offsets = [16, 0], sizes = [8, 256], strides = [1, 1]} : vector<128x256xf32> to vector<8x256xf32>
      %slice3A_120 = vector.extract_strided_slice %get3A_117 {offsets = [24, 0], sizes = [8, 256], strides = [1, 1]} : vector<128x256xf32> to vector<8x256xf32>
      %max3A_121 = arith.maximumf %slice3A_119, %slice3A_120 : vector<8x256xf32>
      %min3A_122 = arith.minimumf %slice3A_119, %slice3A_120 : vector<8x256xf32>
      %slice3A_123 = vector.extract_strided_slice %get3A_117 {offsets = [32, 0], sizes = [8, 256], strides = [1, 1]} : vector<128x256xf32> to vector<8x256xf32>
      %slice3A_124 = vector.extract_strided_slice %get3A_117 {offsets = [40, 0], sizes = [8, 256], strides = [1, 1]} : vector<128x256xf32> to vector<8x256xf32>
      %max3A_125 = arith.maximumf %slice3A_123, %slice3A_124 : vector<8x256xf32>
      %min3A_126 = arith.minimumf %slice3A_123, %slice3A_124 : vector<8x256xf32>
      %slice3A_127 = vector.extract_strided_slice %get3A_117 {offsets = [48, 0], sizes = [8, 256], strides = [1, 1]} : vector<128x256xf32> to vector<8x256xf32>
      %slice3A_128 = vector.extract_strided_slice %get3A_117 {offsets = [56, 0], sizes = [8, 256], strides = [1, 1]} : vector<128x256xf32> to vector<8x256xf32>
      %max3A_129 = arith.maximumf %slice3A_127, %slice3A_128 : vector<8x256xf32>
      %min3A_130 = arith.minimumf %slice3A_127, %slice3A_128 : vector<8x256xf32>
      %slice3A_131 = vector.extract_strided_slice %get3A_117 {offsets = [64, 0], sizes = [8, 256], strides = [1, 1]} : vector<128x256xf32> to vector<8x256xf32>
      %slice3A_132 = vector.extract_strided_slice %get3A_117 {offsets = [72, 0], sizes = [8, 256], strides = [1, 1]} : vector<128x256xf32> to vector<8x256xf32>
      %max3A_133 = arith.maximumf %slice3A_131, %slice3A_132 : vector<8x256xf32>
      %min3A_134 = arith.minimumf %slice3A_131, %slice3A_132 : vector<8x256xf32>
      %slice3A_135 = vector.extract_strided_slice %get3A_117 {offsets = [80, 0], sizes = [8, 256], strides = [1, 1]} : vector<128x256xf32> to vector<8x256xf32>
      %slice3A_136 = vector.extract_strided_slice %get3A_117 {offsets = [88, 0], sizes = [8, 256], strides = [1, 1]} : vector<128x256xf32> to vector<8x256xf32>
      %max3A_137 = arith.maximumf %slice3A_135, %slice3A_136 : vector<8x256xf32>
      %min3A_138 = arith.minimumf %slice3A_135, %slice3A_136 : vector<8x256xf32>
      %slice3A_139 = vector.extract_strided_slice %get3A_117 {offsets = [96, 0], sizes = [8, 256], strides = [1, 1]} : vector<128x256xf32> to vector<8x256xf32>
      %slice3A_140 = vector.extract_strided_slice %get3A_117 {offsets = [104, 0], sizes = [8, 256], strides = [1, 1]} : vector<128x256xf32> to vector<8x256xf32>
      %max3A_141 = arith.maximumf %slice3A_139, %slice3A_140 : vector<8x256xf32>
      %min3A_142 = arith.minimumf %slice3A_139, %slice3A_140 : vector<8x256xf32>
      %slice3A_143 = vector.extract_strided_slice %get3A_117 {offsets = [112, 0], sizes = [8, 256], strides = [1, 1]} : vector<128x256xf32> to vector<8x256xf32>
      %slice3A_144 = vector.extract_strided_slice %get3A_117 {offsets = [120, 0], sizes = [8, 256], strides = [1, 1]} : vector<128x256xf32> to vector<8x256xf32>
      %max3A_145 = arith.maximumf %slice3A_143, %slice3A_144 : vector<8x256xf32>
      %min3A_146 = arith.minimumf %slice3A_143, %slice3A_144 : vector<8x256xf32>
      %concatenate3A = tpu.concatenate %max3A, %min3A, %max3A_121, %min3A_122, %max3A_125, %min3A_126, %max3A_129, %min3A_130, %max3A_133, %min3A_134, %max3A_137, %min3A_138, %max3A_141, %min3A_142, %max3A_145, %min3A_146 in 0 : vector<8x256xf32>, vector<8x256xf32>, vector<8x256xf32>, vector<8x256xf32>, vector<8x256xf32>, vector<8x256xf32>, vector<8x256xf32>, vector<8x256xf32>, vector<8x256xf32>, vector<8x256xf32>, vector<8x256xf32>, vector<8x256xf32>, vector<8x256xf32>, vector<8x256xf32>, vector<8x256xf32>, vector<8x256xf32> -> vector<128x256xf32>
      %slice3A_147 = vector.extract_strided_slice %concatenate3A {offsets = [0, 0], sizes = [16, 256], strides = [1, 1]} : vector<128x256xf32> to vector<16x256xf32>
      %slice3A_148 = vector.extract_strided_slice %concatenate3A {offsets = [16, 0], sizes = [16, 256], strides = [1, 1]} : vector<128x256xf32> to vector<16x256xf32>
      %max3A_149 = arith.maximumf %slice3A_147, %slice3A_148 : vector<16x256xf32>
      %min3A_150 = arith.minimumf %slice3A_147, %slice3A_148 : vector<16x256xf32>
      %slice3A_151 = vector.extract_strided_slice %concatenate3A {offsets = [32, 0], sizes = [16, 256], strides = [1, 1]} : vector<128x256xf32> to vector<16x256xf32>
      %slice3A_152 = vector.extract_strided_slice %concatenate3A {offsets = [48, 0], sizes = [16, 256], strides = [1, 1]} : vector<128x256xf32> to vector<16x256xf32>
      %max3A_153 = arith.maximumf %slice3A_151, %slice3A_152 : vector<16x256xf32>
      %min3A_154 = arith.minimumf %slice3A_151, %slice3A_152 : vector<16x256xf32>
      %slice3A_155 = vector.extract_strided_slice %concatenate3A {offsets = [64, 0], sizes = [16, 256], strides = [1, 1]} : vector<128x256xf32> to vector<16x256xf32>
      %slice3A_156 = vector.extract_strided_slice %concatenate3A {offsets = [80, 0], sizes = [16, 256], strides = [1, 1]} : vector<128x256xf32> to vector<16x256xf32>
      %max3A_157 = arith.maximumf %slice3A_155, %slice3A_156 : vector<16x256xf32>
      %min3A_158 = arith.minimumf %slice3A_155, %slice3A_156 : vector<16x256xf32>
      %slice3A_159 = vector.extract_strided_slice %concatenate3A {offsets = [96, 0], sizes = [16, 256], strides = [1, 1]} : vector<128x256xf32> to vector<16x256xf32>
      %slice3A_160 = vector.extract_strided_slice %concatenate3A {offsets = [112, 0], sizes = [16, 256], strides = [1, 1]} : vector<128x256xf32> to vector<16x256xf32>
      %max3A_161 = arith.maximumf %slice3A_159, %slice3A_160 : vector<16x256xf32>
      %min3A_162 = arith.minimumf %slice3A_159, %slice3A_160 : vector<16x256xf32>
      %concatenate3A_163 = tpu.concatenate %max3A_149, %min3A_150, %max3A_153, %min3A_154, %max3A_157, %min3A_158, %max3A_161, %min3A_162 in 0 : vector<16x256xf32>, vector<16x256xf32>, vector<16x256xf32>, vector<16x256xf32>, vector<16x256xf32>, vector<16x256xf32>, vector<16x256xf32>, vector<16x256xf32> -> vector<128x256xf32>
      %slice3A_164 = vector.extract_strided_slice %concatenate3A_163 {offsets = [0, 0], sizes = [32, 256], strides = [1, 1]} : vector<128x256xf32> to vector<32x256xf32>
      %slice3A_165 = vector.extract_strided_slice %concatenate3A_163 {offsets = [32, 0], sizes = [32, 256], strides = [1, 1]} : vector<128x256xf32> to vector<32x256xf32>
      %max3A_166 = arith.maximumf %slice3A_164, %slice3A_165 : vector<32x256xf32>
      %min3A_167 = arith.minimumf %slice3A_164, %slice3A_165 : vector<32x256xf32>
      %slice3A_168 = vector.extract_strided_slice %concatenate3A_163 {offsets = [64, 0], sizes = [32, 256], strides = [1, 1]} : vector<128x256xf32> to vector<32x256xf32>
      %slice3A_169 = vector.extract_strided_slice %concatenate3A_163 {offsets = [96, 0], sizes = [32, 256], strides = [1, 1]} : vector<128x256xf32> to vector<32x256xf32>
      %max3A_170 = arith.maximumf %slice3A_168, %slice3A_169 : vector<32x256xf32>
      %min3A_171 = arith.minimumf %slice3A_168, %slice3A_169 : vector<32x256xf32>
      %concatenate3A_172 = tpu.concatenate %max3A_166, %min3A_167, %max3A_170, %min3A_171 in 0 : vector<32x256xf32>, vector<32x256xf32>, vector<32x256xf32>, vector<32x256xf32> -> vector<128x256xf32>
      %slice3A_173 = vector.extract_strided_slice %concatenate3A_172 {offsets = [0, 0], sizes = [64, 256], strides = [1, 1]} : vector<128x256xf32> to vector<64x256xf32>
      %slice3A_174 = vector.extract_strided_slice %concatenate3A_172 {offsets = [64, 0], sizes = [64, 256], strides = [1, 1]} : vector<128x256xf32> to vector<64x256xf32>
      %max3A_175 = arith.maximumf %slice3A_173, %slice3A_174 : vector<64x256xf32>
      %min3A_176 = arith.minimumf %slice3A_173, %slice3A_174 : vector<64x256xf32>
      %concatenate3A_177 = tpu.concatenate %max3A_175, %min3A_176 in 0 : vector<64x256xf32>, vector<64x256xf32> -> vector<128x256xf32>
      %add3A = arith.constant 2048 : i32
      %add3A_178 = arith.addi %mul3A_115, %add3A : i32
      %get3A_179 = arith.index_cast %add3A_178 : i32 to index
      %get3A_180 = arith.constant 0 : index
      %get3A_181 = vector.load %arg1[%get3A_179, %get3A_180] : memref<4096x256xf32, #tpu.memory_space<vmem>>, vector<128x256xf32>
      %slice3A_182 = vector.extract_strided_slice %get3A_181 {offsets = [0, 0], sizes = [8, 256], strides = [1, 1]} : vector<128x256xf32> to vector<8x256xf32>
      %slice3A_183 = vector.extract_strided_slice %get3A_181 {offsets = [8, 0], sizes = [8, 256], strides = [1, 1]} : vector<128x256xf32> to vector<8x256xf32>
      %max3A_184 = arith.maximumf %slice3A_182, %slice3A_183 : vector<8x256xf32>
      %min3A_185 = arith.minimumf %slice3A_182, %slice3A_183 : vector<8x256xf32>
      %slice3A_186 = vector.extract_strided_slice %get3A_181 {offsets = [16, 0], sizes = [8, 256], strides = [1, 1]} : vector<128x256xf32> to vector<8x256xf32>
      %slice3A_187 = vector.extract_strided_slice %get3A_181 {offsets = [24, 0], sizes = [8, 256], strides = [1, 1]} : vector<128x256xf32> to vector<8x256xf32>
      %max3A_188 = arith.maximumf %slice3A_186, %slice3A_187 : vector<8x256xf32>
      %min3A_189 = arith.minimumf %slice3A_186, %slice3A_187 : vector<8x256xf32>
      %slice3A_190 = vector.extract_strided_slice %get3A_181 {offsets = [32, 0], sizes = [8, 256], strides = [1, 1]} : vector<128x256xf32> to vector<8x256xf32>
      %slice3A_191 = vector.extract_strided_slice %get3A_181 {offsets = [40, 0], sizes = [8, 256], strides = [1, 1]} : vector<128x256xf32> to vector<8x256xf32>
      %max3A_192 = arith.maximumf %slice3A_190, %slice3A_191 : vector<8x256xf32>
      %min3A_193 = arith.minimumf %slice3A_190, %slice3A_191 : vector<8x256xf32>
      %slice3A_194 = vector.extract_strided_slice %get3A_181 {offsets = [48, 0], sizes = [8, 256], strides = [1, 1]} : vector<128x256xf32> to vector<8x256xf32>
      %slice3A_195 = vector.extract_strided_slice %get3A_181 {offsets = [56, 0], sizes = [8, 256], strides = [1, 1]} : vector<128x256xf32> to vector<8x256xf32>
      %max3A_196 = arith.maximumf %slice3A_194, %slice3A_195 : vector<8x256xf32>
      %min3A_197 = arith.minimumf %slice3A_194, %slice3A_195 : vector<8x256xf32>
      %slice3A_198 = vector.extract_strided_slice %get3A_181 {offsets = [64, 0], sizes = [8, 256], strides = [1, 1]} : vector<128x256xf32> to vector<8x256xf32>
      %slice3A_199 = vector.extract_strided_slice %get3A_181 {offsets = [72, 0], sizes = [8, 256], strides = [1, 1]} : vector<128x256xf32> to vector<8x256xf32>
      %max3A_200 = arith.maximumf %slice3A_198, %slice3A_199 : vector<8x256xf32>
      %min3A_201 = arith.minimumf %slice3A_198, %slice3A_199 : vector<8x256xf32>
      %slice3A_202 = vector.extract_strided_slice %get3A_181 {offsets = [80, 0], sizes = [8, 256], strides = [1, 1]} : vector<128x256xf32> to vector<8x256xf32>
      %slice3A_203 = vector.extract_strided_slice %get3A_181 {offsets = [88, 0], sizes = [8, 256], strides = [1, 1]} : vector<128x256xf32> to vector<8x256xf32>
      %max3A_204 = arith.maximumf %slice3A_202, %slice3A_203 : vector<8x256xf32>
      %min3A_205 = arith.minimumf %slice3A_202, %slice3A_203 : vector<8x256xf32>
      %slice3A_206 = vector.extract_strided_slice %get3A_181 {offsets = [96, 0], sizes = [8, 256], strides = [1, 1]} : vector<128x256xf32> to vector<8x256xf32>
      %slice3A_207 = vector.extract_strided_slice %get3A_181 {offsets = [104, 0], sizes = [8, 256], strides = [1, 1]} : vector<128x256xf32> to vector<8x256xf32>
      %max3A_208 = arith.maximumf %slice3A_206, %slice3A_207 : vector<8x256xf32>
      %min3A_209 = arith.minimumf %slice3A_206, %slice3A_207 : vector<8x256xf32>
      %slice3A_210 = vector.extract_strided_slice %get3A_181 {offsets = [112, 0], sizes = [8, 256], strides = [1, 1]} : vector<128x256xf32> to vector<8x256xf32>
      %slice3A_211 = vector.extract_strided_slice %get3A_181 {offsets = [120, 0], sizes = [8, 256], strides = [1, 1]} : vector<128x256xf32> to vector<8x256xf32>
      %max3A_212 = arith.maximumf %slice3A_210, %slice3A_211 : vector<8x256xf32>
      %min3A_213 = arith.minimumf %slice3A_210, %slice3A_211 : vector<8x256xf32>
      %concatenate3A_214 = tpu.concatenate %min3A_185, %max3A_184, %min3A_189, %max3A_188, %min3A_193, %max3A_192, %min3A_197, %max3A_196, %min3A_201, %max3A_200, %min3A_205, %max3A_204, %min3A_209, %max3A_208, %min3A_213, %max3A_212 in 0 : vector<8x256xf32>, vector<8x256xf32>, vector<8x256xf32>, vector<8x256xf32>, vector<8x256xf32>, vector<8x256xf32>, vector<8x256xf32>, vector<8x256xf32>, vector<8x256xf32>, vector<8x256xf32>, vector<8x256xf32>, vector<8x256xf32>, vector<8x256xf32>, vector<8x256xf32>, vector<8x256xf32>, vector<8x256xf32> -> vector<128x256xf32>
      %slice3A_215 = vector.extract_strided_slice %concatenate3A_214 {offsets = [0, 0], sizes = [16, 256], strides = [1, 1]} : vector<128x256xf32> to vector<16x256xf32>
      %slice3A_216 = vector.extract_strided_slice %concatenate3A_214 {offsets = [16, 0], sizes = [16, 256], strides = [1, 1]} : vector<128x256xf32> to vector<16x256xf32>
      %max3A_217 = arith.maximumf %slice3A_215, %slice3A_216 : vector<16x256xf32>
      %min3A_218 = arith.minimumf %slice3A_215, %slice3A_216 : vector<16x256xf32>
      %slice3A_219 = vector.extract_strided_slice %concatenate3A_214 {offsets = [32, 0], sizes = [16, 256], strides = [1, 1]} : vector<128x256xf32> to vector<16x256xf32>
      %slice3A_220 = vector.extract_strided_slice %concatenate3A_214 {offsets = [48, 0], sizes = [16, 256], strides = [1, 1]} : vector<128x256xf32> to vector<16x256xf32>
      %max3A_221 = arith.maximumf %slice3A_219, %slice3A_220 : vector<16x256xf32>
      %min3A_222 = arith.minimumf %slice3A_219, %slice3A_220 : vector<16x256xf32>
      %slice3A_223 = vector.extract_strided_slice %concatenate3A_214 {offsets = [64, 0], sizes = [16, 256], strides = [1, 1]} : vector<128x256xf32> to vector<16x256xf32>
      %slice3A_224 = vector.extract_strided_slice %concatenate3A_214 {offsets = [80, 0], sizes = [16, 256], strides = [1, 1]} : vector<128x256xf32> to vector<16x256xf32>
      %max3A_225 = arith.maximumf %slice3A_223, %slice3A_224 : vector<16x256xf32>
      %min3A_226 = arith.minimumf %slice3A_223, %slice3A_224 : vector<16x256xf32>
      %slice3A_227 = vector.extract_strided_slice %concatenate3A_214 {offsets = [96, 0], sizes = [16, 256], strides = [1, 1]} : vector<128x256xf32> to vector<16x256xf32>
      %slice3A_228 = vector.extract_strided_slice %concatenate3A_214 {offsets = [112, 0], sizes = [16, 256], strides = [1, 1]} : vector<128x256xf32> to vector<16x256xf32>
      %max3A_229 = arith.maximumf %slice3A_227, %slice3A_228 : vector<16x256xf32>
      %min3A_230 = arith.minimumf %slice3A_227, %slice3A_228 : vector<16x256xf32>
      %concatenate3A_231 = tpu.concatenate %min3A_218, %max3A_217, %min3A_222, %max3A_221, %min3A_226, %max3A_225, %min3A_230, %max3A_229 in 0 : vector<16x256xf32>, vector<16x256xf32>, vector<16x256xf32>, vector<16x256xf32>, vector<16x256xf32>, vector<16x256xf32>, vector<16x256xf32>, vector<16x256xf32> -> vector<128x256xf32>
      %slice3A_232 = vector.extract_strided_slice %concatenate3A_231 {offsets = [0, 0], sizes = [32, 256], strides = [1, 1]} : vector<128x256xf32> to vector<32x256xf32>
      %slice3A_233 = vector.extract_strided_slice %concatenate3A_231 {offsets = [32, 0], sizes = [32, 256], strides = [1, 1]} : vector<128x256xf32> to vector<32x256xf32>
      %max3A_234 = arith.maximumf %slice3A_232, %slice3A_233 : vector<32x256xf32>
      %min3A_235 = arith.minimumf %slice3A_232, %slice3A_233 : vector<32x256xf32>
      %slice3A_236 = vector.extract_strided_slice %concatenate3A_231 {offsets = [64, 0], sizes = [32, 256], strides = [1, 1]} : vector<128x256xf32> to vector<32x256xf32>
      %slice3A_237 = vector.extract_strided_slice %concatenate3A_231 {offsets = [96, 0], sizes = [32, 256], strides = [1, 1]} : vector<128x256xf32> to vector<32x256xf32>
      %max3A_238 = arith.maximumf %slice3A_236, %slice3A_237 : vector<32x256xf32>
      %min3A_239 = arith.minimumf %slice3A_236, %slice3A_237 : vector<32x256xf32>
      %concatenate3A_240 = tpu.concatenate %min3A_235, %max3A_234, %min3A_239, %max3A_238 in 0 : vector<32x256xf32>, vector<32x256xf32>, vector<32x256xf32>, vector<32x256xf32> -> vector<128x256xf32>
      %slice3A_241 = vector.extract_strided_slice %concatenate3A_240 {offsets = [0, 0], sizes = [64, 256], strides = [1, 1]} : vector<128x256xf32> to vector<64x256xf32>
      %slice3A_242 = vector.extract_strided_slice %concatenate3A_240 {offsets = [64, 0], sizes = [64, 256], strides = [1, 1]} : vector<128x256xf32> to vector<64x256xf32>
      %max3A_243 = arith.maximumf %slice3A_241, %slice3A_242 : vector<64x256xf32>
      %min3A_244 = arith.minimumf %slice3A_241, %slice3A_242 : vector<64x256xf32>
      %concatenate3A_245 = tpu.concatenate %min3A_244, %max3A_243 in 0 : vector<64x256xf32>, vector<64x256xf32> -> vector<128x256xf32>
      %max3A_246 = arith.maximumf %concatenate3A_177, %concatenate3A_245 : vector<128x256xf32>
      %iota3A = tpu.iota {dimensions = array<i32: 0>} : vector<128x1xi32>
      %and3A = arith.constant 1 : i32
      %and3A_247 = vector.broadcast %and3A : i32 to vector<128x1xi32>
      %and3A_248 = arith.andi %iota3A, %and3A_247 : vector<128x1xi32>
      %ne3A = arith.constant 0 : i32
      %ne3A_249 = vector.broadcast %ne3A : i32 to vector<128x1xi32>
      %ne3A_250 = arith.cmpi ne, %and3A_248, %ne3A_249 : vector<128x1xi32>
      %not3A = arith.constant dense<true> : vector<128x1xi1>
      %not3A_251 = arith.xori %ne3A_250, %not3A : vector<128x1xi1>
      %roll3A = arith.constant 127 : i32
      %roll3A_252 = tpu.dynamic_rotate %max3A_246 by %roll3A dim 0 : vector<128x256xf32>, i32 -> vector<128x256xf32>
      %roll3A_253 = arith.constant 1 : i32
      %roll3A_254 = tpu.dynamic_rotate %max3A_246 by %roll3A_253 dim 0 : vector<128x256xf32>, i32 -> vector<128x256xf32>
      %broadcast_in_dim3A = vector.shape_cast %ne3A_250 : vector<128x1xi1> to vector<128x1xi1>
      %broadcast_in_dim3A_255 = vector.broadcast %broadcast_in_dim3A : vector<128x1xi1> to vector<128x256xi1>
      %select_n3A = arith.select %broadcast_in_dim3A_255, %roll3A_254, %roll3A_252 : vector<128x256xi1>, vector<128x256xf32>
      %max3A_256 = arith.maximumf %max3A_246, %select_n3A : vector<128x256xf32>
      %min3A_257 = arith.minimumf %max3A_246, %select_n3A : vector<128x256xf32>
      %broadcast_in_dim3A_258 = vector.shape_cast %not3A_251 : vector<128x1xi1> to vector<128x1xi1>
      %broadcast_in_dim3A_259 = vector.broadcast %broadcast_in_dim3A_258 : vector<128x1xi1> to vector<128x256xi1>
      %select_n3A_260 = arith.select %broadcast_in_dim3A_259, %max3A_256, %min3A_257 : vector<128x256xi1>, vector<128x256xf32>
      %iota3A_261 = tpu.iota {dimensions = array<i32: 0>} : vector<128x1xi32>
      %and3A_262 = arith.constant 2 : i32
      %and3A_263 = vector.broadcast %and3A_262 : i32 to vector<128x1xi32>
      %and3A_264 = arith.andi %iota3A_261, %and3A_263 : vector<128x1xi32>
      %ne3A_265 = arith.constant 0 : i32
      %ne3A_266 = vector.broadcast %ne3A_265 : i32 to vector<128x1xi32>
      %ne3A_267 = arith.cmpi ne, %and3A_264, %ne3A_266 : vector<128x1xi32>
      %not3A_268 = arith.constant dense<true> : vector<128x1xi1>
      %not3A_269 = arith.xori %ne3A_267, %not3A_268 : vector<128x1xi1>
      %roll3A_270 = arith.constant 126 : i32
      %roll3A_271 = tpu.dynamic_rotate %select_n3A_260 by %roll3A_270 dim 0 : vector<128x256xf32>, i32 -> vector<128x256xf32>
      %roll3A_272 = arith.constant 2 : i32
      %roll3A_273 = tpu.dynamic_rotate %select_n3A_260 by %roll3A_272 dim 0 : vector<128x256xf32>, i32 -> vector<128x256xf32>
      %broadcast_in_dim3A_274 = vector.shape_cast %ne3A_267 : vector<128x1xi1> to vector<128x1xi1>
      %broadcast_in_dim3A_275 = vector.broadcast %broadcast_in_dim3A_274 : vector<128x1xi1> to vector<128x256xi1>
      %select_n3A_276 = arith.select %broadcast_in_dim3A_275, %roll3A_273, %roll3A_271 : vector<128x256xi1>, vector<128x256xf32>
      %max3A_277 = arith.maximumf %select_n3A_260, %select_n3A_276 : vector<128x256xf32>
      %min3A_278 = arith.minimumf %select_n3A_260, %select_n3A_276 : vector<128x256xf32>
      %broadcast_in_dim3A_279 = vector.shape_cast %not3A_269 : vector<128x1xi1> to vector<128x1xi1>
      %broadcast_in_dim3A_280 = vector.broadcast %broadcast_in_dim3A_279 : vector<128x1xi1> to vector<128x256xi1>
      %select_n3A_281 = arith.select %broadcast_in_dim3A_280, %max3A_277, %min3A_278 : vector<128x256xi1>, vector<128x256xf32>
      %iota3A_282 = tpu.iota {dimensions = array<i32: 0>} : vector<128x1xi32>
      %and3A_283 = arith.constant 4 : i32
      %and3A_284 = vector.broadcast %and3A_283 : i32 to vector<128x1xi32>
      %and3A_285 = arith.andi %iota3A_282, %and3A_284 : vector<128x1xi32>
      %ne3A_286 = arith.constant 0 : i32
      %ne3A_287 = vector.broadcast %ne3A_286 : i32 to vector<128x1xi32>
      %ne3A_288 = arith.cmpi ne, %and3A_285, %ne3A_287 : vector<128x1xi32>
      %not3A_289 = arith.constant dense<true> : vector<128x1xi1>
      %not3A_290 = arith.xori %ne3A_288, %not3A_289 : vector<128x1xi1>
      %roll3A_291 = arith.constant 124 : i32
      %roll3A_292 = tpu.dynamic_rotate %select_n3A_281 by %roll3A_291 dim 0 : vector<128x256xf32>, i32 -> vector<128x256xf32>
      %roll3A_293 = arith.constant 4 : i32
      %roll3A_294 = tpu.dynamic_rotate %select_n3A_281 by %roll3A_293 dim 0 : vector<128x256xf32>, i32 -> vector<128x256xf32>
      %broadcast_in_dim3A_295 = vector.shape_cast %ne3A_288 : vector<128x1xi1> to vector<128x1xi1>
      %broadcast_in_dim3A_296 = vector.broadcast %broadcast_in_dim3A_295 : vector<128x1xi1> to vector<128x256xi1>
      %select_n3A_297 = arith.select %broadcast_in_dim3A_296, %roll3A_294, %roll3A_292 : vector<128x256xi1>, vector<128x256xf32>
      %max3A_298 = arith.maximumf %select_n3A_281, %select_n3A_297 : vector<128x256xf32>
      %min3A_299 = arith.minimumf %select_n3A_281, %select_n3A_297 : vector<128x256xf32>
      %broadcast_in_dim3A_300 = vector.shape_cast %not3A_290 : vector<128x1xi1> to vector<128x1xi1>
      %broadcast_in_dim3A_301 = vector.broadcast %broadcast_in_dim3A_300 : vector<128x1xi1> to vector<128x256xi1>
      %select_n3A_302 = arith.select %broadcast_in_dim3A_301, %max3A_298, %min3A_299 : vector<128x256xi1>, vector<128x256xf32>
      %swap3A = arith.index_cast %mul3A_115 : i32 to index
      %swap3A_303 = arith.constant 0 : index
      %swap3A_304 = vector.load %arg2[%swap3A, %swap3A_303] : memref<2048x256xf32, #tpu.memory_space<vmem>>, vector<128x256xf32>
      tpu.vector_store %arg2[%swap3A, %swap3A_303], %select_n3A_302 {strides = array<i32>} : memref<2048x256xf32, #tpu.memory_space<vmem>>, vector<128x256xf32>,
    }
    %scan3A_98 = arith.constant 16 : i32
    %scan3A_99 = arith.constant 0 : i32
    %scan3A_100 = arith.constant 4 : i32
    %scan3A_101 = arith.addi %scan3A_99, %scan3A_100 : i32
    %scan3A_102 = arith.constant 1 : i32
    scf.for %scan3A_114 = %scan3A_99 to %scan3A_101 step %scan3A_102  : i32 {
      %jit3A = arith.constant 4 : i32
      %div3A = arith.divsi %scan3A_114, %jit3A : i32
      %sign3A = arith.constant 0 : i32
      %sign3A_115 = arith.cmpi sgt, %scan3A_114, %sign3A : i32
      %sign3A_116 = arith.extui %sign3A_115 : i1 to i32
      %sign3A_117 = arith.constant 0 : i32
      %sign3A_118 = arith.cmpi slt, %scan3A_114, %sign3A_117 : i32
      %sign3A_119 = arith.extui %sign3A_118 : i1 to i32
      %sign3A_120 = arith.subi %sign3A_116, %sign3A_119 : i32
      %sign3A_121 = arith.constant 0 : i32
      %sign3A_122 = arith.cmpi sgt, %jit3A, %sign3A_121 : i32
      %sign3A_123 = arith.extui %sign3A_122 : i1 to i32
      %sign3A_124 = arith.constant 0 : i32
      %sign3A_125 = arith.cmpi slt, %jit3A, %sign3A_124 : i32
      %sign3A_126 = arith.extui %sign3A_125 : i1 to i32
      %sign3A_127 = arith.subi %sign3A_123, %sign3A_126 : i32
      %ne3A = arith.cmpi ne, %sign3A_120, %sign3A_127 : i32
      %rem3A = arith.remsi %scan3A_114, %jit3A : i32
      %ne3A_128 = arith.constant 0 : i32
      %ne3A_129 = arith.cmpi ne, %rem3A, %ne3A_128 : i32
      %and3A = arith.andi %ne3A, %ne3A_129 : i1
      %sub3A = arith.constant 1 : i32
      %sub3A_130 = arith.subi %div3A, %sub3A : i32
      %select_n3A = arith.select %and3A, %sub3A_130, %div3A : i32
      %jit3A_131 = arith.constant 4 : i32
      %eq3A = arith.constant 0 : i32
      %eq3A_132 = arith.cmpi eq, %jit3A_131, %eq3A : i32
      %jit3A_133 = arith.constant 1 : i32
      %select_n3A_134 = arith.select %eq3A_132, %jit3A_133, %jit3A_131 : i32
      %rem3A_135 = arith.remsi %scan3A_114, %select_n3A_134 : i32
      %ne3A_136 = arith.constant 0 : i32
      %ne3A_137 = arith.cmpi ne, %rem3A_135, %ne3A_136 : i32
      %lt3A = arith.constant 0 : i32
      %lt3A_138 = arith.cmpi slt, %rem3A_135, %lt3A : i32
      %lt3A_139 = arith.constant 0 : i32
      %lt3A_140 = arith.cmpi slt, %select_n3A_134, %lt3A_139 : i32
      %ne3A_141 = arith.xori %lt3A_138, %lt3A_140 : i1
      %and3A_142 = arith.andi %ne3A_141, %ne3A_137 : i1
      %add3A = arith.addi %rem3A_135, %select_n3A_134 : i32
      %select_n3A_143 = arith.select %and3A_142, %add3A, %rem3A_135 : i32
      %mul3A = arith.constant 2 : i32
      %mul3A_144 = arith.muli %select_n3A, %mul3A : i32
      %mul3A_145 = arith.constant 1024 : i32
      %mul3A_146 = arith.muli %mul3A_144, %mul3A_145 : i32
      %mul3A_147 = arith.constant 128 : i32
      %mul3A_148 = arith.muli %select_n3A_143, %mul3A_147 : i32
      %add3A_149 = arith.addi %mul3A_146, %mul3A_148 : i32
      %get3A = arith.index_cast %add3A_149 : i32 to index
      %get3A_150 = arith.constant 0 : index
      %get3A_151 = vector.load %arg2[%get3A, %get3A_150] : memref<2048x256xf32, #tpu.memory_space<vmem>>, vector<128x256xf32>
      %add3A_152 = arith.constant 512 : i32
      %add3A_153 = arith.addi %add3A_149, %add3A_152 : i32
      %get3A_154 = arith.index_cast %add3A_153 : i32 to index
      %get3A_155 = arith.constant 0 : index
      %get3A_156 = vector.load %arg2[%get3A_154, %get3A_155] : memref<2048x256xf32, #tpu.memory_space<vmem>>, vector<128x256xf32>
      %add3A_157 = arith.constant 1024 : i32
      %add3A_158 = arith.addi %add3A_149, %add3A_157 : i32
      %get3A_159 = arith.index_cast %add3A_158 : i32 to index
      %get3A_160 = arith.constant 0 : index
      %get3A_161 = vector.load %arg2[%get3A_159, %get3A_160] : memref<2048x256xf32, #tpu.memory_space<vmem>>, vector<128x256xf32>
      %add3A_162 = arith.constant 1024 : i32
      %add3A_163 = arith.addi %add3A_149, %add3A_162 : i32
      %add3A_164 = arith.constant 512 : i32
      %add3A_165 = arith.addi %add3A_163, %add3A_164 : i32
      %get3A_166 = arith.index_cast %add3A_165 : i32 to index
      %get3A_167 = arith.constant 0 : index
      %get3A_168 = vector.load %arg2[%get3A_166, %get3A_167] : memref<2048x256xf32, #tpu.memory_space<vmem>>, vector<128x256xf32>
      %max3A = arith.maximumf %get3A_151, %get3A_161 : vector<128x256xf32>
      %min3A = arith.minimumf %get3A_151, %get3A_161 : vector<128x256xf32>
      %max3A_169 = arith.maximumf %get3A_156, %get3A_168 : vector<128x256xf32>
      %min3A_170 = arith.minimumf %get3A_156, %get3A_168 : vector<128x256xf32>
      %max3A_171 = arith.maximumf %max3A, %max3A_169 : vector<128x256xf32>
      %min3A_172 = arith.minimumf %max3A, %max3A_169 : vector<128x256xf32>
      %max3A_173 = arith.maximumf %min3A, %min3A_170 : vector<128x256xf32>
      %min3A_174 = arith.minimumf %min3A, %min3A_170 : vector<128x256xf32>
      %swap3A = arith.index_cast %add3A_149 : i32 to index
      %swap3A_175 = arith.constant 0 : index
      %swap3A_176 = vector.load %arg2[%swap3A, %swap3A_175] : memref<2048x256xf32, #tpu.memory_space<vmem>>, vector<128x256xf32>
      tpu.vector_store %arg2[%swap3A, %swap3A_175], %max3A_171 {strides = array<i32>} : memref<2048x256xf32, #tpu.memory_space<vmem>>, vector<128x256xf32>,
      %add3A_177 = arith.constant 512 : i32
      %add3A_178 = arith.addi %add3A_149, %add3A_177 : i32
      %swap3A_179 = arith.index_cast %add3A_178 : i32 to index
      %swap3A_180 = arith.constant 0 : index
      %swap3A_181 = vector.load %arg2[%swap3A_179, %swap3A_180] : memref<2048x256xf32, #tpu.memory_space<vmem>>, vector<128x256xf32>
      tpu.vector_store %arg2[%swap3A_179, %swap3A_180], %min3A_172 {strides = array<i32>} : memref<2048x256xf32, #tpu.memory_space<vmem>>, vector<128x256xf32>,
      %add3A_182 = arith.constant 1024 : i32
      %add3A_183 = arith.addi %add3A_149, %add3A_182 : i32
      %swap3A_184 = arith.index_cast %add3A_183 : i32 to index
      %swap3A_185 = arith.constant 0 : index
      %swap3A_186 = vector.load %arg2[%swap3A_184, %swap3A_185] : memref<2048x256xf32, #tpu.memory_space<vmem>>, vector<128x256xf32>
      tpu.vector_store %arg2[%swap3A_184, %swap3A_185], %max3A_173 {strides = array<i32>} : memref<2048x256xf32, #tpu.memory_space<vmem>>, vector<128x256xf32>,
      %add3A_187 = arith.constant 1024 : i32
      %add3A_188 = arith.addi %add3A_149, %add3A_187 : i32
      %add3A_189 = arith.constant 512 : i32
      %add3A_190 = arith.addi %add3A_188, %add3A_189 : i32
      %swap3A_191 = arith.index_cast %add3A_190 : i32 to index
      %swap3A_192 = arith.constant 0 : index
      %swap3A_193 = vector.load %arg2[%swap3A_191, %swap3A_192] : memref<2048x256xf32, #tpu.memory_space<vmem>>, vector<128x256xf32>
      tpu.vector_store %arg2[%swap3A_191, %swap3A_192], %min3A_174 {strides = array<i32>} : memref<2048x256xf32, #tpu.memory_space<vmem>>, vector<128x256xf32>,
    }
    %scan3A_103 = arith.constant 4 : i32
    %scan3A_104 = arith.constant 0 : i32
    %scan3A_105 = arith.constant 4 : i32
    %scan3A_106 = arith.addi %scan3A_104, %scan3A_105 : i32
    %scan3A_107 = arith.constant 1 : i32
    scf.for %scan3A_114 = %scan3A_104 to %scan3A_106 step %scan3A_107  : i32 {
      %jit3A = arith.constant 1 : i32
      %div3A = arith.divsi %scan3A_114, %jit3A : i32
      %sign3A = arith.constant 0 : i32
      %sign3A_115 = arith.cmpi sgt, %scan3A_114, %sign3A : i32
      %sign3A_116 = arith.extui %sign3A_115 : i1 to i32
      %sign3A_117 = arith.constant 0 : i32
      %sign3A_118 = arith.cmpi slt, %scan3A_114, %sign3A_117 : i32
      %sign3A_119 = arith.extui %sign3A_118 : i1 to i32
      %sign3A_120 = arith.subi %sign3A_116, %sign3A_119 : i32
      %sign3A_121 = arith.constant 0 : i32
      %sign3A_122 = arith.cmpi sgt, %jit3A, %sign3A_121 : i32
      %sign3A_123 = arith.extui %sign3A_122 : i1 to i32
      %sign3A_124 = arith.constant 0 : i32
      %sign3A_125 = arith.cmpi slt, %jit3A, %sign3A_124 : i32
      %sign3A_126 = arith.extui %sign3A_125 : i1 to i32
      %sign3A_127 = arith.subi %sign3A_123, %sign3A_126 : i32
      %ne3A = arith.cmpi ne, %sign3A_120, %sign3A_127 : i32
      %rem3A = arith.remsi %scan3A_114, %jit3A : i32
      %ne3A_128 = arith.constant 0 : i32
      %ne3A_129 = arith.cmpi ne, %rem3A, %ne3A_128 : i32
      %and3A = arith.andi %ne3A, %ne3A_129 : i1
      %sub3A = arith.constant 1 : i32
      %sub3A_130 = arith.subi %div3A, %sub3A : i32
      %select_n3A = arith.select %and3A, %sub3A_130, %div3A : i32
      %jit3A_131 = arith.constant 1 : i32
      %eq3A = arith.constant 0 : i32
      %eq3A_132 = arith.cmpi eq, %jit3A_131, %eq3A : i32
      %jit3A_133 = arith.constant 1 : i32
      %select_n3A_134 = arith.select %eq3A_132, %jit3A_133, %jit3A_131 : i32
      %rem3A_135 = arith.remsi %scan3A_114, %select_n3A_134 : i32
      %ne3A_136 = arith.constant 0 : i32
      %ne3A_137 = arith.cmpi ne, %rem3A_135, %ne3A_136 : i32
      %lt3A = arith.constant 0 : i32
      %lt3A_138 = arith.cmpi slt, %rem3A_135, %lt3A : i32
      %lt3A_139 = arith.constant 0 : i32
      %lt3A_140 = arith.cmpi slt, %select_n3A_134, %lt3A_139 : i32
      %ne3A_141 = arith.xori %lt3A_138, %lt3A_140 : i1
      %and3A_142 = arith.andi %ne3A_141, %ne3A_137 : i1
      %add3A = arith.addi %rem3A_135, %select_n3A_134 : i32
      %select_n3A_143 = arith.select %and3A_142, %add3A, %rem3A_135 : i32
      %mul3A = arith.constant 2 : i32
      %mul3A_144 = arith.muli %select_n3A, %mul3A : i32
      %mul3A_145 = arith.constant 256 : i32
      %mul3A_146 = arith.muli %mul3A_144, %mul3A_145 : i32
      %mul3A_147 = arith.constant 128 : i32
      %mul3A_148 = arith.muli %select_n3A_143, %mul3A_147 : i32
      %add3A_149 = arith.addi %mul3A_146, %mul3A_148 : i32
      %get3A = arith.index_cast %add3A_149 : i32 to index
      %get3A_150 = arith.constant 0 : index
      %get3A_151 = vector.load %arg2[%get3A, %get3A_150] : memref<2048x256xf32, #tpu.memory_space<vmem>>, vector<128x256xf32>
      %add3A_152 = arith.constant 128 : i32
      %add3A_153 = arith.addi %add3A_149, %add3A_152 : i32
      %get3A_154 = arith.index_cast %add3A_153 : i32 to index
      %get3A_155 = arith.constant 0 : index
      %get3A_156 = vector.load %arg2[%get3A_154, %get3A_155] : memref<2048x256xf32, #tpu.memory_space<vmem>>, vector<128x256xf32>
      %add3A_157 = arith.constant 256 : i32
      %add3A_158 = arith.addi %add3A_149, %add3A_157 : i32
      %get3A_159 = arith.index_cast %add3A_158 : i32 to index
      %get3A_160 = arith.constant 0 : index
      %get3A_161 = vector.load %arg2[%get3A_159, %get3A_160] : memref<2048x256xf32, #tpu.memory_space<vmem>>, vector<128x256xf32>
      %add3A_162 = arith.constant 256 : i32
      %add3A_163 = arith.addi %add3A_149, %add3A_162 : i32
      %add3A_164 = arith.constant 128 : i32
      %add3A_165 = arith.addi %add3A_163, %add3A_164 : i32
      %get3A_166 = arith.index_cast %add3A_165 : i32 to index
      %get3A_167 = arith.constant 0 : index
      %get3A_168 = vector.load %arg2[%get3A_166, %get3A_167] : memref<2048x256xf32, #tpu.memory_space<vmem>>, vector<128x256xf32>
      %max3A = arith.maximumf %get3A_151, %get3A_161 : vector<128x256xf32>
      %min3A = arith.minimumf %get3A_151, %get3A_161 : vector<128x256xf32>
      %max3A_169 = arith.maximumf %get3A_156, %get3A_168 : vector<128x256xf32>
      %min3A_170 = arith.minimumf %get3A_156, %get3A_168 : vector<128x256xf32>
      %max3A_171 = arith.maximumf %max3A, %max3A_169 : vector<128x256xf32>
      %min3A_172 = arith.minimumf %max3A, %max3A_169 : vector<128x256xf32>
      %max3A_173 = arith.maximumf %min3A, %min3A_170 : vector<128x256xf32>
      %min3A_174 = arith.minimumf %min3A, %min3A_170 : vector<128x256xf32>
      %swap3A = arith.index_cast %add3A_149 : i32 to index
      %swap3A_175 = arith.constant 0 : index
      %swap3A_176 = vector.load %arg2[%swap3A, %swap3A_175] : memref<2048x256xf32, #tpu.memory_space<vmem>>, vector<128x256xf32>
      tpu.vector_store %arg2[%swap3A, %swap3A_175], %max3A_171 {strides = array<i32>} : memref<2048x256xf32, #tpu.memory_space<vmem>>, vector<128x256xf32>,
      %add3A_177 = arith.constant 128 : i32
      %add3A_178 = arith.addi %add3A_149, %add3A_177 : i32
      %swap3A_179 = arith.index_cast %add3A_178 : i32 to index
      %swap3A_180 = arith.constant 0 : index
      %swap3A_181 = vector.load %arg2[%swap3A_179, %swap3A_180] : memref<2048x256xf32, #tpu.memory_space<vmem>>, vector<128x256xf32>
      tpu.vector_store %arg2[%swap3A_179, %swap3A_180], %min3A_172 {strides = array<i32>} : memref<2048x256xf32, #tpu.memory_space<vmem>>, vector<128x256xf32>,
      %add3A_182 = arith.constant 256 : i32
      %add3A_183 = arith.addi %add3A_149, %add3A_182 : i32
      %swap3A_184 = arith.index_cast %add3A_183 : i32 to index
      %swap3A_185 = arith.constant 0 : index
      %swap3A_186 = vector.load %arg2[%swap3A_184, %swap3A_185] : memref<2048x256xf32, #tpu.memory_space<vmem>>, vector<128x256xf32>
      tpu.vector_store %arg2[%swap3A_184, %swap3A_185], %max3A_173 {strides = array<i32>} : memref<2048x256xf32, #tpu.memory_space<vmem>>, vector<128x256xf32>,
      %add3A_187 = arith.constant 256 : i32
      %add3A_188 = arith.addi %add3A_149, %add3A_187 : i32
      %add3A_189 = arith.constant 128 : i32
      %add3A_190 = arith.addi %add3A_188, %add3A_189 : i32
      %swap3A_191 = arith.index_cast %add3A_190 : i32 to index
      %swap3A_192 = arith.constant 0 : index
      %swap3A_193 = vector.load %arg2[%swap3A_191, %swap3A_192] : memref<2048x256xf32, #tpu.memory_space<vmem>>, vector<128x256xf32>
      tpu.vector_store %arg2[%swap3A_191, %swap3A_192], %min3A_174 {strides = array<i32>} : memref<2048x256xf32, #tpu.memory_space<vmem>>, vector<128x256xf32>,
    }
    %scan3A_108 = arith.constant 4 : i32
    %scan3A_109 = arith.constant 0 : i32
    %scan3A_110 = arith.constant 16 : i32
    %scan3A_111 = arith.addi %scan3A_109, %scan3A_110 : i32
    %scan3A_112 = arith.constant 1 : i32
    scf.for %scan3A_114 = %scan3A_109 to %scan3A_111 step %scan3A_112  : i32 {
      %mul3A = arith.constant 128 : i32
      %mul3A_115 = arith.muli %scan3A_114, %mul3A : i32
      %get3A = arith.index_cast %mul3A_115 : i32 to index
      %get3A_116 = arith.constant 0 : index
      %get3A_117 = vector.load %arg2[%get3A, %get3A_116] : memref<2048x256xf32, #tpu.memory_space<vmem>>, vector<128x256xf32>
      %slice3A = vector.extract_strided_slice %get3A_117 {offsets = [0, 0], sizes = [8, 256], strides = [1, 1]} : vector<128x256xf32> to vector<8x256xf32>
      %slice3A_118 = vector.extract_strided_slice %get3A_117 {offsets = [8, 0], sizes = [8, 256], strides = [1, 1]} : vector<128x256xf32> to vector<8x256xf32>
      %max3A = arith.maximumf %slice3A, %slice3A_118 : vector<8x256xf32>
      %min3A = arith.minimumf %slice3A, %slice3A_118 : vector<8x256xf32>
      %slice3A_119 = vector.extract_strided_slice %get3A_117 {offsets = [16, 0], sizes = [8, 256], strides = [1, 1]} : vector<128x256xf32> to vector<8x256xf32>
      %slice3A_120 = vector.extract_strided_slice %get3A_117 {offsets = [24, 0], sizes = [8, 256], strides = [1, 1]} : vector<128x256xf32> to vector<8x256xf32>
      %max3A_121 = arith.maximumf %slice3A_119, %slice3A_120 : vector<8x256xf32>
      %min3A_122 = arith.minimumf %slice3A_119, %slice3A_120 : vector<8x256xf32>
      %slice3A_123 = vector.extract_strided_slice %get3A_117 {offsets = [32, 0], sizes = [8, 256], strides = [1, 1]} : vector<128x256xf32> to vector<8x256xf32>
      %slice3A_124 = vector.extract_strided_slice %get3A_117 {offsets = [40, 0], sizes = [8, 256], strides = [1, 1]} : vector<128x256xf32> to vector<8x256xf32>
      %max3A_125 = arith.maximumf %slice3A_123, %slice3A_124 : vector<8x256xf32>
      %min3A_126 = arith.minimumf %slice3A_123, %slice3A_124 : vector<8x256xf32>
      %slice3A_127 = vector.extract_strided_slice %get3A_117 {offsets = [48, 0], sizes = [8, 256], strides = [1, 1]} : vector<128x256xf32> to vector<8x256xf32>
      %slice3A_128 = vector.extract_strided_slice %get3A_117 {offsets = [56, 0], sizes = [8, 256], strides = [1, 1]} : vector<128x256xf32> to vector<8x256xf32>
      %max3A_129 = arith.maximumf %slice3A_127, %slice3A_128 : vector<8x256xf32>
      %min3A_130 = arith.minimumf %slice3A_127, %slice3A_128 : vector<8x256xf32>
      %slice3A_131 = vector.extract_strided_slice %get3A_117 {offsets = [64, 0], sizes = [8, 256], strides = [1, 1]} : vector<128x256xf32> to vector<8x256xf32>
      %slice3A_132 = vector.extract_strided_slice %get3A_117 {offsets = [72, 0], sizes = [8, 256], strides = [1, 1]} : vector<128x256xf32> to vector<8x256xf32>
      %max3A_133 = arith.maximumf %slice3A_131, %slice3A_132 : vector<8x256xf32>
      %min3A_134 = arith.minimumf %slice3A_131, %slice3A_132 : vector<8x256xf32>
      %slice3A_135 = vector.extract_strided_slice %get3A_117 {offsets = [80, 0], sizes = [8, 256], strides = [1, 1]} : vector<128x256xf32> to vector<8x256xf32>
      %slice3A_136 = vector.extract_strided_slice %get3A_117 {offsets = [88, 0], sizes = [8, 256], strides = [1, 1]} : vector<128x256xf32> to vector<8x256xf32>
      %max3A_137 = arith.maximumf %slice3A_135, %slice3A_136 : vector<8x256xf32>
      %min3A_138 = arith.minimumf %slice3A_135, %slice3A_136 : vector<8x256xf32>
      %slice3A_139 = vector.extract_strided_slice %get3A_117 {offsets = [96, 0], sizes = [8, 256], strides = [1, 1]} : vector<128x256xf32> to vector<8x256xf32>
      %slice3A_140 = vector.extract_strided_slice %get3A_117 {offsets = [104, 0], sizes = [8, 256], strides = [1, 1]} : vector<128x256xf32> to vector<8x256xf32>
      %max3A_141 = arith.maximumf %slice3A_139, %slice3A_140 : vector<8x256xf32>
      %min3A_142 = arith.minimumf %slice3A_139, %slice3A_140 : vector<8x256xf32>
      %slice3A_143 = vector.extract_strided_slice %get3A_117 {offsets = [112, 0], sizes = [8, 256], strides = [1, 1]} : vector<128x256xf32> to vector<8x256xf32>
      %slice3A_144 = vector.extract_strided_slice %get3A_117 {offsets = [120, 0], sizes = [8, 256], strides = [1, 1]} : vector<128x256xf32> to vector<8x256xf32>
      %max3A_145 = arith.maximumf %slice3A_143, %slice3A_144 : vector<8x256xf32>
      %min3A_146 = arith.minimumf %slice3A_143, %slice3A_144 : vector<8x256xf32>
      %concatenate3A = tpu.concatenate %max3A, %min3A, %max3A_121, %min3A_122, %max3A_125, %min3A_126, %max3A_129, %min3A_130, %max3A_133, %min3A_134, %max3A_137, %min3A_138, %max3A_141, %min3A_142, %max3A_145, %min3A_146 in 0 : vector<8x256xf32>, vector<8x256xf32>, vector<8x256xf32>, vector<8x256xf32>, vector<8x256xf32>, vector<8x256xf32>, vector<8x256xf32>, vector<8x256xf32>, vector<8x256xf32>, vector<8x256xf32>, vector<8x256xf32>, vector<8x256xf32>, vector<8x256xf32>, vector<8x256xf32>, vector<8x256xf32>, vector<8x256xf32> -> vector<128x256xf32>
      %slice3A_147 = vector.extract_strided_slice %concatenate3A {offsets = [0, 0], sizes = [16, 256], strides = [1, 1]} : vector<128x256xf32> to vector<16x256xf32>
      %slice3A_148 = vector.extract_strided_slice %concatenate3A {offsets = [16, 0], sizes = [16, 256], strides = [1, 1]} : vector<128x256xf32> to vector<16x256xf32>
      %max3A_149 = arith.maximumf %slice3A_147, %slice3A_148 : vector<16x256xf32>
      %min3A_150 = arith.minimumf %slice3A_147, %slice3A_148 : vector<16x256xf32>
      %slice3A_151 = vector.extract_strided_slice %concatenate3A {offsets = [32, 0], sizes = [16, 256], strides = [1, 1]} : vector<128x256xf32> to vector<16x256xf32>
      %slice3A_152 = vector.extract_strided_slice %concatenate3A {offsets = [48, 0], sizes = [16, 256], strides = [1, 1]} : vector<128x256xf32> to vector<16x256xf32>
      %max3A_153 = arith.maximumf %slice3A_151, %slice3A_152 : vector<16x256xf32>
      %min3A_154 = arith.minimumf %slice3A_151, %slice3A_152 : vector<16x256xf32>
      %slice3A_155 = vector.extract_strided_slice %concatenate3A {offsets = [64, 0], sizes = [16, 256], strides = [1, 1]} : vector<128x256xf32> to vector<16x256xf32>
      %slice3A_156 = vector.extract_strided_slice %concatenate3A {offsets = [80, 0], sizes = [16, 256], strides = [1, 1]} : vector<128x256xf32> to vector<16x256xf32>
      %max3A_157 = arith.maximumf %slice3A_155, %slice3A_156 : vector<16x256xf32>
      %min3A_158 = arith.minimumf %slice3A_155, %slice3A_156 : vector<16x256xf32>
      %slice3A_159 = vector.extract_strided_slice %concatenate3A {offsets = [96, 0], sizes = [16, 256], strides = [1, 1]} : vector<128x256xf32> to vector<16x256xf32>
      %slice3A_160 = vector.extract_strided_slice %concatenate3A {offsets = [112, 0], sizes = [16, 256], strides = [1, 1]} : vector<128x256xf32> to vector<16x256xf32>
      %max3A_161 = arith.maximumf %slice3A_159, %slice3A_160 : vector<16x256xf32>
      %min3A_162 = arith.minimumf %slice3A_159, %slice3A_160 : vector<16x256xf32>
      %concatenate3A_163 = tpu.concatenate %max3A_149, %min3A_150, %max3A_153, %min3A_154, %max3A_157, %min3A_158, %max3A_161, %min3A_162 in 0 : vector<16x256xf32>, vector<16x256xf32>, vector<16x256xf32>, vector<16x256xf32>, vector<16x256xf32>, vector<16x256xf32>, vector<16x256xf32>, vector<16x256xf32> -> vector<128x256xf32>
      %slice3A_164 = vector.extract_strided_slice %concatenate3A_163 {offsets = [0, 0], sizes = [32, 256], strides = [1, 1]} : vector<128x256xf32> to vector<32x256xf32>
      %slice3A_165 = vector.extract_strided_slice %concatenate3A_163 {offsets = [32, 0], sizes = [32, 256], strides = [1, 1]} : vector<128x256xf32> to vector<32x256xf32>
      %max3A_166 = arith.maximumf %slice3A_164, %slice3A_165 : vector<32x256xf32>
      %min3A_167 = arith.minimumf %slice3A_164, %slice3A_165 : vector<32x256xf32>
      %slice3A_168 = vector.extract_strided_slice %concatenate3A_163 {offsets = [64, 0], sizes = [32, 256], strides = [1, 1]} : vector<128x256xf32> to vector<32x256xf32>
      %slice3A_169 = vector.extract_strided_slice %concatenate3A_163 {offsets = [96, 0], sizes = [32, 256], strides = [1, 1]} : vector<128x256xf32> to vector<32x256xf32>
      %max3A_170 = arith.maximumf %slice3A_168, %slice3A_169 : vector<32x256xf32>
      %min3A_171 = arith.minimumf %slice3A_168, %slice3A_169 : vector<32x256xf32>
      %concatenate3A_172 = tpu.concatenate %max3A_166, %min3A_167, %max3A_170, %min3A_171 in 0 : vector<32x256xf32>, vector<32x256xf32>, vector<32x256xf32>, vector<32x256xf32> -> vector<128x256xf32>
      %slice3A_173 = vector.extract_strided_slice %concatenate3A_172 {offsets = [0, 0], sizes = [64, 256], strides = [1, 1]} : vector<128x256xf32> to vector<64x256xf32>
      %slice3A_174 = vector.extract_strided_slice %concatenate3A_172 {offsets = [64, 0], sizes = [64, 256], strides = [1, 1]} : vector<128x256xf32> to vector<64x256xf32>
      %max3A_175 = arith.maximumf %slice3A_173, %slice3A_174 : vector<64x256xf32>
      %min3A_176 = arith.minimumf %slice3A_173, %slice3A_174 : vector<64x256xf32>
      %concatenate3A_177 = tpu.concatenate %max3A_175, %min3A_176 in 0 : vector<64x256xf32>, vector<64x256xf32> -> vector<128x256xf32>
      %swap3A = arith.index_cast %mul3A_115 : i32 to index
      %swap3A_178 = arith.constant 0 : index
      %swap3A_179 = vector.load %arg2[%swap3A, %swap3A_178] : memref<2048x256xf32, #tpu.memory_space<vmem>>, vector<128x256xf32>
      tpu.vector_store %arg2[%swap3A, %swap3A_178], %concatenate3A_177 {strides = array<i32>} : memref<2048x256xf32, #tpu.memory_space<vmem>>, vector<128x256xf32>,
    }
    %scan3A_113 = arith.constant 16 : i32
    return
  }
  func.func @transform_0(%arg0: i32) -> (i32, i32) {
    %c0_i32 = arith.constant 0 : i32
    %c0_i32_0 = arith.constant 0 : i32
    return %c0_i32, %arg0 : i32, i32
  }
  func.func @transform_1(%arg0: i32) -> (i32, i32) {
    %c0_i32 = arith.constant 0 : i32
    %c0_i32_0 = arith.constant 0 : i32
    return %c0_i32, %arg0 : i32, i32
  }
}

</mosaic_0001>

<sc_bundles>
// kernel: gather_offload_async_start
scs
__scs_entry_jumppad:
0x0: {  	(pc) =	sbr.rel $0x88, $3  }
0x1: {  	(tag) =	ssettag $0x0;
	lr =	simm.s32 $0x1  }
0x2: {  	[smem:$0x3FA0] =	sst lr;
	_ =	strace $0xD0000000  }
0x3: {  	_ = 	snop  }
0x4: {  	_ = 	snop  }
0x5: {  	_ = 	snop  }
0x6: {  	_ = 	snop  }
0x7: {  	_ = 	snop  }
__scs_overlays_trampoline_lowered:
0x8: {  	[smem:$0x3FAF] =	sst s0  }
0x9: {  	[smem:$0x3FB0] =	sst s1  }
0xa: {  	[smem:$0x3FB1] =	sst s2  }
0xb: {  	[smem:$0x3FB2] =	sst s3  }
0xc: {  	[smem:$0x3FB3] =	sst s4  }
0xd: {  	[smem:$0x3FB4] =	sst s5  }
0xe: {  	[smem:$0x3FB5] =	sst s6  }
0xf: {  	[smem:$0x3FB6] =	sst s7  }
0x10: {  	[smem:$0x3FB7] =	sst s8  }
0x11: {  	[smem:$0x3FB8] =	sst s9;
	s0 =	simm.s32 @!p0 $0x0  }
0x12: {  	s1 =	sld [smem:$0x3F9E];
	s0 =	simm.s32 @p0 $0x1  }
0x13: {  	[smem:$0x3FB9] =	sst s0;
	s0 =	simm.s32 @!p1 $0x0  }
0x14: {  	s2 =	sld [smem:$0x3F9D];
	s0 =	simm.s32 @p1 $0x1  }
0x15: {  	[smem:$0x3FBA] =	sst s0;
	s0 =	simm.s32 @!p2 $0x0  }
0x16: {  	s3 =	sld [smem:$0x3FDB];
	s0 =	simm.s32 @p2 $0x1  }
0x17: {  	s4 =	simm.s32 $0x1BF5;
	[smem:$0x3FBC] =	sst s0  }
0x18: {  	s0 =	sld [smem:$0x3F9F];
	_ =	swait.ge [sflag:s4], $0x0  }
0x19: {  	s7 =	sld [smem:$0x3FA0]  }
0x1a: {  	s8 =	sadd.s32 $0xFFFFE003, lr  }
0x1b: {  	s9 =	sadd.s32 $0xFFFFFEF7, lr;
	s5 =	simm.s32 $0xFFFFFFFF;
	p2 =	slt.u32 s8, $0xFFFFF086  }
0x1c: {  	p1 =	slt.u32 s9, $0xF7A;
	s5 =	simm.s32 @!p2 $0x0  }
0x1d: {  	s5 =	simm.s32 @p1 $0x1;
	p0 =	seq.s32 s7, s2  }
0x1e: {  	s7 =	smul.u32 @!p0 $0xF7A, s2;
	p2 =	seq.s32 @!p0 s5, $0x0  }
0x1f: {  	s9 =	smul.u32 $0xF7A, s1;
	s8 =	simm.s32 @!p0 $0x1BF5;
	p2 =	por !p2, p0  }
0x20: {  	[sflag:s8] =	ssyncset.s32 @!p0 $0xFFFFF086;
	s6 =	sadd.s32 @!p0 s3, s7;
	s7 =	simm.s32 @!p0 $0x108  }
0x21: {  	s3 =	sadd.s32 s3, s9;
	s6 =	sadd.s32 @!p0 $0x88, s6;
	s7 =	simm.s32 @p2 $0x1082  }
0x22: {  	[simem:s7], [sflag:s8] =	dma.local @!p0 [hbm:s6], $0xF7A  }
0x23: {  	s9 =	sor.u32 $0xD0000000, s2;
	s6 =	simm.s32 $0x108;
	_ =	swait.ge @!p0 [sflag:s8], $0x0  }
0x24: {  	s3 =	sadd.s32 $0x88, s3;
	s6 =	simm.s32 @!p1 $0x1082;
	[sflag:s4] =	ssyncset.s32 $0xFFFFF086  }
0x25: {  	[simem:s6], [sflag:s4] =	dma.local [hbm:s3], $0xF7A  }
0x26: {  	[smem:$0x3FA0] =	sst s1;
	(tag) =	ssettag s2;
	_ =	strace s9  }
0x27: {  	s1 =	sld [smem:$0x3FB0]  }
0x28: {  	s2 =	sld [smem:$0x3FB1]  }
0x29: {  	s4 =	sld [smem:$0x3FB3]  }
0x2a: {  	p0 =	seq.s32 s5, $0x0;
	s5 =	sld [smem:$0x3FB4]  }
0x2b: {  	s6 =	sld [smem:$0x3FB5]  }
0x2c: {  	s7 =	sld [smem:$0x3FB6]  }
0x2d: {  	s3 =	simm.s32 $0x108;
	s8 =	sld [smem:$0x3FB7]  }
0x2e: {  	s3 =	simm.s32 @!p0 $0x1082;
	s9 =	sld [smem:$0x3FB8]  }
0x2f: {  	lr =	sadd.s32 s0, s3;
	s0 =	sld [smem:$0x3FAF]  }
0x30: {  	s3 =	sld [smem:$0x3FB2]  }
0x31: {  	[smem:$0x3FBB] =	sst s10  }
0x32: {  	s10 =	sld [smem:$0x3FB9];
	_ =	sdelay $0x3  }
0x33: {  	p0 =	seq.s32 s10, $0x1;
	s10 =	sld [smem:$0x3FBB];
	_ =	sdelay $0x3  }
0x34: {  	[smem:$0x3FBB] =	sst s10  }
0x35: {  	s10 =	sld [smem:$0x3FBA];
	_ =	sdelay $0x3  }
0x36: {  	p1 =	seq.s32 s10, $0x1;
	s10 =	sld [smem:$0x3FBB];
	_ =	sdelay $0x3  }
0x37: {  	[smem:$0x3FBB] =	sst s10  }
0x38: {  	s10 =	sld [smem:$0x3FBC]  }
0x39: {  	_ = 	snop;
	(pc) =	sbr.ind lr, $3  }
0x3a: {  	_ = 	snop  }
0x3b: {  	_ = 	snop  }
0x3c: {  	p2 =	seq.s32 s10, $0x1;
	s10 =	sld [smem:$0x3FBB]  }
0x3d: {  	_ =	shalt  }
0x3e: {  	_ =	shalt  }
0x3f: {  	_ =	shalt  }
0x40: {  	_ =	shalt  }
0x41: {  	_ =	shalt  }
0x42: {  	_ =	shalt  }
0x43: {  	_ =	shalt  }
0x44: {  	_ =	shalt  }
0x45: {  	_ =	shalt  }
0x46: {  	_ =	shalt  }
0x47: {  	_ =	shalt  }
0x48: {  	_ =	shalt  }
0x49: {  	_ =	shalt  }
0x4a: {  	_ =	shalt  }
0x4b: {  	_ =	shalt  }
0x4c: {  	_ =	shalt  }
0x4d: {  	_ =	shalt  }
0x4e: {  	_ =	shalt  }
0x4f: {  	_ =	shalt  }
0x50: {  	_ =	shalt  }
0x51: {  	_ =	shalt  }
0x52: {  	_ =	shalt  }
0x53: {  	_ =	shalt  }
0x54: {  	_ =	shalt  }
0x55: {  	_ =	shalt  }
0x56: {  	_ =	shalt  }
0x57: {  	_ =	shalt  }
0x58: {  	_ =	shalt  }
0x59: {  	_ =	shalt  }
0x5a: {  	_ =	shalt  }
0x5b: {  	_ =	shalt  }
0x5c: {  	_ =	shalt  }
0x5d: {  	_ =	shalt  }
0x5e: {  	_ =	shalt  }
0x5f: {  	_ =	shalt  }
0x60: {  	_ =	shalt  }
0x61: {  	_ =	shalt  }
0x62: {  	_ =	shalt  }
0x63: {  	_ =	shalt  }
0x64: {  	_ =	shalt  }
0x65: {  	_ =	shalt  }
0x66: {  	_ =	shalt  }
0x67: {  	_ =	shalt  }
0x68: {  	_ =	shalt  }
0x69: {  	_ =	shalt  }
0x6a: {  	_ =	shalt  }
0x6b: {  	_ =	shalt  }
0x6c: {  	_ =	shalt  }
0x6d: {  	_ =	shalt  }
0x6e: {  	_ =	shalt  }
0x6f: {  	_ =	shalt  }
0x70: {  	_ =	shalt  }
0x71: {  	_ =	shalt  }
0x72: {  	_ =	shalt  }
0x73: {  	_ =	shalt  }
0x74: {  	_ =	shalt  }
0x75: {  	_ =	shalt  }
0x76: {  	_ =	shalt  }
0x77: {  	_ =	shalt  }
0x78: {  	_ =	shalt  }
0x79: {  	_ =	shalt  }
0x7a: {  	_ =	shalt  }
0x7b: {  	_ =	shalt  }
0x7c: {  	_ =	shalt  }
0x7d: {  	_ =	shalt  }
0x7e: {  	_ =	shalt  }
0x7f: {  	_ =	shalt  }
0x80: {  	_ =	shalt  }
0x81: {  	_ =	shalt  }
0x82: {  	_ =	shalt  }
0x83: {  	_ =	shalt  }
0x84: {  	_ =	shalt  }
0x85: {  	_ =	shalt  }
0x86: {  	_ =	shalt  }
0x87: {  	_ =	shalt  }
.Lfunc_end0:
.L_simem_size_0:
called_computation.2_lowered:
.L_overlay_start_0:
0x88: {  	s2 =	sld [smem:$0x3FD9]  }
0x89: {  	s3 =	sld [smem:$0x3FFE];
	_ =	sdelay $0x1  }
0x8a: {  	s1 =	srdreg.scid  }
0x8b: {  	s0 =	sand.u32 $0x1, s1  }
0x8c: {  	s17 =	sshll.u32 s0, $0xA;
	s2 =	sadd.s32 s3, s2  }
0x8d: {  	s2 =	sadd.s32 s2, s17  }
0x8e: {  	[smem:$0x3FC7] =	sst s2  }
0x8f: {  	_ = 	snop  }
0x90: {  	s2 =	sld [smem:$0x3FD0];
	(tm) =	ssettm $0x1  }
0x91: {  	s18 =	sld [smem:$0x3FFB];
	_ =	sdelay $0x3  }
0x92: {  	_ =	strace s18  }
0x93: {  	s3 =	sld [smem:$0x3FFC];
	_ =	sdelay $0x3  }
0x94: {  	_ =	strace s3  }
0x95: {  	s3 =	sld [smem:$0x3FFD];
	_ =	sdelay $0x3  }
0x96: {  	_ =	strace s3  }
0x97: {  	_ =	strace $0x8FFFFFFF  }
0x98: {  	s19 =	sld [smem:$0x3FDB];
	_ =	sdelay $0x1  }
0x99: {  	s4 =	simm.s32 $_scs_section_size  }
0x9a: {  	s5 =	simm.s32 $_size__tile_overlayer_lowered;
	s6 =	simm.s32 $_tile_overlayer_lowered  }
0x9b: {  	s22 =	simm.s32 $0x1BFF;
	s21 =	sshll.u32 s6, $0x1;
	s3 =	sadd.s32 s4, s19  }
0x9c: {  	s7 =	simm.s32 $0x0;
	s20 =	sshll.u32 s5, $0x1;
	s5 =	sadd.s32 s21, s3  }
0x9d: {  	[timem:s7], [sflag:s22] =	dma.local [hbm:s5], s20  }
0x9e: {  	_ =	swait.ge [sflag:s22], s20  }
0x9f: {  	s4 =	ssub.s32 $0x0, s20;
	[sflag:s22] =	ssyncset.done $0x0  }
0xa0: {  	[sflag:s22] =	ssyncadd.s32 s4;
	_ =	sdelay $0x1  }
0xa1: {  	s23 =	simm.s32 $0x1B8B  }
0xa2: {  	_ =	swait.ge [sflag:s23], $0x1  }
0xa3: {  	[sflag:s23] =	ssyncset.done $0x0  }
0xa4: {  	s25 =	simm.s32 $0x1B8E;
	s24 =	sld [smem:$0x3FFE];
	[sflag:s23] =	ssyncadd.s32 $0xFFFFFFFF  }
0xa5: {  	s26 =	simm.s32 $execute0_lowered;
	[smem:$0x3FD2] =	sst s25  }
0xa6: {  	s5 =	sshll.u32 s26, $0x1;
	_ =	strace $0x80000049;
	[dreg:$0x1] =	wrdreg $0xFFFFFFFF  }
0xa7: {  	s28 =	simm.s32 $_size_execute0_lowered;
	s3 =	sadd.s32 s3, s5;
	[dreg:$0x0] =	wrdreg $0x0  }
0xa8: {  	s5 =	sshll.u32 s28, $0x1;
	[dreg:$0x2] =	wrdreg s3  }
0xa9: {  	[dreg:$0x3] =	wrdreg s5  }
0xaa: {  	[dreg:$0x4] =	wrdreg $0xC0  }
0xab: {  	_ =	task [dreg:s7], $0x5FFFF  }
0xac: {  	[dreg:$0x1] =	wrdreg $0xFFFFFFFF  }
0xad: {  	[dreg:$0x0] =	wrdreg $0x60  }
0xae: {  	[dreg:$0x2] =	wrdreg s2  }
0xaf: {  	[dreg:$0x3] =	wrdreg s24  }
0xb0: {  	[dreg:$0x4] =	wrdreg $0x9  }
0xb1: {  	_ =	task.clear_ibuf [dreg:s7], $0x5FFFF;
	_ =	strace $0x90000049  }
0xb2: {  	s29 =	simm.s32 $0x9;
	_ =	strace $0x8000004B  }
0xb3: {  	_ =	swait.ge [sflag:s29], $0x1  }
0xb4: {  	[sflag:s29] =	ssyncadd.s32 $0xFFFFFFFF  }
0xb5: {  	_ =	strace $0x9000004B  }
0xb6: {  	_ =	sfence  }
0xb7: {  	s30 =	sld [smem:$0x0];
	_ =	sdelay $0x2  }
0xb8: {  	s31 =	sshll.u32 s1, $0xD;
	s1 =	sshrl.u32 s1, $0x2  }
0xb9: {  	s3 =	sand.u32 $0x4000, s31;
	s1 =	sadd.s32 s1, s30  }
0xba: {  	s0 =	sor.u32 s3, s0;
	s1 =	sshll.u32 s1, $0x11  }
0xbb: {  	s0 =	sor.u32 s1, s0  }
0xbc: {  	s0 =	sadd.s32 $0x8F2B, s0  }
0xbd: {  	[sflag:s0] =	ssyncadd.remote.s32 $0x1  }
0xbe: {  	_ =	sfence.sel $0xFFFF  }
0xbf: {  	[dreg:$0x0] =	wrdreg $0xFFFFFFFF;
	(pc) =	sbr.abs _section_cstart, $3  }
0xc0: {  	[dreg:$0x1] =	wrdreg $0xFFFFFFFF  }
0xc1: {  	_ =	task.clear_ibuf [dreg:s7], $0x2FFFF;
	_ =	strace $0x9FFFFFFF  }
0xc2: {  	(tm) =	ssettm $0x7FFFFFFF  }
0xc3: {  	_ =	shalt  }
tec
execute0_lowered:
.L_overlay_start_1:
0x0: {  	(tag) =	ssettag $0x1  }
0x1: {  	s2 =	rddreg [dreg:$0x0]  }
0x2: {  	s7 =	rddreg [dreg:$0x1]  }
0x3: {  	s0 =	rddreg [dreg:$0x2]  }
0x4: {  	s1 =	srdreg.scid;
	_ =	strace $0x8000004A;
	s4 =	simm.s32 $0x1  }
0x5: {  	s9 =	simm.s32 $0x3;
	s11 =	simm.s32 $0x0;
	s5 =	sshll.u32 s1, $0x4  }
.Ltmp0:
0x6: {  	s1 =	stileid.u32;
	s5 =	sand.u32 $0x10, s5;
	(pc) =	sbr.rel .LBB2_1-.Ltmp0, $4  }
0x7: {  	p0 =	por $0x0, $0x0;
	s3 =	sadd.s32 $0x200E00, s7;
	s6 =	sor.u32 s1, s5  }
0x8: {  	[sflag:s4] =	ssyncpa.u1 $0x0;
	s5 =	simm.s32 $0x2;
	s6 =	sshll.u32 s6, $0x6  }
0x9: {  	s7 =	sadd.s32 $0xE00, s7;
	[sflag:s5] =	ssyncpa.u1 $0x0;
	s8 =	sadd.s32 $0x40, s6  }
0xa: {  	vm0 =	vmmov $0xff;
	[sflag:s9] =	ssyncpa.u1 $0x0;
	s10 =	smov.u32 s6;
	s9 =	simm.s32 $0x0  }
.LBB2_5:
0xb: {  	p1 =	slt.u32 s9, $0x2;
	s11 =	sadd.s32 $0x8, s10  }
0xc: {  	s13 =	smov.u32 s6;
	s9 =	sadd.s32 $0x1, s9;
	p2 =	slt.s32 s11, s8  }
0xd: {  	s13 =	smov.u32 @p2 s11;
	p2 =	sne.s32 s9, $0xA  }
.Ltmp1:
0xe: {  	_ = 	snop;
	(pc) =	sbr.rel @!p2 .LBB2_6-.Ltmp1, $4  }
0xf: {  	s12 =	simm.s32 @!p1 $0x3  }
0x10: {  	_ =	swait.ge @!p1 [sflag:s12], $0x8000  }
0x11: {  	p0 =	por !p0, !p0;
	[sflag:s12] =	ssyncset.done @!p1 $0x0  }
0x12: {  	s11 =	smov.u32 s10;
	s10 =	smov.u32 s13;
	[sflag:s12] =	ssyncadd.s32 @!p1 $0xFFFF8000  }
.LBB2_1:
0x13: {  	p1 =	sgt.u32 s9, $0x7  }
0x14: {  	s12 =	sxor.u32 @!p1 $0xFFFFFFFF, s9  }
0x15: {  	s13 =	sshrl.u32 @!p1 s10, $0x3;
	s12 =	sshll.u32 @!p1 s12, $0x3  }
0x16: {  	s14 =	sand.u32 @!p1 $0x7, s10;
	s13 =	sadd.s32 @!p1 s3, s13;
	s12 =	sand.u32 @!p1 $0x8, s12  }
0x17: {  	[tilespmem:s12], [sflag:$0x2] =	stream.linear.gather @!p1 [hbm4b:s13+s14], $0x8, $0x38;
	[tilespmem:$0x10010] =	vst v63  }
0x18: {  	p1 =	seq.s32 s9, $0x0  }
0x19: {  	p2 =	seq.s32 @!p1 s9, $0x9  }
0x1a: {  	p1 =	por p1, p2  }
.Ltmp2:
0x1b: {  	_ = 	snop;
	(pc) =	sbr.rel @p1 .LBB2_5-.Ltmp2, $1  }
0x1c: {  	_ =	sdelay $0x3  }
0x1d: {  	_ =	swait.ge [sflag:s5], $0x8  }
0x1e: {  	s12 =	sand.u32 $0x1, s9;
	[sflag:s5] =	ssyncset.done $0x0  }
0x1f: {  	s13 =	sshll.u32 s12, $0x3;
	[sflag:s5] =	ssyncadd.s32 $0xFFFFFFF8  }
0x20: {  	v0 =	vld.msk [tilespmem:s13+$0x0 ss:$0x1], $0xff;
	_ =	sdelay $0x4  }
0x21: {  	vm1 =	vgt.s32 v0, $0x0  }
0x22: {  	v0 =	vnsel vm1, $0x0, v0  }
0x23: {  	v0 =	vmin.u32 v0, $0x7FF  }
0x24: {  	v1 =	vshll.u32 v0, $0x9;
	v0 =	vshll.u32 v0, $0x4  }
0x25: {  	v1 =	vand.u32 $0xFF000, v1;
	v0 =	vand.u32 $0x70, v0  }
0x26: {  	s13 =	simm.s32 $0x1;
	v0 =	vor.u32 v0, v1  }
0x27: {  	s13 =	simm.s32 @!p0 $0x0  }
0x28: {  	s13 =	sshll.u32 s13, $0xF  }
0x29: {  	s12 =	sshll.u32 s12, $0xF;
	s13 =	sor.u32 $0x10, s13  }
0x2a: {  	s14 =	simm.s32 $0x1000;
	s12 =	sor.u32 $0x10, s12;
	s15 =	sadd.s32 $0x0, s13  }
.LBB2_3:
0x2b: {  	[tilespmem:s15], [sflag:$0x1] =	stream.indirect_vreg.gather [hbm:s2], $0x80, v0, vm0, $0x38;
	[tilespmem:$0x10010] =	vst v63  }
0x2c: {  	v0 =	vadd.s32 $0x80, v0;
	s15 =	smov.u32 s14;
	p1 =	sne.s32 s14, $0x1F000  }
.Ltmp3:
0x2d: {  	s14 =	sadd.s32 $0x1000, s14;
	(pc) =	sbr.rel @p1 .LBB2_3-.Ltmp3, $3  }
0x2e: {  	_ =	sdelay $0x1  }
0x2f: {  	s15 =	sshra.s32 s15, $0x2  }
0x30: {  	s15 =	sadd.s32 s15, s13  }
0x31: {  	_ =	sdelay $0x3  }
0x32: {  	[tilespmem:s15], [sflag:$0x1] =	stream.indirect_vreg.gather [hbm:s2], $0x80, v0, vm0, $0x38;
	[tilespmem:$0x10010] =	vst v63  }
.Ltmp4:
0x33: {  	s13 =	sshll.u32 s11, $0x4;
	(pc) =	sbr.rel .LBB2_5-.Ltmp4, $4  }
0x34: {  	s31 =	sshll.u32 s11, $0x9;
	_ =	swait.ge [sflag:s4], $0x8000;
	s13 =	sand.u32 $0x70, s13  }
0x35: {  	s11 =	sand.u32 $0xFFFFF000, s31;
	[sflag:s4] =	ssyncset.done $0x0;
	s13 =	sadd.s32 s7, s13  }
0x36: {  	[sflag:s4] =	ssyncadd.s32 $0xFFFF8000;
	s11 =	sadd.s32 s11, s13  }
0x37: {  	[hbm:s11] =	stream.linear.scatter [tilespmem:s12], [sflag:$0x3], $0x8000, $0x38;
	[tilespmem:$0x10010] =	vst v63  }
.LBB2_6:
0x38: {  	_ =	sfence.sel $0x180000  }
0x39: {  	s2 =	simm.s32 $0x2;
	[bflag:$0x0] =	sbarrier.arrive $0xFFFF  }
0x3a: {  	s30 =	simm.s32 $0x3;
	[sflag:s2] =	ssyncpa.u1 $0x1  }
0x3b: {  	s31 =	simm.s32 $0x1;
	[sflag:s30] =	ssyncpa.u1 $0x1  }
0x3c: {  	[sflag:s31] =	ssyncpa.u1 $0x1  }
0x3d: {  	p0 =	sne.s32 s1, $0x0;
	_ =	strace $0x9000004A  }
0x3e: {  	s0 =	sadd.s32 @!p0 $0x100000, s0;
	[bflag:$0x2] =	sbarrier.arrive $0xFFFF  }
0x3f: {  	[sflag:s0] =	ssyncadd.tile.s32 @!p0 $0x1;
	_ =	shalt  }
.Lfunc_end2:
_tile_overlayer_lowered:
.L_overlay_start_2:
0x40: {  	(tag) =	ssettag $0x2  }
0x41: {  	s0 =	rddreg [dreg:$0x0];
	s2 =	stileid.u32  }
0x42: {  	s1 =	rddreg [dreg:$0x1];
	p0 =	sne.s32 s2, $0x0  }
0x43: {  	s3 =	rddreg [dreg:$0x2];
	[bflag:$0x3] =	sbarrier.arrive $0xFFFF;
	s2 =	simm.s32 @!p0 $0x1C01  }
0x44: {  	[timem:s3], [sflag:s2] =	dma.local @!p0 [hbm:s0], s1  }
0x45: {  	s0 =	simm.s32 @!p0 $0x1  }
0x46: {  	_ =	swait.ge @!p0 [sflag:s0], s1  }
0x47: {  	s1 =	ssub.s32 @!p0 $0x0, s1;
	[sflag:s0] =	ssyncset.done @!p0 $0x0  }
0x48: {  	[sflag:s0] =	ssyncadd.s32 @!p0 s1  }
0x49: {  	[bflag:$0x3] =	sbarrier.arrive $0xFFFF  }
0x4a: {  	_ =	shalt  }

// kernel: sparse-core-data-format-call.1.cloned.1.call-start
scs
called_computation.1_lowered:
.L_overlay_start_0:
0x0: {  	s2 =	sld [smem:$0x3FD9]  }
0x1: {  	s3 =	sld [smem:$0x3FFE];
	_ =	sdelay $0x1  }
0x2: {  	s1 =	srdreg.scid  }
0x3: {  	s0 =	sand.u32 $0x1, s1  }
0x4: {  	s18 =	sshll.u32 s0, $0xA;
	s2 =	sadd.s32 s3, s2  }
0x5: {  	s2 =	sadd.s32 s2, s18  }
0x6: {  	[smem:$0x3FC7] =	sst s2  }
0x7: {  	_ = 	snop  }
0x8: {  	s2 =	sld [smem:$0x3FC9];
	(tm) =	ssettm $0x1  }
0x9: {  	s19 =	sld [smem:$0x3FFB];
	_ =	sdelay $0x3  }
0xa: {  	_ =	strace s19  }
0xb: {  	s3 =	sld [smem:$0x3FFC];
	_ =	sdelay $0x3  }
0xc: {  	_ =	strace s3  }
0xd: {  	s3 =	sld [smem:$0x3FFD];
	_ =	sdelay $0x3  }
0xe: {  	_ =	strace s3  }
0xf: {  	_ =	strace $0x8FFFFFFF  }
0x10: {  	s20 =	sld [smem:$0x3FDB];
	_ =	sdelay $0x1  }
0x11: {  	s4 =	simm.s32 $_scs_section_size  }
0x12: {  	s5 =	simm.s32 $_size__tile_overlayer_lowered;
	s6 =	simm.s32 $_tile_overlayer_lowered  }
0x13: {  	s23 =	simm.s32 $0x1BFF;
	s22 =	sshll.u32 s6, $0x1;
	s3 =	sadd.s32 s4, s20  }
0x14: {  	s7 =	simm.s32 $0x0;
	s21 =	sshll.u32 s5, $0x1;
	s5 =	sadd.s32 s22, s3  }
0x15: {  	[timem:s7], [sflag:s23] =	dma.local [hbm:s5], s21  }
0x16: {  	_ =	swait.ge [sflag:s23], s21  }
0x17: {  	s4 =	ssub.s32 $0x0, s21;
	[sflag:s23] =	ssyncset.done $0x0  }
0x18: {  	[sflag:s23] =	ssyncadd.s32 s4;
	_ =	sdelay $0x1  }
0x19: {  	s24 =	simm.s32 $0x1B8B  }
0x1a: {  	_ =	swait.ge [sflag:s24], $0x1  }
0x1b: {  	[sflag:s24] =	ssyncset.done $0x0  }
0x1c: {  	s26 =	simm.s32 $0x1B8E;
	s25 =	sld [smem:$0x3FFE];
	[sflag:s24] =	ssyncadd.s32 $0xFFFFFFFF  }
0x1d: {  	s27 =	simm.s32 $execute0_lowered;
	[smem:$0x3FD2] =	sst s26  }
0x1e: {  	s5 =	sshll.u32 s27, $0x1;
	_ =	strace $0x80000046;
	[dreg:$0x1] =	wrdreg $0xFFFFFFFF  }
0x1f: {  	s28 =	simm.s32 $_size_execute0_lowered;
	s3 =	sadd.s32 s3, s5;
	[dreg:$0x0] =	wrdreg $0x0  }
0x20: {  	s5 =	sshll.u32 s28, $0x1;
	[dreg:$0x2] =	wrdreg s3  }
0x21: {  	[dreg:$0x3] =	wrdreg s5  }
0x22: {  	[dreg:$0x4] =	wrdreg $0xC0  }
0x23: {  	_ =	task [dreg:s7], $0x5FFFF  }
0x24: {  	[dreg:$0x1] =	wrdreg $0xFFFFFFFF  }
0x25: {  	[dreg:$0x0] =	wrdreg $0x60  }
0x26: {  	[dreg:$0x2] =	wrdreg s2  }
0x27: {  	[dreg:$0x3] =	wrdreg s25  }
0x28: {  	[dreg:$0x4] =	wrdreg $0x9  }
0x29: {  	_ =	task.clear_ibuf [dreg:s7], $0x5FFFF;
	_ =	strace $0x90000046  }
0x2a: {  	s29 =	simm.s32 $0x9;
	_ =	strace $0x80000048  }
0x2b: {  	_ =	swait.ge [sflag:s29], $0x1  }
0x2c: {  	[sflag:s29] =	ssyncadd.s32 $0xFFFFFFFF  }
0x2d: {  	_ =	strace $0x90000048  }
0x2e: {  	_ =	sfence  }
0x2f: {  	s30 =	sld [smem:$0x0];
	_ =	sdelay $0x2  }
0x30: {  	s31 =	sshll.u32 s1, $0xD;
	s1 =	sshrl.u32 s1, $0x2  }
0x31: {  	s3 =	sand.u32 $0x4000, s31;
	s1 =	sadd.s32 s1, s30  }
0x32: {  	s0 =	sor.u32 s3, s0;
	s1 =	sshll.u32 s1, $0x11  }
0x33: {  	s0 =	sor.u32 s1, s0  }
0x34: {  	s0 =	sadd.s32 $0x8F2B, s0  }
0x35: {  	[sflag:s0] =	ssyncadd.remote.s32 $0x1  }
0x36: {  	_ =	sfence.sel $0xFFFF  }
0x37: {  	[dreg:$0x0] =	wrdreg $0xFFFFFFFF;
	(pc) =	sbr.abs _section_cstart, $3  }
0x38: {  	[dreg:$0x1] =	wrdreg $0xFFFFFFFF  }
0x39: {  	_ =	task.clear_ibuf [dreg:s7], $0x2FFFF;
	_ =	strace $0x9FFFFFFF  }
0x3a: {  	(tm) =	ssettm $0x7FFFFFFF  }
0x3b: {  	_ =	shalt  }
tec
execute0_lowered:
.L_overlay_start_1:
0x0: {  	(tag) =	ssettag $0x1  }
0x1: {  	s0 =	srdreg.scid  }
0x2: {  	s1 =	sshll.u32 s0, $0x4  }
0x3: {  	s3 =	rddreg [dreg:$0x0];
	s0 =	stileid.u32;
	s1 =	sand.u32 $0x10, s1  }
0x4: {  	s6 =	rddreg [dreg:$0x1];
	s5 =	simm.s32 $0x1;
	s1 =	sor.u32 s0, s1  }
0x5: {  	s31 =	simm.s32 $0x2;
	s13 =	simm.s32 $0x0;
	s2 =	sshll.u32 s1, $0x7  }
0x6: {  	s8 =	simm.s32 $0x8000;
	s12 =	simm.s32 $0x0;
	s4 =	ssub.s32 $0x1000, s2  }
0x7: {  	s9 =	simm.s32 $0x0;
	s11 =	simm.s32 $0x0;
	s30 =	sand.u32 $0xF80, s4  }
.Ltmp0:
0x8: {  	s6 =	sadd.s32 $0xE00, s6;
	p0 =	sne.s32 s30, $0x0;
	(pc) =	sbr.rel .LBB1_1-.Ltmp0, $4  }
0x9: {  	s1 =	rddreg [dreg:$0x2];
	s7 =	sshrl.u32 s4, $0xC;
	s5 =	simm.s32 @!p0 $0x0  }
0xa: {  	_ =	strace $0x80000047;
	s4 =	simm.s32 $0x1;
	s5 =	sadd.s32 s5, s7  }
0xb: {  	s10 =	smov.u32 s2;
	[sflag:s4] =	ssyncpa.u1 $0x0;
	s5 =	sshll.u32 s5, $0x5  }
0xc: {  	[sflag:s31] =	ssyncpa.u1 $0x0;
	p0 =	por $0x0, $0x0;
	s7 =	sor.u32 $0x1, s5  }
.LBB1_4:
0xd: {  	v5 =	vld [tilespmem:s16+$0xFFFFFFD0]  }
0xe: {  	[tilespmem:s17+$0x2040 ss:$0x81] =	vst.msk $0xffff, v1;
	v58 =	vld [tilespmem:s16+$0xFFFFFFE0]  }
0xf: {  	[tilespmem:s17+$0x2850 ss:$0x81] =	vst.msk $0xffff, v2;
	v59 =	vld [tilespmem:s16+$0xFFFFFFF0]  }
0x10: {  	s18 =	sshra.s32 s18, $0x2;
	[tilespmem:s17+$0x3060 ss:$0x81] =	vst.msk $0xffff, v3;
	v60 =	vld [tilespmem:s16+$0x0]  }
0x11: {  	[tilespmem:s17+$0x0 ss:$0x81] =	vst.msk $0xffff, v0;
	v61 =	vld [tilespmem:s16+$0x10];
	s15 =	sadd.s32 s18, s15  }
0x12: {  	s26 =	sshll.u32 s13, $0xC;
	v62 =	vld [tilespmem:s16+$0x20];
	[tilespmem:s15+$0x3870 ss:$0x81] =	vst.msk $0xffff, v4  }
0x13: {  	s27 =	sand.u32 $0x78, s12;
	s19 =	sshll.u32 s12, $0x3;
	v63 =	vld [tilespmem:s16+$0xFFFFFFC0];
	s29 =	sshll.u32 s13, $0x7;
	[tilespmem:s15+$0x810 ss:$0x81] =	vst.msk $0xffff, v5  }
0x14: {  	s17 =	sand.u32 $0xFF8000, s26;
	s28 =	sand.u32 $0xFFFC00, s19;
	s19 =	sand.u32 $0xC00, s19;
	[tilespmem:s15+$0x1020 ss:$0x81] =	vst.msk $0xffff, v58  }
0x15: {  	s13 =	sand.u32 $0x380, s29;
	s16 =	sadd.s32 s28, s17;
	s30 =	sor.u32 s27, s19;
	[tilespmem:s15+$0x1830 ss:$0x81] =	vst.msk $0xffff, v59  }
0x16: {  	s16 =	sand.u32 $0xFFF000, s16;
	s13 =	sor.u32 s13, s30;
	[tilespmem:s15+$0x2040 ss:$0x81] =	vst.msk $0xffff, v60  }
0x17: {  	s31 =	sand.u32 $0x7, s12;
	s13 =	sor.u32 s16, s13;
	[tilespmem:s15+$0x2850 ss:$0x81] =	vst.msk $0xffff, v61  }
0x18: {  	s12 =	sshll.u32 s31, $0x12;
	[tilespmem:s15+$0x3060 ss:$0x81] =	vst.msk $0xffff, v62;
	s13 =	sshrl.u32 s13, $0x3  }
0x19: {  	s12 =	sor.u32 $0x400, s12;
	[tilespmem:s15+$0x0 ss:$0x81] =	vst.msk $0xffff, v63;
	s13 =	sadd.s32 s6, s13  }
0x1a: {  	[hbm4b:s13+s12] =	stream.strided.scatter [tilespmem:s14], [sflag:$0x2], $0x4000, s8, s12, $0x20;
	[tilespmem:$0x10100] =	vst v63  }
.LBB1_5:
0x1b: {  	s14 =	sadd.s32 $0x80, s9  }
0x1c: {  	s12 =	sadd.s32 $0x1000, s10;
	s16 =	smov.u32 s10;
	p2 =	sgt.s32 s14, $0xFFF  }
0x1d: {  	s16 =	smov.u32 @p2 s12  }
0x1e: {  	s14 =	simm.s32 @p2 $0x0;
	p2 =	sgt.s32 s16, $0xFFF  }
0x1f: {  	s16 =	smov.u32 @p2 s2;
	p2 =	sne.s32 s11, s7  }
.Ltmp1:
0x20: {  	p1 =	slt.u32 s11, $0x2;
	(pc) =	sbr.rel @!p2 .LBB1_6-.Ltmp1, $4  }
0x21: {  	s15 =	simm.s32 @!p1 $0x2  }
0x22: {  	s13 =	smov.u32 s9;
	p0 =	por !p0, !p0;
	_ =	swait.ge @!p1 [sflag:s15], $0x4000  }
0x23: {  	s12 =	smov.u32 s10;
	[sflag:s15] =	ssyncset.done @!p1 $0x0;
	s9 =	smov.u32 s14  }
0x24: {  	s11 =	sadd.s32 $0x1, s11;
	[sflag:s15] =	ssyncadd.s32 @!p1 $0xFFFFC000;
	s10 =	smov.u32 s16  }
.LBB1_1:
0x25: {  	p1 =	sge.u32 s11, s5;
	s31 =	sadd.s32 $0xFFFFFFFF, s11  }
0x26: {  	s14 =	sand.u32 @!p1 $0x78, s9;
	s15 =	sshll.u32 @!p1 s10, $0xC;
	s16 =	sshll.u32 @!p1 s10, $0x7  }
0x27: {  	s17 =	sshll.u32 @!p1 s9, $0x3;
	s15 =	sand.u32 @!p1 $0xFF8000, s15;
	s16 =	sand.u32 @!p1 $0x380, s16  }
0x28: {  	s15 =	sadd.s32 @!p1 s15, s17;
	s17 =	sand.u32 @!p1 $0xC00, s17;
	s14 =	sor.u32 @!p1 s16, s14  }
0x29: {  	s16 =	sxor.u32 @!p1 $0xFFFFFFFF, s11;
	s15 =	sand.u32 @!p1 $0xFFF000, s15;
	s14 =	sor.u32 @!p1 s17, s14  }
0x2a: {  	s16 =	sshll.u32 @!p1 s16, $0xE;
	s14 =	sor.u32 @!p1 s15, s14;
	s15 =	sand.u32 @!p1 $0x7, s9  }
0x2b: {  	s17 =	simm.s32 @!p1 $0x8000;
	s14 =	sshrl.u32 @!p1 s14, $0x3;
	s15 =	sshll.u32 @!p1 s15, $0x12  }
0x2c: {  	s16 =	sand.u32 @!p1 $0x4000, s16;
	s14 =	sadd.s32 @!p1 s3, s14;
	s15 =	sor.u32 @!p1 $0x400, s15  }
0x2d: {  	[tilespmem:s16], [sflag:$0x1] =	stream.strided.gather @!p1 [hbm4b:s14+s15], $0x4000, s17, s15, $0x38;
	[tilespmem:$0x10100] =	vst v63  }
0x2e: {  	p1 =	sge.u32 s31, s5  }
.Ltmp2:
0x2f: {  	_ = 	snop;
	(pc) =	sbr.rel @p1 .LBB1_5-.Ltmp2, $1  }
0x30: {  	_ =	sdelay $0x3  }
0x31: {  	s14 =	simm.s32 $0x1  }
0x32: {  	_ =	swait.ge [sflag:s4], $0x4000;
	s14 =	simm.s32 @!p0 $0x0  }
0x33: {  	[sflag:s4] =	ssyncset.done $0x0;
	s15 =	sshll.u32 s14, $0xE  }
0x34: {  	[sflag:s4] =	ssyncadd.s32 $0xFFFFC000;
	s16 =	sor.u32 $0x40, s15  }
0x35: {  	s14 =	smul.u32 $0x10200, s14;
	v0 =	vld [tilespmem:s16+$0x30]  }
0x36: {  	v3 =	vld [tilespmem:s16+$0xFFFFFFD0]  }
0x37: {  	s14 =	sshrl.u32 s14, $0x2;
	v4 =	vld [tilespmem:s16+$0xFFFFFFE0]  }
0x38: {  	v5 =	vld [tilespmem:s16+$0xFFFFFFF0];
	s15 =	sor.u32 $0x8000, s14  }
0x39: {  	s31 =	sand.u32 $0x1, s11;
	v1 =	vld [tilespmem:s16+$0x0];
	s17 =	sadd.s32 $0x0, s15  }
0x3a: {  	v2 =	vld [tilespmem:s16+$0x10];
	s14 =	smul.u32 $0x10200, s31;
	[tilespmem:s17+$0x3870 ss:$0x81] =	vst.msk $0xffff, v0  }
0x3b: {  	[tilespmem:s17+$0x810 ss:$0x81] =	vst.msk $0xffff, v3;
	v3 =	vld [tilespmem:s16+$0x20]  }
0x3c: {  	s14 =	sshrl.u32 s14, $0x2;
	v0 =	vld [tilespmem:s16+$0xFFFFFFC0];
	[tilespmem:s17+$0x1020 ss:$0x81] =	vst.msk $0xffff, v4;
	s16 =	sadd.s32 $0x80, s16  }
0x3d: {  	s18 =	simm.s32 $0x4;
	s19 =	simm.s32 $0x8;
	s14 =	sor.u32 $0x8000, s14;
	[tilespmem:s17+$0x1830 ss:$0x81] =	vst.msk $0xffff, v5;
	v4 =	vld [tilespmem:s16+$0x30]  }
.LBB1_3:
0x3e: {  	p1 =	sne.s32 s19, $0x1FC;
	v5 =	vld [tilespmem:s16+$0xFFFFFFD0];
	[tilespmem:s17+$0x2040 ss:$0x81] =	vst.msk $0xffff, v1  }
0x3f: {  	v6 =	vld [tilespmem:s16+$0xFFFFFFE0];
	[tilespmem:s17+$0x2850 ss:$0x81] =	vst.msk $0xffff, v2  }
0x40: {  	s20 =	sshra.s32 s18, $0x2;
	s18 =	smov.u32 s19;
	v7 =	vld [tilespmem:s16+$0xFFFFFFF0];
	[tilespmem:s17+$0x3060 ss:$0x81] =	vst.msk $0xffff, v3  }
.Ltmp3:
0x41: {  	v1 =	vld [tilespmem:s16+$0x0];
	[tilespmem:s17+$0x0 ss:$0x81] =	vst.msk $0xffff, v0;
	s17 =	sadd.s32 s20, s15;
	(pc) =	sbr.rel @p1 .LBB1_3-.Ltmp3, $4  }
0x42: {  	v2 =	vld [tilespmem:s16+$0x10];
	[tilespmem:s17+$0x3870 ss:$0x81] =	vst.msk $0xffff, v4  }
0x43: {  	[tilespmem:s17+$0x810 ss:$0x81] =	vst.msk $0xffff, v5;
	v3 =	vld [tilespmem:s16+$0x20]  }
0x44: {  	v0 =	vld [tilespmem:s16+$0xFFFFFFC0];
	[tilespmem:s17+$0x1020 ss:$0x81] =	vst.msk $0xffff, v6;
	s16 =	sadd.s32 $0x80, s16  }
0x45: {  	s19 =	sadd.s32 $0x4, s19;
	v4 =	vld [tilespmem:s16+$0x30];
	[tilespmem:s17+$0x1830 ss:$0x81] =	vst.msk $0xffff, v7  }
.Ltmp4:
0x46: {  	_ = 	snop;
	(pc) =	sbr.rel .LBB1_4-.Ltmp4, $1  }
0x47: {  	_ =	sdelay $0x3  }
.LBB1_6:
0x48: {  	_ =	sfence.sel $0x180000  }
0x49: {  	s2 =	simm.s32 $0x1;
	[bflag:$0x0] =	sbarrier.arrive $0xFFFF  }
0x4a: {  	s31 =	simm.s32 $0x2;
	[sflag:s2] =	ssyncpa.u1 $0x1  }
0x4b: {  	[sflag:s31] =	ssyncpa.u1 $0x1  }
0x4c: {  	p0 =	sne.s32 s0, $0x0;
	_ =	strace $0x90000047  }
0x4d: {  	s0 =	sadd.s32 @!p0 $0x100000, s1;
	[bflag:$0x2] =	sbarrier.arrive $0xFFFF  }
0x4e: {  	[sflag:s0] =	ssyncadd.tile.s32 @!p0 $0x1;
	_ =	shalt  }
.Lfunc_end1:
_tile_overlayer_lowered:
.L_overlay_start_2:
0x4f: {  	(tag) =	ssettag $0x2  }
0x50: {  	s0 =	rddreg [dreg:$0x0];
	s2 =	stileid.u32  }
0x51: {  	s1 =	rddreg [dreg:$0x1];
	p0 =	sne.s32 s2, $0x0  }
0x52: {  	s3 =	rddreg [dreg:$0x2];
	[bflag:$0x3] =	sbarrier.arrive $0xFFFF;
	s2 =	simm.s32 @!p0 $0x1C01  }
0x53: {  	[timem:s3], [sflag:s2] =	dma.local @!p0 [hbm:s0], s1  }
0x54: {  	s0 =	simm.s32 @!p0 $0x1  }
0x55: {  	_ =	swait.ge @!p0 [sflag:s0], s1  }
0x56: {  	s1 =	ssub.s32 @!p0 $0x0, s1;
	[sflag:s0] =	ssyncset.done @!p0 $0x0  }
0x57: {  	[sflag:s0] =	ssyncadd.s32 @!p0 s1  }
0x58: {  	[bflag:$0x3] =	sbarrier.arrive $0xFFFF  }
0x59: {  	_ =	shalt  }

// kernel: sparse-core-data-format-call.cloned.1.call-start
scs
called_computation_lowered:
.L_overlay_start_0:
0x0: {  	s2 =	sld [smem:$0x3FD9]  }
0x1: {  	s3 =	sld [smem:$0x3FFE];
	_ =	sdelay $0x1  }
0x2: {  	s1 =	srdreg.scid  }
0x3: {  	s0 =	sand.u32 $0x1, s1  }
0x4: {  	s18 =	sshll.u32 s0, $0xA;
	s2 =	sadd.s32 s3, s2  }
0x5: {  	s2 =	sadd.s32 s2, s18  }
0x6: {  	[smem:$0x3FC7] =	sst s2  }
0x7: {  	_ = 	snop  }
0x8: {  	s2 =	sld [smem:$0x3FD0];
	(tm) =	ssettm $0x1  }
0x9: {  	s19 =	sld [smem:$0x3FFB];
	_ =	sdelay $0x3  }
0xa: {  	_ =	strace s19  }
0xb: {  	s3 =	sld [smem:$0x3FFC];
	_ =	sdelay $0x3  }
0xc: {  	_ =	strace s3  }
0xd: {  	s3 =	sld [smem:$0x3FFD];
	_ =	sdelay $0x3  }
0xe: {  	_ =	strace s3  }
0xf: {  	_ =	strace $0x8FFFFFFF  }
0x10: {  	s20 =	sld [smem:$0x3FDB];
	_ =	sdelay $0x1  }
0x11: {  	s4 =	simm.s32 $_scs_section_size  }
0x12: {  	s5 =	simm.s32 $_size__tile_overlayer_lowered;
	s6 =	simm.s32 $_tile_overlayer_lowered  }
0x13: {  	s23 =	simm.s32 $0x1BFF;
	s22 =	sshll.u32 s6, $0x1;
	s3 =	sadd.s32 s4, s20  }
0x14: {  	s7 =	simm.s32 $0x0;
	s21 =	sshll.u32 s5, $0x1;
	s5 =	sadd.s32 s22, s3  }
0x15: {  	[timem:s7], [sflag:s23] =	dma.local [hbm:s5], s21  }
0x16: {  	_ =	swait.ge [sflag:s23], s21  }
0x17: {  	s4 =	ssub.s32 $0x0, s21;
	[sflag:s23] =	ssyncset.done $0x0  }
0x18: {  	[sflag:s23] =	ssyncadd.s32 s4;
	_ =	sdelay $0x1  }
0x19: {  	s24 =	simm.s32 $0x1B8B  }
0x1a: {  	_ =	swait.ge [sflag:s24], $0x1  }
0x1b: {  	[sflag:s24] =	ssyncset.done $0x0  }
0x1c: {  	s26 =	simm.s32 $0x1B8E;
	s25 =	sld [smem:$0x3FFE];
	[sflag:s24] =	ssyncadd.s32 $0xFFFFFFFF  }
0x1d: {  	s27 =	simm.s32 $execute0_lowered;
	[smem:$0x3FD2] =	sst s26  }
0x1e: {  	s5 =	sshll.u32 s27, $0x1;
	_ =	strace $0x8000004C;
	[dreg:$0x1] =	wrdreg $0xFFFFFFFF  }
0x1f: {  	s28 =	simm.s32 $_size_execute0_lowered;
	s3 =	sadd.s32 s3, s5;
	[dreg:$0x0] =	wrdreg $0x0  }
0x20: {  	s5 =	sshll.u32 s28, $0x1;
	[dreg:$0x2] =	wrdreg s3  }
0x21: {  	[dreg:$0x3] =	wrdreg s5  }
0x22: {  	[dreg:$0x4] =	wrdreg $0xC0  }
0x23: {  	_ =	task [dreg:s7], $0x5FFFF  }
0x24: {  	[dreg:$0x1] =	wrdreg $0xFFFFFFFF  }
0x25: {  	[dreg:$0x0] =	wrdreg $0x60  }
0x26: {  	[dreg:$0x2] =	wrdreg s25  }
0x27: {  	[dreg:$0x3] =	wrdreg s2  }
0x28: {  	[dreg:$0x4] =	wrdreg $0x9  }
0x29: {  	_ =	task.clear_ibuf [dreg:s7], $0x5FFFF;
	_ =	strace $0x9000004C  }
0x2a: {  	s29 =	simm.s32 $0x9;
	_ =	strace $0x8000004E  }
0x2b: {  	_ =	swait.ge [sflag:s29], $0x1  }
0x2c: {  	[sflag:s29] =	ssyncadd.s32 $0xFFFFFFFF  }
0x2d: {  	_ =	strace $0x9000004E  }
0x2e: {  	_ =	sfence  }
0x2f: {  	s30 =	sld [smem:$0x0];
	_ =	sdelay $0x2  }
0x30: {  	s31 =	sshll.u32 s1, $0xD;
	s1 =	sshrl.u32 s1, $0x2  }
0x31: {  	s3 =	sand.u32 $0x4000, s31;
	s1 =	sadd.s32 s1, s30  }
0x32: {  	s0 =	sor.u32 s3, s0;
	s1 =	sshll.u32 s1, $0x11  }
0x33: {  	s0 =	sor.u32 s1, s0  }
0x34: {  	s0 =	sadd.s32 $0x8F2B, s0  }
0x35: {  	[sflag:s0] =	ssyncadd.remote.s32 $0x1  }
0x36: {  	_ =	sfence.sel $0xFFFF  }
0x37: {  	[dreg:$0x0] =	wrdreg $0xFFFFFFFF;
	(pc) =	sbr.abs _section_cstart, $3  }
0x38: {  	[dreg:$0x1] =	wrdreg $0xFFFFFFFF  }
0x39: {  	_ =	task.clear_ibuf [dreg:s7], $0x2FFFF;
	_ =	strace $0x9FFFFFFF  }
0x3a: {  	(tm) =	ssettm $0x7FFFFFFF  }
0x3b: {  	_ =	shalt  }
tec
execute0_lowered:
.L_overlay_start_1:
0x0: {  	(tag) =	ssettag $0x1  }
0x1: {  	s7 =	rddreg [dreg:$0x0]  }
0x2: {  	s2 =	rddreg [dreg:$0x1];
	s1 =	stileid.u32  }
0x3: {  	s4 =	srdreg.scid;
	s0 =	rddreg [dreg:$0x2];
	_ =	strace $0x8000004D  }
0x4: {  	s9 =	simm.s32 $0x1;
	s31 =	simm.s32 $0x2;
	s14 =	simm.s32 $0x0  }
0x5: {  	s13 =	simm.s32 $0x0;
	s3 =	sshll.u32 s1, $0x7;
	s4 =	sshll.u32 s4, $0x7  }
0x6: {  	s12 =	simm.s32 $0x0;
	s4 =	sand.u32 $0x80, s4;
	s5 =	ssub.s32 $0x800, s3  }
0x7: {  	s6 =	sshrl.u32 s5, $0xB;
	s5 =	sand.u32 $0x780, s5;
	s8 =	ssub.s32 $0x1000, s4  }
0x8: {  	p0 =	sne.s32 s5, $0x0;
	s30 =	sshrl.u32 s8, $0x7;
	s8 =	sshrl.u32 s8, $0x8  }
.Ltmp0:
0x9: {  	s9 =	simm.s32 @!p0 $0x0;
	s10 =	sand.u32 $0x1, s30;
	(pc) =	sbr.rel .LBB1_1-.Ltmp0, $4  }
0xa: {  	s5 =	simm.s32 $0x1;
	s6 =	sadd.s32 s9, s6;
	s8 =	sadd.s32 s8, s10  }
0xb: {  	s7 =	sadd.s32 $0xE00, s7;
	[sflag:s5] =	ssyncpa.u1 $0x0;
	s6 =	smul.u32 s6, s8  }
0xc: {  	s11 =	smov.u32 s3;
	p0 =	por $0x0, $0x0;
	[sflag:s31] =	ssyncpa.u1 $0x0  }
0xd: {  	s9 =	simm.s32 $0x4000;
	s10 =	smov.u32 s4;
	s8 =	sadd.s32 $0x1, s6  }
.LBB1_4:
0xe: {  	v5 =	vld [tilespmem:s17+$0xFFFFFFD0]  }
0xf: {  	[tilespmem:s18+$0x2040 ss:$0x81] =	vst.msk $0xffff, v1;
	v58 =	vld [tilespmem:s17+$0xFFFFFFE0]  }
0x10: {  	[tilespmem:s18+$0x2850 ss:$0x81] =	vst.msk $0xffff, v2;
	v59 =	vld [tilespmem:s17+$0xFFFFFFF0]  }
0x11: {  	s19 =	sshra.s32 s19, $0x2;
	[tilespmem:s18+$0x3060 ss:$0x81] =	vst.msk $0xffff, v3;
	v60 =	vld [tilespmem:s17+$0x0]  }
0x12: {  	[tilespmem:s18+$0x0 ss:$0x81] =	vst.msk $0xffff, v0;
	v61 =	vld [tilespmem:s17+$0x10];
	s16 =	sadd.s32 s19, s16  }
0x13: {  	s26 =	sshll.u32 s14, $0xB;
	v62 =	vld [tilespmem:s17+$0x20];
	[tilespmem:s16+$0x3870 ss:$0x81] =	vst.msk $0xffff, v4  }
0x14: {  	s27 =	sand.u32 $0x78, s13;
	s20 =	sshll.u32 s13, $0x3;
	v63 =	vld [tilespmem:s17+$0xFFFFFFC0];
	s29 =	sshll.u32 s14, $0x7;
	[tilespmem:s16+$0x810 ss:$0x81] =	vst.msk $0xffff, v5  }
0x15: {  	s18 =	sand.u32 $0x7FC000, s26;
	s28 =	sand.u32 $0x7FFC00, s20;
	s20 =	sand.u32 $0x400, s20;
	[tilespmem:s16+$0x1020 ss:$0x81] =	vst.msk $0xffff, v58  }
0x16: {  	s14 =	sand.u32 $0x380, s29;
	s17 =	sadd.s32 s28, s18;
	s30 =	sor.u32 s27, s20;
	[tilespmem:s16+$0x1830 ss:$0x81] =	vst.msk $0xffff, v59  }
0x17: {  	s17 =	sand.u32 $0x7FF800, s17;
	s14 =	sor.u32 s14, s30;
	[tilespmem:s16+$0x2040 ss:$0x81] =	vst.msk $0xffff, v60  }
0x18: {  	s31 =	sand.u32 $0x7, s13;
	s14 =	sor.u32 s17, s14;
	[tilespmem:s16+$0x2850 ss:$0x81] =	vst.msk $0xffff, v61  }
0x19: {  	s13 =	sshll.u32 s31, $0x12;
	[tilespmem:s16+$0x3060 ss:$0x81] =	vst.msk $0xffff, v62;
	s14 =	sshrl.u32 s14, $0x3  }
0x1a: {  	s13 =	sor.u32 $0x400, s13;
	[tilespmem:s16+$0x0 ss:$0x81] =	vst.msk $0xffff, v63;
	s14 =	sadd.s32 s2, s14  }
0x1b: {  	[hbm4b:s14+s13] =	stream.strided.scatter [tilespmem:s15], [sflag:$0x2], $0x4000, s9, s13, $0x20;
	[tilespmem:$0x10100] =	vst v63  }
.LBB1_5:
0x1c: {  	s15 =	sadd.s32 $0x100, s10  }
0x1d: {  	s13 =	sadd.s32 $0x800, s11;
	s17 =	smov.u32 s11;
	p2 =	sgt.s32 s15, $0xFFF  }
0x1e: {  	s17 =	smov.u32 @p2 s13  }
0x1f: {  	s15 =	smov.u32 @p2 s4;
	p2 =	sgt.s32 s17, $0x7FF  }
0x20: {  	s17 =	smov.u32 @p2 s3;
	p2 =	sne.s32 s12, s8  }
.Ltmp1:
0x21: {  	p1 =	slt.u32 s12, $0x2;
	(pc) =	sbr.rel @!p2 .LBB1_6-.Ltmp1, $4  }
0x22: {  	s16 =	simm.s32 @!p1 $0x2  }
0x23: {  	s14 =	smov.u32 s10;
	p0 =	por !p0, !p0;
	_ =	swait.ge @!p1 [sflag:s16], $0x4000  }
0x24: {  	s13 =	smov.u32 s11;
	[sflag:s16] =	ssyncset.done @!p1 $0x0;
	s10 =	smov.u32 s15  }
0x25: {  	s12 =	sadd.s32 $0x1, s12;
	[sflag:s16] =	ssyncadd.s32 @!p1 $0xFFFFC000;
	s11 =	smov.u32 s17  }
.LBB1_1:
0x26: {  	p1 =	sge.u32 s12, s6;
	s31 =	sadd.s32 $0xFFFFFFFF, s12  }
0x27: {  	s15 =	sand.u32 @!p1 $0x78, s10;
	s16 =	sshll.u32 @!p1 s11, $0xC;
	s17 =	sshll.u32 @!p1 s11, $0x7  }
0x28: {  	s18 =	sshll.u32 @!p1 s10, $0x3;
	s16 =	sand.u32 @!p1 $0x7F8000, s16;
	s17 =	sand.u32 @!p1 $0x380, s17  }
0x29: {  	s16 =	sadd.s32 @!p1 s16, s18;
	s18 =	sand.u32 @!p1 $0xC00, s18;
	s15 =	sor.u32 @!p1 s17, s15  }
0x2a: {  	s17 =	sxor.u32 @!p1 $0xFFFFFFFF, s12;
	s16 =	sand.u32 @!p1 $0x7FF000, s16;
	s15 =	sor.u32 @!p1 s18, s15  }
0x2b: {  	s17 =	sshll.u32 @!p1 s17, $0xE;
	s15 =	sor.u32 @!p1 s16, s15;
	s16 =	sand.u32 @!p1 $0x7, s10  }
0x2c: {  	s18 =	simm.s32 @!p1 $0x8000;
	s15 =	sshrl.u32 @!p1 s15, $0x3;
	s16 =	sshll.u32 @!p1 s16, $0x12  }
0x2d: {  	s17 =	sand.u32 @!p1 $0x4000, s17;
	s15 =	sadd.s32 @!p1 s7, s15;
	s16 =	sor.u32 @!p1 $0x400, s16  }
0x2e: {  	[tilespmem:s17], [sflag:$0x1] =	stream.strided.gather @!p1 [hbm4b:s15+s16], $0x4000, s18, s16, $0x38;
	[tilespmem:$0x10100] =	vst v63  }
0x2f: {  	p1 =	sge.u32 s31, s6  }
.Ltmp2:
0x30: {  	_ = 	snop;
	(pc) =	sbr.rel @p1 .LBB1_5-.Ltmp2, $1  }
0x31: {  	_ =	sdelay $0x3  }
0x32: {  	s15 =	simm.s32 $0x1  }
0x33: {  	_ =	swait.ge [sflag:s5], $0x4000;
	s15 =	simm.s32 @!p0 $0x0  }
0x34: {  	[sflag:s5] =	ssyncset.done $0x0;
	s16 =	sshll.u32 s15, $0xE  }
0x35: {  	[sflag:s5] =	ssyncadd.s32 $0xFFFFC000;
	s17 =	sor.u32 $0x40, s16  }
0x36: {  	s15 =	smul.u32 $0x10200, s15;
	v0 =	vld [tilespmem:s17+$0x30]  }
0x37: {  	v3 =	vld [tilespmem:s17+$0xFFFFFFD0]  }
0x38: {  	s15 =	sshrl.u32 s15, $0x2;
	v4 =	vld [tilespmem:s17+$0xFFFFFFE0]  }
0x39: {  	v5 =	vld [tilespmem:s17+$0xFFFFFFF0];
	s16 =	sor.u32 $0x8000, s15  }
0x3a: {  	s31 =	sand.u32 $0x1, s12;
	v1 =	vld [tilespmem:s17+$0x0];
	s18 =	sadd.s32 $0x0, s16  }
0x3b: {  	v2 =	vld [tilespmem:s17+$0x10];
	s15 =	smul.u32 $0x10200, s31;
	[tilespmem:s18+$0x3870 ss:$0x81] =	vst.msk $0xffff, v0  }
0x3c: {  	[tilespmem:s18+$0x810 ss:$0x81] =	vst.msk $0xffff, v3;
	v3 =	vld [tilespmem:s17+$0x20]  }
0x3d: {  	s15 =	sshrl.u32 s15, $0x2;
	v0 =	vld [tilespmem:s17+$0xFFFFFFC0];
	[tilespmem:s18+$0x1020 ss:$0x81] =	vst.msk $0xffff, v4;
	s17 =	sadd.s32 $0x80, s17  }
0x3e: {  	s19 =	simm.s32 $0x4;
	s20 =	simm.s32 $0x8;
	s15 =	sor.u32 $0x8000, s15;
	[tilespmem:s18+$0x1830 ss:$0x81] =	vst.msk $0xffff, v5;
	v4 =	vld [tilespmem:s17+$0x30]  }
.LBB1_3:
0x3f: {  	p1 =	sne.s32 s20, $0x1FC;
	v5 =	vld [tilespmem:s17+$0xFFFFFFD0];
	[tilespmem:s18+$0x2040 ss:$0x81] =	vst.msk $0xffff, v1  }
0x40: {  	v6 =	vld [tilespmem:s17+$0xFFFFFFE0];
	[tilespmem:s18+$0x2850 ss:$0x81] =	vst.msk $0xffff, v2  }
0x41: {  	s21 =	sshra.s32 s19, $0x2;
	s19 =	smov.u32 s20;
	v7 =	vld [tilespmem:s17+$0xFFFFFFF0];
	[tilespmem:s18+$0x3060 ss:$0x81] =	vst.msk $0xffff, v3  }
.Ltmp3:
0x42: {  	v1 =	vld [tilespmem:s17+$0x0];
	[tilespmem:s18+$0x0 ss:$0x81] =	vst.msk $0xffff, v0;
	s18 =	sadd.s32 s21, s16;
	(pc) =	sbr.rel @p1 .LBB1_3-.Ltmp3, $4  }
0x43: {  	v2 =	vld [tilespmem:s17+$0x10];
	[tilespmem:s18+$0x3870 ss:$0x81] =	vst.msk $0xffff, v4  }
0x44: {  	[tilespmem:s18+$0x810 ss:$0x81] =	vst.msk $0xffff, v5;
	v3 =	vld [tilespmem:s17+$0x20]  }
0x45: {  	v0 =	vld [tilespmem:s17+$0xFFFFFFC0];
	[tilespmem:s18+$0x1020 ss:$0x81] =	vst.msk $0xffff, v6;
	s17 =	sadd.s32 $0x80, s17  }
0x46: {  	s20 =	sadd.s32 $0x4, s20;
	v4 =	vld [tilespmem:s17+$0x30];
	[tilespmem:s18+$0x1830 ss:$0x81] =	vst.msk $0xffff, v7  }
.Ltmp4:
0x47: {  	_ = 	snop;
	(pc) =	sbr.rel .LBB1_4-.Ltmp4, $1  }
0x48: {  	_ =	sdelay $0x3  }
.LBB1_6:
0x49: {  	_ =	sfence.sel $0x180000  }
0x4a: {  	s2 =	simm.s32 $0x1;
	[bflag:$0x0] =	sbarrier.arrive $0xFFFF  }
0x4b: {  	s31 =	simm.s32 $0x2;
	[sflag:s2] =	ssyncpa.u1 $0x1  }
0x4c: {  	[sflag:s31] =	ssyncpa.u1 $0x1  }
0x4d: {  	p0 =	sne.s32 s1, $0x0;
	_ =	strace $0x9000004D  }
0x4e: {  	s0 =	sadd.s32 @!p0 $0x100000, s0;
	[bflag:$0x2] =	sbarrier.arrive $0xFFFF  }
0x4f: {  	[sflag:s0] =	ssyncadd.tile.s32 @!p0 $0x1;
	_ =	shalt  }
.Lfunc_end1:
_tile_overlayer_lowered:
.L_overlay_start_2:
0x50: {  	(tag) =	ssettag $0x2  }
0x51: {  	s0 =	rddreg [dreg:$0x0];
	s2 =	stileid.u32  }
0x52: {  	s1 =	rddreg [dreg:$0x1];
	p0 =	sne.s32 s2, $0x0  }
0x53: {  	s3 =	rddreg [dreg:$0x2];
	[bflag:$0x3] =	sbarrier.arrive $0xFFFF;
	s2 =	simm.s32 @!p0 $0x1C01  }
0x54: {  	[timem:s3], [sflag:s2] =	dma.local @!p0 [hbm:s0], s1  }
0x55: {  	s0 =	simm.s32 @!p0 $0x1  }
0x56: {  	_ =	swait.ge @!p0 [sflag:s0], s1  }
0x57: {  	s1 =	ssub.s32 @!p0 $0x0, s1;
	[sflag:s0] =	ssyncset.done @!p0 $0x0  }
0x58: {  	[sflag:s0] =	ssyncadd.s32 @!p0 s1  }
0x59: {  	[bflag:$0x3] =	sbarrier.arrive $0xFFFF  }
0x5a: {  	_ =	shalt  }

</sc_bundles>
